<compile_context>
chip_gen: v7x
topology: tpu7x:2x2x1
jax: 0.10.2.dev20260603
libtpu: 0.0.44.dev20260713+nightly
codegen_flags: <defaults>
</compile_context>

<pallas_src>
import functools

import jax
import jax.numpy as jnp
from jax import lax
from jax.experimental import pallas as pl
from jax.experimental.pallas import tpu as pltpu
from jax.experimental.pallas import tpu_sc as plsc


def _vq_body(ze_ref, cb_ref, tok_ref, counts_ref, acc_ref, acc_smem):
    b = pl.program_id(0)
    nb = pl.num_programs(0)

    @pl.when(b == 0)
    def _init():
        counts_ref[...] = jnp.zeros_like(counts_ref)
        acc_smem[0] = 0.0

    zeb = ze_ref[0]
    cb = cb_ref[...]
    K = cb.shape[0]
    T = zeb.shape[1]

    neg2scores = jax.lax.dot_general(
        cb, zeb, (((1,), (0,)), ((), ())),
        preferred_element_type=jnp.float32) * -2.0
    cnorm = jnp.sum(cb * cb, axis=1, keepdims=True)
    zsq = jnp.sum(zeb * zeb, axis=0, keepdims=True)
    dists = (zsq + cnorm) + neg2scores

    mind = jnp.min(dists, axis=0)
    eqmask = dists == mind[None, :]
    eqf = jnp.where(eqmask, 1.0, 0.0)
    kiota = jax.lax.broadcasted_iota(jnp.int32, (K, T), 0)
    idx = jnp.min(jnp.where(eqmask, kiota, K), axis=0)

    tok_ref[0, 0, :] = idx

    ones_row = jnp.ones((1, T), dtype=jnp.float32)
    counts_ref[...] += jax.lax.dot_general(
        ones_row, eqf, (((1,), (1,)), ((), ())),
        preferred_element_type=jnp.float32)

    acc_smem[0] += jnp.sum(mind)

    @pl.when(b == nb - 1)
    def _fini():
        acc_ref[...] = acc_smem[0].reshape(1, 1)


def _tc_chunk(ze, codebook):
    Bc, D, Tp = ze.shape
    K = codebook.shape[0]

    return pl.pallas_call(
        _vq_body,
        grid=(Bc,),
        in_specs=[
            pl.BlockSpec((1, D, Tp), lambda b: (b, 0, 0)),
            pl.BlockSpec((K, D), lambda b: (0, 0)),
        ],
        out_specs=[
            pl.BlockSpec((1, 1, Tp), lambda b: (b, 0, 0)),
            pl.BlockSpec((1, K), lambda b: (0, 0)),
            pl.BlockSpec((1, 1), lambda b: (0, 0)),
        ],
        out_shape=[
            jax.ShapeDtypeStruct((Bc, 1, Tp), jnp.int32),
            jax.ShapeDtypeStruct((1, K), jnp.float32),
            jax.ShapeDtypeStruct((1, 1), jnp.float32),
        ],
        scratch_shapes=[
            pltpu.SMEM((1,), jnp.float32),
        ],
    )(ze, codebook)


def _scalars_body(counts_ref, accs_ref, commit_ref, perp_ref, *,
                  total_n, total_elems):
    p = jnp.sum(counts_ref[...], axis=0, keepdims=True) / total_n
    ent = jnp.sum(p * jnp.log(p + 1e-10))
    perp_ref[...] = jnp.exp(-ent).reshape(1, 1)
    commit_ref[...] = (0.25 * jnp.sum(accs_ref[...]) / total_elems
                       ).reshape(1, 1)


def _tc_scalars(counts_all, accs_all, total_n, total_elems):
    body = functools.partial(
        _scalars_body, total_n=total_n, total_elems=total_elems)
    return pl.pallas_call(
        body,
        out_shape=[
            jax.ShapeDtypeStruct((1, 1), jnp.float32),
            jax.ShapeDtypeStruct((1, 1), jnp.float32),
        ],
    )(counts_all, accs_all)


def _make_sc_gather(K, D, Bc, Tp):
    info = plsc.get_sparse_core_info()
    nc = info.num_cores
    nw = nc * info.num_subcores
    tokw = (Bc * Tp) // nw
    w_per_b = Tp // tokw
    n_chunks = tokw // 16

    @functools.partial(
        pl.kernel,
        out_type=jax.ShapeDtypeStruct((Bc, D, Tp), jnp.float32),
        mesh=plsc.VectorSubcoreMesh(core_axis_name="c", subcore_axis_name="s"),
        compiler_params=pltpu.CompilerParams(needs_layout_passes=False),
        scratch_types=[
            pltpu.VMEM((K * D,), jnp.float32),
            pltpu.VMEM((tokw,), jnp.int32),
            pltpu.VMEM((D, tokw), jnp.float32),
        ],
    )
    def sc_kernel(cb_hbm, idx_hbm, zq_hbm, cb_v, idx_v, out_v):
        wid = lax.axis_index("s") * nc + lax.axis_index("c")
        base = wid * tokw
        pltpu.sync_copy(cb_hbm, cb_v)
        pltpu.sync_copy(idx_hbm.at[pl.ds(base, tokw)], idx_v)

        @plsc.parallel_loop(0, n_chunks, unroll=1)
        def chunk(i):
            base16 = idx_v[pl.ds(i * 16, 16)] * D
            for d in range(D):
                out_v[d, pl.ds(i * 16, 16)] = plsc.load_gather(
                    cb_v, [base16 + d])

        b = wid // w_per_b
        t0 = (wid % w_per_b) * tokw
        pltpu.sync_copy(out_v, zq_hbm.at[b, :, pl.ds(t0, tokw)])

    return sc_kernel


def kernel(ze, codebook):
    B, D, Tp = ze.shape
    K = codebook.shape[0]
    C = 4
    Bc = B // C
    cb_flat = codebook.reshape(K * D)
    sc_gather = _make_sc_gather(K, D, Bc, Tp)

    toks, counts_l, accs, zqs = [], [], [], []
    for c in range(C):
        zc = lax.slice_in_dim(ze, c * Bc, (c + 1) * Bc, axis=0)
        tok3, cnts, acc = _tc_chunk(zc, codebook)
        zq_c = sc_gather(cb_flat, tok3.reshape(Bc * Tp))
        toks.append(tok3)
        counts_l.append(cnts)
        accs.append(acc)
        zqs.append(zq_c)

    commit, perp = _tc_scalars(
        jnp.concatenate(counts_l, axis=0),
        jnp.concatenate(accs, axis=0),
        float(B * Tp), float(B * D * Tp))
    zq = jnp.concatenate(zqs, axis=0)
    tok = jnp.concatenate(toks, axis=0).reshape(B, Tp)
    return (zq, tok, commit[0, 0], perp[0, 0])

# --- scband reference (transcript-rebuilt; emitter-appended) ---
"""Pipeline reference for scband-vector-quantizer-ema-14585708937919 (READ-ONLY COPY).

The authoritative reference and input builder live on the scoring server;
editing this copy changes nothing except your own understanding.
"""

import jax, jax.numpy as jnp
import numpy as np


def setup_inputs(seed: int = 0) -> dict:
    key = jax.random.key(seed)
    k1, k2 = jax.random.split(key)
    ze = jax.random.normal(k1, (16, 32, 4096), dtype=jnp.float32)
    codebook = jax.random.normal(k2, (1024, 32), dtype=jnp.float32) * 0.02
    return {"ze": ze, "codebook": codebook}


def reference(ze, codebook):
    B, D, Tp = ze.shape
    K = codebook.shape[0]
    ze_flat = jnp.transpose(ze, (0, 2, 1)).reshape(-1, D)
    dists = (ze_flat ** 2).sum(axis=1, keepdims=True) \
        + (codebook ** 2).sum(axis=1)[None, :] \
        - 2.0 * (ze_flat @ codebook.T)
    indices = jnp.argmin(dists, axis=1)
    token_ids = indices.reshape(B, Tp)
    zq = jnp.take(codebook, indices, axis=0).reshape(B, Tp, D)
    zq = jnp.transpose(zq, (0, 2, 1))
    commit_loss = 0.25 * jnp.mean((ze - jax.lax.stop_gradient(zq)) ** 2)
    zq_st = ze + jax.lax.stop_gradient(zq - ze)
    onehot = jax.nn.one_hot(indices, K, dtype=jnp.float32)
    avg_probs = onehot.mean(axis=0)
    perplexity = jnp.exp(-jnp.sum(avg_probs * jnp.log(avg_probs + 1e-10)))
    return (zq_st, token_ids, commit_loss, perplexity)

if __name__ == "__main__":
    import jax
    _d = setup_inputs()
    print(jax.jit(kernel)(*tuple(_d.values())))

</pallas_src>

<mosaic_0001>
#map = affine_map<(d0, d1) -> (0)>
#map1 = affine_map<(d0, d1) -> (0, 0, 0)>
module attributes {stable_mosaic.version = 14 : i64} {
  func.func @sc_kernel(%arg0: i32, %arg1: i32, %arg2: memref<32768xf32, #tpu.memory_space<hbm>>, %arg3: memref<16384xi32, #tpu.memory_space<hbm>>, %arg4: memref<4x32x4096xf32, #tpu.memory_space<hbm>>, %arg5: memref<32768xf32, #tpu.memory_space<vmem>>, %arg6: memref<512xi32, #tpu.memory_space<vmem>>, %arg7: memref<32x512xf32, #tpu.memory_space<vmem>>) attributes {dimension_semantics = [#tpu.dimension_semantics<core_parallel>, #tpu.dimension_semantics<subcore_parallel>], iteration_bounds = array<i64: 2, 16>, scalar_prefetch = 0 : i64, scratch_operands = 3 : i64, tpu.core_type = #tpu.core_type<sc_vector_subcore>, window_params = [{transform_indices = #map}, {transform_indices = #map}, {transform_indices = #map1}]} {
    %mul3A = arith.constant 2 : i32
    %mul3A_0 = arith.muli %arg1, %mul3A : i32
    %add3A = arith.addi %mul3A_0, %arg0 : i32
    %mul3A_1 = arith.constant 512 : i32
    %mul3A_2 = arith.muli %add3A, %mul3A_1 : i32
    "tpu.region"() ({
      %run_scoped3A = tpu.sem_alloc : memref<!tpu.dma_semaphore, #tpu.memory_space<semaphore_mem>>
      tpu.enqueue_dma source(%arg2 : memref<32768xf32, #tpu.memory_space<hbm>>) target(%arg5 : memref<32768xf32, #tpu.memory_space<vmem>>) target_semaphore(%run_scoped3A : memref<!tpu.dma_semaphore, #tpu.memory_space<semaphore_mem>>)
      tpu.wait_dma2 semaphore(%run_scoped3A : memref<!tpu.dma_semaphore, #tpu.memory_space<semaphore_mem>>) src(%arg2 : memref<32768xf32, #tpu.memory_space<hbm>>) dst(%arg5 : memref<32768xf32, #tpu.memory_space<vmem>>)
      tpu.yield
    }) : () -> ()
    "tpu.region"() ({
      %run_scoped3A = tpu.sem_alloc : memref<!tpu.dma_semaphore, #tpu.memory_space<semaphore_mem>>
      %dma_start3A = tpu.memref_slice %arg3[%mul3A_2] : memref<16384xi32, #tpu.memory_space<hbm>> -> memref<512xi32, #tpu.memory_space<hbm>>
      %dma_start3A_37 = tpu.memref_slice %arg3[%mul3A_2] : memref<16384xi32, #tpu.memory_space<hbm>> -> memref<512xi32, #tpu.memory_space<hbm>>
      tpu.enqueue_dma source(%dma_start3A_37 : memref<512xi32, #tpu.memory_space<hbm>>) target(%arg6 : memref<512xi32, #tpu.memory_space<vmem>>) target_semaphore(%run_scoped3A : memref<!tpu.dma_semaphore, #tpu.memory_space<semaphore_mem>>)
      %dma_wait3A = tpu.memref_slice %arg3[%mul3A_2] : memref<16384xi32, #tpu.memory_space<hbm>> -> memref<512xi32, #tpu.memory_space<hbm>>
      %dma_wait3A_38 = tpu.memref_slice %arg3[%mul3A_2] : memref<16384xi32, #tpu.memory_space<hbm>> -> memref<512xi32, #tpu.memory_space<hbm>>
      tpu.wait_dma2 semaphore(%run_scoped3A : memref<!tpu.dma_semaphore, #tpu.memory_space<semaphore_mem>>) src(%dma_wait3A_38 : memref<512xi32, #tpu.memory_space<hbm>>) dst(%arg6 : memref<512xi32, #tpu.memory_space<vmem>>)
      tpu.yield
    }) : () -> ()
    %parallel_loop3A = arith.constant 0 : i32
    %parallel_loop3A_3 = arith.constant 32 : i32
    %parallel_loop3A_4 = arith.constant 1 : i32
    scf.for %parallel_loop3A_37 = %parallel_loop3A to %parallel_loop3A_3 step %parallel_loop3A_4  : i32 {
      %parallel_loop3A_38 = arith.constant 16 : i32
      %parallel_loop3A_39 = arith.muli %parallel_loop3A_37, %parallel_loop3A_38 : i32
      %parallel_loop3A_40 = arith.index_cast %parallel_loop3A_39 : i32 to index
      %parallel_loop3A_41 = tpu.vector_load %arg6[%parallel_loop3A_40] {strides = array<i32>} : memref<512xi32, #tpu.memory_space<vmem>>, vector<16xi32>,
      %parallel_loop3A_42 = arith.constant 32 : i32
      %parallel_loop3A_43 = vector.broadcast %parallel_loop3A_42 : i32 to vector<16xi32>
      %parallel_loop3A_44 = arith.muli %parallel_loop3A_41, %parallel_loop3A_43 : vector<16xi32>
      %parallel_loop3A_45 = arith.constant 0 : i32
      %parallel_loop3A_46 = vector.broadcast %parallel_loop3A_45 : i32 to vector<16xi32>
      %parallel_loop3A_47 = arith.addi %parallel_loop3A_44, %parallel_loop3A_46 : vector<16xi32>
      %parallel_loop3A_48 = tpu.vector_load_idx %arg5[%parallel_loop3A_47] : memref<32768xf32, #tpu.memory_space<vmem>>[vector<16xi32>], vector<16xf32>,
      %parallel_loop3A_49 = arith.constant 16 : i32
      %parallel_loop3A_50 = arith.muli %parallel_loop3A_37, %parallel_loop3A_49 : i32
      %parallel_loop3A_51 = arith.constant 0 : i32
      %parallel_loop3A_52 = arith.index_cast %parallel_loop3A_51 : i32 to index
      %parallel_loop3A_53 = arith.index_cast %parallel_loop3A_50 : i32 to index
      %parallel_loop3A_54 = tpu.vector_load %arg7[%parallel_loop3A_52, %parallel_loop3A_53] {strides = array<i32>} : memref<32x512xf32, #tpu.memory_space<vmem>>, vector<16xf32>,
      tpu.vector_store %arg7[%parallel_loop3A_52, %parallel_loop3A_53], %parallel_loop3A_48 {strides = array<i32>} : memref<32x512xf32, #tpu.memory_space<vmem>>, vector<16xf32>,
      %parallel_loop3A_55 = arith.constant 1 : i32
      %parallel_loop3A_56 = vector.broadcast %parallel_loop3A_55 : i32 to vector<16xi32>
      %parallel_loop3A_57 = arith.addi %parallel_loop3A_44, %parallel_loop3A_56 : vector<16xi32>
      %parallel_loop3A_58 = tpu.vector_load_idx %arg5[%parallel_loop3A_57] : memref<32768xf32, #tpu.memory_space<vmem>>[vector<16xi32>], vector<16xf32>,
      %parallel_loop3A_59 = arith.constant 16 : i32
      %parallel_loop3A_60 = arith.muli %parallel_loop3A_37, %parallel_loop3A_59 : i32
      %parallel_loop3A_61 = arith.constant 1 : i32
      %parallel_loop3A_62 = arith.index_cast %parallel_loop3A_61 : i32 to index
      %parallel_loop3A_63 = arith.index_cast %parallel_loop3A_60 : i32 to index
      %parallel_loop3A_64 = tpu.vector_load %arg7[%parallel_loop3A_62, %parallel_loop3A_63] {strides = array<i32>} : memref<32x512xf32, #tpu.memory_space<vmem>>, vector<16xf32>,
      tpu.vector_store %arg7[%parallel_loop3A_62, %parallel_loop3A_63], %parallel_loop3A_58 {strides = array<i32>} : memref<32x512xf32, #tpu.memory_space<vmem>>, vector<16xf32>,
      %parallel_loop3A_65 = arith.constant 2 : i32
      %parallel_loop3A_66 = vector.broadcast %parallel_loop3A_65 : i32 to vector<16xi32>
      %parallel_loop3A_67 = arith.addi %parallel_loop3A_44, %parallel_loop3A_66 : vector<16xi32>
      %parallel_loop3A_68 = tpu.vector_load_idx %arg5[%parallel_loop3A_67] : memref<32768xf32, #tpu.memory_space<vmem>>[vector<16xi32>], vector<16xf32>,
      %parallel_loop3A_69 = arith.constant 16 : i32
      %parallel_loop3A_70 = arith.muli %parallel_loop3A_37, %parallel_loop3A_69 : i32
      %parallel_loop3A_71 = arith.constant 2 : i32
      %parallel_loop3A_72 = arith.index_cast %parallel_loop3A_71 : i32 to index
      %parallel_loop3A_73 = arith.index_cast %parallel_loop3A_70 : i32 to index
      %parallel_loop3A_74 = tpu.vector_load %arg7[%parallel_loop3A_72, %parallel_loop3A_73] {strides = array<i32>} : memref<32x512xf32, #tpu.memory_space<vmem>>, vector<16xf32>,
      tpu.vector_store %arg7[%parallel_loop3A_72, %parallel_loop3A_73], %parallel_loop3A_68 {strides = array<i32>} : memref<32x512xf32, #tpu.memory_space<vmem>>, vector<16xf32>,
      %parallel_loop3A_75 = arith.constant 3 : i32
      %parallel_loop3A_76 = vector.broadcast %parallel_loop3A_75 : i32 to vector<16xi32>
      %parallel_loop3A_77 = arith.addi %parallel_loop3A_44, %parallel_loop3A_76 : vector<16xi32>
      %parallel_loop3A_78 = tpu.vector_load_idx %arg5[%parallel_loop3A_77] : memref<32768xf32, #tpu.memory_space<vmem>>[vector<16xi32>], vector<16xf32>,
      %parallel_loop3A_79 = arith.constant 16 : i32
      %parallel_loop3A_80 = arith.muli %parallel_loop3A_37, %parallel_loop3A_79 : i32
      %parallel_loop3A_81 = arith.constant 3 : i32
      %parallel_loop3A_82 = arith.index_cast %parallel_loop3A_81 : i32 to index
      %parallel_loop3A_83 = arith.index_cast %parallel_loop3A_80 : i32 to index
      %parallel_loop3A_84 = tpu.vector_load %arg7[%parallel_loop3A_82, %parallel_loop3A_83] {strides = array<i32>} : memref<32x512xf32, #tpu.memory_space<vmem>>, vector<16xf32>,
      tpu.vector_store %arg7[%parallel_loop3A_82, %parallel_loop3A_83], %parallel_loop3A_78 {strides = array<i32>} : memref<32x512xf32, #tpu.memory_space<vmem>>, vector<16xf32>,
      %parallel_loop3A_85 = arith.constant 4 : i32
      %parallel_loop3A_86 = vector.broadcast %parallel_loop3A_85 : i32 to vector<16xi32>
      %parallel_loop3A_87 = arith.addi %parallel_loop3A_44, %parallel_loop3A_86 : vector<16xi32>
      %parallel_loop3A_88 = tpu.vector_load_idx %arg5[%parallel_loop3A_87] : memref<32768xf32, #tpu.memory_space<vmem>>[vector<16xi32>], vector<16xf32>,
      %parallel_loop3A_89 = arith.constant 16 : i32
      %parallel_loop3A_90 = arith.muli %parallel_loop3A_37, %parallel_loop3A_89 : i32
      %parallel_loop3A_91 = arith.constant 4 : i32
      %parallel_loop3A_92 = arith.index_cast %parallel_loop3A_91 : i32 to index
      %parallel_loop3A_93 = arith.index_cast %parallel_loop3A_90 : i32 to index
      %parallel_loop3A_94 = tpu.vector_load %arg7[%parallel_loop3A_92, %parallel_loop3A_93] {strides = array<i32>} : memref<32x512xf32, #tpu.memory_space<vmem>>, vector<16xf32>,
      tpu.vector_store %arg7[%parallel_loop3A_92, %parallel_loop3A_93], %parallel_loop3A_88 {strides = array<i32>} : memref<32x512xf32, #tpu.memory_space<vmem>>, vector<16xf32>,
      %parallel_loop3A_95 = arith.constant 5 : i32
      %parallel_loop3A_96 = vector.broadcast %parallel_loop3A_95 : i32 to vector<16xi32>
      %parallel_loop3A_97 = arith.addi %parallel_loop3A_44, %parallel_loop3A_96 : vector<16xi32>
      %parallel_loop3A_98 = tpu.vector_load_idx %arg5[%parallel_loop3A_97] : memref<32768xf32, #tpu.memory_space<vmem>>[vector<16xi32>], vector<16xf32>,
      %parallel_loop3A_99 = arith.constant 16 : i32
      %parallel_loop3A_100 = arith.muli %parallel_loop3A_37, %parallel_loop3A_99 : i32
      %parallel_loop3A_101 = arith.constant 5 : i32
      %parallel_loop3A_102 = arith.index_cast %parallel_loop3A_101 : i32 to index
      %parallel_loop3A_103 = arith.index_cast %parallel_loop3A_100 : i32 to index
      %parallel_loop3A_104 = tpu.vector_load %arg7[%parallel_loop3A_102, %parallel_loop3A_103] {strides = array<i32>} : memref<32x512xf32, #tpu.memory_space<vmem>>, vector<16xf32>,
      tpu.vector_store %arg7[%parallel_loop3A_102, %parallel_loop3A_103], %parallel_loop3A_98 {strides = array<i32>} : memref<32x512xf32, #tpu.memory_space<vmem>>, vector<16xf32>,
      %parallel_loop3A_105 = arith.constant 6 : i32
      %parallel_loop3A_106 = vector.broadcast %parallel_loop3A_105 : i32 to vector<16xi32>
      %parallel_loop3A_107 = arith.addi %parallel_loop3A_44, %parallel_loop3A_106 : vector<16xi32>
      %parallel_loop3A_108 = tpu.vector_load_idx %arg5[%parallel_loop3A_107] : memref<32768xf32, #tpu.memory_space<vmem>>[vector<16xi32>], vector<16xf32>,
      %parallel_loop3A_109 = arith.constant 16 : i32
      %parallel_loop3A_110 = arith.muli %parallel_loop3A_37, %parallel_loop3A_109 : i32
      %parallel_loop3A_111 = arith.constant 6 : i32
      %parallel_loop3A_112 = arith.index_cast %parallel_loop3A_111 : i32 to index
      %parallel_loop3A_113 = arith.index_cast %parallel_loop3A_110 : i32 to index
      %parallel_loop3A_114 = tpu.vector_load %arg7[%parallel_loop3A_112, %parallel_loop3A_113] {strides = array<i32>} : memref<32x512xf32, #tpu.memory_space<vmem>>, vector<16xf32>,
      tpu.vector_store %arg7[%parallel_loop3A_112, %parallel_loop3A_113], %parallel_loop3A_108 {strides = array<i32>} : memref<32x512xf32, #tpu.memory_space<vmem>>, vector<16xf32>,
      %parallel_loop3A_115 = arith.constant 7 : i32
      %parallel_loop3A_116 = vector.broadcast %parallel_loop3A_115 : i32 to vector<16xi32>
      %parallel_loop3A_117 = arith.addi %parallel_loop3A_44, %parallel_loop3A_116 : vector<16xi32>
      %parallel_loop3A_118 = tpu.vector_load_idx %arg5[%parallel_loop3A_117] : memref<32768xf32, #tpu.memory_space<vmem>>[vector<16xi32>], vector<16xf32>,
      %parallel_loop3A_119 = arith.constant 16 : i32
      %parallel_loop3A_120 = arith.muli %parallel_loop3A_37, %parallel_loop3A_119 : i32
      %parallel_loop3A_121 = arith.constant 7 : i32
      %parallel_loop3A_122 = arith.index_cast %parallel_loop3A_121 : i32 to index
      %parallel_loop3A_123 = arith.index_cast %parallel_loop3A_120 : i32 to index
      %parallel_loop3A_124 = tpu.vector_load %arg7[%parallel_loop3A_122, %parallel_loop3A_123] {strides = array<i32>} : memref<32x512xf32, #tpu.memory_space<vmem>>, vector<16xf32>,
      tpu.vector_store %arg7[%parallel_loop3A_122, %parallel_loop3A_123], %parallel_loop3A_118 {strides = array<i32>} : memref<32x512xf32, #tpu.memory_space<vmem>>, vector<16xf32>,
      %parallel_loop3A_125 = arith.constant 8 : i32
      %parallel_loop3A_126 = vector.broadcast %parallel_loop3A_125 : i32 to vector<16xi32>
      %parallel_loop3A_127 = arith.addi %parallel_loop3A_44, %parallel_loop3A_126 : vector<16xi32>
      %parallel_loop3A_128 = tpu.vector_load_idx %arg5[%parallel_loop3A_127] : memref<32768xf32, #tpu.memory_space<vmem>>[vector<16xi32>], vector<16xf32>,
      %parallel_loop3A_129 = arith.constant 16 : i32
      %parallel_loop3A_130 = arith.muli %parallel_loop3A_37, %parallel_loop3A_129 : i32
      %parallel_loop3A_131 = arith.constant 8 : i32
      %parallel_loop3A_132 = arith.index_cast %parallel_loop3A_131 : i32 to index
      %parallel_loop3A_133 = arith.index_cast %parallel_loop3A_130 : i32 to index
      %parallel_loop3A_134 = tpu.vector_load %arg7[%parallel_loop3A_132, %parallel_loop3A_133] {strides = array<i32>} : memref<32x512xf32, #tpu.memory_space<vmem>>, vector<16xf32>,
      tpu.vector_store %arg7[%parallel_loop3A_132, %parallel_loop3A_133], %parallel_loop3A_128 {strides = array<i32>} : memref<32x512xf32, #tpu.memory_space<vmem>>, vector<16xf32>,
      %parallel_loop3A_135 = arith.constant 9 : i32
      %parallel_loop3A_136 = vector.broadcast %parallel_loop3A_135 : i32 to vector<16xi32>
      %parallel_loop3A_137 = arith.addi %parallel_loop3A_44, %parallel_loop3A_136 : vector<16xi32>
      %parallel_loop3A_138 = tpu.vector_load_idx %arg5[%parallel_loop3A_137] : memref<32768xf32, #tpu.memory_space<vmem>>[vector<16xi32>], vector<16xf32>,
      %parallel_loop3A_139 = arith.constant 16 : i32
      %parallel_loop3A_140 = arith.muli %parallel_loop3A_37, %parallel_loop3A_139 : i32
      %parallel_loop3A_141 = arith.constant 9 : i32
      %parallel_loop3A_142 = arith.index_cast %parallel_loop3A_141 : i32 to index
      %parallel_loop3A_143 = arith.index_cast %parallel_loop3A_140 : i32 to index
      %parallel_loop3A_144 = tpu.vector_load %arg7[%parallel_loop3A_142, %parallel_loop3A_143] {strides = array<i32>} : memref<32x512xf32, #tpu.memory_space<vmem>>, vector<16xf32>,
      tpu.vector_store %arg7[%parallel_loop3A_142, %parallel_loop3A_143], %parallel_loop3A_138 {strides = array<i32>} : memref<32x512xf32, #tpu.memory_space<vmem>>, vector<16xf32>,
      %parallel_loop3A_145 = arith.constant 10 : i32
      %parallel_loop3A_146 = vector.broadcast %parallel_loop3A_145 : i32 to vector<16xi32>
      %parallel_loop3A_147 = arith.addi %parallel_loop3A_44, %parallel_loop3A_146 : vector<16xi32>
      %parallel_loop3A_148 = tpu.vector_load_idx %arg5[%parallel_loop3A_147] : memref<32768xf32, #tpu.memory_space<vmem>>[vector<16xi32>], vector<16xf32>,
      %parallel_loop3A_149 = arith.constant 16 : i32
      %parallel_loop3A_150 = arith.muli %parallel_loop3A_37, %parallel_loop3A_149 : i32
      %parallel_loop3A_151 = arith.constant 10 : i32
      %parallel_loop3A_152 = arith.index_cast %parallel_loop3A_151 : i32 to index
      %parallel_loop3A_153 = arith.index_cast %parallel_loop3A_150 : i32 to index
      %parallel_loop3A_154 = tpu.vector_load %arg7[%parallel_loop3A_152, %parallel_loop3A_153] {strides = array<i32>} : memref<32x512xf32, #tpu.memory_space<vmem>>, vector<16xf32>,
      tpu.vector_store %arg7[%parallel_loop3A_152, %parallel_loop3A_153], %parallel_loop3A_148 {strides = array<i32>} : memref<32x512xf32, #tpu.memory_space<vmem>>, vector<16xf32>,
      %parallel_loop3A_155 = arith.constant 11 : i32
      %parallel_loop3A_156 = vector.broadcast %parallel_loop3A_155 : i32 to vector<16xi32>
      %parallel_loop3A_157 = arith.addi %parallel_loop3A_44, %parallel_loop3A_156 : vector<16xi32>
      %parallel_loop3A_158 = tpu.vector_load_idx %arg5[%parallel_loop3A_157] : memref<32768xf32, #tpu.memory_space<vmem>>[vector<16xi32>], vector<16xf32>,
      %parallel_loop3A_159 = arith.constant 16 : i32
      %parallel_loop3A_160 = arith.muli %parallel_loop3A_37, %parallel_loop3A_159 : i32
      %parallel_loop3A_161 = arith.constant 11 : i32
      %parallel_loop3A_162 = arith.index_cast %parallel_loop3A_161 : i32 to index
      %parallel_loop3A_163 = arith.index_cast %parallel_loop3A_160 : i32 to index
      %parallel_loop3A_164 = tpu.vector_load %arg7[%parallel_loop3A_162, %parallel_loop3A_163] {strides = array<i32>} : memref<32x512xf32, #tpu.memory_space<vmem>>, vector<16xf32>,
      tpu.vector_store %arg7[%parallel_loop3A_162, %parallel_loop3A_163], %parallel_loop3A_158 {strides = array<i32>} : memref<32x512xf32, #tpu.memory_space<vmem>>, vector<16xf32>,
      %parallel_loop3A_165 = arith.constant 12 : i32
      %parallel_loop3A_166 = vector.broadcast %parallel_loop3A_165 : i32 to vector<16xi32>
      %parallel_loop3A_167 = arith.addi %parallel_loop3A_44, %parallel_loop3A_166 : vector<16xi32>
      %parallel_loop3A_168 = tpu.vector_load_idx %arg5[%parallel_loop3A_167] : memref<32768xf32, #tpu.memory_space<vmem>>[vector<16xi32>], vector<16xf32>,
      %parallel_loop3A_169 = arith.constant 16 : i32
      %parallel_loop3A_170 = arith.muli %parallel_loop3A_37, %parallel_loop3A_169 : i32
      %parallel_loop3A_171 = arith.constant 12 : i32
      %parallel_loop3A_172 = arith.index_cast %parallel_loop3A_171 : i32 to index
      %parallel_loop3A_173 = arith.index_cast %parallel_loop3A_170 : i32 to index
      %parallel_loop3A_174 = tpu.vector_load %arg7[%parallel_loop3A_172, %parallel_loop3A_173] {strides = array<i32>} : memref<32x512xf32, #tpu.memory_space<vmem>>, vector<16xf32>,
      tpu.vector_store %arg7[%parallel_loop3A_172, %parallel_loop3A_173], %parallel_loop3A_168 {strides = array<i32>} : memref<32x512xf32, #tpu.memory_space<vmem>>, vector<16xf32>,
      %parallel_loop3A_175 = arith.constant 13 : i32
      %parallel_loop3A_176 = vector.broadcast %parallel_loop3A_175 : i32 to vector<16xi32>
      %parallel_loop3A_177 = arith.addi %parallel_loop3A_44, %parallel_loop3A_176 : vector<16xi32>
      %parallel_loop3A_178 = tpu.vector_load_idx %arg5[%parallel_loop3A_177] : memref<32768xf32, #tpu.memory_space<vmem>>[vector<16xi32>], vector<16xf32>,
      %parallel_loop3A_179 = arith.constant 16 : i32
      %parallel_loop3A_180 = arith.muli %parallel_loop3A_37, %parallel_loop3A_179 : i32
      %parallel_loop3A_181 = arith.constant 13 : i32
      %parallel_loop3A_182 = arith.index_cast %parallel_loop3A_181 : i32 to index
      %parallel_loop3A_183 = arith.index_cast %parallel_loop3A_180 : i32 to index
      %parallel_loop3A_184 = tpu.vector_load %arg7[%parallel_loop3A_182, %parallel_loop3A_183] {strides = array<i32>} : memref<32x512xf32, #tpu.memory_space<vmem>>, vector<16xf32>,
      tpu.vector_store %arg7[%parallel_loop3A_182, %parallel_loop3A_183], %parallel_loop3A_178 {strides = array<i32>} : memref<32x512xf32, #tpu.memory_space<vmem>>, vector<16xf32>,
      %parallel_loop3A_185 = arith.constant 14 : i32
      %parallel_loop3A_186 = vector.broadcast %parallel_loop3A_185 : i32 to vector<16xi32>
      %parallel_loop3A_187 = arith.addi %parallel_loop3A_44, %parallel_loop3A_186 : vector<16xi32>
      %parallel_loop3A_188 = tpu.vector_load_idx %arg5[%parallel_loop3A_187] : memref<32768xf32, #tpu.memory_space<vmem>>[vector<16xi32>], vector<16xf32>,
      %parallel_loop3A_189 = arith.constant 16 : i32
      %parallel_loop3A_190 = arith.muli %parallel_loop3A_37, %parallel_loop3A_189 : i32
      %parallel_loop3A_191 = arith.constant 14 : i32
      %parallel_loop3A_192 = arith.index_cast %parallel_loop3A_191 : i32 to index
      %parallel_loop3A_193 = arith.index_cast %parallel_loop3A_190 : i32 to index
      %parallel_loop3A_194 = tpu.vector_load %arg7[%parallel_loop3A_192, %parallel_loop3A_193] {strides = array<i32>} : memref<32x512xf32, #tpu.memory_space<vmem>>, vector<16xf32>,
      tpu.vector_store %arg7[%parallel_loop3A_192, %parallel_loop3A_193], %parallel_loop3A_188 {strides = array<i32>} : memref<32x512xf32, #tpu.memory_space<vmem>>, vector<16xf32>,
      %parallel_loop3A_195 = arith.constant 15 : i32
      %parallel_loop3A_196 = vector.broadcast %parallel_loop3A_195 : i32 to vector<16xi32>
      %parallel_loop3A_197 = arith.addi %parallel_loop3A_44, %parallel_loop3A_196 : vector<16xi32>
      %parallel_loop3A_198 = tpu.vector_load_idx %arg5[%parallel_loop3A_197] : memref<32768xf32, #tpu.memory_space<vmem>>[vector<16xi32>], vector<16xf32>,
      %parallel_loop3A_199 = arith.constant 16 : i32
      %parallel_loop3A_200 = arith.muli %parallel_loop3A_37, %parallel_loop3A_199 : i32
      %parallel_loop3A_201 = arith.constant 15 : i32
      %parallel_loop3A_202 = arith.index_cast %parallel_loop3A_201 : i32 to index
      %parallel_loop3A_203 = arith.index_cast %parallel_loop3A_200 : i32 to index
      %parallel_loop3A_204 = tpu.vector_load %arg7[%parallel_loop3A_202, %parallel_loop3A_203] {strides = array<i32>} : memref<32x512xf32, #tpu.memory_space<vmem>>, vector<16xf32>,
      tpu.vector_store %arg7[%parallel_loop3A_202, %parallel_loop3A_203], %parallel_loop3A_198 {strides = array<i32>} : memref<32x512xf32, #tpu.memory_space<vmem>>, vector<16xf32>,
      %parallel_loop3A_205 = arith.constant 16 : i32
      %parallel_loop3A_206 = vector.broadcast %parallel_loop3A_205 : i32 to vector<16xi32>
      %parallel_loop3A_207 = arith.addi %parallel_loop3A_44, %parallel_loop3A_206 : vector<16xi32>
      %parallel_loop3A_208 = tpu.vector_load_idx %arg5[%parallel_loop3A_207] : memref<32768xf32, #tpu.memory_space<vmem>>[vector<16xi32>], vector<16xf32>,
      %parallel_loop3A_209 = arith.constant 16 : i32
      %parallel_loop3A_210 = arith.muli %parallel_loop3A_37, %parallel_loop3A_209 : i32
      %parallel_loop3A_211 = arith.constant 16 : i32
      %parallel_loop3A_212 = arith.index_cast %parallel_loop3A_211 : i32 to index
      %parallel_loop3A_213 = arith.index_cast %parallel_loop3A_210 : i32 to index
      %parallel_loop3A_214 = tpu.vector_load %arg7[%parallel_loop3A_212, %parallel_loop3A_213] {strides = array<i32>} : memref<32x512xf32, #tpu.memory_space<vmem>>, vector<16xf32>,
      tpu.vector_store %arg7[%parallel_loop3A_212, %parallel_loop3A_213], %parallel_loop3A_208 {strides = array<i32>} : memref<32x512xf32, #tpu.memory_space<vmem>>, vector<16xf32>,
      %parallel_loop3A_215 = arith.constant 17 : i32
      %parallel_loop3A_216 = vector.broadcast %parallel_loop3A_215 : i32 to vector<16xi32>
      %parallel_loop3A_217 = arith.addi %parallel_loop3A_44, %parallel_loop3A_216 : vector<16xi32>
      %parallel_loop3A_218 = tpu.vector_load_idx %arg5[%parallel_loop3A_217] : memref<32768xf32, #tpu.memory_space<vmem>>[vector<16xi32>], vector<16xf32>,
      %parallel_loop3A_219 = arith.constant 16 : i32
      %parallel_loop3A_220 = arith.muli %parallel_loop3A_37, %parallel_loop3A_219 : i32
      %parallel_loop3A_221 = arith.constant 17 : i32
      %parallel_loop3A_222 = arith.index_cast %parallel_loop3A_221 : i32 to index
      %parallel_loop3A_223 = arith.index_cast %parallel_loop3A_220 : i32 to index
      %parallel_loop3A_224 = tpu.vector_load %arg7[%parallel_loop3A_222, %parallel_loop3A_223] {strides = array<i32>} : memref<32x512xf32, #tpu.memory_space<vmem>>, vector<16xf32>,
      tpu.vector_store %arg7[%parallel_loop3A_222, %parallel_loop3A_223], %parallel_loop3A_218 {strides = array<i32>} : memref<32x512xf32, #tpu.memory_space<vmem>>, vector<16xf32>,
      %parallel_loop3A_225 = arith.constant 18 : i32
      %parallel_loop3A_226 = vector.broadcast %parallel_loop3A_225 : i32 to vector<16xi32>
      %parallel_loop3A_227 = arith.addi %parallel_loop3A_44, %parallel_loop3A_226 : vector<16xi32>
      %parallel_loop3A_228 = tpu.vector_load_idx %arg5[%parallel_loop3A_227] : memref<32768xf32, #tpu.memory_space<vmem>>[vector<16xi32>], vector<16xf32>,
      %parallel_loop3A_229 = arith.constant 16 : i32
      %parallel_loop3A_230 = arith.muli %parallel_loop3A_37, %parallel_loop3A_229 : i32
      %parallel_loop3A_231 = arith.constant 18 : i32
      %parallel_loop3A_232 = arith.index_cast %parallel_loop3A_231 : i32 to index
      %parallel_loop3A_233 = arith.index_cast %parallel_loop3A_230 : i32 to index
      %parallel_loop3A_234 = tpu.vector_load %arg7[%parallel_loop3A_232, %parallel_loop3A_233] {strides = array<i32>} : memref<32x512xf32, #tpu.memory_space<vmem>>, vector<16xf32>,
      tpu.vector_store %arg7[%parallel_loop3A_232, %parallel_loop3A_233], %parallel_loop3A_228 {strides = array<i32>} : memref<32x512xf32, #tpu.memory_space<vmem>>, vector<16xf32>,
      %parallel_loop3A_235 = arith.constant 19 : i32
      %parallel_loop3A_236 = vector.broadcast %parallel_loop3A_235 : i32 to vector<16xi32>
      %parallel_loop3A_237 = arith.addi %parallel_loop3A_44, %parallel_loop3A_236 : vector<16xi32>
      %parallel_loop3A_238 = tpu.vector_load_idx %arg5[%parallel_loop3A_237] : memref<32768xf32, #tpu.memory_space<vmem>>[vector<16xi32>], vector<16xf32>,
      %parallel_loop3A_239 = arith.constant 16 : i32
      %parallel_loop3A_240 = arith.muli %parallel_loop3A_37, %parallel_loop3A_239 : i32
      %parallel_loop3A_241 = arith.constant 19 : i32
      %parallel_loop3A_242 = arith.index_cast %parallel_loop3A_241 : i32 to index
      %parallel_loop3A_243 = arith.index_cast %parallel_loop3A_240 : i32 to index
      %parallel_loop3A_244 = tpu.vector_load %arg7[%parallel_loop3A_242, %parallel_loop3A_243] {strides = array<i32>} : memref<32x512xf32, #tpu.memory_space<vmem>>, vector<16xf32>,
      tpu.vector_store %arg7[%parallel_loop3A_242, %parallel_loop3A_243], %parallel_loop3A_238 {strides = array<i32>} : memref<32x512xf32, #tpu.memory_space<vmem>>, vector<16xf32>,
      %parallel_loop3A_245 = arith.constant 20 : i32
      %parallel_loop3A_246 = vector.broadcast %parallel_loop3A_245 : i32 to vector<16xi32>
      %parallel_loop3A_247 = arith.addi %parallel_loop3A_44, %parallel_loop3A_246 : vector<16xi32>
      %parallel_loop3A_248 = tpu.vector_load_idx %arg5[%parallel_loop3A_247] : memref<32768xf32, #tpu.memory_space<vmem>>[vector<16xi32>], vector<16xf32>,
      %parallel_loop3A_249 = arith.constant 16 : i32
      %parallel_loop3A_250 = arith.muli %parallel_loop3A_37, %parallel_loop3A_249 : i32
      %parallel_loop3A_251 = arith.constant 20 : i32
      %parallel_loop3A_252 = arith.index_cast %parallel_loop3A_251 : i32 to index
      %parallel_loop3A_253 = arith.index_cast %parallel_loop3A_250 : i32 to index
      %parallel_loop3A_254 = tpu.vector_load %arg7[%parallel_loop3A_252, %parallel_loop3A_253] {strides = array<i32>} : memref<32x512xf32, #tpu.memory_space<vmem>>, vector<16xf32>,
      tpu.vector_store %arg7[%parallel_loop3A_252, %parallel_loop3A_253], %parallel_loop3A_248 {strides = array<i32>} : memref<32x512xf32, #tpu.memory_space<vmem>>, vector<16xf32>,
      %parallel_loop3A_255 = arith.constant 21 : i32
      %parallel_loop3A_256 = vector.broadcast %parallel_loop3A_255 : i32 to vector<16xi32>
      %parallel_loop3A_257 = arith.addi %parallel_loop3A_44, %parallel_loop3A_256 : vector<16xi32>
      %parallel_loop3A_258 = tpu.vector_load_idx %arg5[%parallel_loop3A_257] : memref<32768xf32, #tpu.memory_space<vmem>>[vector<16xi32>], vector<16xf32>,
      %parallel_loop3A_259 = arith.constant 16 : i32
      %parallel_loop3A_260 = arith.muli %parallel_loop3A_37, %parallel_loop3A_259 : i32
      %parallel_loop3A_261 = arith.constant 21 : i32
      %parallel_loop3A_262 = arith.index_cast %parallel_loop3A_261 : i32 to index
      %parallel_loop3A_263 = arith.index_cast %parallel_loop3A_260 : i32 to index
      %parallel_loop3A_264 = tpu.vector_load %arg7[%parallel_loop3A_262, %parallel_loop3A_263] {strides = array<i32>} : memref<32x512xf32, #tpu.memory_space<vmem>>, vector<16xf32>,
      tpu.vector_store %arg7[%parallel_loop3A_262, %parallel_loop3A_263], %parallel_loop3A_258 {strides = array<i32>} : memref<32x512xf32, #tpu.memory_space<vmem>>, vector<16xf32>,
      %parallel_loop3A_265 = arith.constant 22 : i32
      %parallel_loop3A_266 = vector.broadcast %parallel_loop3A_265 : i32 to vector<16xi32>
      %parallel_loop3A_267 = arith.addi %parallel_loop3A_44, %parallel_loop3A_266 : vector<16xi32>
      %parallel_loop3A_268 = tpu.vector_load_idx %arg5[%parallel_loop3A_267] : memref<32768xf32, #tpu.memory_space<vmem>>[vector<16xi32>], vector<16xf32>,
      %parallel_loop3A_269 = arith.constant 16 : i32
      %parallel_loop3A_270 = arith.muli %parallel_loop3A_37, %parallel_loop3A_269 : i32
      %parallel_loop3A_271 = arith.constant 22 : i32
      %parallel_loop3A_272 = arith.index_cast %parallel_loop3A_271 : i32 to index
      %parallel_loop3A_273 = arith.index_cast %parallel_loop3A_270 : i32 to index
      %parallel_loop3A_274 = tpu.vector_load %arg7[%parallel_loop3A_272, %parallel_loop3A_273] {strides = array<i32>} : memref<32x512xf32, #tpu.memory_space<vmem>>, vector<16xf32>,
      tpu.vector_store %arg7[%parallel_loop3A_272, %parallel_loop3A_273], %parallel_loop3A_268 {strides = array<i32>} : memref<32x512xf32, #tpu.memory_space<vmem>>, vector<16xf32>,
      %parallel_loop3A_275 = arith.constant 23 : i32
      %parallel_loop3A_276 = vector.broadcast %parallel_loop3A_275 : i32 to vector<16xi32>
      %parallel_loop3A_277 = arith.addi %parallel_loop3A_44, %parallel_loop3A_276 : vector<16xi32>
      %parallel_loop3A_278 = tpu.vector_load_idx %arg5[%parallel_loop3A_277] : memref<32768xf32, #tpu.memory_space<vmem>>[vector<16xi32>], vector<16xf32>,
      %parallel_loop3A_279 = arith.constant 16 : i32
      %parallel_loop3A_280 = arith.muli %parallel_loop3A_37, %parallel_loop3A_279 : i32
      %parallel_loop3A_281 = arith.constant 23 : i32
      %parallel_loop3A_282 = arith.index_cast %parallel_loop3A_281 : i32 to index
      %parallel_loop3A_283 = arith.index_cast %parallel_loop3A_280 : i32 to index
      %parallel_loop3A_284 = tpu.vector_load %arg7[%parallel_loop3A_282, %parallel_loop3A_283] {strides = array<i32>} : memref<32x512xf32, #tpu.memory_space<vmem>>, vector<16xf32>,
      tpu.vector_store %arg7[%parallel_loop3A_282, %parallel_loop3A_283], %parallel_loop3A_278 {strides = array<i32>} : memref<32x512xf32, #tpu.memory_space<vmem>>, vector<16xf32>,
      %parallel_loop3A_285 = arith.constant 24 : i32
      %parallel_loop3A_286 = vector.broadcast %parallel_loop3A_285 : i32 to vector<16xi32>
      %parallel_loop3A_287 = arith.addi %parallel_loop3A_44, %parallel_loop3A_286 : vector<16xi32>
      %parallel_loop3A_288 = tpu.vector_load_idx %arg5[%parallel_loop3A_287] : memref<32768xf32, #tpu.memory_space<vmem>>[vector<16xi32>], vector<16xf32>,
      %parallel_loop3A_289 = arith.constant 16 : i32
      %parallel_loop3A_290 = arith.muli %parallel_loop3A_37, %parallel_loop3A_289 : i32
      %parallel_loop3A_291 = arith.constant 24 : i32
      %parallel_loop3A_292 = arith.index_cast %parallel_loop3A_291 : i32 to index
      %parallel_loop3A_293 = arith.index_cast %parallel_loop3A_290 : i32 to index
      %parallel_loop3A_294 = tpu.vector_load %arg7[%parallel_loop3A_292, %parallel_loop3A_293] {strides = array<i32>} : memref<32x512xf32, #tpu.memory_space<vmem>>, vector<16xf32>,
      tpu.vector_store %arg7[%parallel_loop3A_292, %parallel_loop3A_293], %parallel_loop3A_288 {strides = array<i32>} : memref<32x512xf32, #tpu.memory_space<vmem>>, vector<16xf32>,
      %parallel_loop3A_295 = arith.constant 25 : i32
      %parallel_loop3A_296 = vector.broadcast %parallel_loop3A_295 : i32 to vector<16xi32>
      %parallel_loop3A_297 = arith.addi %parallel_loop3A_44, %parallel_loop3A_296 : vector<16xi32>
      %parallel_loop3A_298 = tpu.vector_load_idx %arg5[%parallel_loop3A_297] : memref<32768xf32, #tpu.memory_space<vmem>>[vector<16xi32>], vector<16xf32>,
      %parallel_loop3A_299 = arith.constant 16 : i32
      %parallel_loop3A_300 = arith.muli %parallel_loop3A_37, %parallel_loop3A_299 : i32
      %parallel_loop3A_301 = arith.constant 25 : i32
      %parallel_loop3A_302 = arith.index_cast %parallel_loop3A_301 : i32 to index
      %parallel_loop3A_303 = arith.index_cast %parallel_loop3A_300 : i32 to index
      %parallel_loop3A_304 = tpu.vector_load %arg7[%parallel_loop3A_302, %parallel_loop3A_303] {strides = array<i32>} : memref<32x512xf32, #tpu.memory_space<vmem>>, vector<16xf32>,
      tpu.vector_store %arg7[%parallel_loop3A_302, %parallel_loop3A_303], %parallel_loop3A_298 {strides = array<i32>} : memref<32x512xf32, #tpu.memory_space<vmem>>, vector<16xf32>,
      %parallel_loop3A_305 = arith.constant 26 : i32
      %parallel_loop3A_306 = vector.broadcast %parallel_loop3A_305 : i32 to vector<16xi32>
      %parallel_loop3A_307 = arith.addi %parallel_loop3A_44, %parallel_loop3A_306 : vector<16xi32>
      %parallel_loop3A_308 = tpu.vector_load_idx %arg5[%parallel_loop3A_307] : memref<32768xf32, #tpu.memory_space<vmem>>[vector<16xi32>], vector<16xf32>,
      %parallel_loop3A_309 = arith.constant 16 : i32
      %parallel_loop3A_310 = arith.muli %parallel_loop3A_37, %parallel_loop3A_309 : i32
      %parallel_loop3A_311 = arith.constant 26 : i32
      %parallel_loop3A_312 = arith.index_cast %parallel_loop3A_311 : i32 to index
      %parallel_loop3A_313 = arith.index_cast %parallel_loop3A_310 : i32 to index
      %parallel_loop3A_314 = tpu.vector_load %arg7[%parallel_loop3A_312, %parallel_loop3A_313] {strides = array<i32>} : memref<32x512xf32, #tpu.memory_space<vmem>>, vector<16xf32>,
      tpu.vector_store %arg7[%parallel_loop3A_312, %parallel_loop3A_313], %parallel_loop3A_308 {strides = array<i32>} : memref<32x512xf32, #tpu.memory_space<vmem>>, vector<16xf32>,
      %parallel_loop3A_315 = arith.constant 27 : i32
      %parallel_loop3A_316 = vector.broadcast %parallel_loop3A_315 : i32 to vector<16xi32>
      %parallel_loop3A_317 = arith.addi %parallel_loop3A_44, %parallel_loop3A_316 : vector<16xi32>
      %parallel_loop3A_318 = tpu.vector_load_idx %arg5[%parallel_loop3A_317] : memref<32768xf32, #tpu.memory_space<vmem>>[vector<16xi32>], vector<16xf32>,
      %parallel_loop3A_319 = arith.constant 16 : i32
      %parallel_loop3A_320 = arith.muli %parallel_loop3A_37, %parallel_loop3A_319 : i32
      %parallel_loop3A_321 = arith.constant 27 : i32
      %parallel_loop3A_322 = arith.index_cast %parallel_loop3A_321 : i32 to index
      %parallel_loop3A_323 = arith.index_cast %parallel_loop3A_320 : i32 to index
      %parallel_loop3A_324 = tpu.vector_load %arg7[%parallel_loop3A_322, %parallel_loop3A_323] {strides = array<i32>} : memref<32x512xf32, #tpu.memory_space<vmem>>, vector<16xf32>,
      tpu.vector_store %arg7[%parallel_loop3A_322, %parallel_loop3A_323], %parallel_loop3A_318 {strides = array<i32>} : memref<32x512xf32, #tpu.memory_space<vmem>>, vector<16xf32>,
      %parallel_loop3A_325 = arith.constant 28 : i32
      %parallel_loop3A_326 = vector.broadcast %parallel_loop3A_325 : i32 to vector<16xi32>
      %parallel_loop3A_327 = arith.addi %parallel_loop3A_44, %parallel_loop3A_326 : vector<16xi32>
      %parallel_loop3A_328 = tpu.vector_load_idx %arg5[%parallel_loop3A_327] : memref<32768xf32, #tpu.memory_space<vmem>>[vector<16xi32>], vector<16xf32>,
      %parallel_loop3A_329 = arith.constant 16 : i32
      %parallel_loop3A_330 = arith.muli %parallel_loop3A_37, %parallel_loop3A_329 : i32
      %parallel_loop3A_331 = arith.constant 28 : i32
      %parallel_loop3A_332 = arith.index_cast %parallel_loop3A_331 : i32 to index
      %parallel_loop3A_333 = arith.index_cast %parallel_loop3A_330 : i32 to index
      %parallel_loop3A_334 = tpu.vector_load %arg7[%parallel_loop3A_332, %parallel_loop3A_333] {strides = array<i32>} : memref<32x512xf32, #tpu.memory_space<vmem>>, vector<16xf32>,
      tpu.vector_store %arg7[%parallel_loop3A_332, %parallel_loop3A_333], %parallel_loop3A_328 {strides = array<i32>} : memref<32x512xf32, #tpu.memory_space<vmem>>, vector<16xf32>,
      %parallel_loop3A_335 = arith.constant 29 : i32
      %parallel_loop3A_336 = vector.broadcast %parallel_loop3A_335 : i32 to vector<16xi32>
      %parallel_loop3A_337 = arith.addi %parallel_loop3A_44, %parallel_loop3A_336 : vector<16xi32>
      %parallel_loop3A_338 = tpu.vector_load_idx %arg5[%parallel_loop3A_337] : memref<32768xf32, #tpu.memory_space<vmem>>[vector<16xi32>], vector<16xf32>,
      %parallel_loop3A_339 = arith.constant 16 : i32
      %parallel_loop3A_340 = arith.muli %parallel_loop3A_37, %parallel_loop3A_339 : i32
      %parallel_loop3A_341 = arith.constant 29 : i32
      %parallel_loop3A_342 = arith.index_cast %parallel_loop3A_341 : i32 to index
      %parallel_loop3A_343 = arith.index_cast %parallel_loop3A_340 : i32 to index
      %parallel_loop3A_344 = tpu.vector_load %arg7[%parallel_loop3A_342, %parallel_loop3A_343] {strides = array<i32>} : memref<32x512xf32, #tpu.memory_space<vmem>>, vector<16xf32>,
      tpu.vector_store %arg7[%parallel_loop3A_342, %parallel_loop3A_343], %parallel_loop3A_338 {strides = array<i32>} : memref<32x512xf32, #tpu.memory_space<vmem>>, vector<16xf32>,
      %parallel_loop3A_345 = arith.constant 30 : i32
      %parallel_loop3A_346 = vector.broadcast %parallel_loop3A_345 : i32 to vector<16xi32>
      %parallel_loop3A_347 = arith.addi %parallel_loop3A_44, %parallel_loop3A_346 : vector<16xi32>
      %parallel_loop3A_348 = tpu.vector_load_idx %arg5[%parallel_loop3A_347] : memref<32768xf32, #tpu.memory_space<vmem>>[vector<16xi32>], vector<16xf32>,
      %parallel_loop3A_349 = arith.constant 16 : i32
      %parallel_loop3A_350 = arith.muli %parallel_loop3A_37, %parallel_loop3A_349 : i32
      %parallel_loop3A_351 = arith.constant 30 : i32
      %parallel_loop3A_352 = arith.index_cast %parallel_loop3A_351 : i32 to index
      %parallel_loop3A_353 = arith.index_cast %parallel_loop3A_350 : i32 to index
      %parallel_loop3A_354 = tpu.vector_load %arg7[%parallel_loop3A_352, %parallel_loop3A_353] {strides = array<i32>} : memref<32x512xf32, #tpu.memory_space<vmem>>, vector<16xf32>,
      tpu.vector_store %arg7[%parallel_loop3A_352, %parallel_loop3A_353], %parallel_loop3A_348 {strides = array<i32>} : memref<32x512xf32, #tpu.memory_space<vmem>>, vector<16xf32>,
      %parallel_loop3A_355 = arith.constant 31 : i32
      %parallel_loop3A_356 = vector.broadcast %parallel_loop3A_355 : i32 to vector<16xi32>
      %parallel_loop3A_357 = arith.addi %parallel_loop3A_44, %parallel_loop3A_356 : vector<16xi32>
      %parallel_loop3A_358 = tpu.vector_load_idx %arg5[%parallel_loop3A_357] : memref<32768xf32, #tpu.memory_space<vmem>>[vector<16xi32>], vector<16xf32>,
      %parallel_loop3A_359 = arith.constant 16 : i32
      %parallel_loop3A_360 = arith.muli %parallel_loop3A_37, %parallel_loop3A_359 : i32
      %parallel_loop3A_361 = arith.constant 31 : i32
      %parallel_loop3A_362 = arith.index_cast %parallel_loop3A_361 : i32 to index
      %parallel_loop3A_363 = arith.index_cast %parallel_loop3A_360 : i32 to index
      %parallel_loop3A_364 = tpu.vector_load %arg7[%parallel_loop3A_362, %parallel_loop3A_363] {strides = array<i32>} : memref<32x512xf32, #tpu.memory_space<vmem>>, vector<16xf32>,
      tpu.vector_store %arg7[%parallel_loop3A_362, %parallel_loop3A_363], %parallel_loop3A_358 {strides = array<i32>} : memref<32x512xf32, #tpu.memory_space<vmem>>, vector<16xf32>,
    } {sc.loop_unroll_factor = 1 : i64, sc.parallel_access}
    %jit3A = arith.constant 8 : i32
    %div3A = arith.divsi %add3A, %jit3A : i32
    %sign3A = arith.constant 0 : i32
    %sign3A_5 = arith.cmpi sgt, %add3A, %sign3A : i32
    %sign3A_6 = arith.extui %sign3A_5 : i1 to i32
    %sign3A_7 = arith.constant 0 : i32
    %sign3A_8 = arith.cmpi slt, %add3A, %sign3A_7 : i32
    %sign3A_9 = arith.extui %sign3A_8 : i1 to i32
    %sign3A_10 = arith.subi %sign3A_6, %sign3A_9 : i32
    %sign3A_11 = arith.constant 0 : i32
    %sign3A_12 = arith.cmpi sgt, %jit3A, %sign3A_11 : i32
    %sign3A_13 = arith.extui %sign3A_12 : i1 to i32
    %sign3A_14 = arith.constant 0 : i32
    %sign3A_15 = arith.cmpi slt, %jit3A, %sign3A_14 : i32
    %sign3A_16 = arith.extui %sign3A_15 : i1 to i32
    %sign3A_17 = arith.subi %sign3A_13, %sign3A_16 : i32
    %ne3A = arith.cmpi ne, %sign3A_10, %sign3A_17 : i32
    %rem3A = arith.remsi %add3A, %jit3A : i32
    %ne3A_18 = arith.constant 0 : i32
    %ne3A_19 = arith.cmpi ne, %rem3A, %ne3A_18 : i32
    %and3A = arith.andi %ne3A, %ne3A_19 : i1
    %sub3A = arith.constant 1 : i32
    %sub3A_20 = arith.subi %div3A, %sub3A : i32
    %select_n3A = arith.select %and3A, %sub3A_20, %div3A : i32
    %jit3A_21 = arith.constant 8 : i32
    %eq3A = arith.constant 0 : i32
    %eq3A_22 = arith.cmpi eq, %jit3A_21, %eq3A : i32
    %jit3A_23 = arith.constant 1 : i32
    %select_n3A_24 = arith.select %eq3A_22, %jit3A_23, %jit3A_21 : i32
    %rem3A_25 = arith.remsi %add3A, %select_n3A_24 : i32
    %ne3A_26 = arith.constant 0 : i32
    %ne3A_27 = arith.cmpi ne, %rem3A_25, %ne3A_26 : i32
    %lt3A = arith.constant 0 : i32
    %lt3A_28 = arith.cmpi slt, %rem3A_25, %lt3A : i32
    %lt3A_29 = arith.constant 0 : i32
    %lt3A_30 = arith.cmpi slt, %select_n3A_24, %lt3A_29 : i32
    %ne3A_31 = arith.xori %lt3A_28, %lt3A_30 : i1
    %and3A_32 = arith.andi %ne3A_31, %ne3A_27 : i1
    %add3A_33 = arith.addi %rem3A_25, %select_n3A_24 : i32
    %select_n3A_34 = arith.select %and3A_32, %add3A_33, %rem3A_25 : i32
    %mul3A_35 = arith.constant 512 : i32
    %mul3A_36 = arith.muli %select_n3A_34, %mul3A_35 : i32
    "tpu.region"() ({
      %run_scoped3A = tpu.sem_alloc : memref<!tpu.dma_semaphore, #tpu.memory_space<semaphore_mem>>
      %dma_start3A = arith.constant 0 : i32
      %dma_start3A_37 = tpu.memref_slice %arg4[%select_n3A, %dma_start3A, %mul3A_36] : memref<4x32x4096xf32, #tpu.memory_space<hbm>> -> memref<1x32x512xf32, #tpu.memory_space<hbm>>
      %dma_start3A_38 = tpu.memref_squeeze %dma_start3A_37 : memref<1x32x512xf32, #tpu.memory_space<hbm>> -> memref<32x512xf32, #tpu.memory_space<hbm>>
      %dma_start3A_39 = arith.constant 0 : i32
      %dma_start3A_40 = tpu.memref_slice %arg4[%select_n3A, %dma_start3A_39, %mul3A_36] : memref<4x32x4096xf32, #tpu.memory_space<hbm>> -> memref<1x32x512xf32, #tpu.memory_space<hbm>>
      %dma_start3A_41 = tpu.memref_squeeze %dma_start3A_40 : memref<1x32x512xf32, #tpu.memory_space<hbm>> -> memref<32x512xf32, #tpu.memory_space<hbm>>
      tpu.enqueue_dma source(%arg7 : memref<32x512xf32, #tpu.memory_space<vmem>>) target(%dma_start3A_41 : memref<32x512xf32, #tpu.memory_space<hbm>>) target_semaphore(%run_scoped3A : memref<!tpu.dma_semaphore, #tpu.memory_space<semaphore_mem>>)
      %dma_wait3A = arith.constant 0 : i32
      %dma_wait3A_42 = tpu.memref_slice %arg4[%select_n3A, %dma_wait3A, %mul3A_36] : memref<4x32x4096xf32, #tpu.memory_space<hbm>> -> memref<1x32x512xf32, #tpu.memory_space<hbm>>
      %dma_wait3A_43 = tpu.memref_squeeze %dma_wait3A_42 : memref<1x32x512xf32, #tpu.memory_space<hbm>> -> memref<32x512xf32, #tpu.memory_space<hbm>>
      %dma_wait3A_44 = arith.constant 0 : i32
      %dma_wait3A_45 = tpu.memref_slice %arg4[%select_n3A, %dma_wait3A_44, %mul3A_36] : memref<4x32x4096xf32, #tpu.memory_space<hbm>> -> memref<1x32x512xf32, #tpu.memory_space<hbm>>
      %dma_wait3A_46 = tpu.memref_squeeze %dma_wait3A_45 : memref<1x32x512xf32, #tpu.memory_space<hbm>> -> memref<32x512xf32, #tpu.memory_space<hbm>>
      tpu.wait_dma2 semaphore(%run_scoped3A : memref<!tpu.dma_semaphore, #tpu.memory_space<semaphore_mem>>) src(%arg7 : memref<32x512xf32, #tpu.memory_space<vmem>>) dst(%dma_wait3A_46 : memref<32x512xf32, #tpu.memory_space<hbm>>)
      tpu.yield
    }) : () -> ()
    return
  }
}

#map = affine_map<(d0, d1) -> (0)>
#map1 = affine_map<(d0, d1) -> (0, 0, 0)>
module attributes {stable_mosaic.version = 14 : i64} {
  func.func @sc_kernel(%arg0: i32, %arg1: i32, %arg2: memref<32768xf32, #tpu.memory_space<hbm>>, %arg3: memref<16384xi32, #tpu.memory_space<hbm>>, %arg4: memref<4x32x4096xf32, #tpu.memory_space<hbm>>, %arg5: memref<32768xf32, #tpu.memory_space<vmem>>, %arg6: memref<512xi32, #tpu.memory_space<vmem>>, %arg7: memref<32x512xf32, #tpu.memory_space<vmem>>) attributes {dimension_semantics = [#tpu.dimension_semantics<core_parallel>, #tpu.dimension_semantics<subcore_parallel>], iteration_bounds = array<i64: 2, 16>, scalar_prefetch = 0 : i64, scratch_operands = 3 : i64, tpu.core_type = #tpu.core_type<sc_vector_subcore>, window_params = [{transform_indices = #map}, {transform_indices = #map}, {transform_indices = #map1}]} {
    %mul3A = arith.constant 2 : i32
    %mul3A_0 = arith.muli %arg1, %mul3A : i32
    %add3A = arith.addi %mul3A_0, %arg0 : i32
    %mul3A_1 = arith.constant 512 : i32
    %mul3A_2 = arith.muli %add3A, %mul3A_1 : i32
    "tpu.region"() ({
      %run_scoped3A = tpu.sem_alloc : memref<!tpu.dma_semaphore, #tpu.memory_space<semaphore_mem>>
      tpu.enqueue_dma source(%arg2 : memref<32768xf32, #tpu.memory_space<hbm>>) target(%arg5 : memref<32768xf32, #tpu.memory_space<vmem>>) target_semaphore(%run_scoped3A : memref<!tpu.dma_semaphore, #tpu.memory_space<semaphore_mem>>)
      tpu.wait_dma2 semaphore(%run_scoped3A : memref<!tpu.dma_semaphore, #tpu.memory_space<semaphore_mem>>) src(%arg2 : memref<32768xf32, #tpu.memory_space<hbm>>) dst(%arg5 : memref<32768xf32, #tpu.memory_space<vmem>>)
      tpu.yield
    }) : () -> ()
    "tpu.region"() ({
      %run_scoped3A = tpu.sem_alloc : memref<!tpu.dma_semaphore, #tpu.memory_space<semaphore_mem>>
      %dma_start3A = tpu.memref_slice %arg3[%mul3A_2] : memref<16384xi32, #tpu.memory_space<hbm>> -> memref<512xi32, #tpu.memory_space<hbm>>
      %dma_start3A_37 = tpu.memref_slice %arg3[%mul3A_2] : memref<16384xi32, #tpu.memory_space<hbm>> -> memref<512xi32, #tpu.memory_space<hbm>>
      tpu.enqueue_dma source(%dma_start3A_37 : memref<512xi32, #tpu.memory_space<hbm>>) target(%arg6 : memref<512xi32, #tpu.memory_space<vmem>>) target_semaphore(%run_scoped3A : memref<!tpu.dma_semaphore, #tpu.memory_space<semaphore_mem>>)
      %dma_wait3A = tpu.memref_slice %arg3[%mul3A_2] : memref<16384xi32, #tpu.memory_space<hbm>> -> memref<512xi32, #tpu.memory_space<hbm>>
      %dma_wait3A_38 = tpu.memref_slice %arg3[%mul3A_2] : memref<16384xi32, #tpu.memory_space<hbm>> -> memref<512xi32, #tpu.memory_space<hbm>>
      tpu.wait_dma2 semaphore(%run_scoped3A : memref<!tpu.dma_semaphore, #tpu.memory_space<semaphore_mem>>) src(%dma_wait3A_38 : memref<512xi32, #tpu.memory_space<hbm>>) dst(%arg6 : memref<512xi32, #tpu.memory_space<vmem>>)
      tpu.yield
    }) : () -> ()
    %parallel_loop3A = arith.constant 0 : i32
    %parallel_loop3A_3 = arith.constant 32 : i32
    %parallel_loop3A_4 = arith.constant 1 : i32
    scf.for %parallel_loop3A_37 = %parallel_loop3A to %parallel_loop3A_3 step %parallel_loop3A_4  : i32 {
      %parallel_loop3A_38 = arith.constant 16 : i32
      %parallel_loop3A_39 = arith.muli %parallel_loop3A_37, %parallel_loop3A_38 : i32
      %parallel_loop3A_40 = arith.index_cast %parallel_loop3A_39 : i32 to index
      %parallel_loop3A_41 = tpu.vector_load %arg6[%parallel_loop3A_40] {strides = array<i32>} : memref<512xi32, #tpu.memory_space<vmem>>, vector<16xi32>,
      %parallel_loop3A_42 = arith.constant 32 : i32
      %parallel_loop3A_43 = vector.broadcast %parallel_loop3A_42 : i32 to vector<16xi32>
      %parallel_loop3A_44 = arith.muli %parallel_loop3A_41, %parallel_loop3A_43 : vector<16xi32>
      %parallel_loop3A_45 = arith.constant 0 : i32
      %parallel_loop3A_46 = vector.broadcast %parallel_loop3A_45 : i32 to vector<16xi32>
      %parallel_loop3A_47 = arith.addi %parallel_loop3A_44, %parallel_loop3A_46 : vector<16xi32>
      %parallel_loop3A_48 = tpu.vector_load_idx %arg5[%parallel_loop3A_47] : memref<32768xf32, #tpu.memory_space<vmem>>[vector<16xi32>], vector<16xf32>,
      %parallel_loop3A_49 = arith.constant 16 : i32
      %parallel_loop3A_50 = arith.muli %parallel_loop3A_37, %parallel_loop3A_49 : i32
      %parallel_loop3A_51 = arith.constant 0 : i32
      %parallel_loop3A_52 = arith.index_cast %parallel_loop3A_51 : i32 to index
      %parallel_loop3A_53 = arith.index_cast %parallel_loop3A_50 : i32 to index
      %parallel_loop3A_54 = tpu.vector_load %arg7[%parallel_loop3A_52, %parallel_loop3A_53] {strides = array<i32>} : memref<32x512xf32, #tpu.memory_space<vmem>>, vector<16xf32>,
      tpu.vector_store %arg7[%parallel_loop3A_52, %parallel_loop3A_53], %parallel_loop3A_48 {strides = array<i32>} : memref<32x512xf32, #tpu.memory_space<vmem>>, vector<16xf32>,
      %parallel_loop3A_55 = arith.constant 1 : i32
      %parallel_loop3A_56 = vector.broadcast %parallel_loop3A_55 : i32 to vector<16xi32>
      %parallel_loop3A_57 = arith.addi %parallel_loop3A_44, %parallel_loop3A_56 : vector<16xi32>
      %parallel_loop3A_58 = tpu.vector_load_idx %arg5[%parallel_loop3A_57] : memref<32768xf32, #tpu.memory_space<vmem>>[vector<16xi32>], vector<16xf32>,
      %parallel_loop3A_59 = arith.constant 16 : i32
      %parallel_loop3A_60 = arith.muli %parallel_loop3A_37, %parallel_loop3A_59 : i32
      %parallel_loop3A_61 = arith.constant 1 : i32
      %parallel_loop3A_62 = arith.index_cast %parallel_loop3A_61 : i32 to index
      %parallel_loop3A_63 = arith.index_cast %parallel_loop3A_60 : i32 to index
      %parallel_loop3A_64 = tpu.vector_load %arg7[%parallel_loop3A_62, %parallel_loop3A_63] {strides = array<i32>} : memref<32x512xf32, #tpu.memory_space<vmem>>, vector<16xf32>,
      tpu.vector_store %arg7[%parallel_loop3A_62, %parallel_loop3A_63], %parallel_loop3A_58 {strides = array<i32>} : memref<32x512xf32, #tpu.memory_space<vmem>>, vector<16xf32>,
      %parallel_loop3A_65 = arith.constant 2 : i32
      %parallel_loop3A_66 = vector.broadcast %parallel_loop3A_65 : i32 to vector<16xi32>
      %parallel_loop3A_67 = arith.addi %parallel_loop3A_44, %parallel_loop3A_66 : vector<16xi32>
      %parallel_loop3A_68 = tpu.vector_load_idx %arg5[%parallel_loop3A_67] : memref<32768xf32, #tpu.memory_space<vmem>>[vector<16xi32>], vector<16xf32>,
      %parallel_loop3A_69 = arith.constant 16 : i32
      %parallel_loop3A_70 = arith.muli %parallel_loop3A_37, %parallel_loop3A_69 : i32
      %parallel_loop3A_71 = arith.constant 2 : i32
      %parallel_loop3A_72 = arith.index_cast %parallel_loop3A_71 : i32 to index
      %parallel_loop3A_73 = arith.index_cast %parallel_loop3A_70 : i32 to index
      %parallel_loop3A_74 = tpu.vector_load %arg7[%parallel_loop3A_72, %parallel_loop3A_73] {strides = array<i32>} : memref<32x512xf32, #tpu.memory_space<vmem>>, vector<16xf32>,
      tpu.vector_store %arg7[%parallel_loop3A_72, %parallel_loop3A_73], %parallel_loop3A_68 {strides = array<i32>} : memref<32x512xf32, #tpu.memory_space<vmem>>, vector<16xf32>,
      %parallel_loop3A_75 = arith.constant 3 : i32
      %parallel_loop3A_76 = vector.broadcast %parallel_loop3A_75 : i32 to vector<16xi32>
      %parallel_loop3A_77 = arith.addi %parallel_loop3A_44, %parallel_loop3A_76 : vector<16xi32>
      %parallel_loop3A_78 = tpu.vector_load_idx %arg5[%parallel_loop3A_77] : memref<32768xf32, #tpu.memory_space<vmem>>[vector<16xi32>], vector<16xf32>,
      %parallel_loop3A_79 = arith.constant 16 : i32
      %parallel_loop3A_80 = arith.muli %parallel_loop3A_37, %parallel_loop3A_79 : i32
      %parallel_loop3A_81 = arith.constant 3 : i32
      %parallel_loop3A_82 = arith.index_cast %parallel_loop3A_81 : i32 to index
      %parallel_loop3A_83 = arith.index_cast %parallel_loop3A_80 : i32 to index
      %parallel_loop3A_84 = tpu.vector_load %arg7[%parallel_loop3A_82, %parallel_loop3A_83] {strides = array<i32>} : memref<32x512xf32, #tpu.memory_space<vmem>>, vector<16xf32>,
      tpu.vector_store %arg7[%parallel_loop3A_82, %parallel_loop3A_83], %parallel_loop3A_78 {strides = array<i32>} : memref<32x512xf32, #tpu.memory_space<vmem>>, vector<16xf32>,
      %parallel_loop3A_85 = arith.constant 4 : i32
      %parallel_loop3A_86 = vector.broadcast %parallel_loop3A_85 : i32 to vector<16xi32>
      %parallel_loop3A_87 = arith.addi %parallel_loop3A_44, %parallel_loop3A_86 : vector<16xi32>
      %parallel_loop3A_88 = tpu.vector_load_idx %arg5[%parallel_loop3A_87] : memref<32768xf32, #tpu.memory_space<vmem>>[vector<16xi32>], vector<16xf32>,
      %parallel_loop3A_89 = arith.constant 16 : i32
      %parallel_loop3A_90 = arith.muli %parallel_loop3A_37, %parallel_loop3A_89 : i32
      %parallel_loop3A_91 = arith.constant 4 : i32
      %parallel_loop3A_92 = arith.index_cast %parallel_loop3A_91 : i32 to index
      %parallel_loop3A_93 = arith.index_cast %parallel_loop3A_90 : i32 to index
      %parallel_loop3A_94 = tpu.vector_load %arg7[%parallel_loop3A_92, %parallel_loop3A_93] {strides = array<i32>} : memref<32x512xf32, #tpu.memory_space<vmem>>, vector<16xf32>,
      tpu.vector_store %arg7[%parallel_loop3A_92, %parallel_loop3A_93], %parallel_loop3A_88 {strides = array<i32>} : memref<32x512xf32, #tpu.memory_space<vmem>>, vector<16xf32>,
      %parallel_loop3A_95 = arith.constant 5 : i32
      %parallel_loop3A_96 = vector.broadcast %parallel_loop3A_95 : i32 to vector<16xi32>
      %parallel_loop3A_97 = arith.addi %parallel_loop3A_44, %parallel_loop3A_96 : vector<16xi32>
      %parallel_loop3A_98 = tpu.vector_load_idx %arg5[%parallel_loop3A_97] : memref<32768xf32, #tpu.memory_space<vmem>>[vector<16xi32>], vector<16xf32>,
      %parallel_loop3A_99 = arith.constant 16 : i32
      %parallel_loop3A_100 = arith.muli %parallel_loop3A_37, %parallel_loop3A_99 : i32
      %parallel_loop3A_101 = arith.constant 5 : i32
      %parallel_loop3A_102 = arith.index_cast %parallel_loop3A_101 : i32 to index
      %parallel_loop3A_103 = arith.index_cast %parallel_loop3A_100 : i32 to index
      %parallel_loop3A_104 = tpu.vector_load %arg7[%parallel_loop3A_102, %parallel_loop3A_103] {strides = array<i32>} : memref<32x512xf32, #tpu.memory_space<vmem>>, vector<16xf32>,
      tpu.vector_store %arg7[%parallel_loop3A_102, %parallel_loop3A_103], %parallel_loop3A_98 {strides = array<i32>} : memref<32x512xf32, #tpu.memory_space<vmem>>, vector<16xf32>,
      %parallel_loop3A_105 = arith.constant 6 : i32
      %parallel_loop3A_106 = vector.broadcast %parallel_loop3A_105 : i32 to vector<16xi32>
      %parallel_loop3A_107 = arith.addi %parallel_loop3A_44, %parallel_loop3A_106 : vector<16xi32>
      %parallel_loop3A_108 = tpu.vector_load_idx %arg5[%parallel_loop3A_107] : memref<32768xf32, #tpu.memory_space<vmem>>[vector<16xi32>], vector<16xf32>,
      %parallel_loop3A_109 = arith.constant 16 : i32
      %parallel_loop3A_110 = arith.muli %parallel_loop3A_37, %parallel_loop3A_109 : i32
      %parallel_loop3A_111 = arith.constant 6 : i32
      %parallel_loop3A_112 = arith.index_cast %parallel_loop3A_111 : i32 to index
      %parallel_loop3A_113 = arith.index_cast %parallel_loop3A_110 : i32 to index
      %parallel_loop3A_114 = tpu.vector_load %arg7[%parallel_loop3A_112, %parallel_loop3A_113] {strides = array<i32>} : memref<32x512xf32, #tpu.memory_space<vmem>>, vector<16xf32>,
      tpu.vector_store %arg7[%parallel_loop3A_112, %parallel_loop3A_113], %parallel_loop3A_108 {strides = array<i32>} : memref<32x512xf32, #tpu.memory_space<vmem>>, vector<16xf32>,
      %parallel_loop3A_115 = arith.constant 7 : i32
      %parallel_loop3A_116 = vector.broadcast %parallel_loop3A_115 : i32 to vector<16xi32>
      %parallel_loop3A_117 = arith.addi %parallel_loop3A_44, %parallel_loop3A_116 : vector<16xi32>
      %parallel_loop3A_118 = tpu.vector_load_idx %arg5[%parallel_loop3A_117] : memref<32768xf32, #tpu.memory_space<vmem>>[vector<16xi32>], vector<16xf32>,
      %parallel_loop3A_119 = arith.constant 16 : i32
      %parallel_loop3A_120 = arith.muli %parallel_loop3A_37, %parallel_loop3A_119 : i32
      %parallel_loop3A_121 = arith.constant 7 : i32
      %parallel_loop3A_122 = arith.index_cast %parallel_loop3A_121 : i32 to index
      %parallel_loop3A_123 = arith.index_cast %parallel_loop3A_120 : i32 to index
      %parallel_loop3A_124 = tpu.vector_load %arg7[%parallel_loop3A_122, %parallel_loop3A_123] {strides = array<i32>} : memref<32x512xf32, #tpu.memory_space<vmem>>, vector<16xf32>,
      tpu.vector_store %arg7[%parallel_loop3A_122, %parallel_loop3A_123], %parallel_loop3A_118 {strides = array<i32>} : memref<32x512xf32, #tpu.memory_space<vmem>>, vector<16xf32>,
      %parallel_loop3A_125 = arith.constant 8 : i32
      %parallel_loop3A_126 = vector.broadcast %parallel_loop3A_125 : i32 to vector<16xi32>
      %parallel_loop3A_127 = arith.addi %parallel_loop3A_44, %parallel_loop3A_126 : vector<16xi32>
      %parallel_loop3A_128 = tpu.vector_load_idx %arg5[%parallel_loop3A_127] : memref<32768xf32, #tpu.memory_space<vmem>>[vector<16xi32>], vector<16xf32>,
      %parallel_loop3A_129 = arith.constant 16 : i32
      %parallel_loop3A_130 = arith.muli %parallel_loop3A_37, %parallel_loop3A_129 : i32
      %parallel_loop3A_131 = arith.constant 8 : i32
      %parallel_loop3A_132 = arith.index_cast %parallel_loop3A_131 : i32 to index
      %parallel_loop3A_133 = arith.index_cast %parallel_loop3A_130 : i32 to index
      %parallel_loop3A_134 = tpu.vector_load %arg7[%parallel_loop3A_132, %parallel_loop3A_133] {strides = array<i32>} : memref<32x512xf32, #tpu.memory_space<vmem>>, vector<16xf32>,
      tpu.vector_store %arg7[%parallel_loop3A_132, %parallel_loop3A_133], %parallel_loop3A_128 {strides = array<i32>} : memref<32x512xf32, #tpu.memory_space<vmem>>, vector<16xf32>,
      %parallel_loop3A_135 = arith.constant 9 : i32
      %parallel_loop3A_136 = vector.broadcast %parallel_loop3A_135 : i32 to vector<16xi32>
      %parallel_loop3A_137 = arith.addi %parallel_loop3A_44, %parallel_loop3A_136 : vector<16xi32>
      %parallel_loop3A_138 = tpu.vector_load_idx %arg5[%parallel_loop3A_137] : memref<32768xf32, #tpu.memory_space<vmem>>[vector<16xi32>], vector<16xf32>,
      %parallel_loop3A_139 = arith.constant 16 : i32
      %parallel_loop3A_140 = arith.muli %parallel_loop3A_37, %parallel_loop3A_139 : i32
      %parallel_loop3A_141 = arith.constant 9 : i32
      %parallel_loop3A_142 = arith.index_cast %parallel_loop3A_141 : i32 to index
      %parallel_loop3A_143 = arith.index_cast %parallel_loop3A_140 : i32 to index
      %parallel_loop3A_144 = tpu.vector_load %arg7[%parallel_loop3A_142, %parallel_loop3A_143] {strides = array<i32>} : memref<32x512xf32, #tpu.memory_space<vmem>>, vector<16xf32>,
      tpu.vector_store %arg7[%parallel_loop3A_142, %parallel_loop3A_143], %parallel_loop3A_138 {strides = array<i32>} : memref<32x512xf32, #tpu.memory_space<vmem>>, vector<16xf32>,
      %parallel_loop3A_145 = arith.constant 10 : i32
      %parallel_loop3A_146 = vector.broadcast %parallel_loop3A_145 : i32 to vector<16xi32>
      %parallel_loop3A_147 = arith.addi %parallel_loop3A_44, %parallel_loop3A_146 : vector<16xi32>
      %parallel_loop3A_148 = tpu.vector_load_idx %arg5[%parallel_loop3A_147] : memref<32768xf32, #tpu.memory_space<vmem>>[vector<16xi32>], vector<16xf32>,
      %parallel_loop3A_149 = arith.constant 16 : i32
      %parallel_loop3A_150 = arith.muli %parallel_loop3A_37, %parallel_loop3A_149 : i32
      %parallel_loop3A_151 = arith.constant 10 : i32
      %parallel_loop3A_152 = arith.index_cast %parallel_loop3A_151 : i32 to index
      %parallel_loop3A_153 = arith.index_cast %parallel_loop3A_150 : i32 to index
      %parallel_loop3A_154 = tpu.vector_load %arg7[%parallel_loop3A_152, %parallel_loop3A_153] {strides = array<i32>} : memref<32x512xf32, #tpu.memory_space<vmem>>, vector<16xf32>,
      tpu.vector_store %arg7[%parallel_loop3A_152, %parallel_loop3A_153], %parallel_loop3A_148 {strides = array<i32>} : memref<32x512xf32, #tpu.memory_space<vmem>>, vector<16xf32>,
      %parallel_loop3A_155 = arith.constant 11 : i32
      %parallel_loop3A_156 = vector.broadcast %parallel_loop3A_155 : i32 to vector<16xi32>
      %parallel_loop3A_157 = arith.addi %parallel_loop3A_44, %parallel_loop3A_156 : vector<16xi32>
      %parallel_loop3A_158 = tpu.vector_load_idx %arg5[%parallel_loop3A_157] : memref<32768xf32, #tpu.memory_space<vmem>>[vector<16xi32>], vector<16xf32>,
      %parallel_loop3A_159 = arith.constant 16 : i32
      %parallel_loop3A_160 = arith.muli %parallel_loop3A_37, %parallel_loop3A_159 : i32
      %parallel_loop3A_161 = arith.constant 11 : i32
      %parallel_loop3A_162 = arith.index_cast %parallel_loop3A_161 : i32 to index
      %parallel_loop3A_163 = arith.index_cast %parallel_loop3A_160 : i32 to index
      %parallel_loop3A_164 = tpu.vector_load %arg7[%parallel_loop3A_162, %parallel_loop3A_163] {strides = array<i32>} : memref<32x512xf32, #tpu.memory_space<vmem>>, vector<16xf32>,
      tpu.vector_store %arg7[%parallel_loop3A_162, %parallel_loop3A_163], %parallel_loop3A_158 {strides = array<i32>} : memref<32x512xf32, #tpu.memory_space<vmem>>, vector<16xf32>,
      %parallel_loop3A_165 = arith.constant 12 : i32
      %parallel_loop3A_166 = vector.broadcast %parallel_loop3A_165 : i32 to vector<16xi32>
      %parallel_loop3A_167 = arith.addi %parallel_loop3A_44, %parallel_loop3A_166 : vector<16xi32>
      %parallel_loop3A_168 = tpu.vector_load_idx %arg5[%parallel_loop3A_167] : memref<32768xf32, #tpu.memory_space<vmem>>[vector<16xi32>], vector<16xf32>,
      %parallel_loop3A_169 = arith.constant 16 : i32
      %parallel_loop3A_170 = arith.muli %parallel_loop3A_37, %parallel_loop3A_169 : i32
      %parallel_loop3A_171 = arith.constant 12 : i32
      %parallel_loop3A_172 = arith.index_cast %parallel_loop3A_171 : i32 to index
      %parallel_loop3A_173 = arith.index_cast %parallel_loop3A_170 : i32 to index
      %parallel_loop3A_174 = tpu.vector_load %arg7[%parallel_loop3A_172, %parallel_loop3A_173] {strides = array<i32>} : memref<32x512xf32, #tpu.memory_space<vmem>>, vector<16xf32>,
      tpu.vector_store %arg7[%parallel_loop3A_172, %parallel_loop3A_173], %parallel_loop3A_168 {strides = array<i32>} : memref<32x512xf32, #tpu.memory_space<vmem>>, vector<16xf32>,
      %parallel_loop3A_175 = arith.constant 13 : i32
      %parallel_loop3A_176 = vector.broadcast %parallel_loop3A_175 : i32 to vector<16xi32>
      %parallel_loop3A_177 = arith.addi %parallel_loop3A_44, %parallel_loop3A_176 : vector<16xi32>
      %parallel_loop3A_178 = tpu.vector_load_idx %arg5[%parallel_loop3A_177] : memref<32768xf32, #tpu.memory_space<vmem>>[vector<16xi32>], vector<16xf32>,
      %parallel_loop3A_179 = arith.constant 16 : i32
      %parallel_loop3A_180 = arith.muli %parallel_loop3A_37, %parallel_loop3A_179 : i32
      %parallel_loop3A_181 = arith.constant 13 : i32
      %parallel_loop3A_182 = arith.index_cast %parallel_loop3A_181 : i32 to index
      %parallel_loop3A_183 = arith.index_cast %parallel_loop3A_180 : i32 to index
      %parallel_loop3A_184 = tpu.vector_load %arg7[%parallel_loop3A_182, %parallel_loop3A_183] {strides = array<i32>} : memref<32x512xf32, #tpu.memory_space<vmem>>, vector<16xf32>,
      tpu.vector_store %arg7[%parallel_loop3A_182, %parallel_loop3A_183], %parallel_loop3A_178 {strides = array<i32>} : memref<32x512xf32, #tpu.memory_space<vmem>>, vector<16xf32>,
      %parallel_loop3A_185 = arith.constant 14 : i32
      %parallel_loop3A_186 = vector.broadcast %parallel_loop3A_185 : i32 to vector<16xi32>
      %parallel_loop3A_187 = arith.addi %parallel_loop3A_44, %parallel_loop3A_186 : vector<16xi32>
      %parallel_loop3A_188 = tpu.vector_load_idx %arg5[%parallel_loop3A_187] : memref<32768xf32, #tpu.memory_space<vmem>>[vector<16xi32>], vector<16xf32>,
      %parallel_loop3A_189 = arith.constant 16 : i32
      %parallel_loop3A_190 = arith.muli %parallel_loop3A_37, %parallel_loop3A_189 : i32
      %parallel_loop3A_191 = arith.constant 14 : i32
      %parallel_loop3A_192 = arith.index_cast %parallel_loop3A_191 : i32 to index
      %parallel_loop3A_193 = arith.index_cast %parallel_loop3A_190 : i32 to index
      %parallel_loop3A_194 = tpu.vector_load %arg7[%parallel_loop3A_192, %parallel_loop3A_193] {strides = array<i32>} : memref<32x512xf32, #tpu.memory_space<vmem>>, vector<16xf32>,
      tpu.vector_store %arg7[%parallel_loop3A_192, %parallel_loop3A_193], %parallel_loop3A_188 {strides = array<i32>} : memref<32x512xf32, #tpu.memory_space<vmem>>, vector<16xf32>,
      %parallel_loop3A_195 = arith.constant 15 : i32
      %parallel_loop3A_196 = vector.broadcast %parallel_loop3A_195 : i32 to vector<16xi32>
      %parallel_loop3A_197 = arith.addi %parallel_loop3A_44, %parallel_loop3A_196 : vector<16xi32>
      %parallel_loop3A_198 = tpu.vector_load_idx %arg5[%parallel_loop3A_197] : memref<32768xf32, #tpu.memory_space<vmem>>[vector<16xi32>], vector<16xf32>,
      %parallel_loop3A_199 = arith.constant 16 : i32
      %parallel_loop3A_200 = arith.muli %parallel_loop3A_37, %parallel_loop3A_199 : i32
      %parallel_loop3A_201 = arith.constant 15 : i32
      %parallel_loop3A_202 = arith.index_cast %parallel_loop3A_201 : i32 to index
      %parallel_loop3A_203 = arith.index_cast %parallel_loop3A_200 : i32 to index
      %parallel_loop3A_204 = tpu.vector_load %arg7[%parallel_loop3A_202, %parallel_loop3A_203] {strides = array<i32>} : memref<32x512xf32, #tpu.memory_space<vmem>>, vector<16xf32>,
      tpu.vector_store %arg7[%parallel_loop3A_202, %parallel_loop3A_203], %parallel_loop3A_198 {strides = array<i32>} : memref<32x512xf32, #tpu.memory_space<vmem>>, vector<16xf32>,
      %parallel_loop3A_205 = arith.constant 16 : i32
      %parallel_loop3A_206 = vector.broadcast %parallel_loop3A_205 : i32 to vector<16xi32>
      %parallel_loop3A_207 = arith.addi %parallel_loop3A_44, %parallel_loop3A_206 : vector<16xi32>
      %parallel_loop3A_208 = tpu.vector_load_idx %arg5[%parallel_loop3A_207] : memref<32768xf32, #tpu.memory_space<vmem>>[vector<16xi32>], vector<16xf32>,
      %parallel_loop3A_209 = arith.constant 16 : i32
      %parallel_loop3A_210 = arith.muli %parallel_loop3A_37, %parallel_loop3A_209 : i32
      %parallel_loop3A_211 = arith.constant 16 : i32
      %parallel_loop3A_212 = arith.index_cast %parallel_loop3A_211 : i32 to index
      %parallel_loop3A_213 = arith.index_cast %parallel_loop3A_210 : i32 to index
      %parallel_loop3A_214 = tpu.vector_load %arg7[%parallel_loop3A_212, %parallel_loop3A_213] {strides = array<i32>} : memref<32x512xf32, #tpu.memory_space<vmem>>, vector<16xf32>,
      tpu.vector_store %arg7[%parallel_loop3A_212, %parallel_loop3A_213], %parallel_loop3A_208 {strides = array<i32>} : memref<32x512xf32, #tpu.memory_space<vmem>>, vector<16xf32>,
      %parallel_loop3A_215 = arith.constant 17 : i32
      %parallel_loop3A_216 = vector.broadcast %parallel_loop3A_215 : i32 to vector<16xi32>
      %parallel_loop3A_217 = arith.addi %parallel_loop3A_44, %parallel_loop3A_216 : vector<16xi32>
      %parallel_loop3A_218 = tpu.vector_load_idx %arg5[%parallel_loop3A_217] : memref<32768xf32, #tpu.memory_space<vmem>>[vector<16xi32>], vector<16xf32>,
      %parallel_loop3A_219 = arith.constant 16 : i32
      %parallel_loop3A_220 = arith.muli %parallel_loop3A_37, %parallel_loop3A_219 : i32
      %parallel_loop3A_221 = arith.constant 17 : i32
      %parallel_loop3A_222 = arith.index_cast %parallel_loop3A_221 : i32 to index
      %parallel_loop3A_223 = arith.index_cast %parallel_loop3A_220 : i32 to index
      %parallel_loop3A_224 = tpu.vector_load %arg7[%parallel_loop3A_222, %parallel_loop3A_223] {strides = array<i32>} : memref<32x512xf32, #tpu.memory_space<vmem>>, vector<16xf32>,
      tpu.vector_store %arg7[%parallel_loop3A_222, %parallel_loop3A_223], %parallel_loop3A_218 {strides = array<i32>} : memref<32x512xf32, #tpu.memory_space<vmem>>, vector<16xf32>,
      %parallel_loop3A_225 = arith.constant 18 : i32
      %parallel_loop3A_226 = vector.broadcast %parallel_loop3A_225 : i32 to vector<16xi32>
      %parallel_loop3A_227 = arith.addi %parallel_loop3A_44, %parallel_loop3A_226 : vector<16xi32>
      %parallel_loop3A_228 = tpu.vector_load_idx %arg5[%parallel_loop3A_227] : memref<32768xf32, #tpu.memory_space<vmem>>[vector<16xi32>], vector<16xf32>,
      %parallel_loop3A_229 = arith.constant 16 : i32
      %parallel_loop3A_230 = arith.muli %parallel_loop3A_37, %parallel_loop3A_229 : i32
      %parallel_loop3A_231 = arith.constant 18 : i32
      %parallel_loop3A_232 = arith.index_cast %parallel_loop3A_231 : i32 to index
      %parallel_loop3A_233 = arith.index_cast %parallel_loop3A_230 : i32 to index
      %parallel_loop3A_234 = tpu.vector_load %arg7[%parallel_loop3A_232, %parallel_loop3A_233] {strides = array<i32>} : memref<32x512xf32, #tpu.memory_space<vmem>>, vector<16xf32>,
      tpu.vector_store %arg7[%parallel_loop3A_232, %parallel_loop3A_233], %parallel_loop3A_228 {strides = array<i32>} : memref<32x512xf32, #tpu.memory_space<vmem>>, vector<16xf32>,
      %parallel_loop3A_235 = arith.constant 19 : i32
      %parallel_loop3A_236 = vector.broadcast %parallel_loop3A_235 : i32 to vector<16xi32>
      %parallel_loop3A_237 = arith.addi %parallel_loop3A_44, %parallel_loop3A_236 : vector<16xi32>
      %parallel_loop3A_238 = tpu.vector_load_idx %arg5[%parallel_loop3A_237] : memref<32768xf32, #tpu.memory_space<vmem>>[vector<16xi32>], vector<16xf32>,
      %parallel_loop3A_239 = arith.constant 16 : i32
      %parallel_loop3A_240 = arith.muli %parallel_loop3A_37, %parallel_loop3A_239 : i32
      %parallel_loop3A_241 = arith.constant 19 : i32
      %parallel_loop3A_242 = arith.index_cast %parallel_loop3A_241 : i32 to index
      %parallel_loop3A_243 = arith.index_cast %parallel_loop3A_240 : i32 to index
      %parallel_loop3A_244 = tpu.vector_load %arg7[%parallel_loop3A_242, %parallel_loop3A_243] {strides = array<i32>} : memref<32x512xf32, #tpu.memory_space<vmem>>, vector<16xf32>,
      tpu.vector_store %arg7[%parallel_loop3A_242, %parallel_loop3A_243], %parallel_loop3A_238 {strides = array<i32>} : memref<32x512xf32, #tpu.memory_space<vmem>>, vector<16xf32>,
      %parallel_loop3A_245 = arith.constant 20 : i32
      %parallel_loop3A_246 = vector.broadcast %parallel_loop3A_245 : i32 to vector<16xi32>
      %parallel_loop3A_247 = arith.addi %parallel_loop3A_44, %parallel_loop3A_246 : vector<16xi32>
      %parallel_loop3A_248 = tpu.vector_load_idx %arg5[%parallel_loop3A_247] : memref<32768xf32, #tpu.memory_space<vmem>>[vector<16xi32>], vector<16xf32>,
      %parallel_loop3A_249 = arith.constant 16 : i32
      %parallel_loop3A_250 = arith.muli %parallel_loop3A_37, %parallel_loop3A_249 : i32
      %parallel_loop3A_251 = arith.constant 20 : i32
      %parallel_loop3A_252 = arith.index_cast %parallel_loop3A_251 : i32 to index
      %parallel_loop3A_253 = arith.index_cast %parallel_loop3A_250 : i32 to index
      %parallel_loop3A_254 = tpu.vector_load %arg7[%parallel_loop3A_252, %parallel_loop3A_253] {strides = array<i32>} : memref<32x512xf32, #tpu.memory_space<vmem>>, vector<16xf32>,
      tpu.vector_store %arg7[%parallel_loop3A_252, %parallel_loop3A_253], %parallel_loop3A_248 {strides = array<i32>} : memref<32x512xf32, #tpu.memory_space<vmem>>, vector<16xf32>,
      %parallel_loop3A_255 = arith.constant 21 : i32
      %parallel_loop3A_256 = vector.broadcast %parallel_loop3A_255 : i32 to vector<16xi32>
      %parallel_loop3A_257 = arith.addi %parallel_loop3A_44, %parallel_loop3A_256 : vector<16xi32>
      %parallel_loop3A_258 = tpu.vector_load_idx %arg5[%parallel_loop3A_257] : memref<32768xf32, #tpu.memory_space<vmem>>[vector<16xi32>], vector<16xf32>,
      %parallel_loop3A_259 = arith.constant 16 : i32
      %parallel_loop3A_260 = arith.muli %parallel_loop3A_37, %parallel_loop3A_259 : i32
      %parallel_loop3A_261 = arith.constant 21 : i32
      %parallel_loop3A_262 = arith.index_cast %parallel_loop3A_261 : i32 to index
      %parallel_loop3A_263 = arith.index_cast %parallel_loop3A_260 : i32 to index
      %parallel_loop3A_264 = tpu.vector_load %arg7[%parallel_loop3A_262, %parallel_loop3A_263] {strides = array<i32>} : memref<32x512xf32, #tpu.memory_space<vmem>>, vector<16xf32>,
      tpu.vector_store %arg7[%parallel_loop3A_262, %parallel_loop3A_263], %parallel_loop3A_258 {strides = array<i32>} : memref<32x512xf32, #tpu.memory_space<vmem>>, vector<16xf32>,
      %parallel_loop3A_265 = arith.constant 22 : i32
      %parallel_loop3A_266 = vector.broadcast %parallel_loop3A_265 : i32 to vector<16xi32>
      %parallel_loop3A_267 = arith.addi %parallel_loop3A_44, %parallel_loop3A_266 : vector<16xi32>
      %parallel_loop3A_268 = tpu.vector_load_idx %arg5[%parallel_loop3A_267] : memref<32768xf32, #tpu.memory_space<vmem>>[vector<16xi32>], vector<16xf32>,
      %parallel_loop3A_269 = arith.constant 16 : i32
      %parallel_loop3A_270 = arith.muli %parallel_loop3A_37, %parallel_loop3A_269 : i32
      %parallel_loop3A_271 = arith.constant 22 : i32
      %parallel_loop3A_272 = arith.index_cast %parallel_loop3A_271 : i32 to index
      %parallel_loop3A_273 = arith.index_cast %parallel_loop3A_270 : i32 to index
      %parallel_loop3A_274 = tpu.vector_load %arg7[%parallel_loop3A_272, %parallel_loop3A_273] {strides = array<i32>} : memref<32x512xf32, #tpu.memory_space<vmem>>, vector<16xf32>,
      tpu.vector_store %arg7[%parallel_loop3A_272, %parallel_loop3A_273], %parallel_loop3A_268 {strides = array<i32>} : memref<32x512xf32, #tpu.memory_space<vmem>>, vector<16xf32>,
      %parallel_loop3A_275 = arith.constant 23 : i32
      %parallel_loop3A_276 = vector.broadcast %parallel_loop3A_275 : i32 to vector<16xi32>
      %parallel_loop3A_277 = arith.addi %parallel_loop3A_44, %parallel_loop3A_276 : vector<16xi32>
      %parallel_loop3A_278 = tpu.vector_load_idx %arg5[%parallel_loop3A_277] : memref<32768xf32, #tpu.memory_space<vmem>>[vector<16xi32>], vector<16xf32>,
      %parallel_loop3A_279 = arith.constant 16 : i32
      %parallel_loop3A_280 = arith.muli %parallel_loop3A_37, %parallel_loop3A_279 : i32
      %parallel_loop3A_281 = arith.constant 23 : i32
      %parallel_loop3A_282 = arith.index_cast %parallel_loop3A_281 : i32 to index
      %parallel_loop3A_283 = arith.index_cast %parallel_loop3A_280 : i32 to index
      %parallel_loop3A_284 = tpu.vector_load %arg7[%parallel_loop3A_282, %parallel_loop3A_283] {strides = array<i32>} : memref<32x512xf32, #tpu.memory_space<vmem>>, vector<16xf32>,
      tpu.vector_store %arg7[%parallel_loop3A_282, %parallel_loop3A_283], %parallel_loop3A_278 {strides = array<i32>} : memref<32x512xf32, #tpu.memory_space<vmem>>, vector<16xf32>,
      %parallel_loop3A_285 = arith.constant 24 : i32
      %parallel_loop3A_286 = vector.broadcast %parallel_loop3A_285 : i32 to vector<16xi32>
      %parallel_loop3A_287 = arith.addi %parallel_loop3A_44, %parallel_loop3A_286 : vector<16xi32>
      %parallel_loop3A_288 = tpu.vector_load_idx %arg5[%parallel_loop3A_287] : memref<32768xf32, #tpu.memory_space<vmem>>[vector<16xi32>], vector<16xf32>,
      %parallel_loop3A_289 = arith.constant 16 : i32
      %parallel_loop3A_290 = arith.muli %parallel_loop3A_37, %parallel_loop3A_289 : i32
      %parallel_loop3A_291 = arith.constant 24 : i32
      %parallel_loop3A_292 = arith.index_cast %parallel_loop3A_291 : i32 to index
      %parallel_loop3A_293 = arith.index_cast %parallel_loop3A_290 : i32 to index
      %parallel_loop3A_294 = tpu.vector_load %arg7[%parallel_loop3A_292, %parallel_loop3A_293] {strides = array<i32>} : memref<32x512xf32, #tpu.memory_space<vmem>>, vector<16xf32>,
      tpu.vector_store %arg7[%parallel_loop3A_292, %parallel_loop3A_293], %parallel_loop3A_288 {strides = array<i32>} : memref<32x512xf32, #tpu.memory_space<vmem>>, vector<16xf32>,
      %parallel_loop3A_295 = arith.constant 25 : i32
      %parallel_loop3A_296 = vector.broadcast %parallel_loop3A_295 : i32 to vector<16xi32>
      %parallel_loop3A_297 = arith.addi %parallel_loop3A_44, %parallel_loop3A_296 : vector<16xi32>
      %parallel_loop3A_298 = tpu.vector_load_idx %arg5[%parallel_loop3A_297] : memref<32768xf32, #tpu.memory_space<vmem>>[vector<16xi32>], vector<16xf32>,
      %parallel_loop3A_299 = arith.constant 16 : i32
      %parallel_loop3A_300 = arith.muli %parallel_loop3A_37, %parallel_loop3A_299 : i32
      %parallel_loop3A_301 = arith.constant 25 : i32
      %parallel_loop3A_302 = arith.index_cast %parallel_loop3A_301 : i32 to index
      %parallel_loop3A_303 = arith.index_cast %parallel_loop3A_300 : i32 to index
      %parallel_loop3A_304 = tpu.vector_load %arg7[%parallel_loop3A_302, %parallel_loop3A_303] {strides = array<i32>} : memref<32x512xf32, #tpu.memory_space<vmem>>, vector<16xf32>,
      tpu.vector_store %arg7[%parallel_loop3A_302, %parallel_loop3A_303], %parallel_loop3A_298 {strides = array<i32>} : memref<32x512xf32, #tpu.memory_space<vmem>>, vector<16xf32>,
      %parallel_loop3A_305 = arith.constant 26 : i32
      %parallel_loop3A_306 = vector.broadcast %parallel_loop3A_305 : i32 to vector<16xi32>
      %parallel_loop3A_307 = arith.addi %parallel_loop3A_44, %parallel_loop3A_306 : vector<16xi32>
      %parallel_loop3A_308 = tpu.vector_load_idx %arg5[%parallel_loop3A_307] : memref<32768xf32, #tpu.memory_space<vmem>>[vector<16xi32>], vector<16xf32>,
      %parallel_loop3A_309 = arith.constant 16 : i32
      %parallel_loop3A_310 = arith.muli %parallel_loop3A_37, %parallel_loop3A_309 : i32
      %parallel_loop3A_311 = arith.constant 26 : i32
      %parallel_loop3A_312 = arith.index_cast %parallel_loop3A_311 : i32 to index
      %parallel_loop3A_313 = arith.index_cast %parallel_loop3A_310 : i32 to index
      %parallel_loop3A_314 = tpu.vector_load %arg7[%parallel_loop3A_312, %parallel_loop3A_313] {strides = array<i32>} : memref<32x512xf32, #tpu.memory_space<vmem>>, vector<16xf32>,
      tpu.vector_store %arg7[%parallel_loop3A_312, %parallel_loop3A_313], %parallel_loop3A_308 {strides = array<i32>} : memref<32x512xf32, #tpu.memory_space<vmem>>, vector<16xf32>,
      %parallel_loop3A_315 = arith.constant 27 : i32
      %parallel_loop3A_316 = vector.broadcast %parallel_loop3A_315 : i32 to vector<16xi32>
      %parallel_loop3A_317 = arith.addi %parallel_loop3A_44, %parallel_loop3A_316 : vector<16xi32>
      %parallel_loop3A_318 = tpu.vector_load_idx %arg5[%parallel_loop3A_317] : memref<32768xf32, #tpu.memory_space<vmem>>[vector<16xi32>], vector<16xf32>,
      %parallel_loop3A_319 = arith.constant 16 : i32
      %parallel_loop3A_320 = arith.muli %parallel_loop3A_37, %parallel_loop3A_319 : i32
      %parallel_loop3A_321 = arith.constant 27 : i32
      %parallel_loop3A_322 = arith.index_cast %parallel_loop3A_321 : i32 to index
      %parallel_loop3A_323 = arith.index_cast %parallel_loop3A_320 : i32 to index
      %parallel_loop3A_324 = tpu.vector_load %arg7[%parallel_loop3A_322, %parallel_loop3A_323] {strides = array<i32>} : memref<32x512xf32, #tpu.memory_space<vmem>>, vector<16xf32>,
      tpu.vector_store %arg7[%parallel_loop3A_322, %parallel_loop3A_323], %parallel_loop3A_318 {strides = array<i32>} : memref<32x512xf32, #tpu.memory_space<vmem>>, vector<16xf32>,
      %parallel_loop3A_325 = arith.constant 28 : i32
      %parallel_loop3A_326 = vector.broadcast %parallel_loop3A_325 : i32 to vector<16xi32>
      %parallel_loop3A_327 = arith.addi %parallel_loop3A_44, %parallel_loop3A_326 : vector<16xi32>
      %parallel_loop3A_328 = tpu.vector_load_idx %arg5[%parallel_loop3A_327] : memref<32768xf32, #tpu.memory_space<vmem>>[vector<16xi32>], vector<16xf32>,
      %parallel_loop3A_329 = arith.constant 16 : i32
      %parallel_loop3A_330 = arith.muli %parallel_loop3A_37, %parallel_loop3A_329 : i32
      %parallel_loop3A_331 = arith.constant 28 : i32
      %parallel_loop3A_332 = arith.index_cast %parallel_loop3A_331 : i32 to index
      %parallel_loop3A_333 = arith.index_cast %parallel_loop3A_330 : i32 to index
      %parallel_loop3A_334 = tpu.vector_load %arg7[%parallel_loop3A_332, %parallel_loop3A_333] {strides = array<i32>} : memref<32x512xf32, #tpu.memory_space<vmem>>, vector<16xf32>,
      tpu.vector_store %arg7[%parallel_loop3A_332, %parallel_loop3A_333], %parallel_loop3A_328 {strides = array<i32>} : memref<32x512xf32, #tpu.memory_space<vmem>>, vector<16xf32>,
      %parallel_loop3A_335 = arith.constant 29 : i32
      %parallel_loop3A_336 = vector.broadcast %parallel_loop3A_335 : i32 to vector<16xi32>
      %parallel_loop3A_337 = arith.addi %parallel_loop3A_44, %parallel_loop3A_336 : vector<16xi32>
      %parallel_loop3A_338 = tpu.vector_load_idx %arg5[%parallel_loop3A_337] : memref<32768xf32, #tpu.memory_space<vmem>>[vector<16xi32>], vector<16xf32>,
      %parallel_loop3A_339 = arith.constant 16 : i32
      %parallel_loop3A_340 = arith.muli %parallel_loop3A_37, %parallel_loop3A_339 : i32
      %parallel_loop3A_341 = arith.constant 29 : i32
      %parallel_loop3A_342 = arith.index_cast %parallel_loop3A_341 : i32 to index
      %parallel_loop3A_343 = arith.index_cast %parallel_loop3A_340 : i32 to index
      %parallel_loop3A_344 = tpu.vector_load %arg7[%parallel_loop3A_342, %parallel_loop3A_343] {strides = array<i32>} : memref<32x512xf32, #tpu.memory_space<vmem>>, vector<16xf32>,
      tpu.vector_store %arg7[%parallel_loop3A_342, %parallel_loop3A_343], %parallel_loop3A_338 {strides = array<i32>} : memref<32x512xf32, #tpu.memory_space<vmem>>, vector<16xf32>,
      %parallel_loop3A_345 = arith.constant 30 : i32
      %parallel_loop3A_346 = vector.broadcast %parallel_loop3A_345 : i32 to vector<16xi32>
      %parallel_loop3A_347 = arith.addi %parallel_loop3A_44, %parallel_loop3A_346 : vector<16xi32>
      %parallel_loop3A_348 = tpu.vector_load_idx %arg5[%parallel_loop3A_347] : memref<32768xf32, #tpu.memory_space<vmem>>[vector<16xi32>], vector<16xf32>,
      %parallel_loop3A_349 = arith.constant 16 : i32
      %parallel_loop3A_350 = arith.muli %parallel_loop3A_37, %parallel_loop3A_349 : i32
      %parallel_loop3A_351 = arith.constant 30 : i32
      %parallel_loop3A_352 = arith.index_cast %parallel_loop3A_351 : i32 to index
      %parallel_loop3A_353 = arith.index_cast %parallel_loop3A_350 : i32 to index
      %parallel_loop3A_354 = tpu.vector_load %arg7[%parallel_loop3A_352, %parallel_loop3A_353] {strides = array<i32>} : memref<32x512xf32, #tpu.memory_space<vmem>>, vector<16xf32>,
      tpu.vector_store %arg7[%parallel_loop3A_352, %parallel_loop3A_353], %parallel_loop3A_348 {strides = array<i32>} : memref<32x512xf32, #tpu.memory_space<vmem>>, vector<16xf32>,
      %parallel_loop3A_355 = arith.constant 31 : i32
      %parallel_loop3A_356 = vector.broadcast %parallel_loop3A_355 : i32 to vector<16xi32>
      %parallel_loop3A_357 = arith.addi %parallel_loop3A_44, %parallel_loop3A_356 : vector<16xi32>
      %parallel_loop3A_358 = tpu.vector_load_idx %arg5[%parallel_loop3A_357] : memref<32768xf32, #tpu.memory_space<vmem>>[vector<16xi32>], vector<16xf32>,
      %parallel_loop3A_359 = arith.constant 16 : i32
      %parallel_loop3A_360 = arith.muli %parallel_loop3A_37, %parallel_loop3A_359 : i32
      %parallel_loop3A_361 = arith.constant 31 : i32
      %parallel_loop3A_362 = arith.index_cast %parallel_loop3A_361 : i32 to index
      %parallel_loop3A_363 = arith.index_cast %parallel_loop3A_360 : i32 to index
      %parallel_loop3A_364 = tpu.vector_load %arg7[%parallel_loop3A_362, %parallel_loop3A_363] {strides = array<i32>} : memref<32x512xf32, #tpu.memory_space<vmem>>, vector<16xf32>,
      tpu.vector_store %arg7[%parallel_loop3A_362, %parallel_loop3A_363], %parallel_loop3A_358 {strides = array<i32>} : memref<32x512xf32, #tpu.memory_space<vmem>>, vector<16xf32>,
    } {sc.loop_unroll_factor = 1 : i64, sc.parallel_access}
    %jit3A = arith.constant 8 : i32
    %div3A = arith.divsi %add3A, %jit3A : i32
    %sign3A = arith.constant 0 : i32
    %sign3A_5 = arith.cmpi sgt, %add3A, %sign3A : i32
    %sign3A_6 = arith.extui %sign3A_5 : i1 to i32
    %sign3A_7 = arith.constant 0 : i32
    %sign3A_8 = arith.cmpi slt, %add3A, %sign3A_7 : i32
    %sign3A_9 = arith.extui %sign3A_8 : i1 to i32
    %sign3A_10 = arith.subi %sign3A_6, %sign3A_9 : i32
    %sign3A_11 = arith.constant 0 : i32
    %sign3A_12 = arith.cmpi sgt, %jit3A, %sign3A_11 : i32
    %sign3A_13 = arith.extui %sign3A_12 : i1 to i32
    %sign3A_14 = arith.constant 0 : i32
    %sign3A_15 = arith.cmpi slt, %jit3A, %sign3A_14 : i32
    %sign3A_16 = arith.extui %sign3A_15 : i1 to i32
    %sign3A_17 = arith.subi %sign3A_13, %sign3A_16 : i32
    %ne3A = arith.cmpi ne, %sign3A_10, %sign3A_17 : i32
    %rem3A = arith.remsi %add3A, %jit3A : i32
    %ne3A_18 = arith.constant 0 : i32
    %ne3A_19 = arith.cmpi ne, %rem3A, %ne3A_18 : i32
    %and3A = arith.andi %ne3A, %ne3A_19 : i1
    %sub3A = arith.constant 1 : i32
    %sub3A_20 = arith.subi %div3A, %sub3A : i32
    %select_n3A = arith.select %and3A, %sub3A_20, %div3A : i32
    %jit3A_21 = arith.constant 8 : i32
    %eq3A = arith.constant 0 : i32
    %eq3A_22 = arith.cmpi eq, %jit3A_21, %eq3A : i32
    %jit3A_23 = arith.constant 1 : i32
    %select_n3A_24 = arith.select %eq3A_22, %jit3A_23, %jit3A_21 : i32
    %rem3A_25 = arith.remsi %add3A, %select_n3A_24 : i32
    %ne3A_26 = arith.constant 0 : i32
    %ne3A_27 = arith.cmpi ne, %rem3A_25, %ne3A_26 : i32
    %lt3A = arith.constant 0 : i32
    %lt3A_28 = arith.cmpi slt, %rem3A_25, %lt3A : i32
    %lt3A_29 = arith.constant 0 : i32
    %lt3A_30 = arith.cmpi slt, %select_n3A_24, %lt3A_29 : i32
    %ne3A_31 = arith.xori %lt3A_28, %lt3A_30 : i1
    %and3A_32 = arith.andi %ne3A_31, %ne3A_27 : i1
    %add3A_33 = arith.addi %rem3A_25, %select_n3A_24 : i32
    %select_n3A_34 = arith.select %and3A_32, %add3A_33, %rem3A_25 : i32
    %mul3A_35 = arith.constant 512 : i32
    %mul3A_36 = arith.muli %select_n3A_34, %mul3A_35 : i32
    "tpu.region"() ({
      %run_scoped3A = tpu.sem_alloc : memref<!tpu.dma_semaphore, #tpu.memory_space<semaphore_mem>>
      %dma_start3A = arith.constant 0 : i32
      %dma_start3A_37 = tpu.memref_slice %arg4[%select_n3A, %dma_start3A, %mul3A_36] : memref<4x32x4096xf32, #tpu.memory_space<hbm>> -> memref<1x32x512xf32, #tpu.memory_space<hbm>>
      %dma_start3A_38 = tpu.memref_squeeze %dma_start3A_37 : memref<1x32x512xf32, #tpu.memory_space<hbm>> -> memref<32x512xf32, #tpu.memory_space<hbm>>
      %dma_start3A_39 = arith.constant 0 : i32
      %dma_start3A_40 = tpu.memref_slice %arg4[%select_n3A, %dma_start3A_39, %mul3A_36] : memref<4x32x4096xf32, #tpu.memory_space<hbm>> -> memref<1x32x512xf32, #tpu.memory_space<hbm>>
      %dma_start3A_41 = tpu.memref_squeeze %dma_start3A_40 : memref<1x32x512xf32, #tpu.memory_space<hbm>> -> memref<32x512xf32, #tpu.memory_space<hbm>>
      tpu.enqueue_dma source(%arg7 : memref<32x512xf32, #tpu.memory_space<vmem>>) target(%dma_start3A_41 : memref<32x512xf32, #tpu.memory_space<hbm>>) target_semaphore(%run_scoped3A : memref<!tpu.dma_semaphore, #tpu.memory_space<semaphore_mem>>)
      %dma_wait3A = arith.constant 0 : i32
      %dma_wait3A_42 = tpu.memref_slice %arg4[%select_n3A, %dma_wait3A, %mul3A_36] : memref<4x32x4096xf32, #tpu.memory_space<hbm>> -> memref<1x32x512xf32, #tpu.memory_space<hbm>>
      %dma_wait3A_43 = tpu.memref_squeeze %dma_wait3A_42 : memref<1x32x512xf32, #tpu.memory_space<hbm>> -> memref<32x512xf32, #tpu.memory_space<hbm>>
      %dma_wait3A_44 = arith.constant 0 : i32
      %dma_wait3A_45 = tpu.memref_slice %arg4[%select_n3A, %dma_wait3A_44, %mul3A_36] : memref<4x32x4096xf32, #tpu.memory_space<hbm>> -> memref<1x32x512xf32, #tpu.memory_space<hbm>>
      %dma_wait3A_46 = tpu.memref_squeeze %dma_wait3A_45 : memref<1x32x512xf32, #tpu.memory_space<hbm>> -> memref<32x512xf32, #tpu.memory_space<hbm>>
      tpu.wait_dma2 semaphore(%run_scoped3A : memref<!tpu.dma_semaphore, #tpu.memory_space<semaphore_mem>>) src(%arg7 : memref<32x512xf32, #tpu.memory_space<vmem>>) dst(%dma_wait3A_46 : memref<32x512xf32, #tpu.memory_space<hbm>>)
      tpu.yield
    }) : () -> ()
    return
  }
}

#map = affine_map<(d0, d1) -> (0)>
#map1 = affine_map<(d0, d1) -> (0, 0, 0)>
module attributes {stable_mosaic.version = 14 : i64} {
  func.func @sc_kernel(%arg0: i32, %arg1: i32, %arg2: memref<32768xf32, #tpu.memory_space<hbm>>, %arg3: memref<16384xi32, #tpu.memory_space<hbm>>, %arg4: memref<4x32x4096xf32, #tpu.memory_space<hbm>>, %arg5: memref<32768xf32, #tpu.memory_space<vmem>>, %arg6: memref<512xi32, #tpu.memory_space<vmem>>, %arg7: memref<32x512xf32, #tpu.memory_space<vmem>>) attributes {dimension_semantics = [#tpu.dimension_semantics<core_parallel>, #tpu.dimension_semantics<subcore_parallel>], iteration_bounds = array<i64: 2, 16>, scalar_prefetch = 0 : i64, scratch_operands = 3 : i64, tpu.core_type = #tpu.core_type<sc_vector_subcore>, window_params = [{transform_indices = #map}, {transform_indices = #map}, {transform_indices = #map1}]} {
    %mul3A = arith.constant 2 : i32
    %mul3A_0 = arith.muli %arg1, %mul3A : i32
    %add3A = arith.addi %mul3A_0, %arg0 : i32
    %mul3A_1 = arith.constant 512 : i32
    %mul3A_2 = arith.muli %add3A, %mul3A_1 : i32
    "tpu.region"() ({
      %run_scoped3A = tpu.sem_alloc : memref<!tpu.dma_semaphore, #tpu.memory_space<semaphore_mem>>
      tpu.enqueue_dma source(%arg2 : memref<32768xf32, #tpu.memory_space<hbm>>) target(%arg5 : memref<32768xf32, #tpu.memory_space<vmem>>) target_semaphore(%run_scoped3A : memref<!tpu.dma_semaphore, #tpu.memory_space<semaphore_mem>>)
      tpu.wait_dma2 semaphore(%run_scoped3A : memref<!tpu.dma_semaphore, #tpu.memory_space<semaphore_mem>>) src(%arg2 : memref<32768xf32, #tpu.memory_space<hbm>>) dst(%arg5 : memref<32768xf32, #tpu.memory_space<vmem>>)
      tpu.yield
    }) : () -> ()
    "tpu.region"() ({
      %run_scoped3A = tpu.sem_alloc : memref<!tpu.dma_semaphore, #tpu.memory_space<semaphore_mem>>
      %dma_start3A = tpu.memref_slice %arg3[%mul3A_2] : memref<16384xi32, #tpu.memory_space<hbm>> -> memref<512xi32, #tpu.memory_space<hbm>>
      %dma_start3A_37 = tpu.memref_slice %arg3[%mul3A_2] : memref<16384xi32, #tpu.memory_space<hbm>> -> memref<512xi32, #tpu.memory_space<hbm>>
      tpu.enqueue_dma source(%dma_start3A_37 : memref<512xi32, #tpu.memory_space<hbm>>) target(%arg6 : memref<512xi32, #tpu.memory_space<vmem>>) target_semaphore(%run_scoped3A : memref<!tpu.dma_semaphore, #tpu.memory_space<semaphore_mem>>)
      %dma_wait3A = tpu.memref_slice %arg3[%mul3A_2] : memref<16384xi32, #tpu.memory_space<hbm>> -> memref<512xi32, #tpu.memory_space<hbm>>
      %dma_wait3A_38 = tpu.memref_slice %arg3[%mul3A_2] : memref<16384xi32, #tpu.memory_space<hbm>> -> memref<512xi32, #tpu.memory_space<hbm>>
      tpu.wait_dma2 semaphore(%run_scoped3A : memref<!tpu.dma_semaphore, #tpu.memory_space<semaphore_mem>>) src(%dma_wait3A_38 : memref<512xi32, #tpu.memory_space<hbm>>) dst(%arg6 : memref<512xi32, #tpu.memory_space<vmem>>)
      tpu.yield
    }) : () -> ()
    %parallel_loop3A = arith.constant 0 : i32
    %parallel_loop3A_3 = arith.constant 32 : i32
    %parallel_loop3A_4 = arith.constant 1 : i32
    scf.for %parallel_loop3A_37 = %parallel_loop3A to %parallel_loop3A_3 step %parallel_loop3A_4  : i32 {
      %parallel_loop3A_38 = arith.constant 16 : i32
      %parallel_loop3A_39 = arith.muli %parallel_loop3A_37, %parallel_loop3A_38 : i32
      %parallel_loop3A_40 = arith.index_cast %parallel_loop3A_39 : i32 to index
      %parallel_loop3A_41 = tpu.vector_load %arg6[%parallel_loop3A_40] {strides = array<i32>} : memref<512xi32, #tpu.memory_space<vmem>>, vector<16xi32>,
      %parallel_loop3A_42 = arith.constant 32 : i32
      %parallel_loop3A_43 = vector.broadcast %parallel_loop3A_42 : i32 to vector<16xi32>
      %parallel_loop3A_44 = arith.muli %parallel_loop3A_41, %parallel_loop3A_43 : vector<16xi32>
      %parallel_loop3A_45 = arith.constant 0 : i32
      %parallel_loop3A_46 = vector.broadcast %parallel_loop3A_45 : i32 to vector<16xi32>
      %parallel_loop3A_47 = arith.addi %parallel_loop3A_44, %parallel_loop3A_46 : vector<16xi32>
      %parallel_loop3A_48 = tpu.vector_load_idx %arg5[%parallel_loop3A_47] : memref<32768xf32, #tpu.memory_space<vmem>>[vector<16xi32>], vector<16xf32>,
      %parallel_loop3A_49 = arith.constant 16 : i32
      %parallel_loop3A_50 = arith.muli %parallel_loop3A_37, %parallel_loop3A_49 : i32
      %parallel_loop3A_51 = arith.constant 0 : i32
      %parallel_loop3A_52 = arith.index_cast %parallel_loop3A_51 : i32 to index
      %parallel_loop3A_53 = arith.index_cast %parallel_loop3A_50 : i32 to index
      %parallel_loop3A_54 = tpu.vector_load %arg7[%parallel_loop3A_52, %parallel_loop3A_53] {strides = array<i32>} : memref<32x512xf32, #tpu.memory_space<vmem>>, vector<16xf32>,
      tpu.vector_store %arg7[%parallel_loop3A_52, %parallel_loop3A_53], %parallel_loop3A_48 {strides = array<i32>} : memref<32x512xf32, #tpu.memory_space<vmem>>, vector<16xf32>,
      %parallel_loop3A_55 = arith.constant 1 : i32
      %parallel_loop3A_56 = vector.broadcast %parallel_loop3A_55 : i32 to vector<16xi32>
      %parallel_loop3A_57 = arith.addi %parallel_loop3A_44, %parallel_loop3A_56 : vector<16xi32>
      %parallel_loop3A_58 = tpu.vector_load_idx %arg5[%parallel_loop3A_57] : memref<32768xf32, #tpu.memory_space<vmem>>[vector<16xi32>], vector<16xf32>,
      %parallel_loop3A_59 = arith.constant 16 : i32
      %parallel_loop3A_60 = arith.muli %parallel_loop3A_37, %parallel_loop3A_59 : i32
      %parallel_loop3A_61 = arith.constant 1 : i32
      %parallel_loop3A_62 = arith.index_cast %parallel_loop3A_61 : i32 to index
      %parallel_loop3A_63 = arith.index_cast %parallel_loop3A_60 : i32 to index
      %parallel_loop3A_64 = tpu.vector_load %arg7[%parallel_loop3A_62, %parallel_loop3A_63] {strides = array<i32>} : memref<32x512xf32, #tpu.memory_space<vmem>>, vector<16xf32>,
      tpu.vector_store %arg7[%parallel_loop3A_62, %parallel_loop3A_63], %parallel_loop3A_58 {strides = array<i32>} : memref<32x512xf32, #tpu.memory_space<vmem>>, vector<16xf32>,
      %parallel_loop3A_65 = arith.constant 2 : i32
      %parallel_loop3A_66 = vector.broadcast %parallel_loop3A_65 : i32 to vector<16xi32>
      %parallel_loop3A_67 = arith.addi %parallel_loop3A_44, %parallel_loop3A_66 : vector<16xi32>
      %parallel_loop3A_68 = tpu.vector_load_idx %arg5[%parallel_loop3A_67] : memref<32768xf32, #tpu.memory_space<vmem>>[vector<16xi32>], vector<16xf32>,
      %parallel_loop3A_69 = arith.constant 16 : i32
      %parallel_loop3A_70 = arith.muli %parallel_loop3A_37, %parallel_loop3A_69 : i32
      %parallel_loop3A_71 = arith.constant 2 : i32
      %parallel_loop3A_72 = arith.index_cast %parallel_loop3A_71 : i32 to index
      %parallel_loop3A_73 = arith.index_cast %parallel_loop3A_70 : i32 to index
      %parallel_loop3A_74 = tpu.vector_load %arg7[%parallel_loop3A_72, %parallel_loop3A_73] {strides = array<i32>} : memref<32x512xf32, #tpu.memory_space<vmem>>, vector<16xf32>,
      tpu.vector_store %arg7[%parallel_loop3A_72, %parallel_loop3A_73], %parallel_loop3A_68 {strides = array<i32>} : memref<32x512xf32, #tpu.memory_space<vmem>>, vector<16xf32>,
      %parallel_loop3A_75 = arith.constant 3 : i32
      %parallel_loop3A_76 = vector.broadcast %parallel_loop3A_75 : i32 to vector<16xi32>
      %parallel_loop3A_77 = arith.addi %parallel_loop3A_44, %parallel_loop3A_76 : vector<16xi32>
      %parallel_loop3A_78 = tpu.vector_load_idx %arg5[%parallel_loop3A_77] : memref<32768xf32, #tpu.memory_space<vmem>>[vector<16xi32>], vector<16xf32>,
      %parallel_loop3A_79 = arith.constant 16 : i32
      %parallel_loop3A_80 = arith.muli %parallel_loop3A_37, %parallel_loop3A_79 : i32
      %parallel_loop3A_81 = arith.constant 3 : i32
      %parallel_loop3A_82 = arith.index_cast %parallel_loop3A_81 : i32 to index
      %parallel_loop3A_83 = arith.index_cast %parallel_loop3A_80 : i32 to index
      %parallel_loop3A_84 = tpu.vector_load %arg7[%parallel_loop3A_82, %parallel_loop3A_83] {strides = array<i32>} : memref<32x512xf32, #tpu.memory_space<vmem>>, vector<16xf32>,
      tpu.vector_store %arg7[%parallel_loop3A_82, %parallel_loop3A_83], %parallel_loop3A_78 {strides = array<i32>} : memref<32x512xf32, #tpu.memory_space<vmem>>, vector<16xf32>,
      %parallel_loop3A_85 = arith.constant 4 : i32
      %parallel_loop3A_86 = vector.broadcast %parallel_loop3A_85 : i32 to vector<16xi32>
      %parallel_loop3A_87 = arith.addi %parallel_loop3A_44, %parallel_loop3A_86 : vector<16xi32>
      %parallel_loop3A_88 = tpu.vector_load_idx %arg5[%parallel_loop3A_87] : memref<32768xf32, #tpu.memory_space<vmem>>[vector<16xi32>], vector<16xf32>,
      %parallel_loop3A_89 = arith.constant 16 : i32
      %parallel_loop3A_90 = arith.muli %parallel_loop3A_37, %parallel_loop3A_89 : i32
      %parallel_loop3A_91 = arith.constant 4 : i32
      %parallel_loop3A_92 = arith.index_cast %parallel_loop3A_91 : i32 to index
      %parallel_loop3A_93 = arith.index_cast %parallel_loop3A_90 : i32 to index
      %parallel_loop3A_94 = tpu.vector_load %arg7[%parallel_loop3A_92, %parallel_loop3A_93] {strides = array<i32>} : memref<32x512xf32, #tpu.memory_space<vmem>>, vector<16xf32>,
      tpu.vector_store %arg7[%parallel_loop3A_92, %parallel_loop3A_93], %parallel_loop3A_88 {strides = array<i32>} : memref<32x512xf32, #tpu.memory_space<vmem>>, vector<16xf32>,
      %parallel_loop3A_95 = arith.constant 5 : i32
      %parallel_loop3A_96 = vector.broadcast %parallel_loop3A_95 : i32 to vector<16xi32>
      %parallel_loop3A_97 = arith.addi %parallel_loop3A_44, %parallel_loop3A_96 : vector<16xi32>
      %parallel_loop3A_98 = tpu.vector_load_idx %arg5[%parallel_loop3A_97] : memref<32768xf32, #tpu.memory_space<vmem>>[vector<16xi32>], vector<16xf32>,
      %parallel_loop3A_99 = arith.constant 16 : i32
      %parallel_loop3A_100 = arith.muli %parallel_loop3A_37, %parallel_loop3A_99 : i32
      %parallel_loop3A_101 = arith.constant 5 : i32
      %parallel_loop3A_102 = arith.index_cast %parallel_loop3A_101 : i32 to index
      %parallel_loop3A_103 = arith.index_cast %parallel_loop3A_100 : i32 to index
      %parallel_loop3A_104 = tpu.vector_load %arg7[%parallel_loop3A_102, %parallel_loop3A_103] {strides = array<i32>} : memref<32x512xf32, #tpu.memory_space<vmem>>, vector<16xf32>,
      tpu.vector_store %arg7[%parallel_loop3A_102, %parallel_loop3A_103], %parallel_loop3A_98 {strides = array<i32>} : memref<32x512xf32, #tpu.memory_space<vmem>>, vector<16xf32>,
      %parallel_loop3A_105 = arith.constant 6 : i32
      %parallel_loop3A_106 = vector.broadcast %parallel_loop3A_105 : i32 to vector<16xi32>
      %parallel_loop3A_107 = arith.addi %parallel_loop3A_44, %parallel_loop3A_106 : vector<16xi32>
      %parallel_loop3A_108 = tpu.vector_load_idx %arg5[%parallel_loop3A_107] : memref<32768xf32, #tpu.memory_space<vmem>>[vector<16xi32>], vector<16xf32>,
      %parallel_loop3A_109 = arith.constant 16 : i32
      %parallel_loop3A_110 = arith.muli %parallel_loop3A_37, %parallel_loop3A_109 : i32
      %parallel_loop3A_111 = arith.constant 6 : i32
      %parallel_loop3A_112 = arith.index_cast %parallel_loop3A_111 : i32 to index
      %parallel_loop3A_113 = arith.index_cast %parallel_loop3A_110 : i32 to index
      %parallel_loop3A_114 = tpu.vector_load %arg7[%parallel_loop3A_112, %parallel_loop3A_113] {strides = array<i32>} : memref<32x512xf32, #tpu.memory_space<vmem>>, vector<16xf32>,
      tpu.vector_store %arg7[%parallel_loop3A_112, %parallel_loop3A_113], %parallel_loop3A_108 {strides = array<i32>} : memref<32x512xf32, #tpu.memory_space<vmem>>, vector<16xf32>,
      %parallel_loop3A_115 = arith.constant 7 : i32
      %parallel_loop3A_116 = vector.broadcast %parallel_loop3A_115 : i32 to vector<16xi32>
      %parallel_loop3A_117 = arith.addi %parallel_loop3A_44, %parallel_loop3A_116 : vector<16xi32>
      %parallel_loop3A_118 = tpu.vector_load_idx %arg5[%parallel_loop3A_117] : memref<32768xf32, #tpu.memory_space<vmem>>[vector<16xi32>], vector<16xf32>,
      %parallel_loop3A_119 = arith.constant 16 : i32
      %parallel_loop3A_120 = arith.muli %parallel_loop3A_37, %parallel_loop3A_119 : i32
      %parallel_loop3A_121 = arith.constant 7 : i32
      %parallel_loop3A_122 = arith.index_cast %parallel_loop3A_121 : i32 to index
      %parallel_loop3A_123 = arith.index_cast %parallel_loop3A_120 : i32 to index
      %parallel_loop3A_124 = tpu.vector_load %arg7[%parallel_loop3A_122, %parallel_loop3A_123] {strides = array<i32>} : memref<32x512xf32, #tpu.memory_space<vmem>>, vector<16xf32>,
      tpu.vector_store %arg7[%parallel_loop3A_122, %parallel_loop3A_123], %parallel_loop3A_118 {strides = array<i32>} : memref<32x512xf32, #tpu.memory_space<vmem>>, vector<16xf32>,
      %parallel_loop3A_125 = arith.constant 8 : i32
      %parallel_loop3A_126 = vector.broadcast %parallel_loop3A_125 : i32 to vector<16xi32>
      %parallel_loop3A_127 = arith.addi %parallel_loop3A_44, %parallel_loop3A_126 : vector<16xi32>
      %parallel_loop3A_128 = tpu.vector_load_idx %arg5[%parallel_loop3A_127] : memref<32768xf32, #tpu.memory_space<vmem>>[vector<16xi32>], vector<16xf32>,
      %parallel_loop3A_129 = arith.constant 16 : i32
      %parallel_loop3A_130 = arith.muli %parallel_loop3A_37, %parallel_loop3A_129 : i32
      %parallel_loop3A_131 = arith.constant 8 : i32
      %parallel_loop3A_132 = arith.index_cast %parallel_loop3A_131 : i32 to index
      %parallel_loop3A_133 = arith.index_cast %parallel_loop3A_130 : i32 to index
      %parallel_loop3A_134 = tpu.vector_load %arg7[%parallel_loop3A_132, %parallel_loop3A_133] {strides = array<i32>} : memref<32x512xf32, #tpu.memory_space<vmem>>, vector<16xf32>,
      tpu.vector_store %arg7[%parallel_loop3A_132, %parallel_loop3A_133], %parallel_loop3A_128 {strides = array<i32>} : memref<32x512xf32, #tpu.memory_space<vmem>>, vector<16xf32>,
      %parallel_loop3A_135 = arith.constant 9 : i32
      %parallel_loop3A_136 = vector.broadcast %parallel_loop3A_135 : i32 to vector<16xi32>
      %parallel_loop3A_137 = arith.addi %parallel_loop3A_44, %parallel_loop3A_136 : vector<16xi32>
      %parallel_loop3A_138 = tpu.vector_load_idx %arg5[%parallel_loop3A_137] : memref<32768xf32, #tpu.memory_space<vmem>>[vector<16xi32>], vector<16xf32>,
      %parallel_loop3A_139 = arith.constant 16 : i32
      %parallel_loop3A_140 = arith.muli %parallel_loop3A_37, %parallel_loop3A_139 : i32
      %parallel_loop3A_141 = arith.constant 9 : i32
      %parallel_loop3A_142 = arith.index_cast %parallel_loop3A_141 : i32 to index
      %parallel_loop3A_143 = arith.index_cast %parallel_loop3A_140 : i32 to index
      %parallel_loop3A_144 = tpu.vector_load %arg7[%parallel_loop3A_142, %parallel_loop3A_143] {strides = array<i32>} : memref<32x512xf32, #tpu.memory_space<vmem>>, vector<16xf32>,
      tpu.vector_store %arg7[%parallel_loop3A_142, %parallel_loop3A_143], %parallel_loop3A_138 {strides = array<i32>} : memref<32x512xf32, #tpu.memory_space<vmem>>, vector<16xf32>,
      %parallel_loop3A_145 = arith.constant 10 : i32
      %parallel_loop3A_146 = vector.broadcast %parallel_loop3A_145 : i32 to vector<16xi32>
      %parallel_loop3A_147 = arith.addi %parallel_loop3A_44, %parallel_loop3A_146 : vector<16xi32>
      %parallel_loop3A_148 = tpu.vector_load_idx %arg5[%parallel_loop3A_147] : memref<32768xf32, #tpu.memory_space<vmem>>[vector<16xi32>], vector<16xf32>,
      %parallel_loop3A_149 = arith.constant 16 : i32
      %parallel_loop3A_150 = arith.muli %parallel_loop3A_37, %parallel_loop3A_149 : i32
      %parallel_loop3A_151 = arith.constant 10 : i32
      %parallel_loop3A_152 = arith.index_cast %parallel_loop3A_151 : i32 to index
      %parallel_loop3A_153 = arith.index_cast %parallel_loop3A_150 : i32 to index
      %parallel_loop3A_154 = tpu.vector_load %arg7[%parallel_loop3A_152, %parallel_loop3A_153] {strides = array<i32>} : memref<32x512xf32, #tpu.memory_space<vmem>>, vector<16xf32>,
      tpu.vector_store %arg7[%parallel_loop3A_152, %parallel_loop3A_153], %parallel_loop3A_148 {strides = array<i32>} : memref<32x512xf32, #tpu.memory_space<vmem>>, vector<16xf32>,
      %parallel_loop3A_155 = arith.constant 11 : i32
      %parallel_loop3A_156 = vector.broadcast %parallel_loop3A_155 : i32 to vector<16xi32>
      %parallel_loop3A_157 = arith.addi %parallel_loop3A_44, %parallel_loop3A_156 : vector<16xi32>
      %parallel_loop3A_158 = tpu.vector_load_idx %arg5[%parallel_loop3A_157] : memref<32768xf32, #tpu.memory_space<vmem>>[vector<16xi32>], vector<16xf32>,
      %parallel_loop3A_159 = arith.constant 16 : i32
      %parallel_loop3A_160 = arith.muli %parallel_loop3A_37, %parallel_loop3A_159 : i32
      %parallel_loop3A_161 = arith.constant 11 : i32
      %parallel_loop3A_162 = arith.index_cast %parallel_loop3A_161 : i32 to index
      %parallel_loop3A_163 = arith.index_cast %parallel_loop3A_160 : i32 to index
      %parallel_loop3A_164 = tpu.vector_load %arg7[%parallel_loop3A_162, %parallel_loop3A_163] {strides = array<i32>} : memref<32x512xf32, #tpu.memory_space<vmem>>, vector<16xf32>,
      tpu.vector_store %arg7[%parallel_loop3A_162, %parallel_loop3A_163], %parallel_loop3A_158 {strides = array<i32>} : memref<32x512xf32, #tpu.memory_space<vmem>>, vector<16xf32>,
      %parallel_loop3A_165 = arith.constant 12 : i32
      %parallel_loop3A_166 = vector.broadcast %parallel_loop3A_165 : i32 to vector<16xi32>
      %parallel_loop3A_167 = arith.addi %parallel_loop3A_44, %parallel_loop3A_166 : vector<16xi32>
      %parallel_loop3A_168 = tpu.vector_load_idx %arg5[%parallel_loop3A_167] : memref<32768xf32, #tpu.memory_space<vmem>>[vector<16xi32>], vector<16xf32>,
      %parallel_loop3A_169 = arith.constant 16 : i32
      %parallel_loop3A_170 = arith.muli %parallel_loop3A_37, %parallel_loop3A_169 : i32
      %parallel_loop3A_171 = arith.constant 12 : i32
      %parallel_loop3A_172 = arith.index_cast %parallel_loop3A_171 : i32 to index
      %parallel_loop3A_173 = arith.index_cast %parallel_loop3A_170 : i32 to index
      %parallel_loop3A_174 = tpu.vector_load %arg7[%parallel_loop3A_172, %parallel_loop3A_173] {strides = array<i32>} : memref<32x512xf32, #tpu.memory_space<vmem>>, vector<16xf32>,
      tpu.vector_store %arg7[%parallel_loop3A_172, %parallel_loop3A_173], %parallel_loop3A_168 {strides = array<i32>} : memref<32x512xf32, #tpu.memory_space<vmem>>, vector<16xf32>,
      %parallel_loop3A_175 = arith.constant 13 : i32
      %parallel_loop3A_176 = vector.broadcast %parallel_loop3A_175 : i32 to vector<16xi32>
      %parallel_loop3A_177 = arith.addi %parallel_loop3A_44, %parallel_loop3A_176 : vector<16xi32>
      %parallel_loop3A_178 = tpu.vector_load_idx %arg5[%parallel_loop3A_177] : memref<32768xf32, #tpu.memory_space<vmem>>[vector<16xi32>], vector<16xf32>,
      %parallel_loop3A_179 = arith.constant 16 : i32
      %parallel_loop3A_180 = arith.muli %parallel_loop3A_37, %parallel_loop3A_179 : i32
      %parallel_loop3A_181 = arith.constant 13 : i32
      %parallel_loop3A_182 = arith.index_cast %parallel_loop3A_181 : i32 to index
      %parallel_loop3A_183 = arith.index_cast %parallel_loop3A_180 : i32 to index
      %parallel_loop3A_184 = tpu.vector_load %arg7[%parallel_loop3A_182, %parallel_loop3A_183] {strides = array<i32>} : memref<32x512xf32, #tpu.memory_space<vmem>>, vector<16xf32>,
      tpu.vector_store %arg7[%parallel_loop3A_182, %parallel_loop3A_183], %parallel_loop3A_178 {strides = array<i32>} : memref<32x512xf32, #tpu.memory_space<vmem>>, vector<16xf32>,
      %parallel_loop3A_185 = arith.constant 14 : i32
      %parallel_loop3A_186 = vector.broadcast %parallel_loop3A_185 : i32 to vector<16xi32>
      %parallel_loop3A_187 = arith.addi %parallel_loop3A_44, %parallel_loop3A_186 : vector<16xi32>
      %parallel_loop3A_188 = tpu.vector_load_idx %arg5[%parallel_loop3A_187] : memref<32768xf32, #tpu.memory_space<vmem>>[vector<16xi32>], vector<16xf32>,
      %parallel_loop3A_189 = arith.constant 16 : i32
      %parallel_loop3A_190 = arith.muli %parallel_loop3A_37, %parallel_loop3A_189 : i32
      %parallel_loop3A_191 = arith.constant 14 : i32
      %parallel_loop3A_192 = arith.index_cast %parallel_loop3A_191 : i32 to index
      %parallel_loop3A_193 = arith.index_cast %parallel_loop3A_190 : i32 to index
      %parallel_loop3A_194 = tpu.vector_load %arg7[%parallel_loop3A_192, %parallel_loop3A_193] {strides = array<i32>} : memref<32x512xf32, #tpu.memory_space<vmem>>, vector<16xf32>,
      tpu.vector_store %arg7[%parallel_loop3A_192, %parallel_loop3A_193], %parallel_loop3A_188 {strides = array<i32>} : memref<32x512xf32, #tpu.memory_space<vmem>>, vector<16xf32>,
      %parallel_loop3A_195 = arith.constant 15 : i32
      %parallel_loop3A_196 = vector.broadcast %parallel_loop3A_195 : i32 to vector<16xi32>
      %parallel_loop3A_197 = arith.addi %parallel_loop3A_44, %parallel_loop3A_196 : vector<16xi32>
      %parallel_loop3A_198 = tpu.vector_load_idx %arg5[%parallel_loop3A_197] : memref<32768xf32, #tpu.memory_space<vmem>>[vector<16xi32>], vector<16xf32>,
      %parallel_loop3A_199 = arith.constant 16 : i32
      %parallel_loop3A_200 = arith.muli %parallel_loop3A_37, %parallel_loop3A_199 : i32
      %parallel_loop3A_201 = arith.constant 15 : i32
      %parallel_loop3A_202 = arith.index_cast %parallel_loop3A_201 : i32 to index
      %parallel_loop3A_203 = arith.index_cast %parallel_loop3A_200 : i32 to index
      %parallel_loop3A_204 = tpu.vector_load %arg7[%parallel_loop3A_202, %parallel_loop3A_203] {strides = array<i32>} : memref<32x512xf32, #tpu.memory_space<vmem>>, vector<16xf32>,
      tpu.vector_store %arg7[%parallel_loop3A_202, %parallel_loop3A_203], %parallel_loop3A_198 {strides = array<i32>} : memref<32x512xf32, #tpu.memory_space<vmem>>, vector<16xf32>,
      %parallel_loop3A_205 = arith.constant 16 : i32
      %parallel_loop3A_206 = vector.broadcast %parallel_loop3A_205 : i32 to vector<16xi32>
      %parallel_loop3A_207 = arith.addi %parallel_loop3A_44, %parallel_loop3A_206 : vector<16xi32>
      %parallel_loop3A_208 = tpu.vector_load_idx %arg5[%parallel_loop3A_207] : memref<32768xf32, #tpu.memory_space<vmem>>[vector<16xi32>], vector<16xf32>,
      %parallel_loop3A_209 = arith.constant 16 : i32
      %parallel_loop3A_210 = arith.muli %parallel_loop3A_37, %parallel_loop3A_209 : i32
      %parallel_loop3A_211 = arith.constant 16 : i32
      %parallel_loop3A_212 = arith.index_cast %parallel_loop3A_211 : i32 to index
      %parallel_loop3A_213 = arith.index_cast %parallel_loop3A_210 : i32 to index
      %parallel_loop3A_214 = tpu.vector_load %arg7[%parallel_loop3A_212, %parallel_loop3A_213] {strides = array<i32>} : memref<32x512xf32, #tpu.memory_space<vmem>>, vector<16xf32>,
      tpu.vector_store %arg7[%parallel_loop3A_212, %parallel_loop3A_213], %parallel_loop3A_208 {strides = array<i32>} : memref<32x512xf32, #tpu.memory_space<vmem>>, vector<16xf32>,
      %parallel_loop3A_215 = arith.constant 17 : i32
      %parallel_loop3A_216 = vector.broadcast %parallel_loop3A_215 : i32 to vector<16xi32>
      %parallel_loop3A_217 = arith.addi %parallel_loop3A_44, %parallel_loop3A_216 : vector<16xi32>
      %parallel_loop3A_218 = tpu.vector_load_idx %arg5[%parallel_loop3A_217] : memref<32768xf32, #tpu.memory_space<vmem>>[vector<16xi32>], vector<16xf32>,
      %parallel_loop3A_219 = arith.constant 16 : i32
      %parallel_loop3A_220 = arith.muli %parallel_loop3A_37, %parallel_loop3A_219 : i32
      %parallel_loop3A_221 = arith.constant 17 : i32
      %parallel_loop3A_222 = arith.index_cast %parallel_loop3A_221 : i32 to index
      %parallel_loop3A_223 = arith.index_cast %parallel_loop3A_220 : i32 to index
      %parallel_loop3A_224 = tpu.vector_load %arg7[%parallel_loop3A_222, %parallel_loop3A_223] {strides = array<i32>} : memref<32x512xf32, #tpu.memory_space<vmem>>, vector<16xf32>,
      tpu.vector_store %arg7[%parallel_loop3A_222, %parallel_loop3A_223], %parallel_loop3A_218 {strides = array<i32>} : memref<32x512xf32, #tpu.memory_space<vmem>>, vector<16xf32>,
      %parallel_loop3A_225 = arith.constant 18 : i32
      %parallel_loop3A_226 = vector.broadcast %parallel_loop3A_225 : i32 to vector<16xi32>
      %parallel_loop3A_227 = arith.addi %parallel_loop3A_44, %parallel_loop3A_226 : vector<16xi32>
      %parallel_loop3A_228 = tpu.vector_load_idx %arg5[%parallel_loop3A_227] : memref<32768xf32, #tpu.memory_space<vmem>>[vector<16xi32>], vector<16xf32>,
      %parallel_loop3A_229 = arith.constant 16 : i32
      %parallel_loop3A_230 = arith.muli %parallel_loop3A_37, %parallel_loop3A_229 : i32
      %parallel_loop3A_231 = arith.constant 18 : i32
      %parallel_loop3A_232 = arith.index_cast %parallel_loop3A_231 : i32 to index
      %parallel_loop3A_233 = arith.index_cast %parallel_loop3A_230 : i32 to index
      %parallel_loop3A_234 = tpu.vector_load %arg7[%parallel_loop3A_232, %parallel_loop3A_233] {strides = array<i32>} : memref<32x512xf32, #tpu.memory_space<vmem>>, vector<16xf32>,
      tpu.vector_store %arg7[%parallel_loop3A_232, %parallel_loop3A_233], %parallel_loop3A_228 {strides = array<i32>} : memref<32x512xf32, #tpu.memory_space<vmem>>, vector<16xf32>,
      %parallel_loop3A_235 = arith.constant 19 : i32
      %parallel_loop3A_236 = vector.broadcast %parallel_loop3A_235 : i32 to vector<16xi32>
      %parallel_loop3A_237 = arith.addi %parallel_loop3A_44, %parallel_loop3A_236 : vector<16xi32>
      %parallel_loop3A_238 = tpu.vector_load_idx %arg5[%parallel_loop3A_237] : memref<32768xf32, #tpu.memory_space<vmem>>[vector<16xi32>], vector<16xf32>,
      %parallel_loop3A_239 = arith.constant 16 : i32
      %parallel_loop3A_240 = arith.muli %parallel_loop3A_37, %parallel_loop3A_239 : i32
      %parallel_loop3A_241 = arith.constant 19 : i32
      %parallel_loop3A_242 = arith.index_cast %parallel_loop3A_241 : i32 to index
      %parallel_loop3A_243 = arith.index_cast %parallel_loop3A_240 : i32 to index
      %parallel_loop3A_244 = tpu.vector_load %arg7[%parallel_loop3A_242, %parallel_loop3A_243] {strides = array<i32>} : memref<32x512xf32, #tpu.memory_space<vmem>>, vector<16xf32>,
      tpu.vector_store %arg7[%parallel_loop3A_242, %parallel_loop3A_243], %parallel_loop3A_238 {strides = array<i32>} : memref<32x512xf32, #tpu.memory_space<vmem>>, vector<16xf32>,
      %parallel_loop3A_245 = arith.constant 20 : i32
      %parallel_loop3A_246 = vector.broadcast %parallel_loop3A_245 : i32 to vector<16xi32>
      %parallel_loop3A_247 = arith.addi %parallel_loop3A_44, %parallel_loop3A_246 : vector<16xi32>
      %parallel_loop3A_248 = tpu.vector_load_idx %arg5[%parallel_loop3A_247] : memref<32768xf32, #tpu.memory_space<vmem>>[vector<16xi32>], vector<16xf32>,
      %parallel_loop3A_249 = arith.constant 16 : i32
      %parallel_loop3A_250 = arith.muli %parallel_loop3A_37, %parallel_loop3A_249 : i32
      %parallel_loop3A_251 = arith.constant 20 : i32
      %parallel_loop3A_252 = arith.index_cast %parallel_loop3A_251 : i32 to index
      %parallel_loop3A_253 = arith.index_cast %parallel_loop3A_250 : i32 to index
      %parallel_loop3A_254 = tpu.vector_load %arg7[%parallel_loop3A_252, %parallel_loop3A_253] {strides = array<i32>} : memref<32x512xf32, #tpu.memory_space<vmem>>, vector<16xf32>,
      tpu.vector_store %arg7[%parallel_loop3A_252, %parallel_loop3A_253], %parallel_loop3A_248 {strides = array<i32>} : memref<32x512xf32, #tpu.memory_space<vmem>>, vector<16xf32>,
      %parallel_loop3A_255 = arith.constant 21 : i32
      %parallel_loop3A_256 = vector.broadcast %parallel_loop3A_255 : i32 to vector<16xi32>
      %parallel_loop3A_257 = arith.addi %parallel_loop3A_44, %parallel_loop3A_256 : vector<16xi32>
      %parallel_loop3A_258 = tpu.vector_load_idx %arg5[%parallel_loop3A_257] : memref<32768xf32, #tpu.memory_space<vmem>>[vector<16xi32>], vector<16xf32>,
      %parallel_loop3A_259 = arith.constant 16 : i32
      %parallel_loop3A_260 = arith.muli %parallel_loop3A_37, %parallel_loop3A_259 : i32
      %parallel_loop3A_261 = arith.constant 21 : i32
      %parallel_loop3A_262 = arith.index_cast %parallel_loop3A_261 : i32 to index
      %parallel_loop3A_263 = arith.index_cast %parallel_loop3A_260 : i32 to index
      %parallel_loop3A_264 = tpu.vector_load %arg7[%parallel_loop3A_262, %parallel_loop3A_263] {strides = array<i32>} : memref<32x512xf32, #tpu.memory_space<vmem>>, vector<16xf32>,
      tpu.vector_store %arg7[%parallel_loop3A_262, %parallel_loop3A_263], %parallel_loop3A_258 {strides = array<i32>} : memref<32x512xf32, #tpu.memory_space<vmem>>, vector<16xf32>,
      %parallel_loop3A_265 = arith.constant 22 : i32
      %parallel_loop3A_266 = vector.broadcast %parallel_loop3A_265 : i32 to vector<16xi32>
      %parallel_loop3A_267 = arith.addi %parallel_loop3A_44, %parallel_loop3A_266 : vector<16xi32>
      %parallel_loop3A_268 = tpu.vector_load_idx %arg5[%parallel_loop3A_267] : memref<32768xf32, #tpu.memory_space<vmem>>[vector<16xi32>], vector<16xf32>,
      %parallel_loop3A_269 = arith.constant 16 : i32
      %parallel_loop3A_270 = arith.muli %parallel_loop3A_37, %parallel_loop3A_269 : i32
      %parallel_loop3A_271 = arith.constant 22 : i32
      %parallel_loop3A_272 = arith.index_cast %parallel_loop3A_271 : i32 to index
      %parallel_loop3A_273 = arith.index_cast %parallel_loop3A_270 : i32 to index
      %parallel_loop3A_274 = tpu.vector_load %arg7[%parallel_loop3A_272, %parallel_loop3A_273] {strides = array<i32>} : memref<32x512xf32, #tpu.memory_space<vmem>>, vector<16xf32>,
      tpu.vector_store %arg7[%parallel_loop3A_272, %parallel_loop3A_273], %parallel_loop3A_268 {strides = array<i32>} : memref<32x512xf32, #tpu.memory_space<vmem>>, vector<16xf32>,
      %parallel_loop3A_275 = arith.constant 23 : i32
      %parallel_loop3A_276 = vector.broadcast %parallel_loop3A_275 : i32 to vector<16xi32>
      %parallel_loop3A_277 = arith.addi %parallel_loop3A_44, %parallel_loop3A_276 : vector<16xi32>
      %parallel_loop3A_278 = tpu.vector_load_idx %arg5[%parallel_loop3A_277] : memref<32768xf32, #tpu.memory_space<vmem>>[vector<16xi32>], vector<16xf32>,
      %parallel_loop3A_279 = arith.constant 16 : i32
      %parallel_loop3A_280 = arith.muli %parallel_loop3A_37, %parallel_loop3A_279 : i32
      %parallel_loop3A_281 = arith.constant 23 : i32
      %parallel_loop3A_282 = arith.index_cast %parallel_loop3A_281 : i32 to index
      %parallel_loop3A_283 = arith.index_cast %parallel_loop3A_280 : i32 to index
      %parallel_loop3A_284 = tpu.vector_load %arg7[%parallel_loop3A_282, %parallel_loop3A_283] {strides = array<i32>} : memref<32x512xf32, #tpu.memory_space<vmem>>, vector<16xf32>,
      tpu.vector_store %arg7[%parallel_loop3A_282, %parallel_loop3A_283], %parallel_loop3A_278 {strides = array<i32>} : memref<32x512xf32, #tpu.memory_space<vmem>>, vector<16xf32>,
      %parallel_loop3A_285 = arith.constant 24 : i32
      %parallel_loop3A_286 = vector.broadcast %parallel_loop3A_285 : i32 to vector<16xi32>
      %parallel_loop3A_287 = arith.addi %parallel_loop3A_44, %parallel_loop3A_286 : vector<16xi32>
      %parallel_loop3A_288 = tpu.vector_load_idx %arg5[%parallel_loop3A_287] : memref<32768xf32, #tpu.memory_space<vmem>>[vector<16xi32>], vector<16xf32>,
      %parallel_loop3A_289 = arith.constant 16 : i32
      %parallel_loop3A_290 = arith.muli %parallel_loop3A_37, %parallel_loop3A_289 : i32
      %parallel_loop3A_291 = arith.constant 24 : i32
      %parallel_loop3A_292 = arith.index_cast %parallel_loop3A_291 : i32 to index
      %parallel_loop3A_293 = arith.index_cast %parallel_loop3A_290 : i32 to index
      %parallel_loop3A_294 = tpu.vector_load %arg7[%parallel_loop3A_292, %parallel_loop3A_293] {strides = array<i32>} : memref<32x512xf32, #tpu.memory_space<vmem>>, vector<16xf32>,
      tpu.vector_store %arg7[%parallel_loop3A_292, %parallel_loop3A_293], %parallel_loop3A_288 {strides = array<i32>} : memref<32x512xf32, #tpu.memory_space<vmem>>, vector<16xf32>,
      %parallel_loop3A_295 = arith.constant 25 : i32
      %parallel_loop3A_296 = vector.broadcast %parallel_loop3A_295 : i32 to vector<16xi32>
      %parallel_loop3A_297 = arith.addi %parallel_loop3A_44, %parallel_loop3A_296 : vector<16xi32>
      %parallel_loop3A_298 = tpu.vector_load_idx %arg5[%parallel_loop3A_297] : memref<32768xf32, #tpu.memory_space<vmem>>[vector<16xi32>], vector<16xf32>,
      %parallel_loop3A_299 = arith.constant 16 : i32
      %parallel_loop3A_300 = arith.muli %parallel_loop3A_37, %parallel_loop3A_299 : i32
      %parallel_loop3A_301 = arith.constant 25 : i32
      %parallel_loop3A_302 = arith.index_cast %parallel_loop3A_301 : i32 to index
      %parallel_loop3A_303 = arith.index_cast %parallel_loop3A_300 : i32 to index
      %parallel_loop3A_304 = tpu.vector_load %arg7[%parallel_loop3A_302, %parallel_loop3A_303] {strides = array<i32>} : memref<32x512xf32, #tpu.memory_space<vmem>>, vector<16xf32>,
      tpu.vector_store %arg7[%parallel_loop3A_302, %parallel_loop3A_303], %parallel_loop3A_298 {strides = array<i32>} : memref<32x512xf32, #tpu.memory_space<vmem>>, vector<16xf32>,
      %parallel_loop3A_305 = arith.constant 26 : i32
      %parallel_loop3A_306 = vector.broadcast %parallel_loop3A_305 : i32 to vector<16xi32>
      %parallel_loop3A_307 = arith.addi %parallel_loop3A_44, %parallel_loop3A_306 : vector<16xi32>
      %parallel_loop3A_308 = tpu.vector_load_idx %arg5[%parallel_loop3A_307] : memref<32768xf32, #tpu.memory_space<vmem>>[vector<16xi32>], vector<16xf32>,
      %parallel_loop3A_309 = arith.constant 16 : i32
      %parallel_loop3A_310 = arith.muli %parallel_loop3A_37, %parallel_loop3A_309 : i32
      %parallel_loop3A_311 = arith.constant 26 : i32
      %parallel_loop3A_312 = arith.index_cast %parallel_loop3A_311 : i32 to index
      %parallel_loop3A_313 = arith.index_cast %parallel_loop3A_310 : i32 to index
      %parallel_loop3A_314 = tpu.vector_load %arg7[%parallel_loop3A_312, %parallel_loop3A_313] {strides = array<i32>} : memref<32x512xf32, #tpu.memory_space<vmem>>, vector<16xf32>,
      tpu.vector_store %arg7[%parallel_loop3A_312, %parallel_loop3A_313], %parallel_loop3A_308 {strides = array<i32>} : memref<32x512xf32, #tpu.memory_space<vmem>>, vector<16xf32>,
      %parallel_loop3A_315 = arith.constant 27 : i32
      %parallel_loop3A_316 = vector.broadcast %parallel_loop3A_315 : i32 to vector<16xi32>
      %parallel_loop3A_317 = arith.addi %parallel_loop3A_44, %parallel_loop3A_316 : vector<16xi32>
      %parallel_loop3A_318 = tpu.vector_load_idx %arg5[%parallel_loop3A_317] : memref<32768xf32, #tpu.memory_space<vmem>>[vector<16xi32>], vector<16xf32>,
      %parallel_loop3A_319 = arith.constant 16 : i32
      %parallel_loop3A_320 = arith.muli %parallel_loop3A_37, %parallel_loop3A_319 : i32
      %parallel_loop3A_321 = arith.constant 27 : i32
      %parallel_loop3A_322 = arith.index_cast %parallel_loop3A_321 : i32 to index
      %parallel_loop3A_323 = arith.index_cast %parallel_loop3A_320 : i32 to index
      %parallel_loop3A_324 = tpu.vector_load %arg7[%parallel_loop3A_322, %parallel_loop3A_323] {strides = array<i32>} : memref<32x512xf32, #tpu.memory_space<vmem>>, vector<16xf32>,
      tpu.vector_store %arg7[%parallel_loop3A_322, %parallel_loop3A_323], %parallel_loop3A_318 {strides = array<i32>} : memref<32x512xf32, #tpu.memory_space<vmem>>, vector<16xf32>,
      %parallel_loop3A_325 = arith.constant 28 : i32
      %parallel_loop3A_326 = vector.broadcast %parallel_loop3A_325 : i32 to vector<16xi32>
      %parallel_loop3A_327 = arith.addi %parallel_loop3A_44, %parallel_loop3A_326 : vector<16xi32>
      %parallel_loop3A_328 = tpu.vector_load_idx %arg5[%parallel_loop3A_327] : memref<32768xf32, #tpu.memory_space<vmem>>[vector<16xi32>], vector<16xf32>,
      %parallel_loop3A_329 = arith.constant 16 : i32
      %parallel_loop3A_330 = arith.muli %parallel_loop3A_37, %parallel_loop3A_329 : i32
      %parallel_loop3A_331 = arith.constant 28 : i32
      %parallel_loop3A_332 = arith.index_cast %parallel_loop3A_331 : i32 to index
      %parallel_loop3A_333 = arith.index_cast %parallel_loop3A_330 : i32 to index
      %parallel_loop3A_334 = tpu.vector_load %arg7[%parallel_loop3A_332, %parallel_loop3A_333] {strides = array<i32>} : memref<32x512xf32, #tpu.memory_space<vmem>>, vector<16xf32>,
      tpu.vector_store %arg7[%parallel_loop3A_332, %parallel_loop3A_333], %parallel_loop3A_328 {strides = array<i32>} : memref<32x512xf32, #tpu.memory_space<vmem>>, vector<16xf32>,
      %parallel_loop3A_335 = arith.constant 29 : i32
      %parallel_loop3A_336 = vector.broadcast %parallel_loop3A_335 : i32 to vector<16xi32>
      %parallel_loop3A_337 = arith.addi %parallel_loop3A_44, %parallel_loop3A_336 : vector<16xi32>
      %parallel_loop3A_338 = tpu.vector_load_idx %arg5[%parallel_loop3A_337] : memref<32768xf32, #tpu.memory_space<vmem>>[vector<16xi32>], vector<16xf32>,
      %parallel_loop3A_339 = arith.constant 16 : i32
      %parallel_loop3A_340 = arith.muli %parallel_loop3A_37, %parallel_loop3A_339 : i32
      %parallel_loop3A_341 = arith.constant 29 : i32
      %parallel_loop3A_342 = arith.index_cast %parallel_loop3A_341 : i32 to index
      %parallel_loop3A_343 = arith.index_cast %parallel_loop3A_340 : i32 to index
      %parallel_loop3A_344 = tpu.vector_load %arg7[%parallel_loop3A_342, %parallel_loop3A_343] {strides = array<i32>} : memref<32x512xf32, #tpu.memory_space<vmem>>, vector<16xf32>,
      tpu.vector_store %arg7[%parallel_loop3A_342, %parallel_loop3A_343], %parallel_loop3A_338 {strides = array<i32>} : memref<32x512xf32, #tpu.memory_space<vmem>>, vector<16xf32>,
      %parallel_loop3A_345 = arith.constant 30 : i32
      %parallel_loop3A_346 = vector.broadcast %parallel_loop3A_345 : i32 to vector<16xi32>
      %parallel_loop3A_347 = arith.addi %parallel_loop3A_44, %parallel_loop3A_346 : vector<16xi32>
      %parallel_loop3A_348 = tpu.vector_load_idx %arg5[%parallel_loop3A_347] : memref<32768xf32, #tpu.memory_space<vmem>>[vector<16xi32>], vector<16xf32>,
      %parallel_loop3A_349 = arith.constant 16 : i32
      %parallel_loop3A_350 = arith.muli %parallel_loop3A_37, %parallel_loop3A_349 : i32
      %parallel_loop3A_351 = arith.constant 30 : i32
      %parallel_loop3A_352 = arith.index_cast %parallel_loop3A_351 : i32 to index
      %parallel_loop3A_353 = arith.index_cast %parallel_loop3A_350 : i32 to index
      %parallel_loop3A_354 = tpu.vector_load %arg7[%parallel_loop3A_352, %parallel_loop3A_353] {strides = array<i32>} : memref<32x512xf32, #tpu.memory_space<vmem>>, vector<16xf32>,
      tpu.vector_store %arg7[%parallel_loop3A_352, %parallel_loop3A_353], %parallel_loop3A_348 {strides = array<i32>} : memref<32x512xf32, #tpu.memory_space<vmem>>, vector<16xf32>,
      %parallel_loop3A_355 = arith.constant 31 : i32
      %parallel_loop3A_356 = vector.broadcast %parallel_loop3A_355 : i32 to vector<16xi32>
      %parallel_loop3A_357 = arith.addi %parallel_loop3A_44, %parallel_loop3A_356 : vector<16xi32>
      %parallel_loop3A_358 = tpu.vector_load_idx %arg5[%parallel_loop3A_357] : memref<32768xf32, #tpu.memory_space<vmem>>[vector<16xi32>], vector<16xf32>,
      %parallel_loop3A_359 = arith.constant 16 : i32
      %parallel_loop3A_360 = arith.muli %parallel_loop3A_37, %parallel_loop3A_359 : i32
      %parallel_loop3A_361 = arith.constant 31 : i32
      %parallel_loop3A_362 = arith.index_cast %parallel_loop3A_361 : i32 to index
      %parallel_loop3A_363 = arith.index_cast %parallel_loop3A_360 : i32 to index
      %parallel_loop3A_364 = tpu.vector_load %arg7[%parallel_loop3A_362, %parallel_loop3A_363] {strides = array<i32>} : memref<32x512xf32, #tpu.memory_space<vmem>>, vector<16xf32>,
      tpu.vector_store %arg7[%parallel_loop3A_362, %parallel_loop3A_363], %parallel_loop3A_358 {strides = array<i32>} : memref<32x512xf32, #tpu.memory_space<vmem>>, vector<16xf32>,
    } {sc.loop_unroll_factor = 1 : i64, sc.parallel_access}
    %jit3A = arith.constant 8 : i32
    %div3A = arith.divsi %add3A, %jit3A : i32
    %sign3A = arith.constant 0 : i32
    %sign3A_5 = arith.cmpi sgt, %add3A, %sign3A : i32
    %sign3A_6 = arith.extui %sign3A_5 : i1 to i32
    %sign3A_7 = arith.constant 0 : i32
    %sign3A_8 = arith.cmpi slt, %add3A, %sign3A_7 : i32
    %sign3A_9 = arith.extui %sign3A_8 : i1 to i32
    %sign3A_10 = arith.subi %sign3A_6, %sign3A_9 : i32
    %sign3A_11 = arith.constant 0 : i32
    %sign3A_12 = arith.cmpi sgt, %jit3A, %sign3A_11 : i32
    %sign3A_13 = arith.extui %sign3A_12 : i1 to i32
    %sign3A_14 = arith.constant 0 : i32
    %sign3A_15 = arith.cmpi slt, %jit3A, %sign3A_14 : i32
    %sign3A_16 = arith.extui %sign3A_15 : i1 to i32
    %sign3A_17 = arith.subi %sign3A_13, %sign3A_16 : i32
    %ne3A = arith.cmpi ne, %sign3A_10, %sign3A_17 : i32
    %rem3A = arith.remsi %add3A, %jit3A : i32
    %ne3A_18 = arith.constant 0 : i32
    %ne3A_19 = arith.cmpi ne, %rem3A, %ne3A_18 : i32
    %and3A = arith.andi %ne3A, %ne3A_19 : i1
    %sub3A = arith.constant 1 : i32
    %sub3A_20 = arith.subi %div3A, %sub3A : i32
    %select_n3A = arith.select %and3A, %sub3A_20, %div3A : i32
    %jit3A_21 = arith.constant 8 : i32
    %eq3A = arith.constant 0 : i32
    %eq3A_22 = arith.cmpi eq, %jit3A_21, %eq3A : i32
    %jit3A_23 = arith.constant 1 : i32
    %select_n3A_24 = arith.select %eq3A_22, %jit3A_23, %jit3A_21 : i32
    %rem3A_25 = arith.remsi %add3A, %select_n3A_24 : i32
    %ne3A_26 = arith.constant 0 : i32
    %ne3A_27 = arith.cmpi ne, %rem3A_25, %ne3A_26 : i32
    %lt3A = arith.constant 0 : i32
    %lt3A_28 = arith.cmpi slt, %rem3A_25, %lt3A : i32
    %lt3A_29 = arith.constant 0 : i32
    %lt3A_30 = arith.cmpi slt, %select_n3A_24, %lt3A_29 : i32
    %ne3A_31 = arith.xori %lt3A_28, %lt3A_30 : i1
    %and3A_32 = arith.andi %ne3A_31, %ne3A_27 : i1
    %add3A_33 = arith.addi %rem3A_25, %select_n3A_24 : i32
    %select_n3A_34 = arith.select %and3A_32, %add3A_33, %rem3A_25 : i32
    %mul3A_35 = arith.constant 512 : i32
    %mul3A_36 = arith.muli %select_n3A_34, %mul3A_35 : i32
    "tpu.region"() ({
      %run_scoped3A = tpu.sem_alloc : memref<!tpu.dma_semaphore, #tpu.memory_space<semaphore_mem>>
      %dma_start3A = arith.constant 0 : i32
      %dma_start3A_37 = tpu.memref_slice %arg4[%select_n3A, %dma_start3A, %mul3A_36] : memref<4x32x4096xf32, #tpu.memory_space<hbm>> -> memref<1x32x512xf32, #tpu.memory_space<hbm>>
      %dma_start3A_38 = tpu.memref_squeeze %dma_start3A_37 : memref<1x32x512xf32, #tpu.memory_space<hbm>> -> memref<32x512xf32, #tpu.memory_space<hbm>>
      %dma_start3A_39 = arith.constant 0 : i32
      %dma_start3A_40 = tpu.memref_slice %arg4[%select_n3A, %dma_start3A_39, %mul3A_36] : memref<4x32x4096xf32, #tpu.memory_space<hbm>> -> memref<1x32x512xf32, #tpu.memory_space<hbm>>
      %dma_start3A_41 = tpu.memref_squeeze %dma_start3A_40 : memref<1x32x512xf32, #tpu.memory_space<hbm>> -> memref<32x512xf32, #tpu.memory_space<hbm>>
      tpu.enqueue_dma source(%arg7 : memref<32x512xf32, #tpu.memory_space<vmem>>) target(%dma_start3A_41 : memref<32x512xf32, #tpu.memory_space<hbm>>) target_semaphore(%run_scoped3A : memref<!tpu.dma_semaphore, #tpu.memory_space<semaphore_mem>>)
      %dma_wait3A = arith.constant 0 : i32
      %dma_wait3A_42 = tpu.memref_slice %arg4[%select_n3A, %dma_wait3A, %mul3A_36] : memref<4x32x4096xf32, #tpu.memory_space<hbm>> -> memref<1x32x512xf32, #tpu.memory_space<hbm>>
      %dma_wait3A_43 = tpu.memref_squeeze %dma_wait3A_42 : memref<1x32x512xf32, #tpu.memory_space<hbm>> -> memref<32x512xf32, #tpu.memory_space<hbm>>
      %dma_wait3A_44 = arith.constant 0 : i32
      %dma_wait3A_45 = tpu.memref_slice %arg4[%select_n3A, %dma_wait3A_44, %mul3A_36] : memref<4x32x4096xf32, #tpu.memory_space<hbm>> -> memref<1x32x512xf32, #tpu.memory_space<hbm>>
      %dma_wait3A_46 = tpu.memref_squeeze %dma_wait3A_45 : memref<1x32x512xf32, #tpu.memory_space<hbm>> -> memref<32x512xf32, #tpu.memory_space<hbm>>
      tpu.wait_dma2 semaphore(%run_scoped3A : memref<!tpu.dma_semaphore, #tpu.memory_space<semaphore_mem>>) src(%arg7 : memref<32x512xf32, #tpu.memory_space<vmem>>) dst(%dma_wait3A_46 : memref<32x512xf32, #tpu.memory_space<hbm>>)
      tpu.yield
    }) : () -> ()
    return
  }
}

#map = affine_map<(d0, d1) -> (0)>
#map1 = affine_map<(d0, d1) -> (0, 0, 0)>
module attributes {stable_mosaic.version = 14 : i64} {
  func.func @sc_kernel(%arg0: i32, %arg1: i32, %arg2: memref<32768xf32, #tpu.memory_space<hbm>>, %arg3: memref<16384xi32, #tpu.memory_space<hbm>>, %arg4: memref<4x32x4096xf32, #tpu.memory_space<hbm>>, %arg5: memref<32768xf32, #tpu.memory_space<vmem>>, %arg6: memref<512xi32, #tpu.memory_space<vmem>>, %arg7: memref<32x512xf32, #tpu.memory_space<vmem>>) attributes {dimension_semantics = [#tpu.dimension_semantics<core_parallel>, #tpu.dimension_semantics<subcore_parallel>], iteration_bounds = array<i64: 2, 16>, scalar_prefetch = 0 : i64, scratch_operands = 3 : i64, tpu.core_type = #tpu.core_type<sc_vector_subcore>, window_params = [{transform_indices = #map}, {transform_indices = #map}, {transform_indices = #map1}]} {
    %mul3A = arith.constant 2 : i32
    %mul3A_0 = arith.muli %arg1, %mul3A : i32
    %add3A = arith.addi %mul3A_0, %arg0 : i32
    %mul3A_1 = arith.constant 512 : i32
    %mul3A_2 = arith.muli %add3A, %mul3A_1 : i32
    "tpu.region"() ({
      %run_scoped3A = tpu.sem_alloc : memref<!tpu.dma_semaphore, #tpu.memory_space<semaphore_mem>>
      tpu.enqueue_dma source(%arg2 : memref<32768xf32, #tpu.memory_space<hbm>>) target(%arg5 : memref<32768xf32, #tpu.memory_space<vmem>>) target_semaphore(%run_scoped3A : memref<!tpu.dma_semaphore, #tpu.memory_space<semaphore_mem>>)
      tpu.wait_dma2 semaphore(%run_scoped3A : memref<!tpu.dma_semaphore, #tpu.memory_space<semaphore_mem>>) src(%arg2 : memref<32768xf32, #tpu.memory_space<hbm>>) dst(%arg5 : memref<32768xf32, #tpu.memory_space<vmem>>)
      tpu.yield
    }) : () -> ()
    "tpu.region"() ({
      %run_scoped3A = tpu.sem_alloc : memref<!tpu.dma_semaphore, #tpu.memory_space<semaphore_mem>>
      %dma_start3A = tpu.memref_slice %arg3[%mul3A_2] : memref<16384xi32, #tpu.memory_space<hbm>> -> memref<512xi32, #tpu.memory_space<hbm>>
      %dma_start3A_37 = tpu.memref_slice %arg3[%mul3A_2] : memref<16384xi32, #tpu.memory_space<hbm>> -> memref<512xi32, #tpu.memory_space<hbm>>
      tpu.enqueue_dma source(%dma_start3A_37 : memref<512xi32, #tpu.memory_space<hbm>>) target(%arg6 : memref<512xi32, #tpu.memory_space<vmem>>) target_semaphore(%run_scoped3A : memref<!tpu.dma_semaphore, #tpu.memory_space<semaphore_mem>>)
      %dma_wait3A = tpu.memref_slice %arg3[%mul3A_2] : memref<16384xi32, #tpu.memory_space<hbm>> -> memref<512xi32, #tpu.memory_space<hbm>>
      %dma_wait3A_38 = tpu.memref_slice %arg3[%mul3A_2] : memref<16384xi32, #tpu.memory_space<hbm>> -> memref<512xi32, #tpu.memory_space<hbm>>
      tpu.wait_dma2 semaphore(%run_scoped3A : memref<!tpu.dma_semaphore, #tpu.memory_space<semaphore_mem>>) src(%dma_wait3A_38 : memref<512xi32, #tpu.memory_space<hbm>>) dst(%arg6 : memref<512xi32, #tpu.memory_space<vmem>>)
      tpu.yield
    }) : () -> ()
    %parallel_loop3A = arith.constant 0 : i32
    %parallel_loop3A_3 = arith.constant 32 : i32
    %parallel_loop3A_4 = arith.constant 1 : i32
    scf.for %parallel_loop3A_37 = %parallel_loop3A to %parallel_loop3A_3 step %parallel_loop3A_4  : i32 {
      %parallel_loop3A_38 = arith.constant 16 : i32
      %parallel_loop3A_39 = arith.muli %parallel_loop3A_37, %parallel_loop3A_38 : i32
      %parallel_loop3A_40 = arith.index_cast %parallel_loop3A_39 : i32 to index
      %parallel_loop3A_41 = tpu.vector_load %arg6[%parallel_loop3A_40] {strides = array<i32>} : memref<512xi32, #tpu.memory_space<vmem>>, vector<16xi32>,
      %parallel_loop3A_42 = arith.constant 32 : i32
      %parallel_loop3A_43 = vector.broadcast %parallel_loop3A_42 : i32 to vector<16xi32>
      %parallel_loop3A_44 = arith.muli %parallel_loop3A_41, %parallel_loop3A_43 : vector<16xi32>
      %parallel_loop3A_45 = arith.constant 0 : i32
      %parallel_loop3A_46 = vector.broadcast %parallel_loop3A_45 : i32 to vector<16xi32>
      %parallel_loop3A_47 = arith.addi %parallel_loop3A_44, %parallel_loop3A_46 : vector<16xi32>
      %parallel_loop3A_48 = tpu.vector_load_idx %arg5[%parallel_loop3A_47] : memref<32768xf32, #tpu.memory_space<vmem>>[vector<16xi32>], vector<16xf32>,
      %parallel_loop3A_49 = arith.constant 16 : i32
      %parallel_loop3A_50 = arith.muli %parallel_loop3A_37, %parallel_loop3A_49 : i32
      %parallel_loop3A_51 = arith.constant 0 : i32
      %parallel_loop3A_52 = arith.index_cast %parallel_loop3A_51 : i32 to index
      %parallel_loop3A_53 = arith.index_cast %parallel_loop3A_50 : i32 to index
      %parallel_loop3A_54 = tpu.vector_load %arg7[%parallel_loop3A_52, %parallel_loop3A_53] {strides = array<i32>} : memref<32x512xf32, #tpu.memory_space<vmem>>, vector<16xf32>,
      tpu.vector_store %arg7[%parallel_loop3A_52, %parallel_loop3A_53], %parallel_loop3A_48 {strides = array<i32>} : memref<32x512xf32, #tpu.memory_space<vmem>>, vector<16xf32>,
      %parallel_loop3A_55 = arith.constant 1 : i32
      %parallel_loop3A_56 = vector.broadcast %parallel_loop3A_55 : i32 to vector<16xi32>
      %parallel_loop3A_57 = arith.addi %parallel_loop3A_44, %parallel_loop3A_56 : vector<16xi32>
      %parallel_loop3A_58 = tpu.vector_load_idx %arg5[%parallel_loop3A_57] : memref<32768xf32, #tpu.memory_space<vmem>>[vector<16xi32>], vector<16xf32>,
      %parallel_loop3A_59 = arith.constant 16 : i32
      %parallel_loop3A_60 = arith.muli %parallel_loop3A_37, %parallel_loop3A_59 : i32
      %parallel_loop3A_61 = arith.constant 1 : i32
      %parallel_loop3A_62 = arith.index_cast %parallel_loop3A_61 : i32 to index
      %parallel_loop3A_63 = arith.index_cast %parallel_loop3A_60 : i32 to index
      %parallel_loop3A_64 = tpu.vector_load %arg7[%parallel_loop3A_62, %parallel_loop3A_63] {strides = array<i32>} : memref<32x512xf32, #tpu.memory_space<vmem>>, vector<16xf32>,
      tpu.vector_store %arg7[%parallel_loop3A_62, %parallel_loop3A_63], %parallel_loop3A_58 {strides = array<i32>} : memref<32x512xf32, #tpu.memory_space<vmem>>, vector<16xf32>,
      %parallel_loop3A_65 = arith.constant 2 : i32
      %parallel_loop3A_66 = vector.broadcast %parallel_loop3A_65 : i32 to vector<16xi32>
      %parallel_loop3A_67 = arith.addi %parallel_loop3A_44, %parallel_loop3A_66 : vector<16xi32>
      %parallel_loop3A_68 = tpu.vector_load_idx %arg5[%parallel_loop3A_67] : memref<32768xf32, #tpu.memory_space<vmem>>[vector<16xi32>], vector<16xf32>,
      %parallel_loop3A_69 = arith.constant 16 : i32
      %parallel_loop3A_70 = arith.muli %parallel_loop3A_37, %parallel_loop3A_69 : i32
      %parallel_loop3A_71 = arith.constant 2 : i32
      %parallel_loop3A_72 = arith.index_cast %parallel_loop3A_71 : i32 to index
      %parallel_loop3A_73 = arith.index_cast %parallel_loop3A_70 : i32 to index
      %parallel_loop3A_74 = tpu.vector_load %arg7[%parallel_loop3A_72, %parallel_loop3A_73] {strides = array<i32>} : memref<32x512xf32, #tpu.memory_space<vmem>>, vector<16xf32>,
      tpu.vector_store %arg7[%parallel_loop3A_72, %parallel_loop3A_73], %parallel_loop3A_68 {strides = array<i32>} : memref<32x512xf32, #tpu.memory_space<vmem>>, vector<16xf32>,
      %parallel_loop3A_75 = arith.constant 3 : i32
      %parallel_loop3A_76 = vector.broadcast %parallel_loop3A_75 : i32 to vector<16xi32>
      %parallel_loop3A_77 = arith.addi %parallel_loop3A_44, %parallel_loop3A_76 : vector<16xi32>
      %parallel_loop3A_78 = tpu.vector_load_idx %arg5[%parallel_loop3A_77] : memref<32768xf32, #tpu.memory_space<vmem>>[vector<16xi32>], vector<16xf32>,
      %parallel_loop3A_79 = arith.constant 16 : i32
      %parallel_loop3A_80 = arith.muli %parallel_loop3A_37, %parallel_loop3A_79 : i32
      %parallel_loop3A_81 = arith.constant 3 : i32
      %parallel_loop3A_82 = arith.index_cast %parallel_loop3A_81 : i32 to index
      %parallel_loop3A_83 = arith.index_cast %parallel_loop3A_80 : i32 to index
      %parallel_loop3A_84 = tpu.vector_load %arg7[%parallel_loop3A_82, %parallel_loop3A_83] {strides = array<i32>} : memref<32x512xf32, #tpu.memory_space<vmem>>, vector<16xf32>,
      tpu.vector_store %arg7[%parallel_loop3A_82, %parallel_loop3A_83], %parallel_loop3A_78 {strides = array<i32>} : memref<32x512xf32, #tpu.memory_space<vmem>>, vector<16xf32>,
      %parallel_loop3A_85 = arith.constant 4 : i32
      %parallel_loop3A_86 = vector.broadcast %parallel_loop3A_85 : i32 to vector<16xi32>
      %parallel_loop3A_87 = arith.addi %parallel_loop3A_44, %parallel_loop3A_86 : vector<16xi32>
      %parallel_loop3A_88 = tpu.vector_load_idx %arg5[%parallel_loop3A_87] : memref<32768xf32, #tpu.memory_space<vmem>>[vector<16xi32>], vector<16xf32>,
      %parallel_loop3A_89 = arith.constant 16 : i32
      %parallel_loop3A_90 = arith.muli %parallel_loop3A_37, %parallel_loop3A_89 : i32
      %parallel_loop3A_91 = arith.constant 4 : i32
      %parallel_loop3A_92 = arith.index_cast %parallel_loop3A_91 : i32 to index
      %parallel_loop3A_93 = arith.index_cast %parallel_loop3A_90 : i32 to index
      %parallel_loop3A_94 = tpu.vector_load %arg7[%parallel_loop3A_92, %parallel_loop3A_93] {strides = array<i32>} : memref<32x512xf32, #tpu.memory_space<vmem>>, vector<16xf32>,
      tpu.vector_store %arg7[%parallel_loop3A_92, %parallel_loop3A_93], %parallel_loop3A_88 {strides = array<i32>} : memref<32x512xf32, #tpu.memory_space<vmem>>, vector<16xf32>,
      %parallel_loop3A_95 = arith.constant 5 : i32
      %parallel_loop3A_96 = vector.broadcast %parallel_loop3A_95 : i32 to vector<16xi32>
      %parallel_loop3A_97 = arith.addi %parallel_loop3A_44, %parallel_loop3A_96 : vector<16xi32>
      %parallel_loop3A_98 = tpu.vector_load_idx %arg5[%parallel_loop3A_97] : memref<32768xf32, #tpu.memory_space<vmem>>[vector<16xi32>], vector<16xf32>,
      %parallel_loop3A_99 = arith.constant 16 : i32
      %parallel_loop3A_100 = arith.muli %parallel_loop3A_37, %parallel_loop3A_99 : i32
      %parallel_loop3A_101 = arith.constant 5 : i32
      %parallel_loop3A_102 = arith.index_cast %parallel_loop3A_101 : i32 to index
      %parallel_loop3A_103 = arith.index_cast %parallel_loop3A_100 : i32 to index
      %parallel_loop3A_104 = tpu.vector_load %arg7[%parallel_loop3A_102, %parallel_loop3A_103] {strides = array<i32>} : memref<32x512xf32, #tpu.memory_space<vmem>>, vector<16xf32>,
      tpu.vector_store %arg7[%parallel_loop3A_102, %parallel_loop3A_103], %parallel_loop3A_98 {strides = array<i32>} : memref<32x512xf32, #tpu.memory_space<vmem>>, vector<16xf32>,
      %parallel_loop3A_105 = arith.constant 6 : i32
      %parallel_loop3A_106 = vector.broadcast %parallel_loop3A_105 : i32 to vector<16xi32>
      %parallel_loop3A_107 = arith.addi %parallel_loop3A_44, %parallel_loop3A_106 : vector<16xi32>
      %parallel_loop3A_108 = tpu.vector_load_idx %arg5[%parallel_loop3A_107] : memref<32768xf32, #tpu.memory_space<vmem>>[vector<16xi32>], vector<16xf32>,
      %parallel_loop3A_109 = arith.constant 16 : i32
      %parallel_loop3A_110 = arith.muli %parallel_loop3A_37, %parallel_loop3A_109 : i32
      %parallel_loop3A_111 = arith.constant 6 : i32
      %parallel_loop3A_112 = arith.index_cast %parallel_loop3A_111 : i32 to index
      %parallel_loop3A_113 = arith.index_cast %parallel_loop3A_110 : i32 to index
      %parallel_loop3A_114 = tpu.vector_load %arg7[%parallel_loop3A_112, %parallel_loop3A_113] {strides = array<i32>} : memref<32x512xf32, #tpu.memory_space<vmem>>, vector<16xf32>,
      tpu.vector_store %arg7[%parallel_loop3A_112, %parallel_loop3A_113], %parallel_loop3A_108 {strides = array<i32>} : memref<32x512xf32, #tpu.memory_space<vmem>>, vector<16xf32>,
      %parallel_loop3A_115 = arith.constant 7 : i32
      %parallel_loop3A_116 = vector.broadcast %parallel_loop3A_115 : i32 to vector<16xi32>
      %parallel_loop3A_117 = arith.addi %parallel_loop3A_44, %parallel_loop3A_116 : vector<16xi32>
      %parallel_loop3A_118 = tpu.vector_load_idx %arg5[%parallel_loop3A_117] : memref<32768xf32, #tpu.memory_space<vmem>>[vector<16xi32>], vector<16xf32>,
      %parallel_loop3A_119 = arith.constant 16 : i32
      %parallel_loop3A_120 = arith.muli %parallel_loop3A_37, %parallel_loop3A_119 : i32
      %parallel_loop3A_121 = arith.constant 7 : i32
      %parallel_loop3A_122 = arith.index_cast %parallel_loop3A_121 : i32 to index
      %parallel_loop3A_123 = arith.index_cast %parallel_loop3A_120 : i32 to index
      %parallel_loop3A_124 = tpu.vector_load %arg7[%parallel_loop3A_122, %parallel_loop3A_123] {strides = array<i32>} : memref<32x512xf32, #tpu.memory_space<vmem>>, vector<16xf32>,
      tpu.vector_store %arg7[%parallel_loop3A_122, %parallel_loop3A_123], %parallel_loop3A_118 {strides = array<i32>} : memref<32x512xf32, #tpu.memory_space<vmem>>, vector<16xf32>,
      %parallel_loop3A_125 = arith.constant 8 : i32
      %parallel_loop3A_126 = vector.broadcast %parallel_loop3A_125 : i32 to vector<16xi32>
      %parallel_loop3A_127 = arith.addi %parallel_loop3A_44, %parallel_loop3A_126 : vector<16xi32>
      %parallel_loop3A_128 = tpu.vector_load_idx %arg5[%parallel_loop3A_127] : memref<32768xf32, #tpu.memory_space<vmem>>[vector<16xi32>], vector<16xf32>,
      %parallel_loop3A_129 = arith.constant 16 : i32
      %parallel_loop3A_130 = arith.muli %parallel_loop3A_37, %parallel_loop3A_129 : i32
      %parallel_loop3A_131 = arith.constant 8 : i32
      %parallel_loop3A_132 = arith.index_cast %parallel_loop3A_131 : i32 to index
      %parallel_loop3A_133 = arith.index_cast %parallel_loop3A_130 : i32 to index
      %parallel_loop3A_134 = tpu.vector_load %arg7[%parallel_loop3A_132, %parallel_loop3A_133] {strides = array<i32>} : memref<32x512xf32, #tpu.memory_space<vmem>>, vector<16xf32>,
      tpu.vector_store %arg7[%parallel_loop3A_132, %parallel_loop3A_133], %parallel_loop3A_128 {strides = array<i32>} : memref<32x512xf32, #tpu.memory_space<vmem>>, vector<16xf32>,
      %parallel_loop3A_135 = arith.constant 9 : i32
      %parallel_loop3A_136 = vector.broadcast %parallel_loop3A_135 : i32 to vector<16xi32>
      %parallel_loop3A_137 = arith.addi %parallel_loop3A_44, %parallel_loop3A_136 : vector<16xi32>
      %parallel_loop3A_138 = tpu.vector_load_idx %arg5[%parallel_loop3A_137] : memref<32768xf32, #tpu.memory_space<vmem>>[vector<16xi32>], vector<16xf32>,
      %parallel_loop3A_139 = arith.constant 16 : i32
      %parallel_loop3A_140 = arith.muli %parallel_loop3A_37, %parallel_loop3A_139 : i32
      %parallel_loop3A_141 = arith.constant 9 : i32
      %parallel_loop3A_142 = arith.index_cast %parallel_loop3A_141 : i32 to index
      %parallel_loop3A_143 = arith.index_cast %parallel_loop3A_140 : i32 to index
      %parallel_loop3A_144 = tpu.vector_load %arg7[%parallel_loop3A_142, %parallel_loop3A_143] {strides = array<i32>} : memref<32x512xf32, #tpu.memory_space<vmem>>, vector<16xf32>,
      tpu.vector_store %arg7[%parallel_loop3A_142, %parallel_loop3A_143], %parallel_loop3A_138 {strides = array<i32>} : memref<32x512xf32, #tpu.memory_space<vmem>>, vector<16xf32>,
      %parallel_loop3A_145 = arith.constant 10 : i32
      %parallel_loop3A_146 = vector.broadcast %parallel_loop3A_145 : i32 to vector<16xi32>
      %parallel_loop3A_147 = arith.addi %parallel_loop3A_44, %parallel_loop3A_146 : vector<16xi32>
      %parallel_loop3A_148 = tpu.vector_load_idx %arg5[%parallel_loop3A_147] : memref<32768xf32, #tpu.memory_space<vmem>>[vector<16xi32>], vector<16xf32>,
      %parallel_loop3A_149 = arith.constant 16 : i32
      %parallel_loop3A_150 = arith.muli %parallel_loop3A_37, %parallel_loop3A_149 : i32
      %parallel_loop3A_151 = arith.constant 10 : i32
      %parallel_loop3A_152 = arith.index_cast %parallel_loop3A_151 : i32 to index
      %parallel_loop3A_153 = arith.index_cast %parallel_loop3A_150 : i32 to index
      %parallel_loop3A_154 = tpu.vector_load %arg7[%parallel_loop3A_152, %parallel_loop3A_153] {strides = array<i32>} : memref<32x512xf32, #tpu.memory_space<vmem>>, vector<16xf32>,
      tpu.vector_store %arg7[%parallel_loop3A_152, %parallel_loop3A_153], %parallel_loop3A_148 {strides = array<i32>} : memref<32x512xf32, #tpu.memory_space<vmem>>, vector<16xf32>,
      %parallel_loop3A_155 = arith.constant 11 : i32
      %parallel_loop3A_156 = vector.broadcast %parallel_loop3A_155 : i32 to vector<16xi32>
      %parallel_loop3A_157 = arith.addi %parallel_loop3A_44, %parallel_loop3A_156 : vector<16xi32>
      %parallel_loop3A_158 = tpu.vector_load_idx %arg5[%parallel_loop3A_157] : memref<32768xf32, #tpu.memory_space<vmem>>[vector<16xi32>], vector<16xf32>,
      %parallel_loop3A_159 = arith.constant 16 : i32
      %parallel_loop3A_160 = arith.muli %parallel_loop3A_37, %parallel_loop3A_159 : i32
      %parallel_loop3A_161 = arith.constant 11 : i32
      %parallel_loop3A_162 = arith.index_cast %parallel_loop3A_161 : i32 to index
      %parallel_loop3A_163 = arith.index_cast %parallel_loop3A_160 : i32 to index
      %parallel_loop3A_164 = tpu.vector_load %arg7[%parallel_loop3A_162, %parallel_loop3A_163] {strides = array<i32>} : memref<32x512xf32, #tpu.memory_space<vmem>>, vector<16xf32>,
      tpu.vector_store %arg7[%parallel_loop3A_162, %parallel_loop3A_163], %parallel_loop3A_158 {strides = array<i32>} : memref<32x512xf32, #tpu.memory_space<vmem>>, vector<16xf32>,
      %parallel_loop3A_165 = arith.constant 12 : i32
      %parallel_loop3A_166 = vector.broadcast %parallel_loop3A_165 : i32 to vector<16xi32>
      %parallel_loop3A_167 = arith.addi %parallel_loop3A_44, %parallel_loop3A_166 : vector<16xi32>
      %parallel_loop3A_168 = tpu.vector_load_idx %arg5[%parallel_loop3A_167] : memref<32768xf32, #tpu.memory_space<vmem>>[vector<16xi32>], vector<16xf32>,
      %parallel_loop3A_169 = arith.constant 16 : i32
      %parallel_loop3A_170 = arith.muli %parallel_loop3A_37, %parallel_loop3A_169 : i32
      %parallel_loop3A_171 = arith.constant 12 : i32
      %parallel_loop3A_172 = arith.index_cast %parallel_loop3A_171 : i32 to index
      %parallel_loop3A_173 = arith.index_cast %parallel_loop3A_170 : i32 to index
      %parallel_loop3A_174 = tpu.vector_load %arg7[%parallel_loop3A_172, %parallel_loop3A_173] {strides = array<i32>} : memref<32x512xf32, #tpu.memory_space<vmem>>, vector<16xf32>,
      tpu.vector_store %arg7[%parallel_loop3A_172, %parallel_loop3A_173], %parallel_loop3A_168 {strides = array<i32>} : memref<32x512xf32, #tpu.memory_space<vmem>>, vector<16xf32>,
      %parallel_loop3A_175 = arith.constant 13 : i32
      %parallel_loop3A_176 = vector.broadcast %parallel_loop3A_175 : i32 to vector<16xi32>
      %parallel_loop3A_177 = arith.addi %parallel_loop3A_44, %parallel_loop3A_176 : vector<16xi32>
      %parallel_loop3A_178 = tpu.vector_load_idx %arg5[%parallel_loop3A_177] : memref<32768xf32, #tpu.memory_space<vmem>>[vector<16xi32>], vector<16xf32>,
      %parallel_loop3A_179 = arith.constant 16 : i32
      %parallel_loop3A_180 = arith.muli %parallel_loop3A_37, %parallel_loop3A_179 : i32
      %parallel_loop3A_181 = arith.constant 13 : i32
      %parallel_loop3A_182 = arith.index_cast %parallel_loop3A_181 : i32 to index
      %parallel_loop3A_183 = arith.index_cast %parallel_loop3A_180 : i32 to index
      %parallel_loop3A_184 = tpu.vector_load %arg7[%parallel_loop3A_182, %parallel_loop3A_183] {strides = array<i32>} : memref<32x512xf32, #tpu.memory_space<vmem>>, vector<16xf32>,
      tpu.vector_store %arg7[%parallel_loop3A_182, %parallel_loop3A_183], %parallel_loop3A_178 {strides = array<i32>} : memref<32x512xf32, #tpu.memory_space<vmem>>, vector<16xf32>,
      %parallel_loop3A_185 = arith.constant 14 : i32
      %parallel_loop3A_186 = vector.broadcast %parallel_loop3A_185 : i32 to vector<16xi32>
      %parallel_loop3A_187 = arith.addi %parallel_loop3A_44, %parallel_loop3A_186 : vector<16xi32>
      %parallel_loop3A_188 = tpu.vector_load_idx %arg5[%parallel_loop3A_187] : memref<32768xf32, #tpu.memory_space<vmem>>[vector<16xi32>], vector<16xf32>,
      %parallel_loop3A_189 = arith.constant 16 : i32
      %parallel_loop3A_190 = arith.muli %parallel_loop3A_37, %parallel_loop3A_189 : i32
      %parallel_loop3A_191 = arith.constant 14 : i32
      %parallel_loop3A_192 = arith.index_cast %parallel_loop3A_191 : i32 to index
      %parallel_loop3A_193 = arith.index_cast %parallel_loop3A_190 : i32 to index
      %parallel_loop3A_194 = tpu.vector_load %arg7[%parallel_loop3A_192, %parallel_loop3A_193] {strides = array<i32>} : memref<32x512xf32, #tpu.memory_space<vmem>>, vector<16xf32>,
      tpu.vector_store %arg7[%parallel_loop3A_192, %parallel_loop3A_193], %parallel_loop3A_188 {strides = array<i32>} : memref<32x512xf32, #tpu.memory_space<vmem>>, vector<16xf32>,
      %parallel_loop3A_195 = arith.constant 15 : i32
      %parallel_loop3A_196 = vector.broadcast %parallel_loop3A_195 : i32 to vector<16xi32>
      %parallel_loop3A_197 = arith.addi %parallel_loop3A_44, %parallel_loop3A_196 : vector<16xi32>
      %parallel_loop3A_198 = tpu.vector_load_idx %arg5[%parallel_loop3A_197] : memref<32768xf32, #tpu.memory_space<vmem>>[vector<16xi32>], vector<16xf32>,
      %parallel_loop3A_199 = arith.constant 16 : i32
      %parallel_loop3A_200 = arith.muli %parallel_loop3A_37, %parallel_loop3A_199 : i32
      %parallel_loop3A_201 = arith.constant 15 : i32
      %parallel_loop3A_202 = arith.index_cast %parallel_loop3A_201 : i32 to index
      %parallel_loop3A_203 = arith.index_cast %parallel_loop3A_200 : i32 to index
      %parallel_loop3A_204 = tpu.vector_load %arg7[%parallel_loop3A_202, %parallel_loop3A_203] {strides = array<i32>} : memref<32x512xf32, #tpu.memory_space<vmem>>, vector<16xf32>,
      tpu.vector_store %arg7[%parallel_loop3A_202, %parallel_loop3A_203], %parallel_loop3A_198 {strides = array<i32>} : memref<32x512xf32, #tpu.memory_space<vmem>>, vector<16xf32>,
      %parallel_loop3A_205 = arith.constant 16 : i32
      %parallel_loop3A_206 = vector.broadcast %parallel_loop3A_205 : i32 to vector<16xi32>
      %parallel_loop3A_207 = arith.addi %parallel_loop3A_44, %parallel_loop3A_206 : vector<16xi32>
      %parallel_loop3A_208 = tpu.vector_load_idx %arg5[%parallel_loop3A_207] : memref<32768xf32, #tpu.memory_space<vmem>>[vector<16xi32>], vector<16xf32>,
      %parallel_loop3A_209 = arith.constant 16 : i32
      %parallel_loop3A_210 = arith.muli %parallel_loop3A_37, %parallel_loop3A_209 : i32
      %parallel_loop3A_211 = arith.constant 16 : i32
      %parallel_loop3A_212 = arith.index_cast %parallel_loop3A_211 : i32 to index
      %parallel_loop3A_213 = arith.index_cast %parallel_loop3A_210 : i32 to index
      %parallel_loop3A_214 = tpu.vector_load %arg7[%parallel_loop3A_212, %parallel_loop3A_213] {strides = array<i32>} : memref<32x512xf32, #tpu.memory_space<vmem>>, vector<16xf32>,
      tpu.vector_store %arg7[%parallel_loop3A_212, %parallel_loop3A_213], %parallel_loop3A_208 {strides = array<i32>} : memref<32x512xf32, #tpu.memory_space<vmem>>, vector<16xf32>,
      %parallel_loop3A_215 = arith.constant 17 : i32
      %parallel_loop3A_216 = vector.broadcast %parallel_loop3A_215 : i32 to vector<16xi32>
      %parallel_loop3A_217 = arith.addi %parallel_loop3A_44, %parallel_loop3A_216 : vector<16xi32>
      %parallel_loop3A_218 = tpu.vector_load_idx %arg5[%parallel_loop3A_217] : memref<32768xf32, #tpu.memory_space<vmem>>[vector<16xi32>], vector<16xf32>,
      %parallel_loop3A_219 = arith.constant 16 : i32
      %parallel_loop3A_220 = arith.muli %parallel_loop3A_37, %parallel_loop3A_219 : i32
      %parallel_loop3A_221 = arith.constant 17 : i32
      %parallel_loop3A_222 = arith.index_cast %parallel_loop3A_221 : i32 to index
      %parallel_loop3A_223 = arith.index_cast %parallel_loop3A_220 : i32 to index
      %parallel_loop3A_224 = tpu.vector_load %arg7[%parallel_loop3A_222, %parallel_loop3A_223] {strides = array<i32>} : memref<32x512xf32, #tpu.memory_space<vmem>>, vector<16xf32>,
      tpu.vector_store %arg7[%parallel_loop3A_222, %parallel_loop3A_223], %parallel_loop3A_218 {strides = array<i32>} : memref<32x512xf32, #tpu.memory_space<vmem>>, vector<16xf32>,
      %parallel_loop3A_225 = arith.constant 18 : i32
      %parallel_loop3A_226 = vector.broadcast %parallel_loop3A_225 : i32 to vector<16xi32>
      %parallel_loop3A_227 = arith.addi %parallel_loop3A_44, %parallel_loop3A_226 : vector<16xi32>
      %parallel_loop3A_228 = tpu.vector_load_idx %arg5[%parallel_loop3A_227] : memref<32768xf32, #tpu.memory_space<vmem>>[vector<16xi32>], vector<16xf32>,
      %parallel_loop3A_229 = arith.constant 16 : i32
      %parallel_loop3A_230 = arith.muli %parallel_loop3A_37, %parallel_loop3A_229 : i32
      %parallel_loop3A_231 = arith.constant 18 : i32
      %parallel_loop3A_232 = arith.index_cast %parallel_loop3A_231 : i32 to index
      %parallel_loop3A_233 = arith.index_cast %parallel_loop3A_230 : i32 to index
      %parallel_loop3A_234 = tpu.vector_load %arg7[%parallel_loop3A_232, %parallel_loop3A_233] {strides = array<i32>} : memref<32x512xf32, #tpu.memory_space<vmem>>, vector<16xf32>,
      tpu.vector_store %arg7[%parallel_loop3A_232, %parallel_loop3A_233], %parallel_loop3A_228 {strides = array<i32>} : memref<32x512xf32, #tpu.memory_space<vmem>>, vector<16xf32>,
      %parallel_loop3A_235 = arith.constant 19 : i32
      %parallel_loop3A_236 = vector.broadcast %parallel_loop3A_235 : i32 to vector<16xi32>
      %parallel_loop3A_237 = arith.addi %parallel_loop3A_44, %parallel_loop3A_236 : vector<16xi32>
      %parallel_loop3A_238 = tpu.vector_load_idx %arg5[%parallel_loop3A_237] : memref<32768xf32, #tpu.memory_space<vmem>>[vector<16xi32>], vector<16xf32>,
      %parallel_loop3A_239 = arith.constant 16 : i32
      %parallel_loop3A_240 = arith.muli %parallel_loop3A_37, %parallel_loop3A_239 : i32
      %parallel_loop3A_241 = arith.constant 19 : i32
      %parallel_loop3A_242 = arith.index_cast %parallel_loop3A_241 : i32 to index
      %parallel_loop3A_243 = arith.index_cast %parallel_loop3A_240 : i32 to index
      %parallel_loop3A_244 = tpu.vector_load %arg7[%parallel_loop3A_242, %parallel_loop3A_243] {strides = array<i32>} : memref<32x512xf32, #tpu.memory_space<vmem>>, vector<16xf32>,
      tpu.vector_store %arg7[%parallel_loop3A_242, %parallel_loop3A_243], %parallel_loop3A_238 {strides = array<i32>} : memref<32x512xf32, #tpu.memory_space<vmem>>, vector<16xf32>,
      %parallel_loop3A_245 = arith.constant 20 : i32
      %parallel_loop3A_246 = vector.broadcast %parallel_loop3A_245 : i32 to vector<16xi32>
      %parallel_loop3A_247 = arith.addi %parallel_loop3A_44, %parallel_loop3A_246 : vector<16xi32>
      %parallel_loop3A_248 = tpu.vector_load_idx %arg5[%parallel_loop3A_247] : memref<32768xf32, #tpu.memory_space<vmem>>[vector<16xi32>], vector<16xf32>,
      %parallel_loop3A_249 = arith.constant 16 : i32
      %parallel_loop3A_250 = arith.muli %parallel_loop3A_37, %parallel_loop3A_249 : i32
      %parallel_loop3A_251 = arith.constant 20 : i32
      %parallel_loop3A_252 = arith.index_cast %parallel_loop3A_251 : i32 to index
      %parallel_loop3A_253 = arith.index_cast %parallel_loop3A_250 : i32 to index
      %parallel_loop3A_254 = tpu.vector_load %arg7[%parallel_loop3A_252, %parallel_loop3A_253] {strides = array<i32>} : memref<32x512xf32, #tpu.memory_space<vmem>>, vector<16xf32>,
      tpu.vector_store %arg7[%parallel_loop3A_252, %parallel_loop3A_253], %parallel_loop3A_248 {strides = array<i32>} : memref<32x512xf32, #tpu.memory_space<vmem>>, vector<16xf32>,
      %parallel_loop3A_255 = arith.constant 21 : i32
      %parallel_loop3A_256 = vector.broadcast %parallel_loop3A_255 : i32 to vector<16xi32>
      %parallel_loop3A_257 = arith.addi %parallel_loop3A_44, %parallel_loop3A_256 : vector<16xi32>
      %parallel_loop3A_258 = tpu.vector_load_idx %arg5[%parallel_loop3A_257] : memref<32768xf32, #tpu.memory_space<vmem>>[vector<16xi32>], vector<16xf32>,
      %parallel_loop3A_259 = arith.constant 16 : i32
      %parallel_loop3A_260 = arith.muli %parallel_loop3A_37, %parallel_loop3A_259 : i32
      %parallel_loop3A_261 = arith.constant 21 : i32
      %parallel_loop3A_262 = arith.index_cast %parallel_loop3A_261 : i32 to index
      %parallel_loop3A_263 = arith.index_cast %parallel_loop3A_260 : i32 to index
      %parallel_loop3A_264 = tpu.vector_load %arg7[%parallel_loop3A_262, %parallel_loop3A_263] {strides = array<i32>} : memref<32x512xf32, #tpu.memory_space<vmem>>, vector<16xf32>,
      tpu.vector_store %arg7[%parallel_loop3A_262, %parallel_loop3A_263], %parallel_loop3A_258 {strides = array<i32>} : memref<32x512xf32, #tpu.memory_space<vmem>>, vector<16xf32>,
      %parallel_loop3A_265 = arith.constant 22 : i32
      %parallel_loop3A_266 = vector.broadcast %parallel_loop3A_265 : i32 to vector<16xi32>
      %parallel_loop3A_267 = arith.addi %parallel_loop3A_44, %parallel_loop3A_266 : vector<16xi32>
      %parallel_loop3A_268 = tpu.vector_load_idx %arg5[%parallel_loop3A_267] : memref<32768xf32, #tpu.memory_space<vmem>>[vector<16xi32>], vector<16xf32>,
      %parallel_loop3A_269 = arith.constant 16 : i32
      %parallel_loop3A_270 = arith.muli %parallel_loop3A_37, %parallel_loop3A_269 : i32
      %parallel_loop3A_271 = arith.constant 22 : i32
      %parallel_loop3A_272 = arith.index_cast %parallel_loop3A_271 : i32 to index
      %parallel_loop3A_273 = arith.index_cast %parallel_loop3A_270 : i32 to index
      %parallel_loop3A_274 = tpu.vector_load %arg7[%parallel_loop3A_272, %parallel_loop3A_273] {strides = array<i32>} : memref<32x512xf32, #tpu.memory_space<vmem>>, vector<16xf32>,
      tpu.vector_store %arg7[%parallel_loop3A_272, %parallel_loop3A_273], %parallel_loop3A_268 {strides = array<i32>} : memref<32x512xf32, #tpu.memory_space<vmem>>, vector<16xf32>,
      %parallel_loop3A_275 = arith.constant 23 : i32
      %parallel_loop3A_276 = vector.broadcast %parallel_loop3A_275 : i32 to vector<16xi32>
      %parallel_loop3A_277 = arith.addi %parallel_loop3A_44, %parallel_loop3A_276 : vector<16xi32>
      %parallel_loop3A_278 = tpu.vector_load_idx %arg5[%parallel_loop3A_277] : memref<32768xf32, #tpu.memory_space<vmem>>[vector<16xi32>], vector<16xf32>,
      %parallel_loop3A_279 = arith.constant 16 : i32
      %parallel_loop3A_280 = arith.muli %parallel_loop3A_37, %parallel_loop3A_279 : i32
      %parallel_loop3A_281 = arith.constant 23 : i32
      %parallel_loop3A_282 = arith.index_cast %parallel_loop3A_281 : i32 to index
      %parallel_loop3A_283 = arith.index_cast %parallel_loop3A_280 : i32 to index
      %parallel_loop3A_284 = tpu.vector_load %arg7[%parallel_loop3A_282, %parallel_loop3A_283] {strides = array<i32>} : memref<32x512xf32, #tpu.memory_space<vmem>>, vector<16xf32>,
      tpu.vector_store %arg7[%parallel_loop3A_282, %parallel_loop3A_283], %parallel_loop3A_278 {strides = array<i32>} : memref<32x512xf32, #tpu.memory_space<vmem>>, vector<16xf32>,
      %parallel_loop3A_285 = arith.constant 24 : i32
      %parallel_loop3A_286 = vector.broadcast %parallel_loop3A_285 : i32 to vector<16xi32>
      %parallel_loop3A_287 = arith.addi %parallel_loop3A_44, %parallel_loop3A_286 : vector<16xi32>
      %parallel_loop3A_288 = tpu.vector_load_idx %arg5[%parallel_loop3A_287] : memref<32768xf32, #tpu.memory_space<vmem>>[vector<16xi32>], vector<16xf32>,
      %parallel_loop3A_289 = arith.constant 16 : i32
      %parallel_loop3A_290 = arith.muli %parallel_loop3A_37, %parallel_loop3A_289 : i32
      %parallel_loop3A_291 = arith.constant 24 : i32
      %parallel_loop3A_292 = arith.index_cast %parallel_loop3A_291 : i32 to index
      %parallel_loop3A_293 = arith.index_cast %parallel_loop3A_290 : i32 to index
      %parallel_loop3A_294 = tpu.vector_load %arg7[%parallel_loop3A_292, %parallel_loop3A_293] {strides = array<i32>} : memref<32x512xf32, #tpu.memory_space<vmem>>, vector<16xf32>,
      tpu.vector_store %arg7[%parallel_loop3A_292, %parallel_loop3A_293], %parallel_loop3A_288 {strides = array<i32>} : memref<32x512xf32, #tpu.memory_space<vmem>>, vector<16xf32>,
      %parallel_loop3A_295 = arith.constant 25 : i32
      %parallel_loop3A_296 = vector.broadcast %parallel_loop3A_295 : i32 to vector<16xi32>
      %parallel_loop3A_297 = arith.addi %parallel_loop3A_44, %parallel_loop3A_296 : vector<16xi32>
      %parallel_loop3A_298 = tpu.vector_load_idx %arg5[%parallel_loop3A_297] : memref<32768xf32, #tpu.memory_space<vmem>>[vector<16xi32>], vector<16xf32>,
      %parallel_loop3A_299 = arith.constant 16 : i32
      %parallel_loop3A_300 = arith.muli %parallel_loop3A_37, %parallel_loop3A_299 : i32
      %parallel_loop3A_301 = arith.constant 25 : i32
      %parallel_loop3A_302 = arith.index_cast %parallel_loop3A_301 : i32 to index
      %parallel_loop3A_303 = arith.index_cast %parallel_loop3A_300 : i32 to index
      %parallel_loop3A_304 = tpu.vector_load %arg7[%parallel_loop3A_302, %parallel_loop3A_303] {strides = array<i32>} : memref<32x512xf32, #tpu.memory_space<vmem>>, vector<16xf32>,
      tpu.vector_store %arg7[%parallel_loop3A_302, %parallel_loop3A_303], %parallel_loop3A_298 {strides = array<i32>} : memref<32x512xf32, #tpu.memory_space<vmem>>, vector<16xf32>,
      %parallel_loop3A_305 = arith.constant 26 : i32
      %parallel_loop3A_306 = vector.broadcast %parallel_loop3A_305 : i32 to vector<16xi32>
      %parallel_loop3A_307 = arith.addi %parallel_loop3A_44, %parallel_loop3A_306 : vector<16xi32>
      %parallel_loop3A_308 = tpu.vector_load_idx %arg5[%parallel_loop3A_307] : memref<32768xf32, #tpu.memory_space<vmem>>[vector<16xi32>], vector<16xf32>,
      %parallel_loop3A_309 = arith.constant 16 : i32
      %parallel_loop3A_310 = arith.muli %parallel_loop3A_37, %parallel_loop3A_309 : i32
      %parallel_loop3A_311 = arith.constant 26 : i32
      %parallel_loop3A_312 = arith.index_cast %parallel_loop3A_311 : i32 to index
      %parallel_loop3A_313 = arith.index_cast %parallel_loop3A_310 : i32 to index
      %parallel_loop3A_314 = tpu.vector_load %arg7[%parallel_loop3A_312, %parallel_loop3A_313] {strides = array<i32>} : memref<32x512xf32, #tpu.memory_space<vmem>>, vector<16xf32>,
      tpu.vector_store %arg7[%parallel_loop3A_312, %parallel_loop3A_313], %parallel_loop3A_308 {strides = array<i32>} : memref<32x512xf32, #tpu.memory_space<vmem>>, vector<16xf32>,
      %parallel_loop3A_315 = arith.constant 27 : i32
      %parallel_loop3A_316 = vector.broadcast %parallel_loop3A_315 : i32 to vector<16xi32>
      %parallel_loop3A_317 = arith.addi %parallel_loop3A_44, %parallel_loop3A_316 : vector<16xi32>
      %parallel_loop3A_318 = tpu.vector_load_idx %arg5[%parallel_loop3A_317] : memref<32768xf32, #tpu.memory_space<vmem>>[vector<16xi32>], vector<16xf32>,
      %parallel_loop3A_319 = arith.constant 16 : i32
      %parallel_loop3A_320 = arith.muli %parallel_loop3A_37, %parallel_loop3A_319 : i32
      %parallel_loop3A_321 = arith.constant 27 : i32
      %parallel_loop3A_322 = arith.index_cast %parallel_loop3A_321 : i32 to index
      %parallel_loop3A_323 = arith.index_cast %parallel_loop3A_320 : i32 to index
      %parallel_loop3A_324 = tpu.vector_load %arg7[%parallel_loop3A_322, %parallel_loop3A_323] {strides = array<i32>} : memref<32x512xf32, #tpu.memory_space<vmem>>, vector<16xf32>,
      tpu.vector_store %arg7[%parallel_loop3A_322, %parallel_loop3A_323], %parallel_loop3A_318 {strides = array<i32>} : memref<32x512xf32, #tpu.memory_space<vmem>>, vector<16xf32>,
      %parallel_loop3A_325 = arith.constant 28 : i32
      %parallel_loop3A_326 = vector.broadcast %parallel_loop3A_325 : i32 to vector<16xi32>
      %parallel_loop3A_327 = arith.addi %parallel_loop3A_44, %parallel_loop3A_326 : vector<16xi32>
      %parallel_loop3A_328 = tpu.vector_load_idx %arg5[%parallel_loop3A_327] : memref<32768xf32, #tpu.memory_space<vmem>>[vector<16xi32>], vector<16xf32>,
      %parallel_loop3A_329 = arith.constant 16 : i32
      %parallel_loop3A_330 = arith.muli %parallel_loop3A_37, %parallel_loop3A_329 : i32
      %parallel_loop3A_331 = arith.constant 28 : i32
      %parallel_loop3A_332 = arith.index_cast %parallel_loop3A_331 : i32 to index
      %parallel_loop3A_333 = arith.index_cast %parallel_loop3A_330 : i32 to index
      %parallel_loop3A_334 = tpu.vector_load %arg7[%parallel_loop3A_332, %parallel_loop3A_333] {strides = array<i32>} : memref<32x512xf32, #tpu.memory_space<vmem>>, vector<16xf32>,
      tpu.vector_store %arg7[%parallel_loop3A_332, %parallel_loop3A_333], %parallel_loop3A_328 {strides = array<i32>} : memref<32x512xf32, #tpu.memory_space<vmem>>, vector<16xf32>,
      %parallel_loop3A_335 = arith.constant 29 : i32
      %parallel_loop3A_336 = vector.broadcast %parallel_loop3A_335 : i32 to vector<16xi32>
      %parallel_loop3A_337 = arith.addi %parallel_loop3A_44, %parallel_loop3A_336 : vector<16xi32>
      %parallel_loop3A_338 = tpu.vector_load_idx %arg5[%parallel_loop3A_337] : memref<32768xf32, #tpu.memory_space<vmem>>[vector<16xi32>], vector<16xf32>,
      %parallel_loop3A_339 = arith.constant 16 : i32
      %parallel_loop3A_340 = arith.muli %parallel_loop3A_37, %parallel_loop3A_339 : i32
      %parallel_loop3A_341 = arith.constant 29 : i32
      %parallel_loop3A_342 = arith.index_cast %parallel_loop3A_341 : i32 to index
      %parallel_loop3A_343 = arith.index_cast %parallel_loop3A_340 : i32 to index
      %parallel_loop3A_344 = tpu.vector_load %arg7[%parallel_loop3A_342, %parallel_loop3A_343] {strides = array<i32>} : memref<32x512xf32, #tpu.memory_space<vmem>>, vector<16xf32>,
      tpu.vector_store %arg7[%parallel_loop3A_342, %parallel_loop3A_343], %parallel_loop3A_338 {strides = array<i32>} : memref<32x512xf32, #tpu.memory_space<vmem>>, vector<16xf32>,
      %parallel_loop3A_345 = arith.constant 30 : i32
      %parallel_loop3A_346 = vector.broadcast %parallel_loop3A_345 : i32 to vector<16xi32>
      %parallel_loop3A_347 = arith.addi %parallel_loop3A_44, %parallel_loop3A_346 : vector<16xi32>
      %parallel_loop3A_348 = tpu.vector_load_idx %arg5[%parallel_loop3A_347] : memref<32768xf32, #tpu.memory_space<vmem>>[vector<16xi32>], vector<16xf32>,
      %parallel_loop3A_349 = arith.constant 16 : i32
      %parallel_loop3A_350 = arith.muli %parallel_loop3A_37, %parallel_loop3A_349 : i32
      %parallel_loop3A_351 = arith.constant 30 : i32
      %parallel_loop3A_352 = arith.index_cast %parallel_loop3A_351 : i32 to index
      %parallel_loop3A_353 = arith.index_cast %parallel_loop3A_350 : i32 to index
      %parallel_loop3A_354 = tpu.vector_load %arg7[%parallel_loop3A_352, %parallel_loop3A_353] {strides = array<i32>} : memref<32x512xf32, #tpu.memory_space<vmem>>, vector<16xf32>,
      tpu.vector_store %arg7[%parallel_loop3A_352, %parallel_loop3A_353], %parallel_loop3A_348 {strides = array<i32>} : memref<32x512xf32, #tpu.memory_space<vmem>>, vector<16xf32>,
      %parallel_loop3A_355 = arith.constant 31 : i32
      %parallel_loop3A_356 = vector.broadcast %parallel_loop3A_355 : i32 to vector<16xi32>
      %parallel_loop3A_357 = arith.addi %parallel_loop3A_44, %parallel_loop3A_356 : vector<16xi32>
      %parallel_loop3A_358 = tpu.vector_load_idx %arg5[%parallel_loop3A_357] : memref<32768xf32, #tpu.memory_space<vmem>>[vector<16xi32>], vector<16xf32>,
      %parallel_loop3A_359 = arith.constant 16 : i32
      %parallel_loop3A_360 = arith.muli %parallel_loop3A_37, %parallel_loop3A_359 : i32
      %parallel_loop3A_361 = arith.constant 31 : i32
      %parallel_loop3A_362 = arith.index_cast %parallel_loop3A_361 : i32 to index
      %parallel_loop3A_363 = arith.index_cast %parallel_loop3A_360 : i32 to index
      %parallel_loop3A_364 = tpu.vector_load %arg7[%parallel_loop3A_362, %parallel_loop3A_363] {strides = array<i32>} : memref<32x512xf32, #tpu.memory_space<vmem>>, vector<16xf32>,
      tpu.vector_store %arg7[%parallel_loop3A_362, %parallel_loop3A_363], %parallel_loop3A_358 {strides = array<i32>} : memref<32x512xf32, #tpu.memory_space<vmem>>, vector<16xf32>,
    } {sc.loop_unroll_factor = 1 : i64, sc.parallel_access}
    %jit3A = arith.constant 8 : i32
    %div3A = arith.divsi %add3A, %jit3A : i32
    %sign3A = arith.constant 0 : i32
    %sign3A_5 = arith.cmpi sgt, %add3A, %sign3A : i32
    %sign3A_6 = arith.extui %sign3A_5 : i1 to i32
    %sign3A_7 = arith.constant 0 : i32
    %sign3A_8 = arith.cmpi slt, %add3A, %sign3A_7 : i32
    %sign3A_9 = arith.extui %sign3A_8 : i1 to i32
    %sign3A_10 = arith.subi %sign3A_6, %sign3A_9 : i32
    %sign3A_11 = arith.constant 0 : i32
    %sign3A_12 = arith.cmpi sgt, %jit3A, %sign3A_11 : i32
    %sign3A_13 = arith.extui %sign3A_12 : i1 to i32
    %sign3A_14 = arith.constant 0 : i32
    %sign3A_15 = arith.cmpi slt, %jit3A, %sign3A_14 : i32
    %sign3A_16 = arith.extui %sign3A_15 : i1 to i32
    %sign3A_17 = arith.subi %sign3A_13, %sign3A_16 : i32
    %ne3A = arith.cmpi ne, %sign3A_10, %sign3A_17 : i32
    %rem3A = arith.remsi %add3A, %jit3A : i32
    %ne3A_18 = arith.constant 0 : i32
    %ne3A_19 = arith.cmpi ne, %rem3A, %ne3A_18 : i32
    %and3A = arith.andi %ne3A, %ne3A_19 : i1
    %sub3A = arith.constant 1 : i32
    %sub3A_20 = arith.subi %div3A, %sub3A : i32
    %select_n3A = arith.select %and3A, %sub3A_20, %div3A : i32
    %jit3A_21 = arith.constant 8 : i32
    %eq3A = arith.constant 0 : i32
    %eq3A_22 = arith.cmpi eq, %jit3A_21, %eq3A : i32
    %jit3A_23 = arith.constant 1 : i32
    %select_n3A_24 = arith.select %eq3A_22, %jit3A_23, %jit3A_21 : i32
    %rem3A_25 = arith.remsi %add3A, %select_n3A_24 : i32
    %ne3A_26 = arith.constant 0 : i32
    %ne3A_27 = arith.cmpi ne, %rem3A_25, %ne3A_26 : i32
    %lt3A = arith.constant 0 : i32
    %lt3A_28 = arith.cmpi slt, %rem3A_25, %lt3A : i32
    %lt3A_29 = arith.constant 0 : i32
    %lt3A_30 = arith.cmpi slt, %select_n3A_24, %lt3A_29 : i32
    %ne3A_31 = arith.xori %lt3A_28, %lt3A_30 : i1
    %and3A_32 = arith.andi %ne3A_31, %ne3A_27 : i1
    %add3A_33 = arith.addi %rem3A_25, %select_n3A_24 : i32
    %select_n3A_34 = arith.select %and3A_32, %add3A_33, %rem3A_25 : i32
    %mul3A_35 = arith.constant 512 : i32
    %mul3A_36 = arith.muli %select_n3A_34, %mul3A_35 : i32
    "tpu.region"() ({
      %run_scoped3A = tpu.sem_alloc : memref<!tpu.dma_semaphore, #tpu.memory_space<semaphore_mem>>
      %dma_start3A = arith.constant 0 : i32
      %dma_start3A_37 = tpu.memref_slice %arg4[%select_n3A, %dma_start3A, %mul3A_36] : memref<4x32x4096xf32, #tpu.memory_space<hbm>> -> memref<1x32x512xf32, #tpu.memory_space<hbm>>
      %dma_start3A_38 = tpu.memref_squeeze %dma_start3A_37 : memref<1x32x512xf32, #tpu.memory_space<hbm>> -> memref<32x512xf32, #tpu.memory_space<hbm>>
      %dma_start3A_39 = arith.constant 0 : i32
      %dma_start3A_40 = tpu.memref_slice %arg4[%select_n3A, %dma_start3A_39, %mul3A_36] : memref<4x32x4096xf32, #tpu.memory_space<hbm>> -> memref<1x32x512xf32, #tpu.memory_space<hbm>>
      %dma_start3A_41 = tpu.memref_squeeze %dma_start3A_40 : memref<1x32x512xf32, #tpu.memory_space<hbm>> -> memref<32x512xf32, #tpu.memory_space<hbm>>
      tpu.enqueue_dma source(%arg7 : memref<32x512xf32, #tpu.memory_space<vmem>>) target(%dma_start3A_41 : memref<32x512xf32, #tpu.memory_space<hbm>>) target_semaphore(%run_scoped3A : memref<!tpu.dma_semaphore, #tpu.memory_space<semaphore_mem>>)
      %dma_wait3A = arith.constant 0 : i32
      %dma_wait3A_42 = tpu.memref_slice %arg4[%select_n3A, %dma_wait3A, %mul3A_36] : memref<4x32x4096xf32, #tpu.memory_space<hbm>> -> memref<1x32x512xf32, #tpu.memory_space<hbm>>
      %dma_wait3A_43 = tpu.memref_squeeze %dma_wait3A_42 : memref<1x32x512xf32, #tpu.memory_space<hbm>> -> memref<32x512xf32, #tpu.memory_space<hbm>>
      %dma_wait3A_44 = arith.constant 0 : i32
      %dma_wait3A_45 = tpu.memref_slice %arg4[%select_n3A, %dma_wait3A_44, %mul3A_36] : memref<4x32x4096xf32, #tpu.memory_space<hbm>> -> memref<1x32x512xf32, #tpu.memory_space<hbm>>
      %dma_wait3A_46 = tpu.memref_squeeze %dma_wait3A_45 : memref<1x32x512xf32, #tpu.memory_space<hbm>> -> memref<32x512xf32, #tpu.memory_space<hbm>>
      tpu.wait_dma2 semaphore(%run_scoped3A : memref<!tpu.dma_semaphore, #tpu.memory_space<semaphore_mem>>) src(%arg7 : memref<32x512xf32, #tpu.memory_space<vmem>>) dst(%dma_wait3A_46 : memref<32x512xf32, #tpu.memory_space<hbm>>)
      tpu.yield
    }) : () -> ()
    return
  }
}

module attributes {stable_mosaic.version = 14 : i64} {
  func.func @_vq_body(%arg0: i32, %arg1: memref<1x32x4096xf32, #tpu.memory_space<vmem>>, %arg2: memref<1024x32xf32, #tpu.memory_space<vmem>>, %arg3: memref<1x1x4096xi32, #tpu.memory_space<vmem>>, %arg4: memref<1x1024xf32, #tpu.memory_space<vmem>>, %arg5: memref<1x1xf32, #tpu.memory_space<vmem>>, %arg6: memref<1xf32, #tpu.memory_space<smem>>) attributes {dimension_semantics = [#tpu.dimension_semantics<arbitrary>], iteration_bounds = array<i64: 4>, scalar_prefetch = 0 : i64, scratch_operands = 1 : i64, tpu.core_type = #tpu.core_type<tc>, window_params = [{transform_indices = @transform_0, window_bounds = array<i64: 1, 32, 4096>}, {pipeline_mode = #tpu.pipeline_mode<synchronous>, transform_indices = @transform_1, window_bounds = array<i64: 1024, 32>}, {transform_indices = @transform_2, window_bounds = array<i64: 1, 1, 4096>}, {pipeline_mode = #tpu.pipeline_mode<synchronous>, transform_indices = @transform_3, window_bounds = array<i64: 1, 1024>}, {pipeline_mode = #tpu.pipeline_mode<synchronous>, transform_indices = @transform_4, window_bounds = array<i64: 1, 1>}]} {
    %eq3A = arith.constant 0 : i32
    %eq3A_0 = arith.cmpi eq, %arg0, %eq3A : i32
    %convert_element_type3A = arith.extui %eq3A_0 : i1 to i32
    %cond3A = arith.constant 0 : i32
    %cond3A_1 = arith.cmpi ne, %convert_element_type3A, %cond3A : i32
    scf.if %cond3A_1 {
      %broadcast_in_dim3A_64 = arith.constant 0.000000e+00 : f32
      %broadcast_in_dim3A_65 = vector.broadcast %broadcast_in_dim3A_64 : f32 to vector<1x1024xf32>
      %swap3A_66 = arith.constant 0 : index
      %swap3A_67 = arith.constant 0 : index
      %swap3A_68 = vector.load %arg4[%swap3A_66, %swap3A_67] : memref<1x1024xf32, #tpu.memory_space<vmem>>, vector<1x1024xf32>
      tpu.vector_store %arg4[%swap3A_66, %swap3A_67], %broadcast_in_dim3A_65 {strides = array<i32>} : memref<1x1024xf32, #tpu.memory_space<vmem>>, vector<1x1024xf32>,
      %swap3A_69 = arith.constant 0.000000e+00 : f32
      %swap3A_70 = arith.constant 0 : index
      %swap3A_71 = memref.load %arg6[%swap3A_70] : memref<1xf32, #tpu.memory_space<smem>>
      memref.store %swap3A_69, %arg6[%swap3A_70] : memref<1xf32, #tpu.memory_space<smem>>
    } else {
    }
    %get3A = arith.constant 0 : index
    %get3A_2 = arith.constant 0 : index
    %get3A_3 = arith.constant 0 : index
    %get3A_4 = vector.load %arg1[%get3A, %get3A_2, %get3A_3] : memref<1x32x4096xf32, #tpu.memory_space<vmem>>, vector<1x32x4096xf32>
    %get3A_5 = vector.shape_cast %get3A_4 : vector<1x32x4096xf32> to vector<32x4096xf32>
    %get3A_6 = arith.constant 0 : index
    %get3A_7 = arith.constant 0 : index
    %get3A_8 = vector.load %arg2[%get3A_6, %get3A_7] : memref<1024x32xf32, #tpu.memory_space<vmem>>, vector<1024x32xf32>
    %dot_general3A = arith.constant dense<0.000000e+00> : vector<1024x4096xf32>
    %dot_general3A_9 = tpu.matmul %get3A_8, %get3A_5, %dot_general3A {dimension_numbers = #tpu.dot_dimension_numbers<[1], [0], [0], [1], [0, 0, 1, 1], [], []>, transpose_lhs_hint = false} : vector<1024x32xf32>, vector<32x4096xf32>, vector<1024x4096xf32> -> vector<1024x4096xf32>
    %mul3A = arith.constant -2.000000e+00 : f32
    %mul3A_10 = vector.broadcast %mul3A : f32 to vector<1024x4096xf32>
    %mul3A_11 = arith.mulf %dot_general3A_9, %mul3A_10 : vector<1024x4096xf32>
    %mul3A_12 = arith.mulf %get3A_8, %get3A_8 : vector<1024x32xf32>
    %reduce_sum3A = arith.constant dense<0.000000e+00> : vector<1024xf32>
    %reduce_sum3A_13 = vector.multi_reduction <add>, %mul3A_12, %reduce_sum3A [1] : vector<1024x32xf32> to vector<1024xf32>
    %broadcast_in_dim3A = vector.shape_cast %reduce_sum3A_13 : vector<1024xf32> to vector<1024x1xf32>
    %mul3A_14 = arith.mulf %get3A_5, %get3A_5 : vector<32x4096xf32>
    %reduce_sum3A_15 = arith.constant dense<0.000000e+00> : vector<4096xf32>
    %reduce_sum3A_16 = vector.multi_reduction <add>, %mul3A_14, %reduce_sum3A_15 [0] : vector<32x4096xf32> to vector<4096xf32>
    %broadcast_in_dim3A_17 = vector.shape_cast %reduce_sum3A_16 : vector<4096xf32> to vector<1x4096xf32>
    %add3A = vector.broadcast %broadcast_in_dim3A_17 : vector<1x4096xf32> to vector<1024x4096xf32>
    %add3A_18 = vector.broadcast %broadcast_in_dim3A : vector<1024x1xf32> to vector<1024x4096xf32>
    %add3A_19 = arith.addf %add3A, %add3A_18 : vector<1024x4096xf32>
    %add3A_20 = arith.addf %add3A_19, %mul3A_11 : vector<1024x4096xf32>
    %reduce_min3A = arith.constant dense<0x7F800000> : vector<4096xf32>
    %reduce_min3A_21 = vector.multi_reduction <minimumf>, %add3A_20, %reduce_min3A [0] : vector<1024x4096xf32> to vector<4096xf32>
    %broadcast_in_dim3A_22 = vector.shape_cast %reduce_min3A_21 : vector<4096xf32> to vector<1x4096xf32>
    %eq3A_23 = vector.broadcast %broadcast_in_dim3A_22 : vector<1x4096xf32> to vector<1024x4096xf32>
    %eq3A_24 = arith.cmpf oeq, %add3A_20, %eq3A_23 : vector<1024x4096xf32>
    %jit3A = arith.constant 1.000000e+00 : f32
    %jit3A_25 = arith.constant 0.000000e+00 : f32
    %broadcast_in_dim3A_26 = vector.broadcast %jit3A : f32 to vector<1024x4096xf32>
    %broadcast_in_dim3A_27 = vector.broadcast %jit3A_25 : f32 to vector<1024x4096xf32>
    %select_n3A = arith.select %eq3A_24, %broadcast_in_dim3A_26, %broadcast_in_dim3A_27 : vector<1024x4096xi1>, vector<1024x4096xf32>
    %iota3A = tpu.iota {dimensions = array<i32: 0>} : vector<1024x4096xi32>
    %jit3A_28 = arith.constant 1024 : i32
    %broadcast_in_dim3A_29 = vector.broadcast %jit3A_28 : i32 to vector<1024x4096xi32>
    %select_n3A_30 = arith.select %eq3A_24, %iota3A, %broadcast_in_dim3A_29 : vector<1024x4096xi1>, vector<1024x4096xi32>
    %reduce_min3A_31 = arith.constant dense<2147483647> : vector<4096xi32>
    %reduce_min3A_32 = vector.multi_reduction <minsi>, %select_n3A_30, %reduce_min3A_31 [0] : vector<1024x4096xi32> to vector<4096xi32>
    %swap3A = arith.constant 0 : index
    %swap3A_33 = arith.constant 0 : index
    %swap3A_34 = arith.constant 0 : index
    %swap3A_35 = vector.load %arg3[%swap3A, %swap3A_33, %swap3A_34] : memref<1x1x4096xi32, #tpu.memory_space<vmem>>, vector<1x1x4096xi32>
    %swap3A_36 = vector.shape_cast %swap3A_35 : vector<1x1x4096xi32> to vector<4096xi32>
    %swap3A_37 = vector.shape_cast %reduce_min3A_32 : vector<4096xi32> to vector<1x1x4096xi32>
    tpu.vector_store %arg3[%swap3A, %swap3A_33, %swap3A_34], %swap3A_37 {strides = array<i32>} : memref<1x1x4096xi32, #tpu.memory_space<vmem>>, vector<1x1x4096xi32>,
    %broadcast_in_dim3A_38 = arith.constant 1.000000e+00 : f32
    %broadcast_in_dim3A_39 = vector.broadcast %broadcast_in_dim3A_38 : f32 to vector<1x4096xf32>
    %get3A_40 = arith.constant 0 : index
    %get3A_41 = arith.constant 0 : index
    %get3A_42 = vector.load %arg4[%get3A_40, %get3A_41] : memref<1x1024xf32, #tpu.memory_space<vmem>>, vector<1x1024xf32>
    %dot_general3A_43 = arith.constant dense<0.000000e+00> : vector<1x1024xf32>
    %dot_general3A_44 = tpu.matmul %broadcast_in_dim3A_39, %select_n3A, %dot_general3A_43 {dimension_numbers = #tpu.dot_dimension_numbers<[1], [1], [0], [0], [0, 0, 1, 0], [], []>, transpose_lhs_hint = false} : vector<1x4096xf32>, vector<1024x4096xf32>, vector<1x1024xf32> -> vector<1x1024xf32>
    %add3A_45 = arith.addf %get3A_42, %dot_general3A_44 : vector<1x1024xf32>
    %swap3A_46 = arith.constant 0 : index
    %swap3A_47 = arith.constant 0 : index
    %swap3A_48 = vector.load %arg4[%swap3A_46, %swap3A_47] : memref<1x1024xf32, #tpu.memory_space<vmem>>, vector<1x1024xf32>
    tpu.vector_store %arg4[%swap3A_46, %swap3A_47], %add3A_45 {strides = array<i32>} : memref<1x1024xf32, #tpu.memory_space<vmem>>, vector<1x1024xf32>,
    %get3A_49 = arith.constant 0 : index
    %get3A_50 = memref.load %arg6[%get3A_49] : memref<1xf32, #tpu.memory_space<smem>>
    %reduce_sum3A_51 = vector.shape_cast %reduce_min3A_21 : vector<4096xf32> to vector<1x4096xf32>
    %reduce_sum3A_52 = arith.constant dense<0.000000e+00> : vector<1xf32>
    %reduce_sum3A_53 = vector.multi_reduction <add>, %reduce_sum3A_51, %reduce_sum3A_52 [1] : vector<1x4096xf32> to vector<1xf32>
    %reduce_sum3A_54 = vector.shape_cast %reduce_sum3A_53 : vector<1xf32> to vector<1x1xf32>
    %reduce_sum3A_55 = vector.extract %reduce_sum3A_54[0, 0] : f32 from vector<1x1xf32>
    %add3A_56 = arith.addf %get3A_50, %reduce_sum3A_55 : f32
    %swap3A_57 = arith.constant 0 : index
    %swap3A_58 = memref.load %arg6[%swap3A_57] : memref<1xf32, #tpu.memory_space<smem>>
    memref.store %add3A_56, %arg6[%swap3A_57] : memref<1xf32, #tpu.memory_space<smem>>
    %eq3A_59 = arith.constant 3 : i32
    %eq3A_60 = arith.cmpi eq, %arg0, %eq3A_59 : i32
    %convert_element_type3A_61 = arith.extui %eq3A_60 : i1 to i32
    %cond3A_62 = arith.constant 0 : i32
    %cond3A_63 = arith.cmpi ne, %convert_element_type3A_61, %cond3A_62 : i32
    scf.if %cond3A_63 {
      %get3A_64 = arith.constant 0 : index
      %get3A_65 = memref.load %arg6[%get3A_64] : memref<1xf32, #tpu.memory_space<smem>>
      %reshape3A = vector.broadcast %get3A_65 : f32 to vector<1x1xf32>
      %swap3A_66 = arith.constant 0 : index
      %swap3A_67 = arith.constant 0 : index
      %swap3A_68 = vector.load %arg5[%swap3A_66, %swap3A_67] : memref<1x1xf32, #tpu.memory_space<vmem>>, vector<1x1xf32>
      tpu.vector_store %arg5[%swap3A_66, %swap3A_67], %reshape3A {strides = array<i32>} : memref<1x1xf32, #tpu.memory_space<vmem>>, vector<1x1xf32>,
    } else {
    }
    return
  }
  func.func @transform_0(%arg0: i32) -> (i32, i32, i32) {
    %c0_i32 = arith.constant 0 : i32
    %c0_i32_0 = arith.constant 0 : i32
    %c0_i32_1 = arith.constant 0 : i32
    return %arg0, %c0_i32, %c0_i32_0 : i32, i32, i32
  }
  func.func @transform_1(%arg0: i32) -> (i32, i32) {
    %c0_i32 = arith.constant 0 : i32
    %c0_i32_0 = arith.constant 0 : i32
    %c0_i32_1 = arith.constant 0 : i32
    return %c0_i32, %c0_i32_0 : i32, i32
  }
  func.func @transform_2(%arg0: i32) -> (i32, i32, i32) {
    %c0_i32 = arith.constant 0 : i32
    %c0_i32_0 = arith.constant 0 : i32
    %c0_i32_1 = arith.constant 0 : i32
    return %arg0, %c0_i32, %c0_i32_0 : i32, i32, i32
  }
  func.func @transform_3(%arg0: i32) -> (i32, i32) {
    %c0_i32 = arith.constant 0 : i32
    %c0_i32_0 = arith.constant 0 : i32
    %c0_i32_1 = arith.constant 0 : i32
    return %c0_i32, %c0_i32_0 : i32, i32
  }
  func.func @transform_4(%arg0: i32) -> (i32, i32) {
    %c0_i32 = arith.constant 0 : i32
    %c0_i32_0 = arith.constant 0 : i32
    %c0_i32_1 = arith.constant 0 : i32
    return %c0_i32, %c0_i32_0 : i32, i32
  }
}

module attributes {stable_mosaic.version = 14 : i64} {
  func.func @_scalars_body(%arg0: memref<4x1024xf32, #tpu.memory_space<vmem>>, %arg1: memref<4x1xf32, #tpu.memory_space<vmem>>, %arg2: memref<1x1xf32, #tpu.memory_space<vmem>>, %arg3: memref<1x1xf32, #tpu.memory_space<vmem>>) attributes {dimension_semantics = [], scalar_prefetch = 0 : i64, scratch_operands = 0 : i64, tpu.core_type = #tpu.core_type<tc>} {
    %get3A = arith.constant 0 : index
    %get3A_0 = arith.constant 0 : index
    %get3A_1 = vector.load %arg0[%get3A, %get3A_0] : memref<4x1024xf32, #tpu.memory_space<vmem>>, vector<4x1024xf32>
    %reduce_sum3A = arith.constant dense<0.000000e+00> : vector<1024xf32>
    %reduce_sum3A_2 = vector.multi_reduction <add>, %get3A_1, %reduce_sum3A [0] : vector<4x1024xf32> to vector<1024xf32>
    %broadcast_in_dim3A = vector.shape_cast %reduce_sum3A_2 : vector<1024xf32> to vector<1x1024xf32>
    %div3A = arith.constant 6.553600e+04 : f32
    %div3A_3 = vector.broadcast %div3A : f32 to vector<1x1024xf32>
    %div3A_4 = arith.divf %broadcast_in_dim3A, %div3A_3 : vector<1x1024xf32>
    %add3A = arith.constant 1.000000e-10 : f32
    %add3A_5 = vector.broadcast %add3A : f32 to vector<1x1024xf32>
    %add3A_6 = arith.addf %div3A_4, %add3A_5 : vector<1x1024xf32>
    %log3A = math.log %add3A_6 : vector<1x1024xf32>
    %mul3A = arith.mulf %div3A_4, %log3A : vector<1x1024xf32>
    %reduce_sum3A_7 = vector.shape_cast %mul3A : vector<1x1024xf32> to vector<1x1x1024xf32>
    %reduce_sum3A_8 = arith.constant dense<0.000000e+00> : vector<1xf32>
    %reduce_sum3A_9 = vector.multi_reduction <add>, %reduce_sum3A_7, %reduce_sum3A_8 [1, 2] : vector<1x1x1024xf32> to vector<1xf32>
    %reduce_sum3A_10 = vector.shape_cast %reduce_sum3A_9 : vector<1xf32> to vector<1x1x1xf32>
    %reduce_sum3A_11 = vector.extract %reduce_sum3A_10[0, 0, 0] : f32 from vector<1x1x1xf32>
    %neg3A = arith.constant 0.000000e+00 : f32
    %neg3A_12 = arith.subf %neg3A, %reduce_sum3A_11 : f32
    %exp3A = math.exp %neg3A_12 : f32
    %reshape3A = vector.broadcast %exp3A : f32 to vector<1x1xf32>
    %swap3A = arith.constant 0 : index
    %swap3A_13 = arith.constant 0 : index
    %swap3A_14 = vector.load %arg3[%swap3A, %swap3A_13] : memref<1x1xf32, #tpu.memory_space<vmem>>, vector<1x1xf32>
    tpu.vector_store %arg3[%swap3A, %swap3A_13], %reshape3A {strides = array<i32>} : memref<1x1xf32, #tpu.memory_space<vmem>>, vector<1x1xf32>,
    %get3A_15 = arith.constant 0 : index
    %get3A_16 = arith.constant 0 : index
    %get3A_17 = vector.load %arg1[%get3A_15, %get3A_16] : memref<4x1xf32, #tpu.memory_space<vmem>>, vector<4x1xf32>
    %reduce_sum3A_18 = vector.shape_cast %get3A_17 : vector<4x1xf32> to vector<1x4x1xf32>
    %reduce_sum3A_19 = arith.constant dense<0.000000e+00> : vector<1xf32>
    %reduce_sum3A_20 = vector.multi_reduction <add>, %reduce_sum3A_18, %reduce_sum3A_19 [1, 2] : vector<1x4x1xf32> to vector<1xf32>
    %reduce_sum3A_21 = vector.shape_cast %reduce_sum3A_20 : vector<1xf32> to vector<1x1x1xf32>
    %reduce_sum3A_22 = vector.extract %reduce_sum3A_21[0, 0, 0] : f32 from vector<1x1x1xf32>
    %mul3A_23 = arith.constant 2.500000e-01 : f32
    %mul3A_24 = arith.mulf %mul3A_23, %reduce_sum3A_22 : f32
    %div3A_25 = arith.constant 0x4A000000 : f32
    %div3A_26 = arith.divf %mul3A_24, %div3A_25 : f32
    %reshape3A_27 = vector.broadcast %div3A_26 : f32 to vector<1x1xf32>
    %swap3A_28 = arith.constant 0 : index
    %swap3A_29 = arith.constant 0 : index
    %swap3A_30 = vector.load %arg2[%swap3A_28, %swap3A_29] : memref<1x1xf32, #tpu.memory_space<vmem>>, vector<1x1xf32>
    tpu.vector_store %arg2[%swap3A_28, %swap3A_29], %reshape3A_27 {strides = array<i32>} : memref<1x1xf32, #tpu.memory_space<vmem>>, vector<1x1xf32>,
    return
  }
}

</mosaic_0001>

<sc_bundles>
// kernel: kernel.11.cloned.1.call-start
scs
__scs_entry_jumppad:
0x0: {  	(pc) =	sbr.rel $0x88, $3  }
0x1: {  	(tag) =	ssettag $0x0;
	lr =	simm.s32 $0x1  }
0x2: {  	[smem:$0x3F9F] =	sst lr;
	_ =	strace $0xD0000000  }
0x3: {  	_ = 	snop  }
0x4: {  	_ = 	snop  }
0x5: {  	_ = 	snop  }
0x6: {  	_ = 	snop  }
0x7: {  	_ = 	snop  }
__scs_overlays_trampoline_lowered:
0x8: {  	[smem:$0x3FAE] =	sst s0  }
0x9: {  	[smem:$0x3FAF] =	sst s1  }
0xa: {  	[smem:$0x3FB0] =	sst s2  }
0xb: {  	[smem:$0x3FB1] =	sst s3  }
0xc: {  	[smem:$0x3FB2] =	sst s4  }
0xd: {  	[smem:$0x3FB3] =	sst s5  }
0xe: {  	[smem:$0x3FB4] =	sst s6  }
0xf: {  	[smem:$0x3FB5] =	sst s7  }
0x10: {  	[smem:$0x3FB6] =	sst s8  }
0x11: {  	[smem:$0x3FB7] =	sst s9;
	s0 =	simm.s32 @!p0 $0x0  }
0x12: {  	s1 =	sld [smem:$0x3F9D];
	s0 =	simm.s32 @p0 $0x1  }
0x13: {  	[smem:$0x3FB8] =	sst s0;
	s0 =	simm.s32 @!p1 $0x0  }
0x14: {  	s2 =	sld [smem:$0x3F9C];
	s0 =	simm.s32 @p1 $0x1  }
0x15: {  	[smem:$0x3FB9] =	sst s0;
	s0 =	simm.s32 @!p2 $0x0  }
0x16: {  	s3 =	sld [smem:$0x3FDB];
	s0 =	simm.s32 @p2 $0x1  }
0x17: {  	s4 =	simm.s32 $0x1BF5;
	[smem:$0x3FBB] =	sst s0  }
0x18: {  	s0 =	sld [smem:$0x3F9E];
	_ =	swait.ge [sflag:s4], $0x0  }
0x19: {  	s7 =	sld [smem:$0x3F9F]  }
0x1a: {  	s8 =	sadd.s32 $0xFFFFE003, lr  }
0x1b: {  	s9 =	sadd.s32 $0xFFFFFEF7, lr;
	s5 =	simm.s32 $0xFFFFFFFF;
	p2 =	slt.u32 s8, $0xFFFFF086  }
0x1c: {  	p1 =	slt.u32 s9, $0xF7A;
	s5 =	simm.s32 @!p2 $0x0  }
0x1d: {  	s5 =	simm.s32 @p1 $0x1;
	p0 =	seq.s32 s7, s2  }
0x1e: {  	s7 =	smul.u32 @!p0 $0xF7A, s2;
	p2 =	seq.s32 @!p0 s5, $0x0  }
0x1f: {  	s9 =	smul.u32 $0xF7A, s1;
	s8 =	simm.s32 @!p0 $0x1BF5;
	p2 =	por !p2, p0  }
0x20: {  	[sflag:s8] =	ssyncset.s32 @!p0 $0xFFFFF086;
	s6 =	sadd.s32 @!p0 s3, s7;
	s7 =	simm.s32 @!p0 $0x108  }
0x21: {  	s3 =	sadd.s32 s3, s9;
	s6 =	sadd.s32 @!p0 $0x88, s6;
	s7 =	simm.s32 @p2 $0x1082  }
0x22: {  	[simem:s7], [sflag:s8] =	dma.local @!p0 [hbm:s6], $0xF7A  }
0x23: {  	s9 =	sor.u32 $0xD0000000, s2;
	s6 =	simm.s32 $0x108;
	_ =	swait.ge @!p0 [sflag:s8], $0x0  }
0x24: {  	s3 =	sadd.s32 $0x88, s3;
	s6 =	simm.s32 @!p1 $0x1082;
	[sflag:s4] =	ssyncset.s32 $0xFFFFF086  }
0x25: {  	[simem:s6], [sflag:s4] =	dma.local [hbm:s3], $0xF7A  }
0x26: {  	[smem:$0x3F9F] =	sst s1;
	(tag) =	ssettag s2;
	_ =	strace s9  }
0x27: {  	s1 =	sld [smem:$0x3FAF]  }
0x28: {  	s2 =	sld [smem:$0x3FB0]  }
0x29: {  	s4 =	sld [smem:$0x3FB2]  }
0x2a: {  	p0 =	seq.s32 s5, $0x0;
	s5 =	sld [smem:$0x3FB3]  }
0x2b: {  	s6 =	sld [smem:$0x3FB4]  }
0x2c: {  	s7 =	sld [smem:$0x3FB5]  }
0x2d: {  	s3 =	simm.s32 $0x108;
	s8 =	sld [smem:$0x3FB6]  }
0x2e: {  	s3 =	simm.s32 @!p0 $0x1082;
	s9 =	sld [smem:$0x3FB7]  }
0x2f: {  	lr =	sadd.s32 s0, s3;
	s0 =	sld [smem:$0x3FAE]  }
0x30: {  	s3 =	sld [smem:$0x3FB1]  }
0x31: {  	[smem:$0x3FBA] =	sst s10  }
0x32: {  	s10 =	sld [smem:$0x3FB8];
	_ =	sdelay $0x3  }
0x33: {  	p0 =	seq.s32 s10, $0x1;
	s10 =	sld [smem:$0x3FBA];
	_ =	sdelay $0x3  }
0x34: {  	[smem:$0x3FBA] =	sst s10  }
0x35: {  	s10 =	sld [smem:$0x3FB9];
	_ =	sdelay $0x3  }
0x36: {  	p1 =	seq.s32 s10, $0x1;
	s10 =	sld [smem:$0x3FBA];
	_ =	sdelay $0x3  }
0x37: {  	[smem:$0x3FBA] =	sst s10  }
0x38: {  	s10 =	sld [smem:$0x3FBB]  }
0x39: {  	_ = 	snop;
	(pc) =	sbr.ind lr, $3  }
0x3a: {  	_ = 	snop  }
0x3b: {  	_ = 	snop  }
0x3c: {  	p2 =	seq.s32 s10, $0x1;
	s10 =	sld [smem:$0x3FBA]  }
0x3d: {  	_ =	shalt  }
0x3e: {  	_ =	shalt  }
0x3f: {  	_ =	shalt  }
0x40: {  	_ =	shalt  }
0x41: {  	_ =	shalt  }
0x42: {  	_ =	shalt  }
0x43: {  	_ =	shalt  }
0x44: {  	_ =	shalt  }
0x45: {  	_ =	shalt  }
0x46: {  	_ =	shalt  }
0x47: {  	_ =	shalt  }
0x48: {  	_ =	shalt  }
0x49: {  	_ =	shalt  }
0x4a: {  	_ =	shalt  }
0x4b: {  	_ =	shalt  }
0x4c: {  	_ =	shalt  }
0x4d: {  	_ =	shalt  }
0x4e: {  	_ =	shalt  }
0x4f: {  	_ =	shalt  }
0x50: {  	_ =	shalt  }
0x51: {  	_ =	shalt  }
0x52: {  	_ =	shalt  }
0x53: {  	_ =	shalt  }
0x54: {  	_ =	shalt  }
0x55: {  	_ =	shalt  }
0x56: {  	_ =	shalt  }
0x57: {  	_ =	shalt  }
0x58: {  	_ =	shalt  }
0x59: {  	_ =	shalt  }
0x5a: {  	_ =	shalt  }
0x5b: {  	_ =	shalt  }
0x5c: {  	_ =	shalt  }
0x5d: {  	_ =	shalt  }
0x5e: {  	_ =	shalt  }
0x5f: {  	_ =	shalt  }
0x60: {  	_ =	shalt  }
0x61: {  	_ =	shalt  }
0x62: {  	_ =	shalt  }
0x63: {  	_ =	shalt  }
0x64: {  	_ =	shalt  }
0x65: {  	_ =	shalt  }
0x66: {  	_ =	shalt  }
0x67: {  	_ =	shalt  }
0x68: {  	_ =	shalt  }
0x69: {  	_ =	shalt  }
0x6a: {  	_ =	shalt  }
0x6b: {  	_ =	shalt  }
0x6c: {  	_ =	shalt  }
0x6d: {  	_ =	shalt  }
0x6e: {  	_ =	shalt  }
0x6f: {  	_ =	shalt  }
0x70: {  	_ =	shalt  }
0x71: {  	_ =	shalt  }
0x72: {  	_ =	shalt  }
0x73: {  	_ =	shalt  }
0x74: {  	_ =	shalt  }
0x75: {  	_ =	shalt  }
0x76: {  	_ =	shalt  }
0x77: {  	_ =	shalt  }
0x78: {  	_ =	shalt  }
0x79: {  	_ =	shalt  }
0x7a: {  	_ =	shalt  }
0x7b: {  	_ =	shalt  }
0x7c: {  	_ =	shalt  }
0x7d: {  	_ =	shalt  }
0x7e: {  	_ =	shalt  }
0x7f: {  	_ =	shalt  }
0x80: {  	_ =	shalt  }
0x81: {  	_ =	shalt  }
0x82: {  	_ =	shalt  }
0x83: {  	_ =	shalt  }
0x84: {  	_ =	shalt  }
0x85: {  	_ =	shalt  }
0x86: {  	_ =	shalt  }
0x87: {  	_ =	shalt  }
.Lfunc_end0:
.L_simem_size_0:
called_computation_lowered:
.L_overlay_start_0:
0x88: {  	s2 =	sld [smem:$0x3FD9]  }
0x89: {  	s3 =	sld [smem:$0x3FFE];
	_ =	sdelay $0x1  }
0x8a: {  	s1 =	srdreg.scid  }
0x8b: {  	s0 =	sand.u32 $0x1, s1  }
0x8c: {  	s15 =	sshll.u32 s0, $0xA;
	s2 =	sadd.s32 s3, s2  }
0x8d: {  	s2 =	sadd.s32 s2, s15  }
0x8e: {  	[smem:$0x3FC6] =	sst s2  }
0x8f: {  	_ = 	snop  }
0x90: {  	s2 =	sld [smem:$0x3FD0];
	_ =	sdelay $0x2  }
0x91: {  	s16 =	simm.s32 $0xD;
	s4 =	simm.s32 $0x10  }
0x92: {  	[smem:s4], [sflag:s16] =	dma.local [hbm:s2], $0x1  }
0x93: {  	_ =	swait.eq [sflag:s16], $0x1  }
0x94: {  	[sflag:s16] =	ssyncset.done $0x0  }
0x95: {  	[sflag:s16] =	ssyncadd.s32 $0xFFFFFFFF  }
0x96: {  	s17 =	sld [smem:$0x10];
	(tm) =	ssettm $0x1  }
0x97: {  	s18 =	sld [smem:$0x3FFB];
	_ =	sdelay $0x3  }
0x98: {  	_ =	strace s18  }
0x99: {  	s2 =	sld [smem:$0x3FFC];
	_ =	sdelay $0x3  }
0x9a: {  	_ =	strace s2  }
0x9b: {  	s2 =	sld [smem:$0x3FFD];
	_ =	sdelay $0x3  }
0x9c: {  	_ =	strace s2  }
0x9d: {  	_ =	strace $0x8FFFFFFF  }
0x9e: {  	s19 =	sld [smem:$0x3FDB];
	_ =	sdelay $0x1  }
0x9f: {  	s20 =	simm.s32 $_scs_section_size  }
0xa0: {  	s5 =	simm.s32 $_size__tile_overlayer_lowered;
	s6 =	simm.s32 $_tile_overlayer_lowered  }
0xa1: {  	s7 =	simm.s32 $0x1BFF;
	s21 =	sshll.u32 s6, $0x1;
	s4 =	sadd.s32 s20, s19  }
0xa2: {  	s22 =	simm.s32 $0x0;
	s5 =	sshll.u32 s5, $0x1;
	s6 =	sadd.s32 s21, s4  }
0xa3: {  	[timem:s22], [sflag:s7] =	dma.local [hbm:s6], s5  }
0xa4: {  	_ =	swait.ge [sflag:s7], s5  }
0xa5: {  	s5 =	ssub.s32 $0x0, s5;
	[sflag:s7] =	ssyncset.done $0x0  }
0xa6: {  	[sflag:s7] =	ssyncadd.s32 s5;
	_ =	sdelay $0x1  }
0xa7: {  	s23 =	simm.s32 $0x1B8B  }
0xa8: {  	_ =	swait.ge [sflag:s23], $0x1  }
0xa9: {  	[sflag:s23] =	ssyncset.done $0x0  }
0xaa: {  	[sflag:s23] =	ssyncadd.s32 $0xFFFFFFFF  }
0xab: {  	s5 =	sld [smem:$0x0]  }
0xac: {  	s6 =	sand.u32 $0xFFFFFFFE, s1  }
0xad: {  	p0 =	sne.s32 s1, s6  }
0xae: {  	s6 =	sshll.u32 @p0 s6, $0xE  }
0xaf: {  	s6 =	sadd.s32 @p0 $0x11B8D, s6;
	s7 =	sshll.u32 @p0 s5, $0x11  }
0xb0: {  	s6 =	sor.u32 @p0 s7, s6  }
0xb1: {  	[sflag:s6] =	ssyncadd.remote.s32 @p0 $0x1;
	_ =	sdelay $0x1  }
0xb2: {  	s6 =	simm.s32 @p0 $0x1B8D  }
0xb3: {  	_ =	swait.eq @p0 [sflag:s6], $0x1  }
0xb4: {  	[sflag:s6] =	ssyncadd.s32 @p0 $0xFFFFFFFF  }
0xb5: {  	s7 =	sshll.u32 @!p0 s1, $0xE  }
0xb6: {  	s7 =	sor.u32 @!p0 $0x4000, s7;
	s6 =	simm.s32 @!p0 $0x1B8D  }
0xb7: {  	s5 =	sshll.u32 @!p0 s5, $0x11;
	s7 =	sadd.s32 @!p0 $0x11B8D, s7;
	_ =	swait.eq @!p0 [sflag:s6], $0x1  }
0xb8: {  	s5 =	sor.u32 @!p0 s5, s7;
	[sflag:s6] =	ssyncadd.s32 @!p0 $0xFFFFFFFF  }
0xb9: {  	s25 =	simm.s32 $0x1B8E;
	s24 =	sld [smem:$0x3FFE];
	[sflag:s5] =	ssyncadd.remote.s32 @!p0 $0x1  }
0xba: {  	s26 =	simm.s32 $execute0_lowered;
	[smem:$0x3FD2] =	sst s25  }
0xbb: {  	s6 =	sshll.u32 s26, $0x1;
	_ =	strace $0x8000004F;
	[dreg:$0x1] =	wrdreg $0xFFFFFFFF  }
0xbc: {  	s28 =	simm.s32 $_size_execute0_lowered;
	s4 =	sadd.s32 s4, s6;
	[dreg:$0x0] =	wrdreg $0x0  }
0xbd: {  	s6 =	sshll.u32 s28, $0x1;
	[dreg:$0x2] =	wrdreg s4  }
0xbe: {  	[dreg:$0x3] =	wrdreg s6  }
0xbf: {  	[dreg:$0x4] =	wrdreg $0xC0  }
0xc0: {  	_ =	task [dreg:s22], $0x5FFFF  }
0xc1: {  	[dreg:$0x1] =	wrdreg $0xFFFFFFFF  }
0xc2: {  	[dreg:$0x0] =	wrdreg $0x60  }
0xc3: {  	[dreg:$0x2] =	wrdreg s17  }
0xc4: {  	[dreg:$0x3] =	wrdreg s24  }
0xc5: {  	[dreg:$0x4] =	wrdreg $0x9  }
0xc6: {  	_ =	task.clear_ibuf [dreg:s22], $0x5FFFF;
	_ =	strace $0x9000004F  }
0xc7: {  	s29 =	simm.s32 $0x9;
	_ =	strace $0x80000051  }
0xc8: {  	_ =	swait.ge [sflag:s29], $0x1  }
0xc9: {  	[sflag:s29] =	ssyncadd.s32 $0xFFFFFFFF  }
0xca: {  	_ =	strace $0x90000051  }
0xcb: {  	_ =	sfence  }
0xcc: {  	s30 =	sld [smem:$0x0];
	_ =	sdelay $0x2  }
0xcd: {  	s31 =	sshll.u32 s1, $0xD;
	s1 =	sshrl.u32 s1, $0x2  }
0xce: {  	s4 =	sand.u32 $0x4000, s31;
	s1 =	sadd.s32 s1, s30  }
0xcf: {  	s0 =	sor.u32 s4, s0;
	s1 =	sshll.u32 s1, $0x11  }
0xd0: {  	s0 =	sor.u32 s1, s0  }
0xd1: {  	s0 =	sadd.s32 $0x8F2B, s0  }
0xd2: {  	[sflag:s0] =	ssyncadd.remote.s32 $0x1  }
0xd3: {  	_ =	sfence.sel $0xFFFF  }
0xd4: {  	[dreg:$0x0] =	wrdreg $0xFFFFFFFF;
	(pc) =	sbr.abs _section_cstart, $3  }
0xd5: {  	[dreg:$0x1] =	wrdreg $0xFFFFFFFF  }
0xd6: {  	_ =	task.clear_ibuf [dreg:s22], $0x2FFFF;
	_ =	strace $0x9FFFFFFF  }
0xd7: {  	(tm) =	ssettm $0x7FFFFFFF  }
tec
execute0_lowered:
.L_overlay_start_1:
0x0: {  	(tag) =	ssettag $0x1  }
0x1: {  	s1 =	rddreg [dreg:$0x0]  }
0x2: {  	s4 =	rddreg [dreg:$0x1]  }
0x3: {  	s0 =	rddreg [dreg:$0x2]  }
0x4: {  	s3 =	simm.s32 $0x0;
	s5 =	srdreg.scid;
	s2 =	stileid.u32  }
0x5: {  	s9 =	simm.s32 $0x8000;
	s10 =	simm.s32 $0x8200;
	s11 =	simm.s32 $0x0  }
0x6: {  	[smem:$0x7FF] =	sst s3;
	s5 =	sand.u32 $0x1, s5;
	s6 =	sshll.u32 s2, $0x1  }
0x7: {  	s7 =	sshll.u32 s2, $0xC;
	_ =	strace $0x80000050;
	s6 =	sor.u32 s5, s6  }
0x8: {  	s7 =	sand.u32 $0xC000, s7;
	s5 =	ssub.s32 $0x2, s5;
	s8 =	sshll.u32 s6, $0x6  }
0x9: {  	s6 =	sshll.u32 s6, $0x9;
	s7 =	sadd.s32 s7, s4;
	s30 =	sshrl.u32 s5, $0x1  }
0xa: {  	s6 =	sand.u32 $0xE00, s6;
	s4 =	sadd.s32 s8, s4;
	s31 =	ssub.s32 s5, s30  }
0xb: {  	s8 =	simm.s32 $0x1000;
	s6 =	sadd.s32 s6, s7;
	s4 =	sadd.s32 $0x34600, s4  }
0xc: {  	s7 =	simm.s32 $0x1;
	s5 =	sadd.s32 $0x34E00, s6;
	s6 =	smax.u32 s31, $0x1  }
.LBB2_1:
0xd: {  	[tilespmem:s3], [sflag:$0x1] =	stream.linear.gather [hbm4b:s1+s3], $0x8000, $0x38;
	[tilespmem:$0xC200] =	vst v63  }
0xe: {  	_ =	swait.ge [sflag:s7], $0x8000  }
0xf: {  	[sflag:s7] =	ssyncset.done $0x0  }
0x10: {  	[sflag:s7] =	ssyncadd.s32 $0xFFFF8000  }
0x11: {  	[tilespmem:s9], [sflag:$0x1] =	stream.linear.gather [hbm4b:s4+s3], $0x200, $0x38;
	[tilespmem:$0xC200] =	vst v63  }
0x12: {  	_ =	swait.ge [sflag:s7], $0x200  }
0x13: {  	[sflag:s7] =	ssyncset.done $0x0  }
0x14: {  	[sflag:s7] =	ssyncadd.s32 $0xFFFFFE00  }
0x15: {  	v0 =	vld [tilespmem:s9+$0x0];
	_ =	sdelay $0x4  }
0x16: {  	v6 =	vshll.u32 v0, $0x5;
	_ =	sdelay $0x4  }
0x17: {  	v0 =	vld.idx.msk [tilespmem:v6+s3+$0x0], $0xffff  }
0x18: {  	v1 =	vor.u32 $0x1, v6;
	_ =	sdelay $0x1  }
0x19: {  	s12 =	sand.u32 $0x70, s3;
	s13 =	sand.u32 $0xC00, s3  }
0x1a: {  	s16 =	sor.u32 s12, s13  }
0x1b: {  	[tilespmem:s16+$0x8200] =	vst v0  }
0x1c: {  	v0 =	vld.idx.msk [tilespmem:v1+s3+$0x0], $0xffff  }
0x1d: {  	v1 =	vor.u32 $0x2, v6;
	_ =	sdelay $0x3  }
0x1e: {  	[tilespmem:s16+$0x8280] =	vst v0  }
0x1f: {  	v0 =	vld.idx.msk [tilespmem:v1+s3+$0x0], $0xffff  }
0x20: {  	v1 =	vor.u32 $0x3, v6;
	_ =	sdelay $0x2  }
0x21: {  	s20 =	simm.s32 $0x8010  }
0x22: {  	v2 =	vld [tilespmem:s20+$0x0];
	[tilespmem:s16+$0x8300] =	vst v0  }
0x23: {  	v0 =	vld.idx.msk [tilespmem:v1+s3+$0x0], $0xffff  }
0x24: {  	v1 =	vor.u32 $0x4, v6;
	_ =	sdelay $0x3  }
0x25: {  	v2 =	vshll.u32 v2, $0x5;
	[tilespmem:s16+$0x8380] =	vst v0  }
0x26: {  	v0 =	vld.idx.msk [tilespmem:v1+s3+$0x0], $0xffff  }
0x27: {  	v1 =	vor.u32 $0x5, v6;
	_ =	sdelay $0x2  }
0x28: {  	v3 =	vld.idx.msk [tilespmem:v2+s3+$0x0], $0xffff  }
0x29: {  	[tilespmem:s16+$0x8400] =	vst v0;
	v0 =	vor.u32 $0x1, v2  }
0x2a: {  	s14 =	simm.s32 $0x10;
	s17 =	simm.s32 $0x80;
	v1 =	vld.idx.msk [tilespmem:v1+s3+$0x0], $0xffff  }
0x2b: {  	s21 =	sand.u32 $0x70, s14;
	s22 =	sand.u32 $0xC00, s17;
	v4 =	vor.u32 $0x6, v6  }
0x2c: {  	s13 =	sor.u32 s21, s22  }
0x2d: {  	[tilespmem:s13+$0x8200] =	vst v3  }
0x2e: {  	v0 =	vld.idx.msk [tilespmem:v0+s3+$0x0], $0xffff  }
0x2f: {  	[tilespmem:s16+$0x8480] =	vst v1;
	v1 =	vor.u32 $0x2, v2  }
0x30: {  	v3 =	vld.idx.msk [tilespmem:v4+s3+$0x0], $0xffff  }
0x31: {  	v4 =	vor.u32 $0x7, v6;
	_ =	sdelay $0x1  }
0x32: {  	[tilespmem:s13+$0x8280] =	vst v0  }
0x33: {  	v0 =	vld.idx.msk [tilespmem:v1+s3+$0x0], $0xffff  }
0x34: {  	v1 =	vor.u32 $0x3, v2;
	[tilespmem:s16+$0x8500] =	vst v3  }
0x35: {  	v3 =	vld.idx.msk [tilespmem:v4+s3+$0x0], $0xffff  }
0x36: {  	v4 =	vor.u32 $0x8, v6  }
0x37: {  	s23 =	simm.s32 $0x8020  }
0x38: {  	s24 =	sor.u32 s3, s3;
	v5 =	vld [tilespmem:s23+$0x0];
	[tilespmem:s13+$0x8300] =	vst v0  }
0x39: {  	s12 =	sor.u32 $0x380, s24;
	v0 =	vld.idx.msk [tilespmem:v1+s3+$0x0], $0xffff  }
0x3a: {  	v1 =	vor.u32 $0x4, v2;
	[tilespmem:s12+$0x8200] =	vst v3  }
0x3b: {  	v3 =	vld.idx.msk [tilespmem:v4+s3+$0x0], $0xffff  }
0x3c: {  	v4 =	vor.u32 $0x9, v6;
	_ =	sdelay $0x1  }
0x3d: {  	[tilespmem:s13+$0x8380] =	vst v0;
	v0 =	vshll.u32 v5, $0x5  }
0x3e: {  	v1 =	vld.idx.msk [tilespmem:v1+s3+$0x0], $0xffff  }
0x3f: {  	[tilespmem:s16+$0x9200] =	vst v3;
	v3 =	vor.u32 $0x5, v2  }
0x40: {  	v4 =	vld.idx.msk [tilespmem:v4+s3+$0x0], $0xffff  }
0x41: {  	v5 =	vor.u32 $0xA, v6  }
0x42: {  	v7 =	vld.idx.msk [tilespmem:v0+s3+$0x0], $0xffff  }
0x43: {  	[tilespmem:s13+$0x8400] =	vst v1;
	v1 =	vor.u32 $0x1, v0  }
0x44: {  	s15 =	simm.s32 $0x20;
	s18 =	simm.s32 $0x100;
	v3 =	vld.idx.msk [tilespmem:v3+s3+$0x0], $0xffff  }
0x45: {  	s25 =	sand.u32 $0x70, s15;
	s19 =	sand.u32 $0xC00, s18;
	[tilespmem:s16+$0x9280] =	vst v4;
	v4 =	vor.u32 $0x6, v2  }
0x46: {  	s12 =	sor.u32 s25, s19;
	v5 =	vld.idx.msk [tilespmem:v5+s3+$0x0], $0xffff  }
0x47: {  	[tilespmem:s12+$0x8200] =	vst v7;
	v7 =	vor.u32 $0xB, v6  }
0x48: {  	v1 =	vld.idx.msk [tilespmem:v1+s3+$0x0], $0xffff  }
0x49: {  	[tilespmem:s13+$0x8480] =	vst v3;
	v3 =	vor.u32 $0x2, v0  }
0x4a: {  	v4 =	vld.idx.msk [tilespmem:v4+s3+$0x0], $0xffff  }
0x4b: {  	[tilespmem:s16+$0x9300] =	vst v5;
	v5 =	vor.u32 $0x7, v2  }
0x4c: {  	v7 =	vld.idx.msk [tilespmem:v7+s3+$0x0], $0xffff  }
0x4d: {  	[tilespmem:s12+$0x8280] =	vst v1;
	v1 =	vor.u32 $0xC, v6  }
0x4e: {  	v3 =	vld.idx.msk [tilespmem:v3+s3+$0x0], $0xffff  }
0x4f: {  	[tilespmem:s13+$0x8500] =	vst v4;
	v4 =	vor.u32 $0x3, v0  }
0x50: {  	v5 =	vld.idx.msk [tilespmem:v5+s3+$0x0], $0xffff  }
0x51: {  	[tilespmem:s16+$0x9380] =	vst v7;
	v7 =	vor.u32 $0x8, v2  }
0x52: {  	v1 =	vld.idx.msk [tilespmem:v1+s3+$0x0], $0xffff  }
0x53: {  	s14 =	sor.u32 s17, s14;
	[tilespmem:s12+$0x8300] =	vst v3;
	v3 =	vor.u32 $0xD, v6  }
0x54: {  	s26 =	simm.s32 $0x8030;
	s14 =	sor.u32 $0x380, s14;
	v4 =	vld.idx.msk [tilespmem:v4+s3+$0x0], $0xffff  }
0x55: {  	v8 =	vld [tilespmem:s26+$0x0];
	[tilespmem:s14+$0x8200] =	vst v5;
	v5 =	vor.u32 $0x4, v0  }
0x56: {  	v7 =	vld.idx.msk [tilespmem:v7+s3+$0x0], $0xffff  }
0x57: {  	v9 =	vor.u32 $0x9, v2;
	[tilespmem:s16+$0x9400] =	vst v1  }
0x58: {  	v3 =	vld.idx.msk [tilespmem:v3+s3+$0x0], $0xffff  }
0x59: {  	[tilespmem:s12+$0x8380] =	vst v4;
	v4 =	vor.u32 $0xE, v6  }
0x5a: {  	v1 =	vshll.u32 v8, $0x5;
	v5 =	vld.idx.msk [tilespmem:v5+s3+$0x0], $0xffff  }
0x5b: {  	[tilespmem:s13+$0x9200] =	vst v7;
	v7 =	vor.u32 $0x5, v0  }
0x5c: {  	v8 =	vld.idx.msk [tilespmem:v9+s3+$0x0], $0xffff  }
0x5d: {  	[tilespmem:s16+$0x9480] =	vst v3;
	v3 =	vor.u32 $0xA, v2  }
0x5e: {  	v4 =	vld.idx.msk [tilespmem:v4+s3+$0x0], $0xffff  }
0x5f: {  	v9 =	vld.idx.msk [tilespmem:v1+s3+$0x0], $0xffff;
	[tilespmem:s12+$0x8400] =	vst v5;
	v5 =	vor.u32 $0xF, v6  }
0x60: {  	v10 =	vor.u32 $0x1, v1;
	v7 =	vld.idx.msk [tilespmem:v7+s3+$0x0], $0xffff  }
0x61: {  	s28 =	simm.s32 $0x30;
	s20 =	simm.s32 $0x180;
	[tilespmem:s13+$0x9280] =	vst v8;
	v8 =	vor.u32 $0x6, v0  }
0x62: {  	s29 =	sand.u32 $0x70, s28;
	s30 =	sand.u32 $0xC00, s20;
	v3 =	vld.idx.msk [tilespmem:v3+s3+$0x0], $0xffff  }
0x63: {  	s14 =	sor.u32 s29, s30;
	[tilespmem:s16+$0x9500] =	vst v4;
	v4 =	vor.u32 $0xB, v2  }
0x64: {  	[tilespmem:s14+$0x8200] =	vst v9;
	v5 =	vld.idx.msk [tilespmem:v5+s3+$0x0], $0xffff  }
0x65: {  	v9 =	vld.idx.msk [tilespmem:v10+s3+$0x0], $0xffff;
	[tilespmem:s12+$0x8480] =	vst v7;
	v7 =	vor.u32 $0x10, v6  }
0x66: {  	v10 =	vor.u32 $0x2, v1;
	v8 =	vld.idx.msk [tilespmem:v8+s3+$0x0], $0xffff  }
0x67: {  	[tilespmem:s13+$0x9300] =	vst v3;
	v3 =	vor.u32 $0x7, v0  }
0x68: {  	v4 =	vld.idx.msk [tilespmem:v4+s3+$0x0], $0xffff  }
0x69: {  	[tilespmem:s16+$0x9580] =	vst v5;
	v5 =	vor.u32 $0xC, v2  }
0x6a: {  	[tilespmem:s14+$0x8280] =	vst v9;
	v7 =	vld.idx.msk [tilespmem:v7+s3+$0x0], $0xffff  }
0x6b: {  	v9 =	vld.idx.msk [tilespmem:v10+s3+$0x0], $0xffff;
	[tilespmem:s12+$0x8500] =	vst v8;
	v8 =	vor.u32 $0x11, v6  }
0x6c: {  	v10 =	vor.u32 $0x3, v1;
	v3 =	vld.idx.msk [tilespmem:v3+s3+$0x0], $0xffff  }
0x6d: {  	[tilespmem:s13+$0x9380] =	vst v4;
	v4 =	vor.u32 $0x8, v0  }
0x6e: {  	s31 =	simm.s32 $0x8040;
	v5 =	vld.idx.msk [tilespmem:v5+s3+$0x0], $0xffff  }
0x6f: {  	s15 =	sor.u32 s18, s15;
	v11 =	vld [tilespmem:s31+$0x0];
	[tilespmem:s16+$0xA200] =	vst v7;
	v7 =	vor.u32 $0xD, v2  }
0x70: {  	s15 =	sor.u32 $0x380, s15;
	[tilespmem:s14+$0x8300] =	vst v9;
	v8 =	vld.idx.msk [tilespmem:v8+s3+$0x0], $0xffff  }
0x71: {  	v9 =	vld.idx.msk [tilespmem:v10+s3+$0x0], $0xffff;
	[tilespmem:s15+$0x8200] =	vst v3;
	v3 =	vor.u32 $0x12, v6  }
0x72: {  	v10 =	vor.u32 $0x4, v1;
	v4 =	vld.idx.msk [tilespmem:v4+s3+$0x0], $0xffff  }
0x73: {  	[tilespmem:s13+$0x9400] =	vst v5;
	v5 =	vor.u32 $0x9, v0  }
0x74: {  	v7 =	vld.idx.msk [tilespmem:v7+s3+$0x0], $0xffff  }
0x75: {  	[tilespmem:s16+$0xA280] =	vst v8;
	v8 =	vor.u32 $0xE, v2  }
0x76: {  	[tilespmem:s14+$0x8380] =	vst v9;
	v9 =	vld.idx.msk [tilespmem:v3+s3+$0x0], $0xffff;
	v3 =	vshll.u32 v11, $0x5  }
0x77: {  	v10 =	vld.idx.msk [tilespmem:v10+s3+$0x0], $0xffff;
	[tilespmem:s12+$0x9200] =	vst v4;
	v4 =	vor.u32 $0x13, v6  }
0x78: {  	v11 =	vor.u32 $0x5, v1;
	v5 =	vld.idx.msk [tilespmem:v5+s3+$0x0], $0xffff  }
0x79: {  	[tilespmem:s13+$0x9480] =	vst v7;
	v7 =	vor.u32 $0xA, v0  }
0x7a: {  	v8 =	vld.idx.msk [tilespmem:v8+s3+$0x0], $0xffff  }
0x7b: {  	v12 =	vld.idx.msk [tilespmem:v3+s3+$0x0], $0xffff;
	[tilespmem:s16+$0xA300] =	vst v9;
	v9 =	vor.u32 $0xF, v2  }
0x7c: {  	[tilespmem:s14+$0x8400] =	vst v10;
	v10 =	vor.u32 $0x1, v3;
	v4 =	vld.idx.msk [tilespmem:v4+s3+$0x0], $0xffff  }
0x7d: {  	s24 =	simm.s32 $0x200;
	s19 =	simm.s32 $0x40;
	v11 =	vld.idx.msk [tilespmem:v11+s3+$0x0], $0xffff;
	[tilespmem:s12+$0x9280] =	vst v5;
	v5 =	vor.u32 $0x14, v6  }
0x7e: {  	s21 =	sand.u32 $0xC00, s24;
	s25 =	sand.u32 $0x70, s19;
	v13 =	vor.u32 $0x6, v1;
	v7 =	vld.idx.msk [tilespmem:v7+s3+$0x0], $0xffff  }
0x7f: {  	s15 =	sor.u32 s25, s21;
	[tilespmem:s13+$0x9500] =	vst v8;
	v8 =	vor.u32 $0xB, v0  }
0x80: {  	[tilespmem:s15+$0x8200] =	vst v12;
	v9 =	vld.idx.msk [tilespmem:v9+s3+$0x0], $0xffff  }
0x81: {  	v10 =	vld.idx.msk [tilespmem:v10+s3+$0x0], $0xffff;
	[tilespmem:s16+$0xA380] =	vst v4;
	v4 =	vor.u32 $0x10, v2  }
0x82: {  	[tilespmem:s14+$0x8480] =	vst v11;
	v11 =	vor.u32 $0x2, v3;
	v5 =	vld.idx.msk [tilespmem:v5+s3+$0x0], $0xffff  }
0x83: {  	v12 =	vld.idx.msk [tilespmem:v13+s3+$0x0], $0xffff;
	[tilespmem:s12+$0x9300] =	vst v7;
	v7 =	vor.u32 $0x15, v6  }
0x84: {  	v13 =	vor.u32 $0x7, v1;
	v8 =	vld.idx.msk [tilespmem:v8+s3+$0x0], $0xffff  }
0x85: {  	[tilespmem:s13+$0x9580] =	vst v9;
	v9 =	vor.u32 $0xC, v0  }
0x86: {  	[tilespmem:s15+$0x8280] =	vst v10;
	v4 =	vld.idx.msk [tilespmem:v4+s3+$0x0], $0xffff  }
0x87: {  	v10 =	vld.idx.msk [tilespmem:v11+s3+$0x0], $0xffff;
	[tilespmem:s16+$0xA400] =	vst v5;
	v5 =	vor.u32 $0x11, v2  }
0x88: {  	[tilespmem:s14+$0x8500] =	vst v12;
	v11 =	vor.u32 $0x3, v3;
	v7 =	vld.idx.msk [tilespmem:v7+s3+$0x0], $0xffff  }
0x89: {  	v12 =	vld.idx.msk [tilespmem:v13+s3+$0x0], $0xffff;
	[tilespmem:s12+$0x9380] =	vst v8;
	v8 =	vor.u32 $0x16, v6  }
0x8a: {  	s26 =	simm.s32 $0x8050;
	v13 =	vor.u32 $0x8, v1;
	v9 =	vld.idx.msk [tilespmem:v9+s3+$0x0], $0xffff  }
0x8b: {  	v14 =	vld [tilespmem:s26+$0x0];
	[tilespmem:s13+$0xA200] =	vst v4;
	v4 =	vor.u32 $0xD, v0  }
0x8c: {  	s17 =	sor.u32 s20, s28;
	[tilespmem:s15+$0x8300] =	vst v10;
	v5 =	vld.idx.msk [tilespmem:v5+s3+$0x0], $0xffff  }
0x8d: {  	s17 =	sor.u32 $0x380, s17;
	v10 =	vld.idx.msk [tilespmem:v11+s3+$0x0], $0xffff;
	[tilespmem:s16+$0xA480] =	vst v7;
	v7 =	vor.u32 $0x12, v2  }
0x8e: {  	[tilespmem:s17+$0x8200] =	vst v12;
	v11 =	vor.u32 $0x4, v3;
	v8 =	vld.idx.msk [tilespmem:v8+s3+$0x0], $0xffff  }
0x8f: {  	v12 =	vld.idx.msk [tilespmem:v13+s3+$0x0], $0xffff;
	[tilespmem:s12+$0x9400] =	vst v9;
	v9 =	vor.u32 $0x17, v6  }
0x90: {  	s28 =	simm.s32 $0x8060;
	v13 =	vor.u32 $0x9, v1;
	v15 =	vld.idx.msk [tilespmem:v4+s3+$0x0], $0xffff  }
0x91: {  	v16 =	vld [tilespmem:s28+$0x0];
	[tilespmem:s13+$0xA280] =	vst v5;
	v5 =	vor.u32 $0xE, v0  }
0x92: {  	v4 =	vshll.u32 v14, $0x5;
	[tilespmem:s15+$0x8380] =	vst v10;
	v7 =	vld.idx.msk [tilespmem:v7+s3+$0x0], $0xffff  }
0x93: {  	v10 =	vld.idx.msk [tilespmem:v11+s3+$0x0], $0xffff;
	[tilespmem:s16+$0xA500] =	vst v8;
	v8 =	vor.u32 $0x13, v2  }
0x94: {  	[tilespmem:s14+$0x9200] =	vst v12;
	v11 =	vor.u32 $0x5, v3;
	v9 =	vld.idx.msk [tilespmem:v9+s3+$0x0], $0xffff  }
0x95: {  	v12 =	vld.idx.msk [tilespmem:v13+s3+$0x0], $0xffff;
	v13 =	vor.u32 $0x18, v6;
	[tilespmem:s12+$0x9480] =	vst v15  }
0x96: {  	v14 =	vor.u32 $0xA, v1;
	v5 =	vld.idx.msk [tilespmem:v5+s3+$0x0], $0xffff  }
0x97: {  	v15 =	vld.idx.msk [tilespmem:v4+s3+$0x0], $0xffff;
	[tilespmem:s13+$0xA300] =	vst v7;
	v7 =	vor.u32 $0xF, v0  }
0x98: {  	[tilespmem:s15+$0x8400] =	vst v10;
	v8 =	vld.idx.msk [tilespmem:v8+s3+$0x0], $0xffff;
	v10 =	vor.u32 $0x1, v4  }
0x99: {  	s22 =	simm.s32 $0x50;
	s23 =	simm.s32 $0x280;
	v11 =	vld.idx.msk [tilespmem:v11+s3+$0x0], $0xffff;
	[tilespmem:s16+$0xA580] =	vst v9;
	v9 =	vor.u32 $0x14, v2  }
0x9a: {  	s29 =	sand.u32 $0x70, s22;
	s30 =	sand.u32 $0xC00, s23;
	[tilespmem:s14+$0x9280] =	vst v12;
	v12 =	vld.idx.msk [tilespmem:v13+s3+$0x0], $0xffff;
	v13 =	vor.u32 $0x6, v3  }
0x9b: {  	s17 =	sor.u32 s29, s30;
	v14 =	vld.idx.msk [tilespmem:v14+s3+$0x0], $0xffff;
	[tilespmem:s12+$0x9500] =	vst v5;
	v5 =	vor.u32 $0x19, v6  }
0x9c: {  	[tilespmem:s17+$0x8200] =	vst v15;
	v15 =	vor.u32 $0xB, v1;
	v7 =	vld.idx.msk [tilespmem:v7+s3+$0x0], $0xffff  }
0x9d: {  	v10 =	vld.idx.msk [tilespmem:v10+s3+$0x0], $0xffff;
	[tilespmem:s13+$0xA380] =	vst v8;
	v8 =	vor.u32 $0x10, v0  }
0x9e: {  	[tilespmem:s15+$0x8480] =	vst v11;
	v9 =	vld.idx.msk [tilespmem:v9+s3+$0x0], $0xffff;
	v11 =	vor.u32 $0x2, v4  }
0x9f: {  	v13 =	vld.idx.msk [tilespmem:v13+s3+$0x0], $0xffff;
	[tilespmem:s16+$0xB200] =	vst v12;
	v12 =	vor.u32 $0x15, v2  }
0xa0: {  	[tilespmem:s14+$0x9300] =	vst v14;
	v14 =	vor.u32 $0x7, v3;
	v5 =	vld.idx.msk [tilespmem:v5+s3+$0x0], $0xffff  }
0xa1: {  	v15 =	vld.idx.msk [tilespmem:v15+s3+$0x0], $0xffff;
	[tilespmem:s12+$0x9580] =	vst v7;
	v7 =	vor.u32 $0x1A, v6  }
0xa2: {  	[tilespmem:s17+$0x8280] =	vst v10;
	v10 =	vor.u32 $0xC, v1;
	v8 =	vld.idx.msk [tilespmem:v8+s3+$0x0], $0xffff  }
0xa3: {  	v11 =	vld.idx.msk [tilespmem:v11+s3+$0x0], $0xffff;
	[tilespmem:s13+$0xA400] =	vst v9;
	v9 =	vor.u32 $0x11, v0  }
0xa4: {  	[tilespmem:s15+$0x8500] =	vst v13;
	v12 =	vld.idx.msk [tilespmem:v12+s3+$0x0], $0xffff;
	v13 =	vor.u32 $0x3, v4  }
0xa5: {  	v14 =	vld.idx.msk [tilespmem:v14+s3+$0x0], $0xffff;
	[tilespmem:s16+$0xB280] =	vst v5;
	v5 =	vor.u32 $0x16, v2  }
0xa6: {  	[tilespmem:s14+$0x9380] =	vst v15;
	v15 =	vor.u32 $0x8, v3;
	v7 =	vld.idx.msk [tilespmem:v7+s3+$0x0], $0xffff  }
0xa7: {  	v10 =	vld.idx.msk [tilespmem:v10+s3+$0x0], $0xffff;
	[tilespmem:s12+$0xA200] =	vst v8  }
0xa8: {  	s18 =	sor.u32 s24, s19;
	v8 =	vor.u32 $0x1B, v6;
	[tilespmem:s17+$0x8300] =	vst v11;
	v9 =	vld.idx.msk [tilespmem:v9+s3+$0x0], $0xffff  }
0xa9: {  	s18 =	sor.u32 $0x380, s18;
	v11 =	vor.u32 $0xD, v1;
	v13 =	vld.idx.msk [tilespmem:v13+s3+$0x0], $0xffff;
	[tilespmem:s13+$0xA480] =	vst v12  }
0xaa: {  	v12 =	vor.u32 $0x12, v0;
	[tilespmem:s18+$0x8200] =	vst v14;
	v14 =	vld.idx.msk [tilespmem:v5+s3+$0x0], $0xffff  }
0xab: {  	s19 =	simm.s32 $0x8070;
	v17 =	vor.u32 $0x4, v4;
	v15 =	vld.idx.msk [tilespmem:v15+s3+$0x0], $0xffff;
	[tilespmem:s16+$0xB300] =	vst v7  }
0xac: {  	v7 =	vld [tilespmem:s19+$0x0];
	[tilespmem:s14+$0x9400] =	vst v10;
	v10 =	vor.u32 $0x17, v2  }
0xad: {  	v18 =	vor.u32 $0x9, v3;
	v8 =	vld.idx.msk [tilespmem:v8+s3+$0x0], $0xffff  }
0xae: {  	v5 =	vshll.u32 v16, $0x5;
	v11 =	vld.idx.msk [tilespmem:v11+s3+$0x0], $0xffff;
	[tilespmem:s12+$0xA280] =	vst v9  }
0xaf: {  	v9 =	vor.u32 $0x1C, v6;
	[tilespmem:s17+$0x8380] =	vst v13;
	v12 =	vld.idx.msk [tilespmem:v12+s3+$0x0], $0xffff  }
0xb0: {  	v13 =	vor.u32 $0xE, v1;
	v16 =	vld.idx.msk [tilespmem:v17+s3+$0x0], $0xffff;
	[tilespmem:s13+$0xA500] =	vst v14  }
0xb1: {  	v14 =	vor.u32 $0x13, v0;
	[tilespmem:s15+$0x9200] =	vst v15;
	v10 =	vld.idx.msk [tilespmem:v10+s3+$0x0], $0xffff  }
0xb2: {  	v15 =	vor.u32 $0x5, v4;
	v17 =	vld.idx.msk [tilespmem:v18+s3+$0x0], $0xffff  }
0xb3: {  	[tilespmem:s16+$0xB380] =	vst v8;
	v8 =	vor.u32 $0x18, v2;
	v18 =	vld.idx.msk [tilespmem:v5+s3+$0x0], $0xffff  }
0xb4: {  	[tilespmem:s14+$0x9480] =	vst v11;
	v9 =	vld.idx.msk [tilespmem:v9+s3+$0x0], $0xffff;
	v11 =	vor.u32 $0xA, v3  }
0xb5: {  	v19 =	vor.u32 $0x1, v5;
	v13 =	vld.idx.msk [tilespmem:v13+s3+$0x0], $0xffff;
	[tilespmem:s12+$0xA300] =	vst v12  }
0xb6: {  	s20 =	simm.s32 $0x60;
	s21 =	simm.s32 $0x300;
	v12 =	vor.u32 $0x1D, v6;
	[tilespmem:s17+$0x8400] =	vst v16;
	v14 =	vld.idx.msk [tilespmem:v14+s3+$0x0], $0xffff  }
0xb7: {  	s31 =	sand.u32 $0x70, s20;
	s24 =	sand.u32 $0xC00, s21;
	v16 =	vor.u32 $0xF, v1;
	v15 =	vld.idx.msk [tilespmem:v15+s3+$0x0], $0xffff;
	[tilespmem:s13+$0xA580] =	vst v10  }
0xb8: {  	s18 =	sor.u32 s31, s24;
	[tilespmem:s15+$0x9280] =	vst v17;
	v10 =	vor.u32 $0x14, v0;
	v8 =	vld.idx.msk [tilespmem:v8+s3+$0x0], $0xffff  }
0xb9: {  	v17 =	vor.u32 $0x6, v4;
	[tilespmem:s18+$0x8200] =	vst v18;
	v11 =	vld.idx.msk [tilespmem:v11+s3+$0x0], $0xffff  }
0xba: {  	[tilespmem:s16+$0xB400] =	vst v9;
	v9 =	vor.u32 $0x19, v2;
	v18 =	vld.idx.msk [tilespmem:v19+s3+$0x0], $0xffff  }
0xbb: {  	[tilespmem:s14+$0x9500] =	vst v13;
	v12 =	vld.idx.msk [tilespmem:v12+s3+$0x0], $0xffff;
	v13 =	vor.u32 $0xB, v3  }
0xbc: {  	v19 =	vor.u32 $0x2, v5;
	v16 =	vld.idx.msk [tilespmem:v16+s3+$0x0], $0xffff;
	[tilespmem:s12+$0xA380] =	vst v14  }
0xbd: {  	v14 =	vor.u32 $0x1E, v6;
	[tilespmem:s17+$0x8480] =	vst v15;
	v10 =	vld.idx.msk [tilespmem:v10+s3+$0x0], $0xffff  }
0xbe: {  	v15 =	vor.u32 $0x10, v1;
	v17 =	vld.idx.msk [tilespmem:v17+s3+$0x0], $0xffff;
	[tilespmem:s13+$0xB200] =	vst v8  }
0xbf: {  	[tilespmem:s15+$0x9300] =	vst v11;
	v8 =	vor.u32 $0x15, v0;
	v9 =	vld.idx.msk [tilespmem:v9+s3+$0x0], $0xffff  }
0xc0: {  	v11 =	vor.u32 $0x7, v4;
	[tilespmem:s18+$0x8280] =	vst v18;
	v13 =	vld.idx.msk [tilespmem:v13+s3+$0x0], $0xffff  }
0xc1: {  	[tilespmem:s16+$0xB480] =	vst v12;
	v12 =	vor.u32 $0x1A, v2;
	v18 =	vld.idx.msk [tilespmem:v19+s3+$0x0], $0xffff  }
0xc2: {  	[tilespmem:s14+$0x9580] =	vst v16;
	v14 =	vld.idx.msk [tilespmem:v14+s3+$0x0], $0xffff;
	v16 =	vor.u32 $0xC, v3  }
0xc3: {  	v19 =	vor.u32 $0x3, v5;
	v15 =	vld.idx.msk [tilespmem:v15+s3+$0x0], $0xffff;
	[tilespmem:s12+$0xA400] =	vst v10  }
0xc4: {  	v6 =	vor.u32 $0x1F, v6;
	[tilespmem:s17+$0x8500] =	vst v17;
	v17 =	vld.idx.msk [tilespmem:v8+s3+$0x0], $0xffff  }
0xc5: {  	v10 =	vor.u32 $0x11, v1;
	v20 =	vld.idx.msk [tilespmem:v11+s3+$0x0], $0xffff;
	[tilespmem:s13+$0xB280] =	vst v9  }
0xc6: {  	[tilespmem:s15+$0x9380] =	vst v13;
	v9 =	vor.u32 $0x16, v0;
	v21 =	vld.idx.msk [tilespmem:v12+s3+$0x0], $0xffff  }
0xc7: {  	v22 =	vor.u32 $0x8, v4;
	[tilespmem:s18+$0x8300] =	vst v18;
	v13 =	vld.idx.msk [tilespmem:v16+s3+$0x0], $0xffff  }
0xc8: {  	v11 =	vor.u32 $0x1B, v2;
	[tilespmem:s16+$0xB500] =	vst v14;
	v16 =	vld.idx.msk [tilespmem:v19+s3+$0x0], $0xffff  }
0xc9: {  	s22 =	sor.u32 s23, s22;
	v14 =	vor.u32 $0xD, v3;
	[tilespmem:s14+$0xA200] =	vst v15;
	v12 =	vld.idx.msk [tilespmem:v6+s3+$0x0], $0xffff  }
0xca: {  	s22 =	sor.u32 $0x380, s22;
	v8 =	vld.idx.msk [tilespmem:v10+s3+$0x0], $0xffff;
	[tilespmem:s12+$0xA480] =	vst v17  }
0xcb: {  	v10 =	vor.u32 $0x12, v1;
	[tilespmem:s22+$0x8200] =	vst v20;
	v9 =	vld.idx.msk [tilespmem:v9+s3+$0x0], $0xffff  }
0xcc: {  	s23 =	simm.s32 $0x300;
	s24 =	simm.s32 $0x80;
	s22 =	simm.s32 $0x70;
	v17 =	vor.u32 $0x4, v5;
	v15 =	vld.idx.msk [tilespmem:v22+s3+$0x0], $0xffff;
	[tilespmem:s13+$0xB300] =	vst v21  }
.LBB2_2:
0xcd: {  	p0 =	sne.s32 s24, $0x1F0;
	[tilespmem:s15+$0x9400] =	vst v13;
	v6 =	vor.u32 $0x17, v0;
	v11 =	vld.idx.msk [tilespmem:v11+s3+$0x0], $0xffff  }
0xce: {  	s19 =	sadd.s32 $0x10, s19;
	v13 =	vor.u32 $0x9, v4;
	v14 =	vld.idx.msk [tilespmem:v14+s3+$0x0], $0xffff;
	[tilespmem:s16+$0xB580] =	vst v12;
	s16 =	smov.u32 s13;
	s13 =	smov.u32 s12  }
0xcf: {  	s12 =	smov.u32 s14;
	v12 =	vld [tilespmem:s19+$0x0];
	[tilespmem:s14+$0xA280] =	vst v8;
	v8 =	vor.u32 $0x1C, v2;
	s14 =	smov.u32 s15;
	s15 =	smov.u32 s17  }
0xd0: {  	s17 =	smov.u32 s18;
	[tilespmem:s18+$0x8380] =	vst v16;
	v16 =	vor.u32 $0xE, v3;
	v10 =	vld.idx.msk [tilespmem:v10+s3+$0x0], $0xffff  }
0xd1: {  	v18 =	vshll.u32 v7, $0x5;
	v17 =	vld.idx.msk [tilespmem:v17+s3+$0x0], $0xffff;
	[tilespmem:s13+$0xA500] =	vst v9  }
0xd2: {  	v9 =	vor.u32 $0x13, v1;
	[tilespmem:s15+$0x9200] =	vst v15;
	v6 =	vld.idx.msk [tilespmem:v6+s3+$0x0], $0xffff  }
0xd3: {  	v15 =	vor.u32 $0x5, v5;
	v13 =	vld.idx.msk [tilespmem:v13+s3+$0x0], $0xffff;
	[tilespmem:s16+$0xB380] =	vst v11  }
0xd4: {  	v11 =	vor.u32 $0x18, v0;
	[tilespmem:s14+$0x9480] =	vst v14;
	v8 =	vld.idx.msk [tilespmem:v8+s3+$0x0], $0xffff;
	v7 =	vmov v12  }
0xd5: {  	v12 =	vor.u32 $0xA, v4;
	v14 =	vld.idx.msk [tilespmem:v16+s3+$0x0], $0xffff  }
0xd6: {  	v16 =	vld.idx.msk [tilespmem:v18+s3+$0x0], $0xffff;
	[tilespmem:s12+$0xA300] =	vst v10;
	v10 =	vor.u32 $0x1D, v2  }
0xd7: {  	[tilespmem:s17+$0x8400] =	vst v17;
	v17 =	vor.u32 $0xF, v3;
	v9 =	vld.idx.msk [tilespmem:v9+s3+$0x0], $0xffff  }
0xd8: {  	v19 =	vor.u32 $0x1, v18;
	v15 =	vld.idx.msk [tilespmem:v15+s3+$0x0], $0xffff;
	[tilespmem:s13+$0xA580] =	vst v6  }
0xd9: {  	s21 =	sadd.s32 $0x80, s21;
	v6 =	vor.u32 $0x14, v1;
	[tilespmem:s15+$0x9280] =	vst v13;
	v11 =	vld.idx.msk [tilespmem:v11+s3+$0x0], $0xffff  }
0xda: {  	s25 =	sand.u32 $0xC00, s21;
	s18 =	sand.u32 $0x70, s22;
	v13 =	vor.u32 $0x6, v5;
	v12 =	vld.idx.msk [tilespmem:v12+s3+$0x0], $0xffff;
	[tilespmem:s16+$0xB400] =	vst v8  }
0xdb: {  	s18 =	sor.u32 s18, s25;
	v8 =	vor.u32 $0x19, v0;
	[tilespmem:s14+$0x9500] =	vst v14;
	v10 =	vld.idx.msk [tilespmem:v10+s3+$0x0], $0xffff  }
0xdc: {  	v14 =	vor.u32 $0xB, v4;
	[tilespmem:s18+$0x8200] =	vst v16;
	v16 =	vld.idx.msk [tilespmem:v17+s3+$0x0], $0xffff  }
0xdd: {  	v17 =	vld.idx.msk [tilespmem:v19+s3+$0x0], $0xffff;
	[tilespmem:s12+$0xA380] =	vst v9;
	v9 =	vor.u32 $0x1E, v2  }
0xde: {  	[tilespmem:s17+$0x8480] =	vst v15;
	v15 =	vor.u32 $0x10, v3;
	v6 =	vld.idx.msk [tilespmem:v6+s3+$0x0], $0xffff  }
0xdf: {  	v19 =	vor.u32 $0x2, v18;
	v13 =	vld.idx.msk [tilespmem:v13+s3+$0x0], $0xffff;
	[tilespmem:s13+$0xB200] =	vst v11  }
0xe0: {  	v11 =	vor.u32 $0x15, v1;
	[tilespmem:s15+$0x9300] =	vst v12;
	v8 =	vld.idx.msk [tilespmem:v8+s3+$0x0], $0xffff  }
0xe1: {  	v12 =	vor.u32 $0x7, v5;
	v14 =	vld.idx.msk [tilespmem:v14+s3+$0x0], $0xffff;
	[tilespmem:s16+$0xB480] =	vst v10  }
0xe2: {  	v10 =	vor.u32 $0x1A, v0;
	[tilespmem:s14+$0x9580] =	vst v16;
	v9 =	vld.idx.msk [tilespmem:v9+s3+$0x0], $0xffff  }
0xe3: {  	v16 =	vor.u32 $0xC, v4;
	[tilespmem:s18+$0x8280] =	vst v17;
	v15 =	vld.idx.msk [tilespmem:v15+s3+$0x0], $0xffff  }
0xe4: {  	v17 =	vld.idx.msk [tilespmem:v19+s3+$0x0], $0xffff;
	[tilespmem:s12+$0xA400] =	vst v6;
	v6 =	vor.u32 $0x1F, v2;
	v2 =	vmovc v0;
	v0 =	vmovc v1;
	v1 =	vmov v3;
	v3 =	vmov v4  }
0xe5: {  	v4 =	vmov v5;
	v5 =	vmov v18;
	[tilespmem:s17+$0x8500] =	vst v13;
	v19 =	vor.u32 $0x11, v1;
	v20 =	vld.idx.msk [tilespmem:v11+s3+$0x0], $0xffff  }
0xe6: {  	v18 =	vor.u32 $0x3, v5;
	v21 =	vld.idx.msk [tilespmem:v12+s3+$0x0], $0xffff;
	[tilespmem:s13+$0xB280] =	vst v8  }
0xe7: {  	v22 =	vor.u32 $0x16, v0;
	[tilespmem:s15+$0x9380] =	vst v14;
	v23 =	vld.idx.msk [tilespmem:v10+s3+$0x0], $0xffff  }
0xe8: {  	v24 =	vor.u32 $0x8, v4;
	v13 =	vld.idx.msk [tilespmem:v16+s3+$0x0], $0xffff;
	[tilespmem:s16+$0xB500] =	vst v9  }
.Ltmp0:
0xe9: {  	v11 =	vor.u32 $0x1B, v2;
	[tilespmem:s14+$0xA200] =	vst v15;
	v12 =	vld.idx.msk [tilespmem:v6+s3+$0x0], $0xffff;
	(pc) =	sbr.rel @p0 .LBB2_2-.Ltmp0, $4  }
0xea: {  	s25 =	sor.u32 s23, s20;
	s23 =	smov.u32 s21;
	s20 =	smov.u32 s22;
	v14 =	vor.u32 $0xD, v3;
	[tilespmem:s18+$0x8300] =	vst v17;
	v8 =	vld.idx.msk [tilespmem:v19+s3+$0x0], $0xffff  }
0xeb: {  	s22 =	smov.u32 s24;
	s25 =	sor.u32 $0x380, s25;
	v16 =	vld.idx.msk [tilespmem:v18+s3+$0x0], $0xffff;
	[tilespmem:s12+$0xA480] =	vst v20  }
0xec: {  	v10 =	vor.u32 $0x12, v1;
	[tilespmem:s25+$0x8200] =	vst v21;
	v9 =	vld.idx.msk [tilespmem:v22+s3+$0x0], $0xffff  }
0xed: {  	s24 =	sadd.s32 $0x10, s24;
	v17 =	vor.u32 $0x4, v5;
	v15 =	vld.idx.msk [tilespmem:v24+s3+$0x0], $0xffff;
	[tilespmem:s13+$0xB300] =	vst v23  }
0xee: {  	v6 =	vshll.u32 v7, $0x5;
	_ =	sdelay $0x4  }
0xef: {  	v7 =	vld.idx.msk [tilespmem:v6+s3+$0x0], $0xffff  }
0xf0: {  	v18 =	vor.u32 $0x1, v6  }
0xf1: {  	s21 =	sadd.s32 $0x80, s21  }
0xf2: {  	s19 =	sand.u32 $0x70, s22;
	s24 =	sand.u32 $0xC00, s21  }
0xf3: {  	s19 =	sor.u32 s19, s24  }
0xf4: {  	[tilespmem:s19+$0x8200] =	vst v7  }
0xf5: {  	v7 =	vld.idx.msk [tilespmem:v18+s3+$0x0], $0xffff  }
0xf6: {  	v55 =	vor.u32 $0x2, v6;
	_ =	sdelay $0x3  }
0xf7: {  	[tilespmem:s19+$0x8280] =	vst v7  }
0xf8: {  	v7 =	vld.idx.msk [tilespmem:v55+s3+$0x0], $0xffff  }
0xf9: {  	v56 =	vor.u32 $0x3, v6;
	_ =	sdelay $0x3  }
0xfa: {  	[tilespmem:s19+$0x8300] =	vst v7  }
0xfb: {  	v7 =	vld.idx.msk [tilespmem:v56+s3+$0x0], $0xffff  }
0xfc: {  	v57 =	vor.u32 $0x4, v6;
	_ =	sdelay $0x2  }
0xfd: {  	[tilespmem:s18+$0x8380] =	vst v16  }
0xfe: {  	v16 =	vld.idx.msk [tilespmem:v17+s3+$0x0], $0xffff;
	[tilespmem:s19+$0x8380] =	vst v7  }
0xff: {  	v58 =	vor.u32 $0x5, v5;
	v59 =	vld.idx.msk [tilespmem:v57+s3+$0x0], $0xffff  }
0x100: {  	v60 =	vor.u32 $0x5, v6;
	_ =	sdelay $0x2  }
0x101: {  	[tilespmem:s18+$0x8400] =	vst v16  }
0x102: {  	v7 =	vld.idx.msk [tilespmem:v58+s3+$0x0], $0xffff;
	[tilespmem:s19+$0x8400] =	vst v59  }
0x103: {  	v61 =	vor.u32 $0x6, v5;
	v17 =	vld.idx.msk [tilespmem:v60+s3+$0x0], $0xffff  }
0x104: {  	v62 =	vor.u32 $0x6, v6;
	_ =	sdelay $0x2  }
0x105: {  	[tilespmem:s18+$0x8480] =	vst v7  }
0x106: {  	v7 =	vld.idx.msk [tilespmem:v61+s3+$0x0], $0xffff;
	[tilespmem:s19+$0x8480] =	vst v17  }
0x107: {  	v63 =	vor.u32 $0x7, v5;
	v17 =	vld.idx.msk [tilespmem:v62+s3+$0x0], $0xffff  }
0x108: {  	v21 =	vor.u32 $0x7, v6;
	_ =	sdelay $0x2  }
0x109: {  	[tilespmem:s18+$0x8500] =	vst v7  }
0x10a: {  	v7 =	vld.idx.msk [tilespmem:v63+s3+$0x0], $0xffff;
	[tilespmem:s19+$0x8500] =	vst v17  }
0x10b: {  	v22 =	vor.u32 $0x8, v5;
	v17 =	vld.idx.msk [tilespmem:v21+s3+$0x0], $0xffff  }
0x10c: {  	v23 =	vor.u32 $0x8, v6  }
0x10d: {  	s20 =	sor.u32 s23, s20  }
0x10e: {  	s20 =	sor.u32 $0x380, s20;
	s21 =	sor.u32 s21, s22  }
0x10f: {  	s31 =	sor.u32 $0x380, s21;
	[tilespmem:s20+$0x8200] =	vst v7  }
0x110: {  	v24 =	vor.u32 $0x9, v4;
	v16 =	vld.idx.msk [tilespmem:v22+s3+$0x0], $0xffff;
	[tilespmem:s31+$0x8200] =	vst v17  }
0x111: {  	v25 =	vor.u32 $0x9, v5;
	v18 =	vld.idx.msk [tilespmem:v23+s3+$0x0], $0xffff  }
0x112: {  	v19 =	vor.u32 $0x9, v6;
	_ =	sdelay $0x1  }
0x113: {  	[tilespmem:s17+$0x9200] =	vst v15  }
0x114: {  	v7 =	vld.idx.msk [tilespmem:v24+s3+$0x0], $0xffff;
	[tilespmem:s18+$0x9200] =	vst v16  }
0x115: {  	v26 =	vor.u32 $0xA, v4;
	v16 =	vld.idx.msk [tilespmem:v25+s3+$0x0], $0xffff;
	[tilespmem:s19+$0x9200] =	vst v18  }
0x116: {  	v27 =	vor.u32 $0xA, v5;
	v18 =	vld.idx.msk [tilespmem:v19+s3+$0x0], $0xffff  }
0x117: {  	v28 =	vor.u32 $0xA, v6;
	_ =	sdelay $0x1  }
0x118: {  	[tilespmem:s17+$0x9280] =	vst v7  }
0x119: {  	v7 =	vld.idx.msk [tilespmem:v26+s3+$0x0], $0xffff;
	[tilespmem:s18+$0x9280] =	vst v16  }
0x11a: {  	v29 =	vor.u32 $0xB, v4;
	v16 =	vld.idx.msk [tilespmem:v27+s3+$0x0], $0xffff;
	[tilespmem:s19+$0x9280] =	vst v18  }
0x11b: {  	v30 =	vor.u32 $0xB, v5;
	v18 =	vld.idx.msk [tilespmem:v28+s3+$0x0], $0xffff  }
0x11c: {  	v31 =	vor.u32 $0xB, v6;
	_ =	sdelay $0x1  }
0x11d: {  	[tilespmem:s17+$0x9300] =	vst v7  }
0x11e: {  	v7 =	vld.idx.msk [tilespmem:v29+s3+$0x0], $0xffff;
	[tilespmem:s18+$0x9300] =	vst v16  }
0x11f: {  	v32 =	vor.u32 $0xC, v4;
	v16 =	vld.idx.msk [tilespmem:v30+s3+$0x0], $0xffff;
	[tilespmem:s19+$0x9300] =	vst v18  }
0x120: {  	v33 =	vor.u32 $0xC, v5;
	v18 =	vld.idx.msk [tilespmem:v31+s3+$0x0], $0xffff  }
0x121: {  	v34 =	vor.u32 $0xC, v6;
	_ =	sdelay $0x1  }
0x122: {  	[tilespmem:s17+$0x9380] =	vst v7  }
0x123: {  	v7 =	vld.idx.msk [tilespmem:v32+s3+$0x0], $0xffff;
	[tilespmem:s18+$0x9380] =	vst v16  }
0x124: {  	v35 =	vor.u32 $0xD, v4;
	v16 =	vld.idx.msk [tilespmem:v33+s3+$0x0], $0xffff;
	[tilespmem:s19+$0x9380] =	vst v18  }
0x125: {  	v36 =	vor.u32 $0xD, v5;
	v18 =	vld.idx.msk [tilespmem:v34+s3+$0x0], $0xffff  }
0x126: {  	v37 =	vor.u32 $0xD, v6  }
0x127: {  	[tilespmem:s15+$0x9400] =	vst v13  }
0x128: {  	v13 =	vld.idx.msk [tilespmem:v14+s3+$0x0], $0xffff;
	[tilespmem:s17+$0x9400] =	vst v7  }
0x129: {  	v38 =	vor.u32 $0xE, v3;
	v39 =	vld.idx.msk [tilespmem:v35+s3+$0x0], $0xffff;
	[tilespmem:s18+$0x9400] =	vst v16  }
0x12a: {  	v40 =	vor.u32 $0xE, v4;
	v16 =	vld.idx.msk [tilespmem:v36+s3+$0x0], $0xffff;
	[tilespmem:s19+$0x9400] =	vst v18  }
0x12b: {  	v41 =	vor.u32 $0xE, v5;
	v18 =	vld.idx.msk [tilespmem:v37+s3+$0x0], $0xffff  }
0x12c: {  	v42 =	vor.u32 $0xE, v6  }
0x12d: {  	[tilespmem:s15+$0x9480] =	vst v13  }
0x12e: {  	v7 =	vld.idx.msk [tilespmem:v38+s3+$0x0], $0xffff;
	[tilespmem:s17+$0x9480] =	vst v39  }
0x12f: {  	v43 =	vor.u32 $0xF, v3;
	v14 =	vld.idx.msk [tilespmem:v40+s3+$0x0], $0xffff;
	[tilespmem:s18+$0x9480] =	vst v16  }
0x130: {  	v44 =	vor.u32 $0xF, v4;
	v16 =	vld.idx.msk [tilespmem:v41+s3+$0x0], $0xffff;
	[tilespmem:s19+$0x9480] =	vst v18  }
0x131: {  	v45 =	vor.u32 $0xF, v5;
	v18 =	vld.idx.msk [tilespmem:v42+s3+$0x0], $0xffff  }
0x132: {  	v46 =	vor.u32 $0xF, v6  }
0x133: {  	[tilespmem:s15+$0x9500] =	vst v7  }
0x134: {  	v7 =	vld.idx.msk [tilespmem:v43+s3+$0x0], $0xffff;
	[tilespmem:s17+$0x9500] =	vst v14  }
0x135: {  	v47 =	vor.u32 $0x10, v3;
	v14 =	vld.idx.msk [tilespmem:v44+s3+$0x0], $0xffff;
	[tilespmem:s18+$0x9500] =	vst v16  }
0x136: {  	v48 =	vor.u32 $0x10, v4;
	v16 =	vld.idx.msk [tilespmem:v45+s3+$0x0], $0xffff;
	[tilespmem:s19+$0x9500] =	vst v18  }
0x137: {  	v49 =	vor.u32 $0x10, v5;
	v18 =	vld.idx.msk [tilespmem:v46+s3+$0x0], $0xffff  }
0x138: {  	v50 =	vor.u32 $0x10, v6  }
0x139: {  	[tilespmem:s15+$0x9580] =	vst v7  }
0x13a: {  	v7 =	vld.idx.msk [tilespmem:v47+s3+$0x0], $0xffff;
	[tilespmem:s17+$0x9580] =	vst v14  }
0x13b: {  	v51 =	vor.u32 $0x11, v3;
	v14 =	vld.idx.msk [tilespmem:v48+s3+$0x0], $0xffff;
	[tilespmem:s18+$0x9580] =	vst v16  }
0x13c: {  	v52 =	vor.u32 $0x11, v4;
	v16 =	vld.idx.msk [tilespmem:v49+s3+$0x0], $0xffff;
	[tilespmem:s19+$0x9580] =	vst v18  }
0x13d: {  	v53 =	vor.u32 $0x11, v5;
	v18 =	vld.idx.msk [tilespmem:v50+s3+$0x0], $0xffff  }
0x13e: {  	[tilespmem:s16+$0xB580] =	vst v12;
	v54 =	vor.u32 $0x11, v6  }
0x13f: {  	[tilespmem:s15+$0xA200] =	vst v7  }
0x140: {  	v7 =	vld.idx.msk [tilespmem:v51+s3+$0x0], $0xffff;
	[tilespmem:s17+$0xA200] =	vst v14  }
0x141: {  	v55 =	vor.u32 $0x12, v3;
	v14 =	vld.idx.msk [tilespmem:v52+s3+$0x0], $0xffff;
	[tilespmem:s18+$0xA200] =	vst v16  }
0x142: {  	v56 =	vor.u32 $0x12, v4;
	v16 =	vld.idx.msk [tilespmem:v53+s3+$0x0], $0xffff;
	[tilespmem:s19+$0xA200] =	vst v18  }
0x143: {  	[tilespmem:s14+$0xA280] =	vst v8;
	v57 =	vor.u32 $0x12, v5;
	v12 =	vld.idx.msk [tilespmem:v54+s3+$0x0], $0xffff  }
0x144: {  	v11 =	vld.idx.msk [tilespmem:v11+s3+$0x0], $0xffff;
	[tilespmem:s12+$0xA500] =	vst v9;
	v58 =	vor.u32 $0x12, v6  }
0x145: {  	v10 =	vld.idx.msk [tilespmem:v10+s3+$0x0], $0xffff;
	v59 =	vor.u32 $0x17, v0;
	[tilespmem:s15+$0xA280] =	vst v7  }
0x146: {  	v60 =	vor.u32 $0x13, v1;
	v13 =	vld.idx.msk [tilespmem:v55+s3+$0x0], $0xffff;
	[tilespmem:s17+$0xA280] =	vst v14  }
0x147: {  	v61 =	vor.u32 $0x13, v3;
	v15 =	vld.idx.msk [tilespmem:v56+s3+$0x0], $0xffff;
	[tilespmem:s18+$0xA280] =	vst v16  }
0x148: {  	v62 =	vor.u32 $0x13, v4;
	v8 =	vld.idx.msk [tilespmem:v57+s3+$0x0], $0xffff;
	[tilespmem:s19+$0xA280] =	vst v12  }
0x149: {  	[tilespmem:s13+$0xB380] =	vst v11;
	v63 =	vor.u32 $0x13, v5;
	v9 =	vld.idx.msk [tilespmem:v58+s3+$0x0], $0xffff  }
0x14a: {  	[tilespmem:s14+$0xA300] =	vst v10;
	v20 =	vld.idx.msk [tilespmem:v59+s3+$0x0], $0xffff;
	v21 =	vor.u32 $0x13, v6  }
0x14b: {  	v22 =	vor.u32 $0x1C, v2;
	v7 =	vld.idx.msk [tilespmem:v60+s3+$0x0], $0xffff;
	[tilespmem:s15+$0xA300] =	vst v13  }
0x14c: {  	v23 =	vor.u32 $0x14, v1;
	v14 =	vld.idx.msk [tilespmem:v61+s3+$0x0], $0xffff;
	[tilespmem:s17+$0xA300] =	vst v15  }
0x14d: {  	v24 =	vor.u32 $0x14, v3;
	v16 =	vld.idx.msk [tilespmem:v62+s3+$0x0], $0xffff;
	[tilespmem:s18+$0xA300] =	vst v8  }
0x14e: {  	v25 =	vor.u32 $0x14, v4;
	v11 =	vld.idx.msk [tilespmem:v63+s3+$0x0], $0xffff;
	[tilespmem:s19+$0xA300] =	vst v9  }
0x14f: {  	[tilespmem:s12+$0xA580] =	vst v20;
	v26 =	vor.u32 $0x14, v5;
	v10 =	vld.idx.msk [tilespmem:v21+s3+$0x0], $0xffff  }
0x150: {  	v27 =	vld.idx.msk [tilespmem:v22+s3+$0x0], $0xffff;
	v28 =	vor.u32 $0x14, v6;
	[tilespmem:s14+$0xA380] =	vst v7  }
0x151: {  	v29 =	vor.u32 $0x18, v0;
	v13 =	vld.idx.msk [tilespmem:v23+s3+$0x0], $0xffff;
	[tilespmem:s15+$0xA380] =	vst v14  }
0x152: {  	v30 =	vor.u32 $0x15, v1;
	v15 =	vld.idx.msk [tilespmem:v24+s3+$0x0], $0xffff;
	[tilespmem:s17+$0xA380] =	vst v16  }
0x153: {  	v31 =	vor.u32 $0x15, v3;
	v8 =	vld.idx.msk [tilespmem:v25+s3+$0x0], $0xffff;
	[tilespmem:s18+$0xA380] =	vst v11  }
0x154: {  	v32 =	vor.u32 $0x15, v4;
	v9 =	vld.idx.msk [tilespmem:v26+s3+$0x0], $0xffff;
	[tilespmem:s19+$0xA380] =	vst v10  }
0x155: {  	[tilespmem:s13+$0xB400] =	vst v27;
	v33 =	vor.u32 $0x15, v5;
	v7 =	vld.idx.msk [tilespmem:v28+s3+$0x0], $0xffff  }
0x156: {  	v35 =	vor.u32 $0x15, v6;
	v34 =	vld.idx.msk [tilespmem:v29+s3+$0x0], $0xffff;
	[tilespmem:s14+$0xA400] =	vst v13  }
0x157: {  	v36 =	vor.u32 $0x1D, v2;
	v14 =	vld.idx.msk [tilespmem:v30+s3+$0x0], $0xffff;
	[tilespmem:s15+$0xA400] =	vst v15  }
0x158: {  	v37 =	vor.u32 $0x16, v1;
	v16 =	vld.idx.msk [tilespmem:v31+s3+$0x0], $0xffff;
	[tilespmem:s17+$0xA400] =	vst v8  }
0x159: {  	v38 =	vor.u32 $0x16, v3;
	v11 =	vld.idx.msk [tilespmem:v32+s3+$0x0], $0xffff;
	[tilespmem:s18+$0xA400] =	vst v9  }
0x15a: {  	v39 =	vor.u32 $0x16, v4;
	v10 =	vld.idx.msk [tilespmem:v33+s3+$0x0], $0xffff;
	[tilespmem:s19+$0xA400] =	vst v7  }
0x15b: {  	v40 =	vor.u32 $0x16, v5;
	[tilespmem:s12+$0xB200] =	vst v34;
	v41 =	vld.idx.msk [tilespmem:v35+s3+$0x0], $0xffff  }
0x15c: {  	v43 =	vor.u32 $0x16, v6;
	v42 =	vld.idx.msk [tilespmem:v36+s3+$0x0], $0xffff;
	[tilespmem:s14+$0xA480] =	vst v14  }
0x15d: {  	v44 =	vor.u32 $0x19, v0;
	v15 =	vld.idx.msk [tilespmem:v37+s3+$0x0], $0xffff;
	[tilespmem:s15+$0xA480] =	vst v16  }
0x15e: {  	v45 =	vor.u32 $0x17, v1;
	v8 =	vld.idx.msk [tilespmem:v38+s3+$0x0], $0xffff;
	[tilespmem:s17+$0xA480] =	vst v11  }
0x15f: {  	v46 =	vor.u32 $0x17, v3;
	v9 =	vld.idx.msk [tilespmem:v39+s3+$0x0], $0xffff;
	[tilespmem:s18+$0xA480] =	vst v10  }
0x160: {  	v47 =	vor.u32 $0x17, v4;
	v7 =	vld.idx.msk [tilespmem:v40+s3+$0x0], $0xffff;
	[tilespmem:s19+$0xA480] =	vst v41  }
0x161: {  	v48 =	vor.u32 $0x17, v5;
	[tilespmem:s13+$0xB480] =	vst v42;
	v49 =	vld.idx.msk [tilespmem:v43+s3+$0x0], $0xffff  }
0x162: {  	v51 =	vor.u32 $0x17, v6;
	v50 =	vld.idx.msk [tilespmem:v44+s3+$0x0], $0xffff;
	[tilespmem:s14+$0xA500] =	vst v15  }
0x163: {  	v60 =	vor.u32 $0x1A, v0;
	v16 =	vld.idx.msk [tilespmem:v45+s3+$0x0], $0xffff;
	[tilespmem:s15+$0xA500] =	vst v8  }
0x164: {  	v53 =	vor.u32 $0x18, v1;
	v11 =	vld.idx.msk [tilespmem:v46+s3+$0x0], $0xffff;
	[tilespmem:s17+$0xA500] =	vst v9  }
0x165: {  	v54 =	vor.u32 $0x18, v3;
	v10 =	vld.idx.msk [tilespmem:v47+s3+$0x0], $0xffff;
	[tilespmem:s18+$0xA500] =	vst v7  }
0x166: {  	v55 =	vor.u32 $0x18, v4;
	v12 =	vld.idx.msk [tilespmem:v48+s3+$0x0], $0xffff;
	[tilespmem:s19+$0xA500] =	vst v49  }
0x167: {  	v56 =	vor.u32 $0x18, v5;
	[tilespmem:s12+$0xB280] =	vst v50;
	v57 =	vld.idx.msk [tilespmem:v51+s3+$0x0], $0xffff  }
0x168: {  	v59 =	vor.u32 $0x18, v6;
	v22 =	vld.idx.msk [tilespmem:v60+s3+$0x0], $0xffff;
	[tilespmem:s14+$0xA580] =	vst v16  }
0x169: {  	v52 =	vor.u32 $0x1E, v2;
	v8 =	vld.idx.msk [tilespmem:v53+s3+$0x0], $0xffff;
	[tilespmem:s15+$0xA580] =	vst v11  }
0x16a: {  	v61 =	vor.u32 $0x19, v1;
	v9 =	vld.idx.msk [tilespmem:v54+s3+$0x0], $0xffff;
	[tilespmem:s17+$0xA580] =	vst v10  }
0x16b: {  	v62 =	vor.u32 $0x19, v3;
	v7 =	vld.idx.msk [tilespmem:v55+s3+$0x0], $0xffff;
	[tilespmem:s18+$0xA580] =	vst v12  }
0x16c: {  	v63 =	vor.u32 $0x19, v4;
	v13 =	vld.idx.msk [tilespmem:v56+s3+$0x0], $0xffff;
	[tilespmem:s19+$0xA580] =	vst v57  }
0x16d: {  	v20 =	vor.u32 $0x19, v5;
	[tilespmem:s12+$0xB300] =	vst v22;
	v21 =	vld.idx.msk [tilespmem:v59+s3+$0x0], $0xffff  }
0x16e: {  	v23 =	vor.u32 $0x19, v6;
	v58 =	vld.idx.msk [tilespmem:v52+s3+$0x0], $0xffff;
	[tilespmem:s14+$0xB200] =	vst v8  }
0x16f: {  	v24 =	vor.u32 $0x1F, v2;
	v11 =	vld.idx.msk [tilespmem:v61+s3+$0x0], $0xffff;
	[tilespmem:s15+$0xB200] =	vst v9  }
0x170: {  	v25 =	vor.u32 $0x1A, v1;
	v10 =	vld.idx.msk [tilespmem:v62+s3+$0x0], $0xffff;
	[tilespmem:s17+$0xB200] =	vst v7  }
0x171: {  	v26 =	vor.u32 $0x1A, v3;
	v12 =	vld.idx.msk [tilespmem:v63+s3+$0x0], $0xffff;
	[tilespmem:s18+$0xB200] =	vst v13  }
0x172: {  	v27 =	vor.u32 $0x1A, v4;
	v14 =	vld.idx.msk [tilespmem:v20+s3+$0x0], $0xffff;
	[tilespmem:s19+$0xB200] =	vst v21  }
0x173: {  	[tilespmem:s13+$0xB500] =	vst v58;
	v28 =	vor.u32 $0x1A, v5;
	v8 =	vld.idx.msk [tilespmem:v23+s3+$0x0], $0xffff  }
0x174: {  	v29 =	vor.u32 $0x1A, v6;
	v2 =	vld.idx.msk [tilespmem:v24+s3+$0x0], $0xffff;
	[tilespmem:s14+$0xB280] =	vst v11  }
0x175: {  	v30 =	vor.u32 $0x1B, v0;
	v9 =	vld.idx.msk [tilespmem:v25+s3+$0x0], $0xffff;
	[tilespmem:s15+$0xB280] =	vst v10  }
0x176: {  	v31 =	vor.u32 $0x1B, v1;
	v7 =	vld.idx.msk [tilespmem:v26+s3+$0x0], $0xffff;
	[tilespmem:s17+$0xB280] =	vst v12  }
0x177: {  	v32 =	vor.u32 $0x1B, v3;
	v13 =	vld.idx.msk [tilespmem:v27+s3+$0x0], $0xffff;
	[tilespmem:s18+$0xB280] =	vst v14  }
0x178: {  	v33 =	vor.u32 $0x1B, v4;
	v15 =	vld.idx.msk [tilespmem:v28+s3+$0x0], $0xffff;
	[tilespmem:s19+$0xB280] =	vst v8  }
0x179: {  	v34 =	vor.u32 $0x1B, v5;
	[tilespmem:s13+$0xB580] =	vst v2;
	v8 =	vld.idx.msk [tilespmem:v29+s3+$0x0], $0xffff  }
0x17a: {  	v36 =	vor.u32 $0x1B, v6;
	v35 =	vld.idx.msk [tilespmem:v30+s3+$0x0], $0xffff;
	[tilespmem:s14+$0xB300] =	vst v9  }
0x17b: {  	v37 =	vor.u32 $0x1C, v0;
	v10 =	vld.idx.msk [tilespmem:v31+s3+$0x0], $0xffff;
	[tilespmem:s15+$0xB300] =	vst v7  }
0x17c: {  	v38 =	vor.u32 $0x1C, v1;
	v12 =	vld.idx.msk [tilespmem:v32+s3+$0x0], $0xffff;
	[tilespmem:s17+$0xB300] =	vst v13  }
0x17d: {  	v39 =	vor.u32 $0x1C, v3;
	v14 =	vld.idx.msk [tilespmem:v33+s3+$0x0], $0xffff;
	[tilespmem:s18+$0xB300] =	vst v15  }
0x17e: {  	v40 =	vor.u32 $0x1C, v4;
	v2 =	vld.idx.msk [tilespmem:v34+s3+$0x0], $0xffff;
	[tilespmem:s19+$0xB300] =	vst v8  }
0x17f: {  	[tilespmem:s12+$0xB380] =	vst v35;
	v41 =	vor.u32 $0x1C, v5;
	v9 =	vld.idx.msk [tilespmem:v36+s3+$0x0], $0xffff  }
0x180: {  	v42 =	vor.u32 $0x1C, v6;
	v11 =	vld.idx.msk [tilespmem:v37+s3+$0x0], $0xffff;
	[tilespmem:s14+$0xB380] =	vst v10  }
0x181: {  	v43 =	vor.u32 $0x1D, v0;
	v7 =	vld.idx.msk [tilespmem:v38+s3+$0x0], $0xffff;
	[tilespmem:s15+$0xB380] =	vst v12  }
0x182: {  	v44 =	vor.u32 $0x1D, v1;
	v13 =	vld.idx.msk [tilespmem:v39+s3+$0x0], $0xffff;
	[tilespmem:s17+$0xB380] =	vst v14  }
0x183: {  	v45 =	vor.u32 $0x1D, v3;
	v15 =	vld.idx.msk [tilespmem:v40+s3+$0x0], $0xffff;
	[tilespmem:s18+$0xB380] =	vst v2  }
0x184: {  	v46 =	vor.u32 $0x1D, v4;
	v8 =	vld.idx.msk [tilespmem:v41+s3+$0x0], $0xffff;
	[tilespmem:s19+$0xB380] =	vst v9  }
0x185: {  	v47 =	vor.u32 $0x1D, v5;
	[tilespmem:s12+$0xB400] =	vst v11;
	v10 =	vld.idx.msk [tilespmem:v42+s3+$0x0], $0xffff  }
0x186: {  	v48 =	vor.u32 $0x1D, v6;
	v11 =	vld.idx.msk [tilespmem:v43+s3+$0x0], $0xffff;
	[tilespmem:s14+$0xB400] =	vst v7  }
0x187: {  	v49 =	vor.u32 $0x1E, v0;
	v12 =	vld.idx.msk [tilespmem:v44+s3+$0x0], $0xffff;
	[tilespmem:s15+$0xB400] =	vst v13  }
0x188: {  	v50 =	vor.u32 $0x1E, v1;
	v14 =	vld.idx.msk [tilespmem:v45+s3+$0x0], $0xffff;
	[tilespmem:s17+$0xB400] =	vst v15  }
0x189: {  	v51 =	vor.u32 $0x1E, v3;
	v2 =	vld.idx.msk [tilespmem:v46+s3+$0x0], $0xffff;
	[tilespmem:s18+$0xB400] =	vst v8  }
0x18a: {  	v52 =	vor.u32 $0x1E, v4;
	v9 =	vld.idx.msk [tilespmem:v47+s3+$0x0], $0xffff;
	[tilespmem:s19+$0xB400] =	vst v10  }
0x18b: {  	v53 =	vor.u32 $0x1E, v5;
	[tilespmem:s12+$0xB480] =	vst v11;
	v7 =	vld.idx.msk [tilespmem:v48+s3+$0x0], $0xffff  }
0x18c: {  	v54 =	vor.u32 $0x1E, v6;
	v11 =	vld.idx.msk [tilespmem:v49+s3+$0x0], $0xffff;
	[tilespmem:s14+$0xB480] =	vst v12  }
0x18d: {  	v55 =	vor.u32 $0x1F, v0;
	v13 =	vld.idx.msk [tilespmem:v50+s3+$0x0], $0xffff;
	[tilespmem:s15+$0xB480] =	vst v14  }
0x18e: {  	v56 =	vor.u32 $0x1F, v1;
	v14 =	vld.idx.msk [tilespmem:v51+s3+$0x0], $0xffff;
	[tilespmem:s17+$0xB480] =	vst v2  }
0x18f: {  	v57 =	vor.u32 $0x1F, v3;
	v58 =	vld.idx.msk [tilespmem:v52+s3+$0x0], $0xffff;
	[tilespmem:s18+$0xB480] =	vst v9  }
0x190: {  	v59 =	vor.u32 $0x1F, v4;
	v60 =	vld.idx.msk [tilespmem:v53+s3+$0x0], $0xffff;
	[tilespmem:s19+$0xB480] =	vst v7  }
0x191: {  	v61 =	vor.u32 $0x1F, v5;
	[tilespmem:s12+$0xB500] =	vst v11;
	v7 =	vld.idx.msk [tilespmem:v54+s3+$0x0], $0xffff  }
0x192: {  	v6 =	vor.u32 $0x1F, v6;
	v0 =	vld.idx.msk [tilespmem:v55+s3+$0x0], $0xffff;
	[tilespmem:s14+$0xB500] =	vst v13  }
0x193: {  	v1 =	vld.idx.msk [tilespmem:v56+s3+$0x0], $0xffff;
	[tilespmem:s15+$0xB500] =	vst v14  }
0x194: {  	v2 =	vld.idx.msk [tilespmem:v57+s3+$0x0], $0xffff;
	[tilespmem:s17+$0xB500] =	vst v58  }
0x195: {  	v3 =	vld.idx.msk [tilespmem:v59+s3+$0x0], $0xffff;
	[tilespmem:s18+$0xB500] =	vst v60  }
0x196: {  	v62 =	vld.idx.msk [tilespmem:v61+s3+$0x0], $0xffff;
	[tilespmem:s19+$0xB500] =	vst v7  }
0x197: {  	[tilespmem:s12+$0xB580] =	vst v0;
	v63 =	vld.idx.msk [tilespmem:v6+s3+$0x0], $0xffff  }
0x198: {  	[tilespmem:s14+$0xB580] =	vst v1  }
0x199: {  	[tilespmem:s15+$0xB580] =	vst v2  }
0x19a: {  	s11 =	sadd.s32 $0x1, s11;
	[tilespmem:s17+$0xB580] =	vst v3  }
0x19b: {  	p0 =	sne.s32 s11, s6;
	[tilespmem:s18+$0xB580] =	vst v62  }
.Ltmp1:
0x19c: {  	[tilespmem:s19+$0xB580] =	vst v63;
	(pc) =	sbr.rel @p0 .LBB2_1-.Ltmp1, $4  }
0x19d: {  	[hbm4b:s5+s8] =	stream.strided.scatter [tilespmem:s10], [sflag:$0x1], $0x4000, s9, s8, $0x38;
	[tilespmem:$0xC200] =	vst v63  }
0x19e: {  	_ =	swait.ge [sflag:s7], $0x4000  }
0x19f: {  	[sflag:s7] =	ssyncset.done $0x0  }
0x1a0: {  	[sflag:s7] =	ssyncadd.s32 $0xFFFFC000  }
0x1a1: {  	_ =	sfence.sel $0x180000  }
0x1a2: {  	[bflag:$0x0] =	sbarrier.arrive $0xFFFF  }
0x1a3: {  	p0 =	sne.s32 s2, $0x0;
	_ =	strace $0x90000050  }
0x1a4: {  	s0 =	sadd.s32 @!p0 $0x100000, s0;
	[bflag:$0x2] =	sbarrier.arrive $0xFFFF  }
0x1a5: {  	[sflag:s0] =	ssyncadd.tile.s32 @!p0 $0x1;
	_ =	shalt  }
.Lfunc_end2:
_tile_overlayer_lowered:
.L_overlay_start_2:
0x1a6: {  	(tag) =	ssettag $0x2  }
0x1a7: {  	s0 =	rddreg [dreg:$0x0];
	s2 =	stileid.u32  }
0x1a8: {  	s1 =	rddreg [dreg:$0x1];
	p0 =	sne.s32 s2, $0x0  }
0x1a9: {  	s3 =	rddreg [dreg:$0x2];
	[bflag:$0x3] =	sbarrier.arrive $0xFFFF;
	s2 =	simm.s32 @!p0 $0x1C01  }
0x1aa: {  	[timem:s3], [sflag:s2] =	dma.local @!p0 [hbm:s0], s1  }
0x1ab: {  	s0 =	simm.s32 @!p0 $0x1  }
0x1ac: {  	_ =	swait.ge @!p0 [sflag:s0], s1  }
0x1ad: {  	s1 =	ssub.s32 @!p0 $0x0, s1;
	[sflag:s0] =	ssyncset.done @!p0 $0x0  }
0x1ae: {  	[sflag:s0] =	ssyncadd.s32 @!p0 s1  }
0x1af: {  	[bflag:$0x3] =	sbarrier.arrive $0xFFFF  }
0x1b0: {  	_ =	shalt  }

// kernel: kernel.14.cloned.1.call-start
scs
__scs_entry_jumppad:
0x0: {  	(pc) =	sbr.rel $0x88, $3  }
0x1: {  	(tag) =	ssettag $0x0;
	lr =	simm.s32 $0x1  }
0x2: {  	[smem:$0x3F9F] =	sst lr;
	_ =	strace $0xD0000000  }
0x3: {  	_ = 	snop  }
0x4: {  	_ = 	snop  }
0x5: {  	_ = 	snop  }
0x6: {  	_ = 	snop  }
0x7: {  	_ = 	snop  }
__scs_overlays_trampoline_lowered:
0x8: {  	[smem:$0x3FAE] =	sst s0  }
0x9: {  	[smem:$0x3FAF] =	sst s1  }
0xa: {  	[smem:$0x3FB0] =	sst s2  }
0xb: {  	[smem:$0x3FB1] =	sst s3  }
0xc: {  	[smem:$0x3FB2] =	sst s4  }
0xd: {  	[smem:$0x3FB3] =	sst s5  }
0xe: {  	[smem:$0x3FB4] =	sst s6  }
0xf: {  	[smem:$0x3FB5] =	sst s7  }
0x10: {  	[smem:$0x3FB6] =	sst s8  }
0x11: {  	[smem:$0x3FB7] =	sst s9;
	s0 =	simm.s32 @!p0 $0x0  }
0x12: {  	s1 =	sld [smem:$0x3F9D];
	s0 =	simm.s32 @p0 $0x1  }
0x13: {  	[smem:$0x3FB8] =	sst s0;
	s0 =	simm.s32 @!p1 $0x0  }
0x14: {  	s2 =	sld [smem:$0x3F9C];
	s0 =	simm.s32 @p1 $0x1  }
0x15: {  	[smem:$0x3FB9] =	sst s0;
	s0 =	simm.s32 @!p2 $0x0  }
0x16: {  	s3 =	sld [smem:$0x3FDB];
	s0 =	simm.s32 @p2 $0x1  }
0x17: {  	s4 =	simm.s32 $0x1BF5;
	[smem:$0x3FBB] =	sst s0  }
0x18: {  	s0 =	sld [smem:$0x3F9E];
	_ =	swait.ge [sflag:s4], $0x0  }
0x19: {  	s7 =	sld [smem:$0x3F9F]  }
0x1a: {  	s8 =	sadd.s32 $0xFFFFE003, lr  }
0x1b: {  	s9 =	sadd.s32 $0xFFFFFEF7, lr;
	s5 =	simm.s32 $0xFFFFFFFF;
	p2 =	slt.u32 s8, $0xFFFFF086  }
0x1c: {  	p1 =	slt.u32 s9, $0xF7A;
	s5 =	simm.s32 @!p2 $0x0  }
0x1d: {  	s5 =	simm.s32 @p1 $0x1;
	p0 =	seq.s32 s7, s2  }
0x1e: {  	s7 =	smul.u32 @!p0 $0xF7A, s2;
	p2 =	seq.s32 @!p0 s5, $0x0  }
0x1f: {  	s9 =	smul.u32 $0xF7A, s1;
	s8 =	simm.s32 @!p0 $0x1BF5;
	p2 =	por !p2, p0  }
0x20: {  	[sflag:s8] =	ssyncset.s32 @!p0 $0xFFFFF086;
	s6 =	sadd.s32 @!p0 s3, s7;
	s7 =	simm.s32 @!p0 $0x108  }
0x21: {  	s3 =	sadd.s32 s3, s9;
	s6 =	sadd.s32 @!p0 $0x88, s6;
	s7 =	simm.s32 @p2 $0x1082  }
0x22: {  	[simem:s7], [sflag:s8] =	dma.local @!p0 [hbm:s6], $0xF7A  }
0x23: {  	s9 =	sor.u32 $0xD0000000, s2;
	s6 =	simm.s32 $0x108;
	_ =	swait.ge @!p0 [sflag:s8], $0x0  }
0x24: {  	s3 =	sadd.s32 $0x88, s3;
	s6 =	simm.s32 @!p1 $0x1082;
	[sflag:s4] =	ssyncset.s32 $0xFFFFF086  }
0x25: {  	[simem:s6], [sflag:s4] =	dma.local [hbm:s3], $0xF7A  }
0x26: {  	[smem:$0x3F9F] =	sst s1;
	(tag) =	ssettag s2;
	_ =	strace s9  }
0x27: {  	s1 =	sld [smem:$0x3FAF]  }
0x28: {  	s2 =	sld [smem:$0x3FB0]  }
0x29: {  	s4 =	sld [smem:$0x3FB2]  }
0x2a: {  	p0 =	seq.s32 s5, $0x0;
	s5 =	sld [smem:$0x3FB3]  }
0x2b: {  	s6 =	sld [smem:$0x3FB4]  }
0x2c: {  	s7 =	sld [smem:$0x3FB5]  }
0x2d: {  	s3 =	simm.s32 $0x108;
	s8 =	sld [smem:$0x3FB6]  }
0x2e: {  	s3 =	simm.s32 @!p0 $0x1082;
	s9 =	sld [smem:$0x3FB7]  }
0x2f: {  	lr =	sadd.s32 s0, s3;
	s0 =	sld [smem:$0x3FAE]  }
0x30: {  	s3 =	sld [smem:$0x3FB1]  }
0x31: {  	[smem:$0x3FBA] =	sst s10  }
0x32: {  	s10 =	sld [smem:$0x3FB8];
	_ =	sdelay $0x3  }
0x33: {  	p0 =	seq.s32 s10, $0x1;
	s10 =	sld [smem:$0x3FBA];
	_ =	sdelay $0x3  }
0x34: {  	[smem:$0x3FBA] =	sst s10  }
0x35: {  	s10 =	sld [smem:$0x3FB9];
	_ =	sdelay $0x3  }
0x36: {  	p1 =	seq.s32 s10, $0x1;
	s10 =	sld [smem:$0x3FBA];
	_ =	sdelay $0x3  }
0x37: {  	[smem:$0x3FBA] =	sst s10  }
0x38: {  	s10 =	sld [smem:$0x3FBB]  }
0x39: {  	_ = 	snop;
	(pc) =	sbr.ind lr, $3  }
0x3a: {  	_ = 	snop  }
0x3b: {  	_ = 	snop  }
0x3c: {  	p2 =	seq.s32 s10, $0x1;
	s10 =	sld [smem:$0x3FBA]  }
0x3d: {  	_ =	shalt  }
0x3e: {  	_ =	shalt  }
0x3f: {  	_ =	shalt  }
0x40: {  	_ =	shalt  }
0x41: {  	_ =	shalt  }
0x42: {  	_ =	shalt  }
0x43: {  	_ =	shalt  }
0x44: {  	_ =	shalt  }
0x45: {  	_ =	shalt  }
0x46: {  	_ =	shalt  }
0x47: {  	_ =	shalt  }
0x48: {  	_ =	shalt  }
0x49: {  	_ =	shalt  }
0x4a: {  	_ =	shalt  }
0x4b: {  	_ =	shalt  }
0x4c: {  	_ =	shalt  }
0x4d: {  	_ =	shalt  }
0x4e: {  	_ =	shalt  }
0x4f: {  	_ =	shalt  }
0x50: {  	_ =	shalt  }
0x51: {  	_ =	shalt  }
0x52: {  	_ =	shalt  }
0x53: {  	_ =	shalt  }
0x54: {  	_ =	shalt  }
0x55: {  	_ =	shalt  }
0x56: {  	_ =	shalt  }
0x57: {  	_ =	shalt  }
0x58: {  	_ =	shalt  }
0x59: {  	_ =	shalt  }
0x5a: {  	_ =	shalt  }
0x5b: {  	_ =	shalt  }
0x5c: {  	_ =	shalt  }
0x5d: {  	_ =	shalt  }
0x5e: {  	_ =	shalt  }
0x5f: {  	_ =	shalt  }
0x60: {  	_ =	shalt  }
0x61: {  	_ =	shalt  }
0x62: {  	_ =	shalt  }
0x63: {  	_ =	shalt  }
0x64: {  	_ =	shalt  }
0x65: {  	_ =	shalt  }
0x66: {  	_ =	shalt  }
0x67: {  	_ =	shalt  }
0x68: {  	_ =	shalt  }
0x69: {  	_ =	shalt  }
0x6a: {  	_ =	shalt  }
0x6b: {  	_ =	shalt  }
0x6c: {  	_ =	shalt  }
0x6d: {  	_ =	shalt  }
0x6e: {  	_ =	shalt  }
0x6f: {  	_ =	shalt  }
0x70: {  	_ =	shalt  }
0x71: {  	_ =	shalt  }
0x72: {  	_ =	shalt  }
0x73: {  	_ =	shalt  }
0x74: {  	_ =	shalt  }
0x75: {  	_ =	shalt  }
0x76: {  	_ =	shalt  }
0x77: {  	_ =	shalt  }
0x78: {  	_ =	shalt  }
0x79: {  	_ =	shalt  }
0x7a: {  	_ =	shalt  }
0x7b: {  	_ =	shalt  }
0x7c: {  	_ =	shalt  }
0x7d: {  	_ =	shalt  }
0x7e: {  	_ =	shalt  }
0x7f: {  	_ =	shalt  }
0x80: {  	_ =	shalt  }
0x81: {  	_ =	shalt  }
0x82: {  	_ =	shalt  }
0x83: {  	_ =	shalt  }
0x84: {  	_ =	shalt  }
0x85: {  	_ =	shalt  }
0x86: {  	_ =	shalt  }
0x87: {  	_ =	shalt  }
.Lfunc_end0:
.L_simem_size_0:
called_computation.1_lowered:
.L_overlay_start_0:
0x88: {  	s2 =	sld [smem:$0x3FD9]  }
0x89: {  	s3 =	sld [smem:$0x3FFE];
	_ =	sdelay $0x1  }
0x8a: {  	s1 =	srdreg.scid  }
0x8b: {  	s0 =	sand.u32 $0x1, s1  }
0x8c: {  	s14 =	sshll.u32 s0, $0xA;
	s2 =	sadd.s32 s3, s2  }
0x8d: {  	s2 =	sadd.s32 s2, s14  }
0x8e: {  	[smem:$0x3FC6] =	sst s2  }
0x8f: {  	_ = 	snop  }
0x90: {  	s2 =	sld [smem:$0x3FD0];
	_ =	sdelay $0x2  }
0x91: {  	s15 =	simm.s32 $0xD;
	s4 =	simm.s32 $0x10  }
0x92: {  	[smem:s4], [sflag:s15] =	dma.local [hbm:s2], $0x1  }
0x93: {  	_ =	swait.eq [sflag:s15], $0x1  }
0x94: {  	[sflag:s15] =	ssyncset.done $0x0  }
0x95: {  	[sflag:s15] =	ssyncadd.s32 $0xFFFFFFFF  }
0x96: {  	s16 =	sld [smem:$0x10];
	(tm) =	ssettm $0x1  }
0x97: {  	s17 =	sld [smem:$0x3FFB];
	_ =	sdelay $0x3  }
0x98: {  	_ =	strace s17  }
0x99: {  	s3 =	sld [smem:$0x3FFC];
	_ =	sdelay $0x3  }
0x9a: {  	_ =	strace s3  }
0x9b: {  	s3 =	sld [smem:$0x3FFD];
	_ =	sdelay $0x3  }
0x9c: {  	_ =	strace s3  }
0x9d: {  	_ =	strace $0x8FFFFFFF  }
0x9e: {  	s18 =	sld [smem:$0x3FDB];
	_ =	sdelay $0x1  }
0x9f: {  	s19 =	simm.s32 $_scs_section_size  }
0xa0: {  	s5 =	simm.s32 $_size__tile_overlayer_lowered;
	s6 =	simm.s32 $_tile_overlayer_lowered  }
0xa1: {  	s22 =	simm.s32 $0x1BFF;
	s21 =	sshll.u32 s6, $0x1;
	s3 =	sadd.s32 s19, s18  }
0xa2: {  	s7 =	simm.s32 $0x0;
	s20 =	sshll.u32 s5, $0x1;
	s5 =	sadd.s32 s21, s3  }
0xa3: {  	[timem:s7], [sflag:s22] =	dma.local [hbm:s5], s20  }
0xa4: {  	_ =	swait.ge [sflag:s22], s20  }
0xa5: {  	s4 =	ssub.s32 $0x0, s20;
	[sflag:s22] =	ssyncset.done $0x0  }
0xa6: {  	[sflag:s22] =	ssyncadd.s32 s4;
	_ =	sdelay $0x1  }
0xa7: {  	s23 =	simm.s32 $0x1B8B  }
0xa8: {  	_ =	swait.ge [sflag:s23], $0x1  }
0xa9: {  	[sflag:s23] =	ssyncset.done $0x0  }
0xaa: {  	s25 =	simm.s32 $0x1B8E;
	s24 =	sld [smem:$0x3FFE];
	[sflag:s23] =	ssyncadd.s32 $0xFFFFFFFF  }
0xab: {  	s26 =	simm.s32 $execute0_lowered;
	[smem:$0x3FD2] =	sst s25  }
0xac: {  	s5 =	sshll.u32 s26, $0x1;
	_ =	strace $0x80000046;
	[dreg:$0x1] =	wrdreg $0xFFFFFFFF  }
0xad: {  	s28 =	simm.s32 $_size_execute0_lowered;
	s3 =	sadd.s32 s3, s5;
	[dreg:$0x0] =	wrdreg $0x0  }
0xae: {  	s5 =	sshll.u32 s28, $0x1;
	[dreg:$0x2] =	wrdreg s3  }
0xaf: {  	[dreg:$0x3] =	wrdreg s5  }
0xb0: {  	[dreg:$0x4] =	wrdreg $0xC0  }
0xb1: {  	_ =	task [dreg:s7], $0x5FFFF  }
0xb2: {  	[dreg:$0x1] =	wrdreg $0xFFFFFFFF  }
0xb3: {  	[dreg:$0x0] =	wrdreg $0x60  }
0xb4: {  	[dreg:$0x2] =	wrdreg s16  }
0xb5: {  	[dreg:$0x3] =	wrdreg s24  }
0xb6: {  	[dreg:$0x4] =	wrdreg $0xA  }
0xb7: {  	_ =	task.clear_ibuf [dreg:s7], $0x5FFFF;
	_ =	strace $0x90000046  }
0xb8: {  	s29 =	simm.s32 $0xA;
	_ =	strace $0x80000048  }
0xb9: {  	_ =	swait.ge [sflag:s29], $0x1  }
0xba: {  	[sflag:s29] =	ssyncadd.s32 $0xFFFFFFFF  }
0xbb: {  	_ =	strace $0x90000048  }
0xbc: {  	_ =	sfence  }
0xbd: {  	s30 =	sld [smem:$0x0];
	_ =	sdelay $0x2  }
0xbe: {  	s31 =	sshll.u32 s1, $0xD;
	s1 =	sshrl.u32 s1, $0x2  }
0xbf: {  	s3 =	sand.u32 $0x4000, s31;
	s1 =	sadd.s32 s1, s30  }
0xc0: {  	s0 =	sor.u32 s3, s0;
	s1 =	sshll.u32 s1, $0x11  }
0xc1: {  	s0 =	sor.u32 s1, s0  }
0xc2: {  	s0 =	sadd.s32 $0x8F2B, s0  }
0xc3: {  	[sflag:s0] =	ssyncadd.remote.s32 $0x1  }
0xc4: {  	_ =	sfence.sel $0xFFFF  }
0xc5: {  	[dreg:$0x0] =	wrdreg $0xFFFFFFFF;
	(pc) =	sbr.abs _section_cstart, $3  }
0xc6: {  	[dreg:$0x1] =	wrdreg $0xFFFFFFFF  }
0xc7: {  	_ =	task.clear_ibuf [dreg:s7], $0x2FFFF;
	_ =	strace $0x9FFFFFFF  }
0xc8: {  	(tm) =	ssettm $0x7FFFFFFF  }
0xc9: {  	_ =	shalt  }
tec
execute0_lowered:
.L_overlay_start_1:
0x0: {  	(tag) =	ssettag $0x1  }
0x1: {  	s1 =	rddreg [dreg:$0x0]  }
0x2: {  	s4 =	rddreg [dreg:$0x1]  }
0x3: {  	s0 =	rddreg [dreg:$0x2]  }
0x4: {  	s3 =	simm.s32 $0x0;
	s5 =	srdreg.scid;
	s2 =	stileid.u32  }
0x5: {  	s9 =	simm.s32 $0x8000;
	s10 =	simm.s32 $0x8200;
	s11 =	simm.s32 $0x0  }
0x6: {  	[smem:$0x7FF] =	sst s3;
	s5 =	sand.u32 $0x1, s5;
	s6 =	sshll.u32 s2, $0x1  }
0x7: {  	s7 =	sshll.u32 s2, $0xC;
	_ =	strace $0x80000047;
	s6 =	sor.u32 s5, s6  }
0x8: {  	s7 =	sand.u32 $0xC000, s7;
	s5 =	ssub.s32 $0x2, s5;
	s8 =	sshll.u32 s6, $0x6  }
0x9: {  	s6 =	sshll.u32 s6, $0x9;
	s7 =	sadd.s32 s7, s4;
	s30 =	sshrl.u32 s5, $0x1  }
0xa: {  	s6 =	sand.u32 $0xE00, s6;
	s4 =	sadd.s32 s8, s4;
	s31 =	ssub.s32 s5, s30  }
0xb: {  	s8 =	simm.s32 $0x1000;
	s6 =	sadd.s32 s6, s7;
	s4 =	sadd.s32 $0x2C00, s4  }
0xc: {  	s7 =	simm.s32 $0x1;
	s5 =	sadd.s32 $0x3400, s6;
	s6 =	smax.u32 s31, $0x1  }
.LBB2_1:
0xd: {  	[tilespmem:s3], [sflag:$0x1] =	stream.linear.gather [hbm4b:s1+s3], $0x8000, $0x38;
	[tilespmem:$0xC200] =	vst v63  }
0xe: {  	_ =	swait.ge [sflag:s7], $0x8000  }
0xf: {  	[sflag:s7] =	ssyncset.done $0x0  }
0x10: {  	[sflag:s7] =	ssyncadd.s32 $0xFFFF8000  }
0x11: {  	[tilespmem:s9], [sflag:$0x1] =	stream.linear.gather [hbm4b:s4+s3], $0x200, $0x38;
	[tilespmem:$0xC200] =	vst v63  }
0x12: {  	_ =	swait.ge [sflag:s7], $0x200  }
0x13: {  	[sflag:s7] =	ssyncset.done $0x0  }
0x14: {  	[sflag:s7] =	ssyncadd.s32 $0xFFFFFE00  }
0x15: {  	v0 =	vld [tilespmem:s9+$0x0];
	_ =	sdelay $0x4  }
0x16: {  	v6 =	vshll.u32 v0, $0x5;
	_ =	sdelay $0x4  }
0x17: {  	v0 =	vld.idx.msk [tilespmem:v6+s3+$0x0], $0xffff  }
0x18: {  	v1 =	vor.u32 $0x1, v6;
	_ =	sdelay $0x1  }
0x19: {  	s12 =	sand.u32 $0x70, s3;
	s13 =	sand.u32 $0xC00, s3  }
0x1a: {  	s16 =	sor.u32 s12, s13  }
0x1b: {  	[tilespmem:s16+$0x8200] =	vst v0  }
0x1c: {  	v0 =	vld.idx.msk [tilespmem:v1+s3+$0x0], $0xffff  }
0x1d: {  	v1 =	vor.u32 $0x2, v6;
	_ =	sdelay $0x3  }
0x1e: {  	[tilespmem:s16+$0x8280] =	vst v0  }
0x1f: {  	v0 =	vld.idx.msk [tilespmem:v1+s3+$0x0], $0xffff  }
0x20: {  	v1 =	vor.u32 $0x3, v6;
	_ =	sdelay $0x2  }
0x21: {  	s20 =	simm.s32 $0x8010  }
0x22: {  	v2 =	vld [tilespmem:s20+$0x0];
	[tilespmem:s16+$0x8300] =	vst v0  }
0x23: {  	v0 =	vld.idx.msk [tilespmem:v1+s3+$0x0], $0xffff  }
0x24: {  	v1 =	vor.u32 $0x4, v6;
	_ =	sdelay $0x3  }
0x25: {  	v2 =	vshll.u32 v2, $0x5;
	[tilespmem:s16+$0x8380] =	vst v0  }
0x26: {  	v0 =	vld.idx.msk [tilespmem:v1+s3+$0x0], $0xffff  }
0x27: {  	v1 =	vor.u32 $0x5, v6;
	_ =	sdelay $0x2  }
0x28: {  	v3 =	vld.idx.msk [tilespmem:v2+s3+$0x0], $0xffff  }
0x29: {  	[tilespmem:s16+$0x8400] =	vst v0;
	v0 =	vor.u32 $0x1, v2  }
0x2a: {  	s14 =	simm.s32 $0x10;
	s17 =	simm.s32 $0x80;
	v1 =	vld.idx.msk [tilespmem:v1+s3+$0x0], $0xffff  }
0x2b: {  	s21 =	sand.u32 $0x70, s14;
	s22 =	sand.u32 $0xC00, s17;
	v4 =	vor.u32 $0x6, v6  }
0x2c: {  	s13 =	sor.u32 s21, s22  }
0x2d: {  	[tilespmem:s13+$0x8200] =	vst v3  }
0x2e: {  	v0 =	vld.idx.msk [tilespmem:v0+s3+$0x0], $0xffff  }
0x2f: {  	[tilespmem:s16+$0x8480] =	vst v1;
	v1 =	vor.u32 $0x2, v2  }
0x30: {  	v3 =	vld.idx.msk [tilespmem:v4+s3+$0x0], $0xffff  }
0x31: {  	v4 =	vor.u32 $0x7, v6;
	_ =	sdelay $0x1  }
0x32: {  	[tilespmem:s13+$0x8280] =	vst v0  }
0x33: {  	v0 =	vld.idx.msk [tilespmem:v1+s3+$0x0], $0xffff  }
0x34: {  	v1 =	vor.u32 $0x3, v2;
	[tilespmem:s16+$0x8500] =	vst v3  }
0x35: {  	v3 =	vld.idx.msk [tilespmem:v4+s3+$0x0], $0xffff  }
0x36: {  	v4 =	vor.u32 $0x8, v6  }
0x37: {  	s23 =	simm.s32 $0x8020  }
0x38: {  	s24 =	sor.u32 s3, s3;
	v5 =	vld [tilespmem:s23+$0x0];
	[tilespmem:s13+$0x8300] =	vst v0  }
0x39: {  	s12 =	sor.u32 $0x380, s24;
	v0 =	vld.idx.msk [tilespmem:v1+s3+$0x0], $0xffff  }
0x3a: {  	v1 =	vor.u32 $0x4, v2;
	[tilespmem:s12+$0x8200] =	vst v3  }
0x3b: {  	v3 =	vld.idx.msk [tilespmem:v4+s3+$0x0], $0xffff  }
0x3c: {  	v4 =	vor.u32 $0x9, v6;
	_ =	sdelay $0x1  }
0x3d: {  	[tilespmem:s13+$0x8380] =	vst v0;
	v0 =	vshll.u32 v5, $0x5  }
0x3e: {  	v1 =	vld.idx.msk [tilespmem:v1+s3+$0x0], $0xffff  }
0x3f: {  	[tilespmem:s16+$0x9200] =	vst v3;
	v3 =	vor.u32 $0x5, v2  }
0x40: {  	v4 =	vld.idx.msk [tilespmem:v4+s3+$0x0], $0xffff  }
0x41: {  	v5 =	vor.u32 $0xA, v6  }
0x42: {  	v7 =	vld.idx.msk [tilespmem:v0+s3+$0x0], $0xffff  }
0x43: {  	[tilespmem:s13+$0x8400] =	vst v1;
	v1 =	vor.u32 $0x1, v0  }
0x44: {  	s15 =	simm.s32 $0x20;
	s18 =	simm.s32 $0x100;
	v3 =	vld.idx.msk [tilespmem:v3+s3+$0x0], $0xffff  }
0x45: {  	s25 =	sand.u32 $0x70, s15;
	s19 =	sand.u32 $0xC00, s18;
	[tilespmem:s16+$0x9280] =	vst v4;
	v4 =	vor.u32 $0x6, v2  }
0x46: {  	s12 =	sor.u32 s25, s19;
	v5 =	vld.idx.msk [tilespmem:v5+s3+$0x0], $0xffff  }
0x47: {  	[tilespmem:s12+$0x8200] =	vst v7;
	v7 =	vor.u32 $0xB, v6  }
0x48: {  	v1 =	vld.idx.msk [tilespmem:v1+s3+$0x0], $0xffff  }
0x49: {  	[tilespmem:s13+$0x8480] =	vst v3;
	v3 =	vor.u32 $0x2, v0  }
0x4a: {  	v4 =	vld.idx.msk [tilespmem:v4+s3+$0x0], $0xffff  }
0x4b: {  	[tilespmem:s16+$0x9300] =	vst v5;
	v5 =	vor.u32 $0x7, v2  }
0x4c: {  	v7 =	vld.idx.msk [tilespmem:v7+s3+$0x0], $0xffff  }
0x4d: {  	[tilespmem:s12+$0x8280] =	vst v1;
	v1 =	vor.u32 $0xC, v6  }
0x4e: {  	v3 =	vld.idx.msk [tilespmem:v3+s3+$0x0], $0xffff  }
0x4f: {  	[tilespmem:s13+$0x8500] =	vst v4;
	v4 =	vor.u32 $0x3, v0  }
0x50: {  	v5 =	vld.idx.msk [tilespmem:v5+s3+$0x0], $0xffff  }
0x51: {  	[tilespmem:s16+$0x9380] =	vst v7;
	v7 =	vor.u32 $0x8, v2  }
0x52: {  	v1 =	vld.idx.msk [tilespmem:v1+s3+$0x0], $0xffff  }
0x53: {  	s14 =	sor.u32 s17, s14;
	[tilespmem:s12+$0x8300] =	vst v3;
	v3 =	vor.u32 $0xD, v6  }
0x54: {  	s26 =	simm.s32 $0x8030;
	s14 =	sor.u32 $0x380, s14;
	v4 =	vld.idx.msk [tilespmem:v4+s3+$0x0], $0xffff  }
0x55: {  	v8 =	vld [tilespmem:s26+$0x0];
	[tilespmem:s14+$0x8200] =	vst v5;
	v5 =	vor.u32 $0x4, v0  }
0x56: {  	v7 =	vld.idx.msk [tilespmem:v7+s3+$0x0], $0xffff  }
0x57: {  	v9 =	vor.u32 $0x9, v2;
	[tilespmem:s16+$0x9400] =	vst v1  }
0x58: {  	v3 =	vld.idx.msk [tilespmem:v3+s3+$0x0], $0xffff  }
0x59: {  	[tilespmem:s12+$0x8380] =	vst v4;
	v4 =	vor.u32 $0xE, v6  }
0x5a: {  	v1 =	vshll.u32 v8, $0x5;
	v5 =	vld.idx.msk [tilespmem:v5+s3+$0x0], $0xffff  }
0x5b: {  	[tilespmem:s13+$0x9200] =	vst v7;
	v7 =	vor.u32 $0x5, v0  }
0x5c: {  	v8 =	vld.idx.msk [tilespmem:v9+s3+$0x0], $0xffff  }
0x5d: {  	[tilespmem:s16+$0x9480] =	vst v3;
	v3 =	vor.u32 $0xA, v2  }
0x5e: {  	v4 =	vld.idx.msk [tilespmem:v4+s3+$0x0], $0xffff  }
0x5f: {  	v9 =	vld.idx.msk [tilespmem:v1+s3+$0x0], $0xffff;
	[tilespmem:s12+$0x8400] =	vst v5;
	v5 =	vor.u32 $0xF, v6  }
0x60: {  	v10 =	vor.u32 $0x1, v1;
	v7 =	vld.idx.msk [tilespmem:v7+s3+$0x0], $0xffff  }
0x61: {  	s28 =	simm.s32 $0x30;
	s20 =	simm.s32 $0x180;
	[tilespmem:s13+$0x9280] =	vst v8;
	v8 =	vor.u32 $0x6, v0  }
0x62: {  	s29 =	sand.u32 $0x70, s28;
	s30 =	sand.u32 $0xC00, s20;
	v3 =	vld.idx.msk [tilespmem:v3+s3+$0x0], $0xffff  }
0x63: {  	s14 =	sor.u32 s29, s30;
	[tilespmem:s16+$0x9500] =	vst v4;
	v4 =	vor.u32 $0xB, v2  }
0x64: {  	[tilespmem:s14+$0x8200] =	vst v9;
	v5 =	vld.idx.msk [tilespmem:v5+s3+$0x0], $0xffff  }
0x65: {  	v9 =	vld.idx.msk [tilespmem:v10+s3+$0x0], $0xffff;
	[tilespmem:s12+$0x8480] =	vst v7;
	v7 =	vor.u32 $0x10, v6  }
0x66: {  	v10 =	vor.u32 $0x2, v1;
	v8 =	vld.idx.msk [tilespmem:v8+s3+$0x0], $0xffff  }
0x67: {  	[tilespmem:s13+$0x9300] =	vst v3;
	v3 =	vor.u32 $0x7, v0  }
0x68: {  	v4 =	vld.idx.msk [tilespmem:v4+s3+$0x0], $0xffff  }
0x69: {  	[tilespmem:s16+$0x9580] =	vst v5;
	v5 =	vor.u32 $0xC, v2  }
0x6a: {  	[tilespmem:s14+$0x8280] =	vst v9;
	v7 =	vld.idx.msk [tilespmem:v7+s3+$0x0], $0xffff  }
0x6b: {  	v9 =	vld.idx.msk [tilespmem:v10+s3+$0x0], $0xffff;
	[tilespmem:s12+$0x8500] =	vst v8;
	v8 =	vor.u32 $0x11, v6  }
0x6c: {  	v10 =	vor.u32 $0x3, v1;
	v3 =	vld.idx.msk [tilespmem:v3+s3+$0x0], $0xffff  }
0x6d: {  	[tilespmem:s13+$0x9380] =	vst v4;
	v4 =	vor.u32 $0x8, v0  }
0x6e: {  	s31 =	simm.s32 $0x8040;
	v5 =	vld.idx.msk [tilespmem:v5+s3+$0x0], $0xffff  }
0x6f: {  	s15 =	sor.u32 s18, s15;
	v11 =	vld [tilespmem:s31+$0x0];
	[tilespmem:s16+$0xA200] =	vst v7;
	v7 =	vor.u32 $0xD, v2  }
0x70: {  	s15 =	sor.u32 $0x380, s15;
	[tilespmem:s14+$0x8300] =	vst v9;
	v8 =	vld.idx.msk [tilespmem:v8+s3+$0x0], $0xffff  }
0x71: {  	v9 =	vld.idx.msk [tilespmem:v10+s3+$0x0], $0xffff;
	[tilespmem:s15+$0x8200] =	vst v3;
	v3 =	vor.u32 $0x12, v6  }
0x72: {  	v10 =	vor.u32 $0x4, v1;
	v4 =	vld.idx.msk [tilespmem:v4+s3+$0x0], $0xffff  }
0x73: {  	[tilespmem:s13+$0x9400] =	vst v5;
	v5 =	vor.u32 $0x9, v0  }
0x74: {  	v7 =	vld.idx.msk [tilespmem:v7+s3+$0x0], $0xffff  }
0x75: {  	[tilespmem:s16+$0xA280] =	vst v8;
	v8 =	vor.u32 $0xE, v2  }
0x76: {  	[tilespmem:s14+$0x8380] =	vst v9;
	v9 =	vld.idx.msk [tilespmem:v3+s3+$0x0], $0xffff;
	v3 =	vshll.u32 v11, $0x5  }
0x77: {  	v10 =	vld.idx.msk [tilespmem:v10+s3+$0x0], $0xffff;
	[tilespmem:s12+$0x9200] =	vst v4;
	v4 =	vor.u32 $0x13, v6  }
0x78: {  	v11 =	vor.u32 $0x5, v1;
	v5 =	vld.idx.msk [tilespmem:v5+s3+$0x0], $0xffff  }
0x79: {  	[tilespmem:s13+$0x9480] =	vst v7;
	v7 =	vor.u32 $0xA, v0  }
0x7a: {  	v8 =	vld.idx.msk [tilespmem:v8+s3+$0x0], $0xffff  }
0x7b: {  	v12 =	vld.idx.msk [tilespmem:v3+s3+$0x0], $0xffff;
	[tilespmem:s16+$0xA300] =	vst v9;
	v9 =	vor.u32 $0xF, v2  }
0x7c: {  	[tilespmem:s14+$0x8400] =	vst v10;
	v10 =	vor.u32 $0x1, v3;
	v4 =	vld.idx.msk [tilespmem:v4+s3+$0x0], $0xffff  }
0x7d: {  	s24 =	simm.s32 $0x200;
	s19 =	simm.s32 $0x40;
	v11 =	vld.idx.msk [tilespmem:v11+s3+$0x0], $0xffff;
	[tilespmem:s12+$0x9280] =	vst v5;
	v5 =	vor.u32 $0x14, v6  }
0x7e: {  	s21 =	sand.u32 $0xC00, s24;
	s25 =	sand.u32 $0x70, s19;
	v13 =	vor.u32 $0x6, v1;
	v7 =	vld.idx.msk [tilespmem:v7+s3+$0x0], $0xffff  }
0x7f: {  	s15 =	sor.u32 s25, s21;
	[tilespmem:s13+$0x9500] =	vst v8;
	v8 =	vor.u32 $0xB, v0  }
0x80: {  	[tilespmem:s15+$0x8200] =	vst v12;
	v9 =	vld.idx.msk [tilespmem:v9+s3+$0x0], $0xffff  }
0x81: {  	v10 =	vld.idx.msk [tilespmem:v10+s3+$0x0], $0xffff;
	[tilespmem:s16+$0xA380] =	vst v4;
	v4 =	vor.u32 $0x10, v2  }
0x82: {  	[tilespmem:s14+$0x8480] =	vst v11;
	v11 =	vor.u32 $0x2, v3;
	v5 =	vld.idx.msk [tilespmem:v5+s3+$0x0], $0xffff  }
0x83: {  	v12 =	vld.idx.msk [tilespmem:v13+s3+$0x0], $0xffff;
	[tilespmem:s12+$0x9300] =	vst v7;
	v7 =	vor.u32 $0x15, v6  }
0x84: {  	v13 =	vor.u32 $0x7, v1;
	v8 =	vld.idx.msk [tilespmem:v8+s3+$0x0], $0xffff  }
0x85: {  	[tilespmem:s13+$0x9580] =	vst v9;
	v9 =	vor.u32 $0xC, v0  }
0x86: {  	[tilespmem:s15+$0x8280] =	vst v10;
	v4 =	vld.idx.msk [tilespmem:v4+s3+$0x0], $0xffff  }
0x87: {  	v10 =	vld.idx.msk [tilespmem:v11+s3+$0x0], $0xffff;
	[tilespmem:s16+$0xA400] =	vst v5;
	v5 =	vor.u32 $0x11, v2  }
0x88: {  	[tilespmem:s14+$0x8500] =	vst v12;
	v11 =	vor.u32 $0x3, v3;
	v7 =	vld.idx.msk [tilespmem:v7+s3+$0x0], $0xffff  }
0x89: {  	v12 =	vld.idx.msk [tilespmem:v13+s3+$0x0], $0xffff;
	[tilespmem:s12+$0x9380] =	vst v8;
	v8 =	vor.u32 $0x16, v6  }
0x8a: {  	s26 =	simm.s32 $0x8050;
	v13 =	vor.u32 $0x8, v1;
	v9 =	vld.idx.msk [tilespmem:v9+s3+$0x0], $0xffff  }
0x8b: {  	v14 =	vld [tilespmem:s26+$0x0];
	[tilespmem:s13+$0xA200] =	vst v4;
	v4 =	vor.u32 $0xD, v0  }
0x8c: {  	s17 =	sor.u32 s20, s28;
	[tilespmem:s15+$0x8300] =	vst v10;
	v5 =	vld.idx.msk [tilespmem:v5+s3+$0x0], $0xffff  }
0x8d: {  	s17 =	sor.u32 $0x380, s17;
	v10 =	vld.idx.msk [tilespmem:v11+s3+$0x0], $0xffff;
	[tilespmem:s16+$0xA480] =	vst v7;
	v7 =	vor.u32 $0x12, v2  }
0x8e: {  	[tilespmem:s17+$0x8200] =	vst v12;
	v11 =	vor.u32 $0x4, v3;
	v8 =	vld.idx.msk [tilespmem:v8+s3+$0x0], $0xffff  }
0x8f: {  	v12 =	vld.idx.msk [tilespmem:v13+s3+$0x0], $0xffff;
	[tilespmem:s12+$0x9400] =	vst v9;
	v9 =	vor.u32 $0x17, v6  }
0x90: {  	s28 =	simm.s32 $0x8060;
	v13 =	vor.u32 $0x9, v1;
	v15 =	vld.idx.msk [tilespmem:v4+s3+$0x0], $0xffff  }
0x91: {  	v16 =	vld [tilespmem:s28+$0x0];
	[tilespmem:s13+$0xA280] =	vst v5;
	v5 =	vor.u32 $0xE, v0  }
0x92: {  	v4 =	vshll.u32 v14, $0x5;
	[tilespmem:s15+$0x8380] =	vst v10;
	v7 =	vld.idx.msk [tilespmem:v7+s3+$0x0], $0xffff  }
0x93: {  	v10 =	vld.idx.msk [tilespmem:v11+s3+$0x0], $0xffff;
	[tilespmem:s16+$0xA500] =	vst v8;
	v8 =	vor.u32 $0x13, v2  }
0x94: {  	[tilespmem:s14+$0x9200] =	vst v12;
	v11 =	vor.u32 $0x5, v3;
	v9 =	vld.idx.msk [tilespmem:v9+s3+$0x0], $0xffff  }
0x95: {  	v12 =	vld.idx.msk [tilespmem:v13+s3+$0x0], $0xffff;
	v13 =	vor.u32 $0x18, v6;
	[tilespmem:s12+$0x9480] =	vst v15  }
0x96: {  	v14 =	vor.u32 $0xA, v1;
	v5 =	vld.idx.msk [tilespmem:v5+s3+$0x0], $0xffff  }
0x97: {  	v15 =	vld.idx.msk [tilespmem:v4+s3+$0x0], $0xffff;
	[tilespmem:s13+$0xA300] =	vst v7;
	v7 =	vor.u32 $0xF, v0  }
0x98: {  	[tilespmem:s15+$0x8400] =	vst v10;
	v8 =	vld.idx.msk [tilespmem:v8+s3+$0x0], $0xffff;
	v10 =	vor.u32 $0x1, v4  }
0x99: {  	s22 =	simm.s32 $0x50;
	s23 =	simm.s32 $0x280;
	v11 =	vld.idx.msk [tilespmem:v11+s3+$0x0], $0xffff;
	[tilespmem:s16+$0xA580] =	vst v9;
	v9 =	vor.u32 $0x14, v2  }
0x9a: {  	s29 =	sand.u32 $0x70, s22;
	s30 =	sand.u32 $0xC00, s23;
	[tilespmem:s14+$0x9280] =	vst v12;
	v12 =	vld.idx.msk [tilespmem:v13+s3+$0x0], $0xffff;
	v13 =	vor.u32 $0x6, v3  }
0x9b: {  	s17 =	sor.u32 s29, s30;
	v14 =	vld.idx.msk [tilespmem:v14+s3+$0x0], $0xffff;
	[tilespmem:s12+$0x9500] =	vst v5;
	v5 =	vor.u32 $0x19, v6  }
0x9c: {  	[tilespmem:s17+$0x8200] =	vst v15;
	v15 =	vor.u32 $0xB, v1;
	v7 =	vld.idx.msk [tilespmem:v7+s3+$0x0], $0xffff  }
0x9d: {  	v10 =	vld.idx.msk [tilespmem:v10+s3+$0x0], $0xffff;
	[tilespmem:s13+$0xA380] =	vst v8;
	v8 =	vor.u32 $0x10, v0  }
0x9e: {  	[tilespmem:s15+$0x8480] =	vst v11;
	v9 =	vld.idx.msk [tilespmem:v9+s3+$0x0], $0xffff;
	v11 =	vor.u32 $0x2, v4  }
0x9f: {  	v13 =	vld.idx.msk [tilespmem:v13+s3+$0x0], $0xffff;
	[tilespmem:s16+$0xB200] =	vst v12;
	v12 =	vor.u32 $0x15, v2  }
0xa0: {  	[tilespmem:s14+$0x9300] =	vst v14;
	v14 =	vor.u32 $0x7, v3;
	v5 =	vld.idx.msk [tilespmem:v5+s3+$0x0], $0xffff  }
0xa1: {  	v15 =	vld.idx.msk [tilespmem:v15+s3+$0x0], $0xffff;
	[tilespmem:s12+$0x9580] =	vst v7;
	v7 =	vor.u32 $0x1A, v6  }
0xa2: {  	[tilespmem:s17+$0x8280] =	vst v10;
	v10 =	vor.u32 $0xC, v1;
	v8 =	vld.idx.msk [tilespmem:v8+s3+$0x0], $0xffff  }
0xa3: {  	v11 =	vld.idx.msk [tilespmem:v11+s3+$0x0], $0xffff;
	[tilespmem:s13+$0xA400] =	vst v9;
	v9 =	vor.u32 $0x11, v0  }
0xa4: {  	[tilespmem:s15+$0x8500] =	vst v13;
	v12 =	vld.idx.msk [tilespmem:v12+s3+$0x0], $0xffff;
	v13 =	vor.u32 $0x3, v4  }
0xa5: {  	v14 =	vld.idx.msk [tilespmem:v14+s3+$0x0], $0xffff;
	[tilespmem:s16+$0xB280] =	vst v5;
	v5 =	vor.u32 $0x16, v2  }
0xa6: {  	[tilespmem:s14+$0x9380] =	vst v15;
	v15 =	vor.u32 $0x8, v3;
	v7 =	vld.idx.msk [tilespmem:v7+s3+$0x0], $0xffff  }
0xa7: {  	v10 =	vld.idx.msk [tilespmem:v10+s3+$0x0], $0xffff;
	[tilespmem:s12+$0xA200] =	vst v8  }
0xa8: {  	s18 =	sor.u32 s24, s19;
	v8 =	vor.u32 $0x1B, v6;
	[tilespmem:s17+$0x8300] =	vst v11;
	v9 =	vld.idx.msk [tilespmem:v9+s3+$0x0], $0xffff  }
0xa9: {  	s18 =	sor.u32 $0x380, s18;
	v11 =	vor.u32 $0xD, v1;
	v13 =	vld.idx.msk [tilespmem:v13+s3+$0x0], $0xffff;
	[tilespmem:s13+$0xA480] =	vst v12  }
0xaa: {  	v12 =	vor.u32 $0x12, v0;
	[tilespmem:s18+$0x8200] =	vst v14;
	v14 =	vld.idx.msk [tilespmem:v5+s3+$0x0], $0xffff  }
0xab: {  	s19 =	simm.s32 $0x8070;
	v17 =	vor.u32 $0x4, v4;
	v15 =	vld.idx.msk [tilespmem:v15+s3+$0x0], $0xffff;
	[tilespmem:s16+$0xB300] =	vst v7  }
0xac: {  	v7 =	vld [tilespmem:s19+$0x0];
	[tilespmem:s14+$0x9400] =	vst v10;
	v10 =	vor.u32 $0x17, v2  }
0xad: {  	v18 =	vor.u32 $0x9, v3;
	v8 =	vld.idx.msk [tilespmem:v8+s3+$0x0], $0xffff  }
0xae: {  	v5 =	vshll.u32 v16, $0x5;
	v11 =	vld.idx.msk [tilespmem:v11+s3+$0x0], $0xffff;
	[tilespmem:s12+$0xA280] =	vst v9  }
0xaf: {  	v9 =	vor.u32 $0x1C, v6;
	[tilespmem:s17+$0x8380] =	vst v13;
	v12 =	vld.idx.msk [tilespmem:v12+s3+$0x0], $0xffff  }
0xb0: {  	v13 =	vor.u32 $0xE, v1;
	v16 =	vld.idx.msk [tilespmem:v17+s3+$0x0], $0xffff;
	[tilespmem:s13+$0xA500] =	vst v14  }
0xb1: {  	v14 =	vor.u32 $0x13, v0;
	[tilespmem:s15+$0x9200] =	vst v15;
	v10 =	vld.idx.msk [tilespmem:v10+s3+$0x0], $0xffff  }
0xb2: {  	v15 =	vor.u32 $0x5, v4;
	v17 =	vld.idx.msk [tilespmem:v18+s3+$0x0], $0xffff  }
0xb3: {  	[tilespmem:s16+$0xB380] =	vst v8;
	v8 =	vor.u32 $0x18, v2;
	v18 =	vld.idx.msk [tilespmem:v5+s3+$0x0], $0xffff  }
0xb4: {  	[tilespmem:s14+$0x9480] =	vst v11;
	v9 =	vld.idx.msk [tilespmem:v9+s3+$0x0], $0xffff;
	v11 =	vor.u32 $0xA, v3  }
0xb5: {  	v19 =	vor.u32 $0x1, v5;
	v13 =	vld.idx.msk [tilespmem:v13+s3+$0x0], $0xffff;
	[tilespmem:s12+$0xA300] =	vst v12  }
0xb6: {  	s20 =	simm.s32 $0x60;
	s21 =	simm.s32 $0x300;
	v12 =	vor.u32 $0x1D, v6;
	[tilespmem:s17+$0x8400] =	vst v16;
	v14 =	vld.idx.msk [tilespmem:v14+s3+$0x0], $0xffff  }
0xb7: {  	s31 =	sand.u32 $0x70, s20;
	s24 =	sand.u32 $0xC00, s21;
	v16 =	vor.u32 $0xF, v1;
	v15 =	vld.idx.msk [tilespmem:v15+s3+$0x0], $0xffff;
	[tilespmem:s13+$0xA580] =	vst v10  }
0xb8: {  	s18 =	sor.u32 s31, s24;
	[tilespmem:s15+$0x9280] =	vst v17;
	v10 =	vor.u32 $0x14, v0;
	v8 =	vld.idx.msk [tilespmem:v8+s3+$0x0], $0xffff  }
0xb9: {  	v17 =	vor.u32 $0x6, v4;
	[tilespmem:s18+$0x8200] =	vst v18;
	v11 =	vld.idx.msk [tilespmem:v11+s3+$0x0], $0xffff  }
0xba: {  	[tilespmem:s16+$0xB400] =	vst v9;
	v9 =	vor.u32 $0x19, v2;
	v18 =	vld.idx.msk [tilespmem:v19+s3+$0x0], $0xffff  }
0xbb: {  	[tilespmem:s14+$0x9500] =	vst v13;
	v12 =	vld.idx.msk [tilespmem:v12+s3+$0x0], $0xffff;
	v13 =	vor.u32 $0xB, v3  }
0xbc: {  	v19 =	vor.u32 $0x2, v5;
	v16 =	vld.idx.msk [tilespmem:v16+s3+$0x0], $0xffff;
	[tilespmem:s12+$0xA380] =	vst v14  }
0xbd: {  	v14 =	vor.u32 $0x1E, v6;
	[tilespmem:s17+$0x8480] =	vst v15;
	v10 =	vld.idx.msk [tilespmem:v10+s3+$0x0], $0xffff  }
0xbe: {  	v15 =	vor.u32 $0x10, v1;
	v17 =	vld.idx.msk [tilespmem:v17+s3+$0x0], $0xffff;
	[tilespmem:s13+$0xB200] =	vst v8  }
0xbf: {  	[tilespmem:s15+$0x9300] =	vst v11;
	v8 =	vor.u32 $0x15, v0;
	v9 =	vld.idx.msk [tilespmem:v9+s3+$0x0], $0xffff  }
0xc0: {  	v11 =	vor.u32 $0x7, v4;
	[tilespmem:s18+$0x8280] =	vst v18;
	v13 =	vld.idx.msk [tilespmem:v13+s3+$0x0], $0xffff  }
0xc1: {  	[tilespmem:s16+$0xB480] =	vst v12;
	v12 =	vor.u32 $0x1A, v2;
	v18 =	vld.idx.msk [tilespmem:v19+s3+$0x0], $0xffff  }
0xc2: {  	[tilespmem:s14+$0x9580] =	vst v16;
	v14 =	vld.idx.msk [tilespmem:v14+s3+$0x0], $0xffff;
	v16 =	vor.u32 $0xC, v3  }
0xc3: {  	v19 =	vor.u32 $0x3, v5;
	v15 =	vld.idx.msk [tilespmem:v15+s3+$0x0], $0xffff;
	[tilespmem:s12+$0xA400] =	vst v10  }
0xc4: {  	v6 =	vor.u32 $0x1F, v6;
	[tilespmem:s17+$0x8500] =	vst v17;
	v17 =	vld.idx.msk [tilespmem:v8+s3+$0x0], $0xffff  }
0xc5: {  	v10 =	vor.u32 $0x11, v1;
	v20 =	vld.idx.msk [tilespmem:v11+s3+$0x0], $0xffff;
	[tilespmem:s13+$0xB280] =	vst v9  }
0xc6: {  	[tilespmem:s15+$0x9380] =	vst v13;
	v9 =	vor.u32 $0x16, v0;
	v21 =	vld.idx.msk [tilespmem:v12+s3+$0x0], $0xffff  }
0xc7: {  	v22 =	vor.u32 $0x8, v4;
	[tilespmem:s18+$0x8300] =	vst v18;
	v13 =	vld.idx.msk [tilespmem:v16+s3+$0x0], $0xffff  }
0xc8: {  	v11 =	vor.u32 $0x1B, v2;
	[tilespmem:s16+$0xB500] =	vst v14;
	v16 =	vld.idx.msk [tilespmem:v19+s3+$0x0], $0xffff  }
0xc9: {  	s22 =	sor.u32 s23, s22;
	v14 =	vor.u32 $0xD, v3;
	[tilespmem:s14+$0xA200] =	vst v15;
	v12 =	vld.idx.msk [tilespmem:v6+s3+$0x0], $0xffff  }
0xca: {  	s22 =	sor.u32 $0x380, s22;
	v8 =	vld.idx.msk [tilespmem:v10+s3+$0x0], $0xffff;
	[tilespmem:s12+$0xA480] =	vst v17  }
0xcb: {  	v10 =	vor.u32 $0x12, v1;
	[tilespmem:s22+$0x8200] =	vst v20;
	v9 =	vld.idx.msk [tilespmem:v9+s3+$0x0], $0xffff  }
0xcc: {  	s23 =	simm.s32 $0x300;
	s24 =	simm.s32 $0x80;
	s22 =	simm.s32 $0x70;
	v17 =	vor.u32 $0x4, v5;
	v15 =	vld.idx.msk [tilespmem:v22+s3+$0x0], $0xffff;
	[tilespmem:s13+$0xB300] =	vst v21  }
.LBB2_2:
0xcd: {  	p0 =	sne.s32 s24, $0x1F0;
	[tilespmem:s15+$0x9400] =	vst v13;
	v6 =	vor.u32 $0x17, v0;
	v11 =	vld.idx.msk [tilespmem:v11+s3+$0x0], $0xffff  }
0xce: {  	s19 =	sadd.s32 $0x10, s19;
	v13 =	vor.u32 $0x9, v4;
	v14 =	vld.idx.msk [tilespmem:v14+s3+$0x0], $0xffff;
	[tilespmem:s16+$0xB580] =	vst v12;
	s16 =	smov.u32 s13;
	s13 =	smov.u32 s12  }
0xcf: {  	s12 =	smov.u32 s14;
	v12 =	vld [tilespmem:s19+$0x0];
	[tilespmem:s14+$0xA280] =	vst v8;
	v8 =	vor.u32 $0x1C, v2;
	s14 =	smov.u32 s15;
	s15 =	smov.u32 s17  }
0xd0: {  	s17 =	smov.u32 s18;
	[tilespmem:s18+$0x8380] =	vst v16;
	v16 =	vor.u32 $0xE, v3;
	v10 =	vld.idx.msk [tilespmem:v10+s3+$0x0], $0xffff  }
0xd1: {  	v18 =	vshll.u32 v7, $0x5;
	v17 =	vld.idx.msk [tilespmem:v17+s3+$0x0], $0xffff;
	[tilespmem:s13+$0xA500] =	vst v9  }
0xd2: {  	v9 =	vor.u32 $0x13, v1;
	[tilespmem:s15+$0x9200] =	vst v15;
	v6 =	vld.idx.msk [tilespmem:v6+s3+$0x0], $0xffff  }
0xd3: {  	v15 =	vor.u32 $0x5, v5;
	v13 =	vld.idx.msk [tilespmem:v13+s3+$0x0], $0xffff;
	[tilespmem:s16+$0xB380] =	vst v11  }
0xd4: {  	v11 =	vor.u32 $0x18, v0;
	[tilespmem:s14+$0x9480] =	vst v14;
	v8 =	vld.idx.msk [tilespmem:v8+s3+$0x0], $0xffff;
	v7 =	vmov v12  }
0xd5: {  	v12 =	vor.u32 $0xA, v4;
	v14 =	vld.idx.msk [tilespmem:v16+s3+$0x0], $0xffff  }
0xd6: {  	v16 =	vld.idx.msk [tilespmem:v18+s3+$0x0], $0xffff;
	[tilespmem:s12+$0xA300] =	vst v10;
	v10 =	vor.u32 $0x1D, v2  }
0xd7: {  	[tilespmem:s17+$0x8400] =	vst v17;
	v17 =	vor.u32 $0xF, v3;
	v9 =	vld.idx.msk [tilespmem:v9+s3+$0x0], $0xffff  }
0xd8: {  	v19 =	vor.u32 $0x1, v18;
	v15 =	vld.idx.msk [tilespmem:v15+s3+$0x0], $0xffff;
	[tilespmem:s13+$0xA580] =	vst v6  }
0xd9: {  	s21 =	sadd.s32 $0x80, s21;
	v6 =	vor.u32 $0x14, v1;
	[tilespmem:s15+$0x9280] =	vst v13;
	v11 =	vld.idx.msk [tilespmem:v11+s3+$0x0], $0xffff  }
0xda: {  	s25 =	sand.u32 $0xC00, s21;
	s18 =	sand.u32 $0x70, s22;
	v13 =	vor.u32 $0x6, v5;
	v12 =	vld.idx.msk [tilespmem:v12+s3+$0x0], $0xffff;
	[tilespmem:s16+$0xB400] =	vst v8  }
0xdb: {  	s18 =	sor.u32 s18, s25;
	v8 =	vor.u32 $0x19, v0;
	[tilespmem:s14+$0x9500] =	vst v14;
	v10 =	vld.idx.msk [tilespmem:v10+s3+$0x0], $0xffff  }
0xdc: {  	v14 =	vor.u32 $0xB, v4;
	[tilespmem:s18+$0x8200] =	vst v16;
	v16 =	vld.idx.msk [tilespmem:v17+s3+$0x0], $0xffff  }
0xdd: {  	v17 =	vld.idx.msk [tilespmem:v19+s3+$0x0], $0xffff;
	[tilespmem:s12+$0xA380] =	vst v9;
	v9 =	vor.u32 $0x1E, v2  }
0xde: {  	[tilespmem:s17+$0x8480] =	vst v15;
	v15 =	vor.u32 $0x10, v3;
	v6 =	vld.idx.msk [tilespmem:v6+s3+$0x0], $0xffff  }
0xdf: {  	v19 =	vor.u32 $0x2, v18;
	v13 =	vld.idx.msk [tilespmem:v13+s3+$0x0], $0xffff;
	[tilespmem:s13+$0xB200] =	vst v11  }
0xe0: {  	v11 =	vor.u32 $0x15, v1;
	[tilespmem:s15+$0x9300] =	vst v12;
	v8 =	vld.idx.msk [tilespmem:v8+s3+$0x0], $0xffff  }
0xe1: {  	v12 =	vor.u32 $0x7, v5;
	v14 =	vld.idx.msk [tilespmem:v14+s3+$0x0], $0xffff;
	[tilespmem:s16+$0xB480] =	vst v10  }
0xe2: {  	v10 =	vor.u32 $0x1A, v0;
	[tilespmem:s14+$0x9580] =	vst v16;
	v9 =	vld.idx.msk [tilespmem:v9+s3+$0x0], $0xffff  }
0xe3: {  	v16 =	vor.u32 $0xC, v4;
	[tilespmem:s18+$0x8280] =	vst v17;
	v15 =	vld.idx.msk [tilespmem:v15+s3+$0x0], $0xffff  }
0xe4: {  	v17 =	vld.idx.msk [tilespmem:v19+s3+$0x0], $0xffff;
	[tilespmem:s12+$0xA400] =	vst v6;
	v6 =	vor.u32 $0x1F, v2;
	v2 =	vmovc v0;
	v0 =	vmovc v1;
	v1 =	vmov v3;
	v3 =	vmov v4  }
0xe5: {  	v4 =	vmov v5;
	v5 =	vmov v18;
	[tilespmem:s17+$0x8500] =	vst v13;
	v19 =	vor.u32 $0x11, v1;
	v20 =	vld.idx.msk [tilespmem:v11+s3+$0x0], $0xffff  }
0xe6: {  	v18 =	vor.u32 $0x3, v5;
	v21 =	vld.idx.msk [tilespmem:v12+s3+$0x0], $0xffff;
	[tilespmem:s13+$0xB280] =	vst v8  }
0xe7: {  	v22 =	vor.u32 $0x16, v0;
	[tilespmem:s15+$0x9380] =	vst v14;
	v23 =	vld.idx.msk [tilespmem:v10+s3+$0x0], $0xffff  }
0xe8: {  	v24 =	vor.u32 $0x8, v4;
	v13 =	vld.idx.msk [tilespmem:v16+s3+$0x0], $0xffff;
	[tilespmem:s16+$0xB500] =	vst v9  }
.Ltmp0:
0xe9: {  	v11 =	vor.u32 $0x1B, v2;
	[tilespmem:s14+$0xA200] =	vst v15;
	v12 =	vld.idx.msk [tilespmem:v6+s3+$0x0], $0xffff;
	(pc) =	sbr.rel @p0 .LBB2_2-.Ltmp0, $4  }
0xea: {  	s25 =	sor.u32 s23, s20;
	s23 =	smov.u32 s21;
	s20 =	smov.u32 s22;
	v14 =	vor.u32 $0xD, v3;
	[tilespmem:s18+$0x8300] =	vst v17;
	v8 =	vld.idx.msk [tilespmem:v19+s3+$0x0], $0xffff  }
0xeb: {  	s22 =	smov.u32 s24;
	s25 =	sor.u32 $0x380, s25;
	v16 =	vld.idx.msk [tilespmem:v18+s3+$0x0], $0xffff;
	[tilespmem:s12+$0xA480] =	vst v20  }
0xec: {  	v10 =	vor.u32 $0x12, v1;
	[tilespmem:s25+$0x8200] =	vst v21;
	v9 =	vld.idx.msk [tilespmem:v22+s3+$0x0], $0xffff  }
0xed: {  	s24 =	sadd.s32 $0x10, s24;
	v17 =	vor.u32 $0x4, v5;
	v15 =	vld.idx.msk [tilespmem:v24+s3+$0x0], $0xffff;
	[tilespmem:s13+$0xB300] =	vst v23  }
0xee: {  	v6 =	vshll.u32 v7, $0x5;
	_ =	sdelay $0x4  }
0xef: {  	v7 =	vld.idx.msk [tilespmem:v6+s3+$0x0], $0xffff  }
0xf0: {  	v18 =	vor.u32 $0x1, v6  }
0xf1: {  	s21 =	sadd.s32 $0x80, s21  }
0xf2: {  	s19 =	sand.u32 $0x70, s22;
	s24 =	sand.u32 $0xC00, s21  }
0xf3: {  	s19 =	sor.u32 s19, s24  }
0xf4: {  	[tilespmem:s19+$0x8200] =	vst v7  }
0xf5: {  	v7 =	vld.idx.msk [tilespmem:v18+s3+$0x0], $0xffff  }
0xf6: {  	v55 =	vor.u32 $0x2, v6;
	_ =	sdelay $0x3  }
0xf7: {  	[tilespmem:s19+$0x8280] =	vst v7  }
0xf8: {  	v7 =	vld.idx.msk [tilespmem:v55+s3+$0x0], $0xffff  }
0xf9: {  	v56 =	vor.u32 $0x3, v6;
	_ =	sdelay $0x3  }
0xfa: {  	[tilespmem:s19+$0x8300] =	vst v7  }
0xfb: {  	v7 =	vld.idx.msk [tilespmem:v56+s3+$0x0], $0xffff  }
0xfc: {  	v57 =	vor.u32 $0x4, v6;
	_ =	sdelay $0x2  }
0xfd: {  	[tilespmem:s18+$0x8380] =	vst v16  }
0xfe: {  	v16 =	vld.idx.msk [tilespmem:v17+s3+$0x0], $0xffff;
	[tilespmem:s19+$0x8380] =	vst v7  }
0xff: {  	v58 =	vor.u32 $0x5, v5;
	v59 =	vld.idx.msk [tilespmem:v57+s3+$0x0], $0xffff  }
0x100: {  	v60 =	vor.u32 $0x5, v6;
	_ =	sdelay $0x2  }
0x101: {  	[tilespmem:s18+$0x8400] =	vst v16  }
0x102: {  	v7 =	vld.idx.msk [tilespmem:v58+s3+$0x0], $0xffff;
	[tilespmem:s19+$0x8400] =	vst v59  }
0x103: {  	v61 =	vor.u32 $0x6, v5;
	v17 =	vld.idx.msk [tilespmem:v60+s3+$0x0], $0xffff  }
0x104: {  	v62 =	vor.u32 $0x6, v6;
	_ =	sdelay $0x2  }
0x105: {  	[tilespmem:s18+$0x8480] =	vst v7  }
0x106: {  	v7 =	vld.idx.msk [tilespmem:v61+s3+$0x0], $0xffff;
	[tilespmem:s19+$0x8480] =	vst v17  }
0x107: {  	v63 =	vor.u32 $0x7, v5;
	v17 =	vld.idx.msk [tilespmem:v62+s3+$0x0], $0xffff  }
0x108: {  	v21 =	vor.u32 $0x7, v6;
	_ =	sdelay $0x2  }
0x109: {  	[tilespmem:s18+$0x8500] =	vst v7  }
0x10a: {  	v7 =	vld.idx.msk [tilespmem:v63+s3+$0x0], $0xffff;
	[tilespmem:s19+$0x8500] =	vst v17  }
0x10b: {  	v22 =	vor.u32 $0x8, v5;
	v17 =	vld.idx.msk [tilespmem:v21+s3+$0x0], $0xffff  }
0x10c: {  	v23 =	vor.u32 $0x8, v6  }
0x10d: {  	s20 =	sor.u32 s23, s20  }
0x10e: {  	s20 =	sor.u32 $0x380, s20;
	s21 =	sor.u32 s21, s22  }
0x10f: {  	s31 =	sor.u32 $0x380, s21;
	[tilespmem:s20+$0x8200] =	vst v7  }
0x110: {  	v24 =	vor.u32 $0x9, v4;
	v16 =	vld.idx.msk [tilespmem:v22+s3+$0x0], $0xffff;
	[tilespmem:s31+$0x8200] =	vst v17  }
0x111: {  	v25 =	vor.u32 $0x9, v5;
	v18 =	vld.idx.msk [tilespmem:v23+s3+$0x0], $0xffff  }
0x112: {  	v19 =	vor.u32 $0x9, v6;
	_ =	sdelay $0x1  }
0x113: {  	[tilespmem:s17+$0x9200] =	vst v15  }
0x114: {  	v7 =	vld.idx.msk [tilespmem:v24+s3+$0x0], $0xffff;
	[tilespmem:s18+$0x9200] =	vst v16  }
0x115: {  	v26 =	vor.u32 $0xA, v4;
	v16 =	vld.idx.msk [tilespmem:v25+s3+$0x0], $0xffff;
	[tilespmem:s19+$0x9200] =	vst v18  }
0x116: {  	v27 =	vor.u32 $0xA, v5;
	v18 =	vld.idx.msk [tilespmem:v19+s3+$0x0], $0xffff  }
0x117: {  	v28 =	vor.u32 $0xA, v6;
	_ =	sdelay $0x1  }
0x118: {  	[tilespmem:s17+$0x9280] =	vst v7  }
0x119: {  	v7 =	vld.idx.msk [tilespmem:v26+s3+$0x0], $0xffff;
	[tilespmem:s18+$0x9280] =	vst v16  }
0x11a: {  	v29 =	vor.u32 $0xB, v4;
	v16 =	vld.idx.msk [tilespmem:v27+s3+$0x0], $0xffff;
	[tilespmem:s19+$0x9280] =	vst v18  }
0x11b: {  	v30 =	vor.u32 $0xB, v5;
	v18 =	vld.idx.msk [tilespmem:v28+s3+$0x0], $0xffff  }
0x11c: {  	v31 =	vor.u32 $0xB, v6;
	_ =	sdelay $0x1  }
0x11d: {  	[tilespmem:s17+$0x9300] =	vst v7  }
0x11e: {  	v7 =	vld.idx.msk [tilespmem:v29+s3+$0x0], $0xffff;
	[tilespmem:s18+$0x9300] =	vst v16  }
0x11f: {  	v32 =	vor.u32 $0xC, v4;
	v16 =	vld.idx.msk [tilespmem:v30+s3+$0x0], $0xffff;
	[tilespmem:s19+$0x9300] =	vst v18  }
0x120: {  	v33 =	vor.u32 $0xC, v5;
	v18 =	vld.idx.msk [tilespmem:v31+s3+$0x0], $0xffff  }
0x121: {  	v34 =	vor.u32 $0xC, v6;
	_ =	sdelay $0x1  }
0x122: {  	[tilespmem:s17+$0x9380] =	vst v7  }
0x123: {  	v7 =	vld.idx.msk [tilespmem:v32+s3+$0x0], $0xffff;
	[tilespmem:s18+$0x9380] =	vst v16  }
0x124: {  	v35 =	vor.u32 $0xD, v4;
	v16 =	vld.idx.msk [tilespmem:v33+s3+$0x0], $0xffff;
	[tilespmem:s19+$0x9380] =	vst v18  }
0x125: {  	v36 =	vor.u32 $0xD, v5;
	v18 =	vld.idx.msk [tilespmem:v34+s3+$0x0], $0xffff  }
0x126: {  	v37 =	vor.u32 $0xD, v6  }
0x127: {  	[tilespmem:s15+$0x9400] =	vst v13  }
0x128: {  	v13 =	vld.idx.msk [tilespmem:v14+s3+$0x0], $0xffff;
	[tilespmem:s17+$0x9400] =	vst v7  }
0x129: {  	v38 =	vor.u32 $0xE, v3;
	v39 =	vld.idx.msk [tilespmem:v35+s3+$0x0], $0xffff;
	[tilespmem:s18+$0x9400] =	vst v16  }
0x12a: {  	v40 =	vor.u32 $0xE, v4;
	v16 =	vld.idx.msk [tilespmem:v36+s3+$0x0], $0xffff;
	[tilespmem:s19+$0x9400] =	vst v18  }
0x12b: {  	v41 =	vor.u32 $0xE, v5;
	v18 =	vld.idx.msk [tilespmem:v37+s3+$0x0], $0xffff  }
0x12c: {  	v42 =	vor.u32 $0xE, v6  }
0x12d: {  	[tilespmem:s15+$0x9480] =	vst v13  }
0x12e: {  	v7 =	vld.idx.msk [tilespmem:v38+s3+$0x0], $0xffff;
	[tilespmem:s17+$0x9480] =	vst v39  }
0x12f: {  	v43 =	vor.u32 $0xF, v3;
	v14 =	vld.idx.msk [tilespmem:v40+s3+$0x0], $0xffff;
	[tilespmem:s18+$0x9480] =	vst v16  }
0x130: {  	v44 =	vor.u32 $0xF, v4;
	v16 =	vld.idx.msk [tilespmem:v41+s3+$0x0], $0xffff;
	[tilespmem:s19+$0x9480] =	vst v18  }
0x131: {  	v45 =	vor.u32 $0xF, v5;
	v18 =	vld.idx.msk [tilespmem:v42+s3+$0x0], $0xffff  }
0x132: {  	v46 =	vor.u32 $0xF, v6  }
0x133: {  	[tilespmem:s15+$0x9500] =	vst v7  }
0x134: {  	v7 =	vld.idx.msk [tilespmem:v43+s3+$0x0], $0xffff;
	[tilespmem:s17+$0x9500] =	vst v14  }
0x135: {  	v47 =	vor.u32 $0x10, v3;
	v14 =	vld.idx.msk [tilespmem:v44+s3+$0x0], $0xffff;
	[tilespmem:s18+$0x9500] =	vst v16  }
0x136: {  	v48 =	vor.u32 $0x10, v4;
	v16 =	vld.idx.msk [tilespmem:v45+s3+$0x0], $0xffff;
	[tilespmem:s19+$0x9500] =	vst v18  }
0x137: {  	v49 =	vor.u32 $0x10, v5;
	v18 =	vld.idx.msk [tilespmem:v46+s3+$0x0], $0xffff  }
0x138: {  	v50 =	vor.u32 $0x10, v6  }
0x139: {  	[tilespmem:s15+$0x9580] =	vst v7  }
0x13a: {  	v7 =	vld.idx.msk [tilespmem:v47+s3+$0x0], $0xffff;
	[tilespmem:s17+$0x9580] =	vst v14  }
0x13b: {  	v51 =	vor.u32 $0x11, v3;
	v14 =	vld.idx.msk [tilespmem:v48+s3+$0x0], $0xffff;
	[tilespmem:s18+$0x9580] =	vst v16  }
0x13c: {  	v52 =	vor.u32 $0x11, v4;
	v16 =	vld.idx.msk [tilespmem:v49+s3+$0x0], $0xffff;
	[tilespmem:s19+$0x9580] =	vst v18  }
0x13d: {  	v53 =	vor.u32 $0x11, v5;
	v18 =	vld.idx.msk [tilespmem:v50+s3+$0x0], $0xffff  }
0x13e: {  	[tilespmem:s16+$0xB580] =	vst v12;
	v54 =	vor.u32 $0x11, v6  }
0x13f: {  	[tilespmem:s15+$0xA200] =	vst v7  }
0x140: {  	v7 =	vld.idx.msk [tilespmem:v51+s3+$0x0], $0xffff;
	[tilespmem:s17+$0xA200] =	vst v14  }
0x141: {  	v55 =	vor.u32 $0x12, v3;
	v14 =	vld.idx.msk [tilespmem:v52+s3+$0x0], $0xffff;
	[tilespmem:s18+$0xA200] =	vst v16  }
0x142: {  	v56 =	vor.u32 $0x12, v4;
	v16 =	vld.idx.msk [tilespmem:v53+s3+$0x0], $0xffff;
	[tilespmem:s19+$0xA200] =	vst v18  }
0x143: {  	[tilespmem:s14+$0xA280] =	vst v8;
	v57 =	vor.u32 $0x12, v5;
	v12 =	vld.idx.msk [tilespmem:v54+s3+$0x0], $0xffff  }
0x144: {  	v11 =	vld.idx.msk [tilespmem:v11+s3+$0x0], $0xffff;
	[tilespmem:s12+$0xA500] =	vst v9;
	v58 =	vor.u32 $0x12, v6  }
0x145: {  	v10 =	vld.idx.msk [tilespmem:v10+s3+$0x0], $0xffff;
	v59 =	vor.u32 $0x17, v0;
	[tilespmem:s15+$0xA280] =	vst v7  }
0x146: {  	v60 =	vor.u32 $0x13, v1;
	v13 =	vld.idx.msk [tilespmem:v55+s3+$0x0], $0xffff;
	[tilespmem:s17+$0xA280] =	vst v14  }
0x147: {  	v61 =	vor.u32 $0x13, v3;
	v15 =	vld.idx.msk [tilespmem:v56+s3+$0x0], $0xffff;
	[tilespmem:s18+$0xA280] =	vst v16  }
0x148: {  	v62 =	vor.u32 $0x13, v4;
	v8 =	vld.idx.msk [tilespmem:v57+s3+$0x0], $0xffff;
	[tilespmem:s19+$0xA280] =	vst v12  }
0x149: {  	[tilespmem:s13+$0xB380] =	vst v11;
	v63 =	vor.u32 $0x13, v5;
	v9 =	vld.idx.msk [tilespmem:v58+s3+$0x0], $0xffff  }
0x14a: {  	[tilespmem:s14+$0xA300] =	vst v10;
	v20 =	vld.idx.msk [tilespmem:v59+s3+$0x0], $0xffff;
	v21 =	vor.u32 $0x13, v6  }
0x14b: {  	v22 =	vor.u32 $0x1C, v2;
	v7 =	vld.idx.msk [tilespmem:v60+s3+$0x0], $0xffff;
	[tilespmem:s15+$0xA300] =	vst v13  }
0x14c: {  	v23 =	vor.u32 $0x14, v1;
	v14 =	vld.idx.msk [tilespmem:v61+s3+$0x0], $0xffff;
	[tilespmem:s17+$0xA300] =	vst v15  }
0x14d: {  	v24 =	vor.u32 $0x14, v3;
	v16 =	vld.idx.msk [tilespmem:v62+s3+$0x0], $0xffff;
	[tilespmem:s18+$0xA300] =	vst v8  }
0x14e: {  	v25 =	vor.u32 $0x14, v4;
	v11 =	vld.idx.msk [tilespmem:v63+s3+$0x0], $0xffff;
	[tilespmem:s19+$0xA300] =	vst v9  }
0x14f: {  	[tilespmem:s12+$0xA580] =	vst v20;
	v26 =	vor.u32 $0x14, v5;
	v10 =	vld.idx.msk [tilespmem:v21+s3+$0x0], $0xffff  }
0x150: {  	v27 =	vld.idx.msk [tilespmem:v22+s3+$0x0], $0xffff;
	v28 =	vor.u32 $0x14, v6;
	[tilespmem:s14+$0xA380] =	vst v7  }
0x151: {  	v29 =	vor.u32 $0x18, v0;
	v13 =	vld.idx.msk [tilespmem:v23+s3+$0x0], $0xffff;
	[tilespmem:s15+$0xA380] =	vst v14  }
0x152: {  	v30 =	vor.u32 $0x15, v1;
	v15 =	vld.idx.msk [tilespmem:v24+s3+$0x0], $0xffff;
	[tilespmem:s17+$0xA380] =	vst v16  }
0x153: {  	v31 =	vor.u32 $0x15, v3;
	v8 =	vld.idx.msk [tilespmem:v25+s3+$0x0], $0xffff;
	[tilespmem:s18+$0xA380] =	vst v11  }
0x154: {  	v32 =	vor.u32 $0x15, v4;
	v9 =	vld.idx.msk [tilespmem:v26+s3+$0x0], $0xffff;
	[tilespmem:s19+$0xA380] =	vst v10  }
0x155: {  	[tilespmem:s13+$0xB400] =	vst v27;
	v33 =	vor.u32 $0x15, v5;
	v7 =	vld.idx.msk [tilespmem:v28+s3+$0x0], $0xffff  }
0x156: {  	v35 =	vor.u32 $0x15, v6;
	v34 =	vld.idx.msk [tilespmem:v29+s3+$0x0], $0xffff;
	[tilespmem:s14+$0xA400] =	vst v13  }
0x157: {  	v36 =	vor.u32 $0x1D, v2;
	v14 =	vld.idx.msk [tilespmem:v30+s3+$0x0], $0xffff;
	[tilespmem:s15+$0xA400] =	vst v15  }
0x158: {  	v37 =	vor.u32 $0x16, v1;
	v16 =	vld.idx.msk [tilespmem:v31+s3+$0x0], $0xffff;
	[tilespmem:s17+$0xA400] =	vst v8  }
0x159: {  	v38 =	vor.u32 $0x16, v3;
	v11 =	vld.idx.msk [tilespmem:v32+s3+$0x0], $0xffff;
	[tilespmem:s18+$0xA400] =	vst v9  }
0x15a: {  	v39 =	vor.u32 $0x16, v4;
	v10 =	vld.idx.msk [tilespmem:v33+s3+$0x0], $0xffff;
	[tilespmem:s19+$0xA400] =	vst v7  }
0x15b: {  	v40 =	vor.u32 $0x16, v5;
	[tilespmem:s12+$0xB200] =	vst v34;
	v41 =	vld.idx.msk [tilespmem:v35+s3+$0x0], $0xffff  }
0x15c: {  	v43 =	vor.u32 $0x16, v6;
	v42 =	vld.idx.msk [tilespmem:v36+s3+$0x0], $0xffff;
	[tilespmem:s14+$0xA480] =	vst v14  }
0x15d: {  	v44 =	vor.u32 $0x19, v0;
	v15 =	vld.idx.msk [tilespmem:v37+s3+$0x0], $0xffff;
	[tilespmem:s15+$0xA480] =	vst v16  }
0x15e: {  	v45 =	vor.u32 $0x17, v1;
	v8 =	vld.idx.msk [tilespmem:v38+s3+$0x0], $0xffff;
	[tilespmem:s17+$0xA480] =	vst v11  }
0x15f: {  	v46 =	vor.u32 $0x17, v3;
	v9 =	vld.idx.msk [tilespmem:v39+s3+$0x0], $0xffff;
	[tilespmem:s18+$0xA480] =	vst v10  }
0x160: {  	v47 =	vor.u32 $0x17, v4;
	v7 =	vld.idx.msk [tilespmem:v40+s3+$0x0], $0xffff;
	[tilespmem:s19+$0xA480] =	vst v41  }
0x161: {  	v48 =	vor.u32 $0x17, v5;
	[tilespmem:s13+$0xB480] =	vst v42;
	v49 =	vld.idx.msk [tilespmem:v43+s3+$0x0], $0xffff  }
0x162: {  	v51 =	vor.u32 $0x17, v6;
	v50 =	vld.idx.msk [tilespmem:v44+s3+$0x0], $0xffff;
	[tilespmem:s14+$0xA500] =	vst v15  }
0x163: {  	v60 =	vor.u32 $0x1A, v0;
	v16 =	vld.idx.msk [tilespmem:v45+s3+$0x0], $0xffff;
	[tilespmem:s15+$0xA500] =	vst v8  }
0x164: {  	v53 =	vor.u32 $0x18, v1;
	v11 =	vld.idx.msk [tilespmem:v46+s3+$0x0], $0xffff;
	[tilespmem:s17+$0xA500] =	vst v9  }
0x165: {  	v54 =	vor.u32 $0x18, v3;
	v10 =	vld.idx.msk [tilespmem:v47+s3+$0x0], $0xffff;
	[tilespmem:s18+$0xA500] =	vst v7  }
0x166: {  	v55 =	vor.u32 $0x18, v4;
	v12 =	vld.idx.msk [tilespmem:v48+s3+$0x0], $0xffff;
	[tilespmem:s19+$0xA500] =	vst v49  }
0x167: {  	v56 =	vor.u32 $0x18, v5;
	[tilespmem:s12+$0xB280] =	vst v50;
	v57 =	vld.idx.msk [tilespmem:v51+s3+$0x0], $0xffff  }
0x168: {  	v59 =	vor.u32 $0x18, v6;
	v22 =	vld.idx.msk [tilespmem:v60+s3+$0x0], $0xffff;
	[tilespmem:s14+$0xA580] =	vst v16  }
0x169: {  	v52 =	vor.u32 $0x1E, v2;
	v8 =	vld.idx.msk [tilespmem:v53+s3+$0x0], $0xffff;
	[tilespmem:s15+$0xA580] =	vst v11  }
0x16a: {  	v61 =	vor.u32 $0x19, v1;
	v9 =	vld.idx.msk [tilespmem:v54+s3+$0x0], $0xffff;
	[tilespmem:s17+$0xA580] =	vst v10  }
0x16b: {  	v62 =	vor.u32 $0x19, v3;
	v7 =	vld.idx.msk [tilespmem:v55+s3+$0x0], $0xffff;
	[tilespmem:s18+$0xA580] =	vst v12  }
0x16c: {  	v63 =	vor.u32 $0x19, v4;
	v13 =	vld.idx.msk [tilespmem:v56+s3+$0x0], $0xffff;
	[tilespmem:s19+$0xA580] =	vst v57  }
0x16d: {  	v20 =	vor.u32 $0x19, v5;
	[tilespmem:s12+$0xB300] =	vst v22;
	v21 =	vld.idx.msk [tilespmem:v59+s3+$0x0], $0xffff  }
0x16e: {  	v23 =	vor.u32 $0x19, v6;
	v58 =	vld.idx.msk [tilespmem:v52+s3+$0x0], $0xffff;
	[tilespmem:s14+$0xB200] =	vst v8  }
0x16f: {  	v24 =	vor.u32 $0x1F, v2;
	v11 =	vld.idx.msk [tilespmem:v61+s3+$0x0], $0xffff;
	[tilespmem:s15+$0xB200] =	vst v9  }
0x170: {  	v25 =	vor.u32 $0x1A, v1;
	v10 =	vld.idx.msk [tilespmem:v62+s3+$0x0], $0xffff;
	[tilespmem:s17+$0xB200] =	vst v7  }
0x171: {  	v26 =	vor.u32 $0x1A, v3;
	v12 =	vld.idx.msk [tilespmem:v63+s3+$0x0], $0xffff;
	[tilespmem:s18+$0xB200] =	vst v13  }
0x172: {  	v27 =	vor.u32 $0x1A, v4;
	v14 =	vld.idx.msk [tilespmem:v20+s3+$0x0], $0xffff;
	[tilespmem:s19+$0xB200] =	vst v21  }
0x173: {  	[tilespmem:s13+$0xB500] =	vst v58;
	v28 =	vor.u32 $0x1A, v5;
	v8 =	vld.idx.msk [tilespmem:v23+s3+$0x0], $0xffff  }
0x174: {  	v29 =	vor.u32 $0x1A, v6;
	v2 =	vld.idx.msk [tilespmem:v24+s3+$0x0], $0xffff;
	[tilespmem:s14+$0xB280] =	vst v11  }
0x175: {  	v30 =	vor.u32 $0x1B, v0;
	v9 =	vld.idx.msk [tilespmem:v25+s3+$0x0], $0xffff;
	[tilespmem:s15+$0xB280] =	vst v10  }
0x176: {  	v31 =	vor.u32 $0x1B, v1;
	v7 =	vld.idx.msk [tilespmem:v26+s3+$0x0], $0xffff;
	[tilespmem:s17+$0xB280] =	vst v12  }
0x177: {  	v32 =	vor.u32 $0x1B, v3;
	v13 =	vld.idx.msk [tilespmem:v27+s3+$0x0], $0xffff;
	[tilespmem:s18+$0xB280] =	vst v14  }
0x178: {  	v33 =	vor.u32 $0x1B, v4;
	v15 =	vld.idx.msk [tilespmem:v28+s3+$0x0], $0xffff;
	[tilespmem:s19+$0xB280] =	vst v8  }
0x179: {  	v34 =	vor.u32 $0x1B, v5;
	[tilespmem:s13+$0xB580] =	vst v2;
	v8 =	vld.idx.msk [tilespmem:v29+s3+$0x0], $0xffff  }
0x17a: {  	v36 =	vor.u32 $0x1B, v6;
	v35 =	vld.idx.msk [tilespmem:v30+s3+$0x0], $0xffff;
	[tilespmem:s14+$0xB300] =	vst v9  }
0x17b: {  	v37 =	vor.u32 $0x1C, v0;
	v10 =	vld.idx.msk [tilespmem:v31+s3+$0x0], $0xffff;
	[tilespmem:s15+$0xB300] =	vst v7  }
0x17c: {  	v38 =	vor.u32 $0x1C, v1;
	v12 =	vld.idx.msk [tilespmem:v32+s3+$0x0], $0xffff;
	[tilespmem:s17+$0xB300] =	vst v13  }
0x17d: {  	v39 =	vor.u32 $0x1C, v3;
	v14 =	vld.idx.msk [tilespmem:v33+s3+$0x0], $0xffff;
	[tilespmem:s18+$0xB300] =	vst v15  }
0x17e: {  	v40 =	vor.u32 $0x1C, v4;
	v2 =	vld.idx.msk [tilespmem:v34+s3+$0x0], $0xffff;
	[tilespmem:s19+$0xB300] =	vst v8  }
0x17f: {  	[tilespmem:s12+$0xB380] =	vst v35;
	v41 =	vor.u32 $0x1C, v5;
	v9 =	vld.idx.msk [tilespmem:v36+s3+$0x0], $0xffff  }
0x180: {  	v42 =	vor.u32 $0x1C, v6;
	v11 =	vld.idx.msk [tilespmem:v37+s3+$0x0], $0xffff;
	[tilespmem:s14+$0xB380] =	vst v10  }
0x181: {  	v43 =	vor.u32 $0x1D, v0;
	v7 =	vld.idx.msk [tilespmem:v38+s3+$0x0], $0xffff;
	[tilespmem:s15+$0xB380] =	vst v12  }
0x182: {  	v44 =	vor.u32 $0x1D, v1;
	v13 =	vld.idx.msk [tilespmem:v39+s3+$0x0], $0xffff;
	[tilespmem:s17+$0xB380] =	vst v14  }
0x183: {  	v45 =	vor.u32 $0x1D, v3;
	v15 =	vld.idx.msk [tilespmem:v40+s3+$0x0], $0xffff;
	[tilespmem:s18+$0xB380] =	vst v2  }
0x184: {  	v46 =	vor.u32 $0x1D, v4;
	v8 =	vld.idx.msk [tilespmem:v41+s3+$0x0], $0xffff;
	[tilespmem:s19+$0xB380] =	vst v9  }
0x185: {  	v47 =	vor.u32 $0x1D, v5;
	[tilespmem:s12+$0xB400] =	vst v11;
	v10 =	vld.idx.msk [tilespmem:v42+s3+$0x0], $0xffff  }
0x186: {  	v48 =	vor.u32 $0x1D, v6;
	v11 =	vld.idx.msk [tilespmem:v43+s3+$0x0], $0xffff;
	[tilespmem:s14+$0xB400] =	vst v7  }
0x187: {  	v49 =	vor.u32 $0x1E, v0;
	v12 =	vld.idx.msk [tilespmem:v44+s3+$0x0], $0xffff;
	[tilespmem:s15+$0xB400] =	vst v13  }
0x188: {  	v50 =	vor.u32 $0x1E, v1;
	v14 =	vld.idx.msk [tilespmem:v45+s3+$0x0], $0xffff;
	[tilespmem:s17+$0xB400] =	vst v15  }
0x189: {  	v51 =	vor.u32 $0x1E, v3;
	v2 =	vld.idx.msk [tilespmem:v46+s3+$0x0], $0xffff;
	[tilespmem:s18+$0xB400] =	vst v8  }
0x18a: {  	v52 =	vor.u32 $0x1E, v4;
	v9 =	vld.idx.msk [tilespmem:v47+s3+$0x0], $0xffff;
	[tilespmem:s19+$0xB400] =	vst v10  }
0x18b: {  	v53 =	vor.u32 $0x1E, v5;
	[tilespmem:s12+$0xB480] =	vst v11;
	v7 =	vld.idx.msk [tilespmem:v48+s3+$0x0], $0xffff  }
0x18c: {  	v54 =	vor.u32 $0x1E, v6;
	v11 =	vld.idx.msk [tilespmem:v49+s3+$0x0], $0xffff;
	[tilespmem:s14+$0xB480] =	vst v12  }
0x18d: {  	v55 =	vor.u32 $0x1F, v0;
	v13 =	vld.idx.msk [tilespmem:v50+s3+$0x0], $0xffff;
	[tilespmem:s15+$0xB480] =	vst v14  }
0x18e: {  	v56 =	vor.u32 $0x1F, v1;
	v14 =	vld.idx.msk [tilespmem:v51+s3+$0x0], $0xffff;
	[tilespmem:s17+$0xB480] =	vst v2  }
0x18f: {  	v57 =	vor.u32 $0x1F, v3;
	v58 =	vld.idx.msk [tilespmem:v52+s3+$0x0], $0xffff;
	[tilespmem:s18+$0xB480] =	vst v9  }
0x190: {  	v59 =	vor.u32 $0x1F, v4;
	v60 =	vld.idx.msk [tilespmem:v53+s3+$0x0], $0xffff;
	[tilespmem:s19+$0xB480] =	vst v7  }
0x191: {  	v61 =	vor.u32 $0x1F, v5;
	[tilespmem:s12+$0xB500] =	vst v11;
	v7 =	vld.idx.msk [tilespmem:v54+s3+$0x0], $0xffff  }
0x192: {  	v6 =	vor.u32 $0x1F, v6;
	v0 =	vld.idx.msk [tilespmem:v55+s3+$0x0], $0xffff;
	[tilespmem:s14+$0xB500] =	vst v13  }
0x193: {  	v1 =	vld.idx.msk [tilespmem:v56+s3+$0x0], $0xffff;
	[tilespmem:s15+$0xB500] =	vst v14  }
0x194: {  	v2 =	vld.idx.msk [tilespmem:v57+s3+$0x0], $0xffff;
	[tilespmem:s17+$0xB500] =	vst v58  }
0x195: {  	v3 =	vld.idx.msk [tilespmem:v59+s3+$0x0], $0xffff;
	[tilespmem:s18+$0xB500] =	vst v60  }
0x196: {  	v62 =	vld.idx.msk [tilespmem:v61+s3+$0x0], $0xffff;
	[tilespmem:s19+$0xB500] =	vst v7  }
0x197: {  	[tilespmem:s12+$0xB580] =	vst v0;
	v63 =	vld.idx.msk [tilespmem:v6+s3+$0x0], $0xffff  }
0x198: {  	[tilespmem:s14+$0xB580] =	vst v1  }
0x199: {  	[tilespmem:s15+$0xB580] =	vst v2  }
0x19a: {  	s11 =	sadd.s32 $0x1, s11;
	[tilespmem:s17+$0xB580] =	vst v3  }
0x19b: {  	p0 =	sne.s32 s11, s6;
	[tilespmem:s18+$0xB580] =	vst v62  }
.Ltmp1:
0x19c: {  	[tilespmem:s19+$0xB580] =	vst v63;
	(pc) =	sbr.rel @p0 .LBB2_1-.Ltmp1, $4  }
0x19d: {  	[hbm4b:s5+s8] =	stream.strided.scatter [tilespmem:s10], [sflag:$0x1], $0x4000, s9, s8, $0x38;
	[tilespmem:$0xC200] =	vst v63  }
0x19e: {  	_ =	swait.ge [sflag:s7], $0x4000  }
0x19f: {  	[sflag:s7] =	ssyncset.done $0x0  }
0x1a0: {  	[sflag:s7] =	ssyncadd.s32 $0xFFFFC000  }
0x1a1: {  	_ =	sfence.sel $0x180000  }
0x1a2: {  	[bflag:$0x0] =	sbarrier.arrive $0xFFFF  }
0x1a3: {  	p0 =	sne.s32 s2, $0x0;
	_ =	strace $0x90000047  }
0x1a4: {  	s0 =	sadd.s32 @!p0 $0x100000, s0;
	[bflag:$0x2] =	sbarrier.arrive $0xFFFF  }
0x1a5: {  	[sflag:s0] =	ssyncadd.tile.s32 @!p0 $0x1;
	_ =	shalt  }
.Lfunc_end2:
_tile_overlayer_lowered:
.L_overlay_start_2:
0x1a6: {  	(tag) =	ssettag $0x2  }
0x1a7: {  	s0 =	rddreg [dreg:$0x0];
	s2 =	stileid.u32  }
0x1a8: {  	s1 =	rddreg [dreg:$0x1];
	p0 =	sne.s32 s2, $0x0  }
0x1a9: {  	s3 =	rddreg [dreg:$0x2];
	[bflag:$0x3] =	sbarrier.arrive $0xFFFF;
	s2 =	simm.s32 @!p0 $0x1C01  }
0x1aa: {  	[timem:s3], [sflag:s2] =	dma.local @!p0 [hbm:s0], s1  }
0x1ab: {  	s0 =	simm.s32 @!p0 $0x1  }
0x1ac: {  	_ =	swait.ge @!p0 [sflag:s0], s1  }
0x1ad: {  	s1 =	ssub.s32 @!p0 $0x0, s1;
	[sflag:s0] =	ssyncset.done @!p0 $0x0  }
0x1ae: {  	[sflag:s0] =	ssyncadd.s32 @!p0 s1  }
0x1af: {  	[bflag:$0x3] =	sbarrier.arrive $0xFFFF  }
0x1b0: {  	_ =	shalt  }

// kernel: kernel.17.cloned.1.call-start
scs
__scs_entry_jumppad:
0x0: {  	(pc) =	sbr.rel $0x88, $3  }
0x1: {  	(tag) =	ssettag $0x0;
	lr =	simm.s32 $0x1  }
0x2: {  	[smem:$0x3F9F] =	sst lr;
	_ =	strace $0xD0000000  }
0x3: {  	_ = 	snop  }
0x4: {  	_ = 	snop  }
0x5: {  	_ = 	snop  }
0x6: {  	_ = 	snop  }
0x7: {  	_ = 	snop  }
__scs_overlays_trampoline_lowered:
0x8: {  	[smem:$0x3FAE] =	sst s0  }
0x9: {  	[smem:$0x3FAF] =	sst s1  }
0xa: {  	[smem:$0x3FB0] =	sst s2  }
0xb: {  	[smem:$0x3FB1] =	sst s3  }
0xc: {  	[smem:$0x3FB2] =	sst s4  }
0xd: {  	[smem:$0x3FB3] =	sst s5  }
0xe: {  	[smem:$0x3FB4] =	sst s6  }
0xf: {  	[smem:$0x3FB5] =	sst s7  }
0x10: {  	[smem:$0x3FB6] =	sst s8  }
0x11: {  	[smem:$0x3FB7] =	sst s9;
	s0 =	simm.s32 @!p0 $0x0  }
0x12: {  	s1 =	sld [smem:$0x3F9D];
	s0 =	simm.s32 @p0 $0x1  }
0x13: {  	[smem:$0x3FB8] =	sst s0;
	s0 =	simm.s32 @!p1 $0x0  }
0x14: {  	s2 =	sld [smem:$0x3F9C];
	s0 =	simm.s32 @p1 $0x1  }
0x15: {  	[smem:$0x3FB9] =	sst s0;
	s0 =	simm.s32 @!p2 $0x0  }
0x16: {  	s3 =	sld [smem:$0x3FDB];
	s0 =	simm.s32 @p2 $0x1  }
0x17: {  	s4 =	simm.s32 $0x1BF5;
	[smem:$0x3FBB] =	sst s0  }
0x18: {  	s0 =	sld [smem:$0x3F9E];
	_ =	swait.ge [sflag:s4], $0x0  }
0x19: {  	s7 =	sld [smem:$0x3F9F]  }
0x1a: {  	s8 =	sadd.s32 $0xFFFFE003, lr  }
0x1b: {  	s9 =	sadd.s32 $0xFFFFFEF7, lr;
	s5 =	simm.s32 $0xFFFFFFFF;
	p2 =	slt.u32 s8, $0xFFFFF086  }
0x1c: {  	p1 =	slt.u32 s9, $0xF7A;
	s5 =	simm.s32 @!p2 $0x0  }
0x1d: {  	s5 =	simm.s32 @p1 $0x1;
	p0 =	seq.s32 s7, s2  }
0x1e: {  	s7 =	smul.u32 @!p0 $0xF7A, s2;
	p2 =	seq.s32 @!p0 s5, $0x0  }
0x1f: {  	s9 =	smul.u32 $0xF7A, s1;
	s8 =	simm.s32 @!p0 $0x1BF5;
	p2 =	por !p2, p0  }
0x20: {  	[sflag:s8] =	ssyncset.s32 @!p0 $0xFFFFF086;
	s6 =	sadd.s32 @!p0 s3, s7;
	s7 =	simm.s32 @!p0 $0x108  }
0x21: {  	s3 =	sadd.s32 s3, s9;
	s6 =	sadd.s32 @!p0 $0x88, s6;
	s7 =	simm.s32 @p2 $0x1082  }
0x22: {  	[simem:s7], [sflag:s8] =	dma.local @!p0 [hbm:s6], $0xF7A  }
0x23: {  	s9 =	sor.u32 $0xD0000000, s2;
	s6 =	simm.s32 $0x108;
	_ =	swait.ge @!p0 [sflag:s8], $0x0  }
0x24: {  	s3 =	sadd.s32 $0x88, s3;
	s6 =	simm.s32 @!p1 $0x1082;
	[sflag:s4] =	ssyncset.s32 $0xFFFFF086  }
0x25: {  	[simem:s6], [sflag:s4] =	dma.local [hbm:s3], $0xF7A  }
0x26: {  	[smem:$0x3F9F] =	sst s1;
	(tag) =	ssettag s2;
	_ =	strace s9  }
0x27: {  	s1 =	sld [smem:$0x3FAF]  }
0x28: {  	s2 =	sld [smem:$0x3FB0]  }
0x29: {  	s4 =	sld [smem:$0x3FB2]  }
0x2a: {  	p0 =	seq.s32 s5, $0x0;
	s5 =	sld [smem:$0x3FB3]  }
0x2b: {  	s6 =	sld [smem:$0x3FB4]  }
0x2c: {  	s7 =	sld [smem:$0x3FB5]  }
0x2d: {  	s3 =	simm.s32 $0x108;
	s8 =	sld [smem:$0x3FB6]  }
0x2e: {  	s3 =	simm.s32 @!p0 $0x1082;
	s9 =	sld [smem:$0x3FB7]  }
0x2f: {  	lr =	sadd.s32 s0, s3;
	s0 =	sld [smem:$0x3FAE]  }
0x30: {  	s3 =	sld [smem:$0x3FB1]  }
0x31: {  	[smem:$0x3FBA] =	sst s10  }
0x32: {  	s10 =	sld [smem:$0x3FB8];
	_ =	sdelay $0x3  }
0x33: {  	p0 =	seq.s32 s10, $0x1;
	s10 =	sld [smem:$0x3FBA];
	_ =	sdelay $0x3  }
0x34: {  	[smem:$0x3FBA] =	sst s10  }
0x35: {  	s10 =	sld [smem:$0x3FB9];
	_ =	sdelay $0x3  }
0x36: {  	p1 =	seq.s32 s10, $0x1;
	s10 =	sld [smem:$0x3FBA];
	_ =	sdelay $0x3  }
0x37: {  	[smem:$0x3FBA] =	sst s10  }
0x38: {  	s10 =	sld [smem:$0x3FBB]  }
0x39: {  	_ = 	snop;
	(pc) =	sbr.ind lr, $3  }
0x3a: {  	_ = 	snop  }
0x3b: {  	_ = 	snop  }
0x3c: {  	p2 =	seq.s32 s10, $0x1;
	s10 =	sld [smem:$0x3FBA]  }
0x3d: {  	_ =	shalt  }
0x3e: {  	_ =	shalt  }
0x3f: {  	_ =	shalt  }
0x40: {  	_ =	shalt  }
0x41: {  	_ =	shalt  }
0x42: {  	_ =	shalt  }
0x43: {  	_ =	shalt  }
0x44: {  	_ =	shalt  }
0x45: {  	_ =	shalt  }
0x46: {  	_ =	shalt  }
0x47: {  	_ =	shalt  }
0x48: {  	_ =	shalt  }
0x49: {  	_ =	shalt  }
0x4a: {  	_ =	shalt  }
0x4b: {  	_ =	shalt  }
0x4c: {  	_ =	shalt  }
0x4d: {  	_ =	shalt  }
0x4e: {  	_ =	shalt  }
0x4f: {  	_ =	shalt  }
0x50: {  	_ =	shalt  }
0x51: {  	_ =	shalt  }
0x52: {  	_ =	shalt  }
0x53: {  	_ =	shalt  }
0x54: {  	_ =	shalt  }
0x55: {  	_ =	shalt  }
0x56: {  	_ =	shalt  }
0x57: {  	_ =	shalt  }
0x58: {  	_ =	shalt  }
0x59: {  	_ =	shalt  }
0x5a: {  	_ =	shalt  }
0x5b: {  	_ =	shalt  }
0x5c: {  	_ =	shalt  }
0x5d: {  	_ =	shalt  }
0x5e: {  	_ =	shalt  }
0x5f: {  	_ =	shalt  }
0x60: {  	_ =	shalt  }
0x61: {  	_ =	shalt  }
0x62: {  	_ =	shalt  }
0x63: {  	_ =	shalt  }
0x64: {  	_ =	shalt  }
0x65: {  	_ =	shalt  }
0x66: {  	_ =	shalt  }
0x67: {  	_ =	shalt  }
0x68: {  	_ =	shalt  }
0x69: {  	_ =	shalt  }
0x6a: {  	_ =	shalt  }
0x6b: {  	_ =	shalt  }
0x6c: {  	_ =	shalt  }
0x6d: {  	_ =	shalt  }
0x6e: {  	_ =	shalt  }
0x6f: {  	_ =	shalt  }
0x70: {  	_ =	shalt  }
0x71: {  	_ =	shalt  }
0x72: {  	_ =	shalt  }
0x73: {  	_ =	shalt  }
0x74: {  	_ =	shalt  }
0x75: {  	_ =	shalt  }
0x76: {  	_ =	shalt  }
0x77: {  	_ =	shalt  }
0x78: {  	_ =	shalt  }
0x79: {  	_ =	shalt  }
0x7a: {  	_ =	shalt  }
0x7b: {  	_ =	shalt  }
0x7c: {  	_ =	shalt  }
0x7d: {  	_ =	shalt  }
0x7e: {  	_ =	shalt  }
0x7f: {  	_ =	shalt  }
0x80: {  	_ =	shalt  }
0x81: {  	_ =	shalt  }
0x82: {  	_ =	shalt  }
0x83: {  	_ =	shalt  }
0x84: {  	_ =	shalt  }
0x85: {  	_ =	shalt  }
0x86: {  	_ =	shalt  }
0x87: {  	_ =	shalt  }
.Lfunc_end0:
.L_simem_size_0:
called_computation.2_lowered:
.L_overlay_start_0:
0x88: {  	s2 =	sld [smem:$0x3FD9]  }
0x89: {  	s3 =	sld [smem:$0x3FFE];
	_ =	sdelay $0x1  }
0x8a: {  	s1 =	srdreg.scid  }
0x8b: {  	s0 =	sand.u32 $0x1, s1  }
0x8c: {  	s15 =	sshll.u32 s0, $0xA;
	s2 =	sadd.s32 s3, s2  }
0x8d: {  	s2 =	sadd.s32 s2, s15  }
0x8e: {  	[smem:$0x3FC6] =	sst s2  }
0x8f: {  	_ = 	snop  }
0x90: {  	s2 =	sld [smem:$0x3FD0];
	_ =	sdelay $0x2  }
0x91: {  	s16 =	simm.s32 $0xD;
	s4 =	simm.s32 $0x10  }
0x92: {  	[smem:s4], [sflag:s16] =	dma.local [hbm:s2], $0x1  }
0x93: {  	_ =	swait.eq [sflag:s16], $0x1  }
0x94: {  	[sflag:s16] =	ssyncset.done $0x0  }
0x95: {  	[sflag:s16] =	ssyncadd.s32 $0xFFFFFFFF  }
0x96: {  	s17 =	sld [smem:$0x10];
	(tm) =	ssettm $0x1  }
0x97: {  	s18 =	sld [smem:$0x3FFB];
	_ =	sdelay $0x3  }
0x98: {  	_ =	strace s18  }
0x99: {  	s2 =	sld [smem:$0x3FFC];
	_ =	sdelay $0x3  }
0x9a: {  	_ =	strace s2  }
0x9b: {  	s2 =	sld [smem:$0x3FFD];
	_ =	sdelay $0x3  }
0x9c: {  	_ =	strace s2  }
0x9d: {  	_ =	strace $0x8FFFFFFF  }
0x9e: {  	s19 =	sld [smem:$0x3FDB];
	_ =	sdelay $0x1  }
0x9f: {  	s20 =	simm.s32 $_scs_section_size  }
0xa0: {  	s5 =	simm.s32 $_size__tile_overlayer_lowered;
	s6 =	simm.s32 $_tile_overlayer_lowered  }
0xa1: {  	s7 =	simm.s32 $0x1BFF;
	s21 =	sshll.u32 s6, $0x1;
	s4 =	sadd.s32 s20, s19  }
0xa2: {  	s22 =	simm.s32 $0x0;
	s5 =	sshll.u32 s5, $0x1;
	s6 =	sadd.s32 s21, s4  }
0xa3: {  	[timem:s22], [sflag:s7] =	dma.local [hbm:s6], s5  }
0xa4: {  	_ =	swait.ge [sflag:s7], s5  }
0xa5: {  	s5 =	ssub.s32 $0x0, s5;
	[sflag:s7] =	ssyncset.done $0x0  }
0xa6: {  	[sflag:s7] =	ssyncadd.s32 s5;
	_ =	sdelay $0x1  }
0xa7: {  	s23 =	simm.s32 $0x1B8B  }
0xa8: {  	_ =	swait.ge [sflag:s23], $0x1  }
0xa9: {  	[sflag:s23] =	ssyncset.done $0x0  }
0xaa: {  	[sflag:s23] =	ssyncadd.s32 $0xFFFFFFFF  }
0xab: {  	s5 =	sld [smem:$0x0]  }
0xac: {  	s6 =	sand.u32 $0xFFFFFFFE, s1  }
0xad: {  	p0 =	sne.s32 s1, s6  }
0xae: {  	s6 =	sshll.u32 @p0 s6, $0xE  }
0xaf: {  	s6 =	sadd.s32 @p0 $0x11B8D, s6;
	s7 =	sshll.u32 @p0 s5, $0x11  }
0xb0: {  	s6 =	sor.u32 @p0 s7, s6  }
0xb1: {  	[sflag:s6] =	ssyncadd.remote.s32 @p0 $0x1;
	_ =	sdelay $0x1  }
0xb2: {  	s6 =	simm.s32 @p0 $0x1B8D  }
0xb3: {  	_ =	swait.eq @p0 [sflag:s6], $0x1  }
0xb4: {  	[sflag:s6] =	ssyncadd.s32 @p0 $0xFFFFFFFF  }
0xb5: {  	s7 =	sshll.u32 @!p0 s1, $0xE  }
0xb6: {  	s7 =	sor.u32 @!p0 $0x4000, s7;
	s6 =	simm.s32 @!p0 $0x1B8D  }
0xb7: {  	s5 =	sshll.u32 @!p0 s5, $0x11;
	s7 =	sadd.s32 @!p0 $0x11B8D, s7;
	_ =	swait.eq @!p0 [sflag:s6], $0x1  }
0xb8: {  	s5 =	sor.u32 @!p0 s5, s7;
	[sflag:s6] =	ssyncadd.s32 @!p0 $0xFFFFFFFF  }
0xb9: {  	s25 =	simm.s32 $0x1B8E;
	s24 =	sld [smem:$0x3FFE];
	[sflag:s5] =	ssyncadd.remote.s32 @!p0 $0x1  }
0xba: {  	s26 =	simm.s32 $execute0_lowered;
	[smem:$0x3FD2] =	sst s25  }
0xbb: {  	s6 =	sshll.u32 s26, $0x1;
	_ =	strace $0x80000049;
	[dreg:$0x1] =	wrdreg $0xFFFFFFFF  }
0xbc: {  	s28 =	simm.s32 $_size_execute0_lowered;
	s4 =	sadd.s32 s4, s6;
	[dreg:$0x0] =	wrdreg $0x0  }
0xbd: {  	s6 =	sshll.u32 s28, $0x1;
	[dreg:$0x2] =	wrdreg s4  }
0xbe: {  	[dreg:$0x3] =	wrdreg s6  }
0xbf: {  	[dreg:$0x4] =	wrdreg $0xC0  }
0xc0: {  	_ =	task [dreg:s22], $0x5FFFF  }
0xc1: {  	[dreg:$0x1] =	wrdreg $0xFFFFFFFF  }
0xc2: {  	[dreg:$0x0] =	wrdreg $0x60  }
0xc3: {  	[dreg:$0x2] =	wrdreg s17  }
0xc4: {  	[dreg:$0x3] =	wrdreg s24  }
0xc5: {  	[dreg:$0x4] =	wrdreg $0xB  }
0xc6: {  	_ =	task.clear_ibuf [dreg:s22], $0x5FFFF;
	_ =	strace $0x90000049  }
0xc7: {  	s29 =	simm.s32 $0xB;
	_ =	strace $0x8000004B  }
0xc8: {  	_ =	swait.ge [sflag:s29], $0x1  }
0xc9: {  	[sflag:s29] =	ssyncadd.s32 $0xFFFFFFFF  }
0xca: {  	_ =	strace $0x9000004B  }
0xcb: {  	_ =	sfence  }
0xcc: {  	s30 =	sld [smem:$0x0];
	_ =	sdelay $0x2  }
0xcd: {  	s31 =	sshll.u32 s1, $0xD;
	s1 =	sshrl.u32 s1, $0x2  }
0xce: {  	s4 =	sand.u32 $0x4000, s31;
	s1 =	sadd.s32 s1, s30  }
0xcf: {  	s0 =	sor.u32 s4, s0;
	s1 =	sshll.u32 s1, $0x11  }
0xd0: {  	s0 =	sor.u32 s1, s0  }
0xd1: {  	s0 =	sadd.s32 $0x8F2B, s0  }
0xd2: {  	[sflag:s0] =	ssyncadd.remote.s32 $0x1  }
0xd3: {  	_ =	sfence.sel $0xFFFF  }
0xd4: {  	[dreg:$0x0] =	wrdreg $0xFFFFFFFF;
	(pc) =	sbr.abs _section_cstart, $3  }
0xd5: {  	[dreg:$0x1] =	wrdreg $0xFFFFFFFF  }
0xd6: {  	_ =	task.clear_ibuf [dreg:s22], $0x2FFFF;
	_ =	strace $0x9FFFFFFF  }
0xd7: {  	(tm) =	ssettm $0x7FFFFFFF  }
tec
execute0_lowered:
.L_overlay_start_1:
0x0: {  	(tag) =	ssettag $0x1  }
0x1: {  	s1 =	rddreg [dreg:$0x0]  }
0x2: {  	s4 =	rddreg [dreg:$0x1]  }
0x3: {  	s0 =	rddreg [dreg:$0x2]  }
0x4: {  	s3 =	simm.s32 $0x0;
	s5 =	srdreg.scid;
	s2 =	stileid.u32  }
0x5: {  	s9 =	simm.s32 $0x8000;
	s10 =	simm.s32 $0x8200;
	s11 =	simm.s32 $0x0  }
0x6: {  	[smem:$0x7FF] =	sst s3;
	s5 =	sand.u32 $0x1, s5;
	s6 =	sshll.u32 s2, $0x1  }
0x7: {  	s7 =	sshll.u32 s2, $0xC;
	_ =	strace $0x8000004A;
	s6 =	sor.u32 s5, s6  }
0x8: {  	s7 =	sand.u32 $0xC000, s7;
	s5 =	ssub.s32 $0x2, s5;
	s8 =	sshll.u32 s6, $0x6  }
0x9: {  	s6 =	sshll.u32 s6, $0x9;
	s7 =	sadd.s32 s7, s4;
	s30 =	sshrl.u32 s5, $0x1  }
0xa: {  	s6 =	sand.u32 $0xE00, s6;
	s4 =	sadd.s32 s8, s4;
	s31 =	ssub.s32 s5, s30  }
0xb: {  	s8 =	simm.s32 $0x1000;
	s6 =	sadd.s32 s6, s7;
	s4 =	sadd.s32 $0x13400, s4  }
0xc: {  	s7 =	simm.s32 $0x1;
	s5 =	sadd.s32 $0x13C00, s6;
	s6 =	smax.u32 s31, $0x1  }
.LBB2_1:
0xd: {  	[tilespmem:s3], [sflag:$0x1] =	stream.linear.gather [hbm4b:s1+s3], $0x8000, $0x38;
	[tilespmem:$0xC200] =	vst v63  }
0xe: {  	_ =	swait.ge [sflag:s7], $0x8000  }
0xf: {  	[sflag:s7] =	ssyncset.done $0x0  }
0x10: {  	[sflag:s7] =	ssyncadd.s32 $0xFFFF8000  }
0x11: {  	[tilespmem:s9], [sflag:$0x1] =	stream.linear.gather [hbm4b:s4+s3], $0x200, $0x38;
	[tilespmem:$0xC200] =	vst v63  }
0x12: {  	_ =	swait.ge [sflag:s7], $0x200  }
0x13: {  	[sflag:s7] =	ssyncset.done $0x0  }
0x14: {  	[sflag:s7] =	ssyncadd.s32 $0xFFFFFE00  }
0x15: {  	v0 =	vld [tilespmem:s9+$0x0];
	_ =	sdelay $0x4  }
0x16: {  	v6 =	vshll.u32 v0, $0x5;
	_ =	sdelay $0x4  }
0x17: {  	v0 =	vld.idx.msk [tilespmem:v6+s3+$0x0], $0xffff  }
0x18: {  	v1 =	vor.u32 $0x1, v6;
	_ =	sdelay $0x1  }
0x19: {  	s12 =	sand.u32 $0x70, s3;
	s13 =	sand.u32 $0xC00, s3  }
0x1a: {  	s16 =	sor.u32 s12, s13  }
0x1b: {  	[tilespmem:s16+$0x8200] =	vst v0  }
0x1c: {  	v0 =	vld.idx.msk [tilespmem:v1+s3+$0x0], $0xffff  }
0x1d: {  	v1 =	vor.u32 $0x2, v6;
	_ =	sdelay $0x3  }
0x1e: {  	[tilespmem:s16+$0x8280] =	vst v0  }
0x1f: {  	v0 =	vld.idx.msk [tilespmem:v1+s3+$0x0], $0xffff  }
0x20: {  	v1 =	vor.u32 $0x3, v6;
	_ =	sdelay $0x2  }
0x21: {  	s20 =	simm.s32 $0x8010  }
0x22: {  	v2 =	vld [tilespmem:s20+$0x0];
	[tilespmem:s16+$0x8300] =	vst v0  }
0x23: {  	v0 =	vld.idx.msk [tilespmem:v1+s3+$0x0], $0xffff  }
0x24: {  	v1 =	vor.u32 $0x4, v6;
	_ =	sdelay $0x3  }
0x25: {  	v2 =	vshll.u32 v2, $0x5;
	[tilespmem:s16+$0x8380] =	vst v0  }
0x26: {  	v0 =	vld.idx.msk [tilespmem:v1+s3+$0x0], $0xffff  }
0x27: {  	v1 =	vor.u32 $0x5, v6;
	_ =	sdelay $0x2  }
0x28: {  	v3 =	vld.idx.msk [tilespmem:v2+s3+$0x0], $0xffff  }
0x29: {  	[tilespmem:s16+$0x8400] =	vst v0;
	v0 =	vor.u32 $0x1, v2  }
0x2a: {  	s14 =	simm.s32 $0x10;
	s17 =	simm.s32 $0x80;
	v1 =	vld.idx.msk [tilespmem:v1+s3+$0x0], $0xffff  }
0x2b: {  	s21 =	sand.u32 $0x70, s14;
	s22 =	sand.u32 $0xC00, s17;
	v4 =	vor.u32 $0x6, v6  }
0x2c: {  	s13 =	sor.u32 s21, s22  }
0x2d: {  	[tilespmem:s13+$0x8200] =	vst v3  }
0x2e: {  	v0 =	vld.idx.msk [tilespmem:v0+s3+$0x0], $0xffff  }
0x2f: {  	[tilespmem:s16+$0x8480] =	vst v1;
	v1 =	vor.u32 $0x2, v2  }
0x30: {  	v3 =	vld.idx.msk [tilespmem:v4+s3+$0x0], $0xffff  }
0x31: {  	v4 =	vor.u32 $0x7, v6;
	_ =	sdelay $0x1  }
0x32: {  	[tilespmem:s13+$0x8280] =	vst v0  }
0x33: {  	v0 =	vld.idx.msk [tilespmem:v1+s3+$0x0], $0xffff  }
0x34: {  	v1 =	vor.u32 $0x3, v2;
	[tilespmem:s16+$0x8500] =	vst v3  }
0x35: {  	v3 =	vld.idx.msk [tilespmem:v4+s3+$0x0], $0xffff  }
0x36: {  	v4 =	vor.u32 $0x8, v6  }
0x37: {  	s23 =	simm.s32 $0x8020  }
0x38: {  	s24 =	sor.u32 s3, s3;
	v5 =	vld [tilespmem:s23+$0x0];
	[tilespmem:s13+$0x8300] =	vst v0  }
0x39: {  	s12 =	sor.u32 $0x380, s24;
	v0 =	vld.idx.msk [tilespmem:v1+s3+$0x0], $0xffff  }
0x3a: {  	v1 =	vor.u32 $0x4, v2;
	[tilespmem:s12+$0x8200] =	vst v3  }
0x3b: {  	v3 =	vld.idx.msk [tilespmem:v4+s3+$0x0], $0xffff  }
0x3c: {  	v4 =	vor.u32 $0x9, v6;
	_ =	sdelay $0x1  }
0x3d: {  	[tilespmem:s13+$0x8380] =	vst v0;
	v0 =	vshll.u32 v5, $0x5  }
0x3e: {  	v1 =	vld.idx.msk [tilespmem:v1+s3+$0x0], $0xffff  }
0x3f: {  	[tilespmem:s16+$0x9200] =	vst v3;
	v3 =	vor.u32 $0x5, v2  }
0x40: {  	v4 =	vld.idx.msk [tilespmem:v4+s3+$0x0], $0xffff  }
0x41: {  	v5 =	vor.u32 $0xA, v6  }
0x42: {  	v7 =	vld.idx.msk [tilespmem:v0+s3+$0x0], $0xffff  }
0x43: {  	[tilespmem:s13+$0x8400] =	vst v1;
	v1 =	vor.u32 $0x1, v0  }
0x44: {  	s15 =	simm.s32 $0x20;
	s18 =	simm.s32 $0x100;
	v3 =	vld.idx.msk [tilespmem:v3+s3+$0x0], $0xffff  }
0x45: {  	s25 =	sand.u32 $0x70, s15;
	s19 =	sand.u32 $0xC00, s18;
	[tilespmem:s16+$0x9280] =	vst v4;
	v4 =	vor.u32 $0x6, v2  }
0x46: {  	s12 =	sor.u32 s25, s19;
	v5 =	vld.idx.msk [tilespmem:v5+s3+$0x0], $0xffff  }
0x47: {  	[tilespmem:s12+$0x8200] =	vst v7;
	v7 =	vor.u32 $0xB, v6  }
0x48: {  	v1 =	vld.idx.msk [tilespmem:v1+s3+$0x0], $0xffff  }
0x49: {  	[tilespmem:s13+$0x8480] =	vst v3;
	v3 =	vor.u32 $0x2, v0  }
0x4a: {  	v4 =	vld.idx.msk [tilespmem:v4+s3+$0x0], $0xffff  }
0x4b: {  	[tilespmem:s16+$0x9300] =	vst v5;
	v5 =	vor.u32 $0x7, v2  }
0x4c: {  	v7 =	vld.idx.msk [tilespmem:v7+s3+$0x0], $0xffff  }
0x4d: {  	[tilespmem:s12+$0x8280] =	vst v1;
	v1 =	vor.u32 $0xC, v6  }
0x4e: {  	v3 =	vld.idx.msk [tilespmem:v3+s3+$0x0], $0xffff  }
0x4f: {  	[tilespmem:s13+$0x8500] =	vst v4;
	v4 =	vor.u32 $0x3, v0  }
0x50: {  	v5 =	vld.idx.msk [tilespmem:v5+s3+$0x0], $0xffff  }
0x51: {  	[tilespmem:s16+$0x9380] =	vst v7;
	v7 =	vor.u32 $0x8, v2  }
0x52: {  	v1 =	vld.idx.msk [tilespmem:v1+s3+$0x0], $0xffff  }
0x53: {  	s14 =	sor.u32 s17, s14;
	[tilespmem:s12+$0x8300] =	vst v3;
	v3 =	vor.u32 $0xD, v6  }
0x54: {  	s26 =	simm.s32 $0x8030;
	s14 =	sor.u32 $0x380, s14;
	v4 =	vld.idx.msk [tilespmem:v4+s3+$0x0], $0xffff  }
0x55: {  	v8 =	vld [tilespmem:s26+$0x0];
	[tilespmem:s14+$0x8200] =	vst v5;
	v5 =	vor.u32 $0x4, v0  }
0x56: {  	v7 =	vld.idx.msk [tilespmem:v7+s3+$0x0], $0xffff  }
0x57: {  	v9 =	vor.u32 $0x9, v2;
	[tilespmem:s16+$0x9400] =	vst v1  }
0x58: {  	v3 =	vld.idx.msk [tilespmem:v3+s3+$0x0], $0xffff  }
0x59: {  	[tilespmem:s12+$0x8380] =	vst v4;
	v4 =	vor.u32 $0xE, v6  }
0x5a: {  	v1 =	vshll.u32 v8, $0x5;
	v5 =	vld.idx.msk [tilespmem:v5+s3+$0x0], $0xffff  }
0x5b: {  	[tilespmem:s13+$0x9200] =	vst v7;
	v7 =	vor.u32 $0x5, v0  }
0x5c: {  	v8 =	vld.idx.msk [tilespmem:v9+s3+$0x0], $0xffff  }
0x5d: {  	[tilespmem:s16+$0x9480] =	vst v3;
	v3 =	vor.u32 $0xA, v2  }
0x5e: {  	v4 =	vld.idx.msk [tilespmem:v4+s3+$0x0], $0xffff  }
0x5f: {  	v9 =	vld.idx.msk [tilespmem:v1+s3+$0x0], $0xffff;
	[tilespmem:s12+$0x8400] =	vst v5;
	v5 =	vor.u32 $0xF, v6  }
0x60: {  	v10 =	vor.u32 $0x1, v1;
	v7 =	vld.idx.msk [tilespmem:v7+s3+$0x0], $0xffff  }
0x61: {  	s28 =	simm.s32 $0x30;
	s20 =	simm.s32 $0x180;
	[tilespmem:s13+$0x9280] =	vst v8;
	v8 =	vor.u32 $0x6, v0  }
0x62: {  	s29 =	sand.u32 $0x70, s28;
	s30 =	sand.u32 $0xC00, s20;
	v3 =	vld.idx.msk [tilespmem:v3+s3+$0x0], $0xffff  }
0x63: {  	s14 =	sor.u32 s29, s30;
	[tilespmem:s16+$0x9500] =	vst v4;
	v4 =	vor.u32 $0xB, v2  }
0x64: {  	[tilespmem:s14+$0x8200] =	vst v9;
	v5 =	vld.idx.msk [tilespmem:v5+s3+$0x0], $0xffff  }
0x65: {  	v9 =	vld.idx.msk [tilespmem:v10+s3+$0x0], $0xffff;
	[tilespmem:s12+$0x8480] =	vst v7;
	v7 =	vor.u32 $0x10, v6  }
0x66: {  	v10 =	vor.u32 $0x2, v1;
	v8 =	vld.idx.msk [tilespmem:v8+s3+$0x0], $0xffff  }
0x67: {  	[tilespmem:s13+$0x9300] =	vst v3;
	v3 =	vor.u32 $0x7, v0  }
0x68: {  	v4 =	vld.idx.msk [tilespmem:v4+s3+$0x0], $0xffff  }
0x69: {  	[tilespmem:s16+$0x9580] =	vst v5;
	v5 =	vor.u32 $0xC, v2  }
0x6a: {  	[tilespmem:s14+$0x8280] =	vst v9;
	v7 =	vld.idx.msk [tilespmem:v7+s3+$0x0], $0xffff  }
0x6b: {  	v9 =	vld.idx.msk [tilespmem:v10+s3+$0x0], $0xffff;
	[tilespmem:s12+$0x8500] =	vst v8;
	v8 =	vor.u32 $0x11, v6  }
0x6c: {  	v10 =	vor.u32 $0x3, v1;
	v3 =	vld.idx.msk [tilespmem:v3+s3+$0x0], $0xffff  }
0x6d: {  	[tilespmem:s13+$0x9380] =	vst v4;
	v4 =	vor.u32 $0x8, v0  }
0x6e: {  	s31 =	simm.s32 $0x8040;
	v5 =	vld.idx.msk [tilespmem:v5+s3+$0x0], $0xffff  }
0x6f: {  	s15 =	sor.u32 s18, s15;
	v11 =	vld [tilespmem:s31+$0x0];
	[tilespmem:s16+$0xA200] =	vst v7;
	v7 =	vor.u32 $0xD, v2  }
0x70: {  	s15 =	sor.u32 $0x380, s15;
	[tilespmem:s14+$0x8300] =	vst v9;
	v8 =	vld.idx.msk [tilespmem:v8+s3+$0x0], $0xffff  }
0x71: {  	v9 =	vld.idx.msk [tilespmem:v10+s3+$0x0], $0xffff;
	[tilespmem:s15+$0x8200] =	vst v3;
	v3 =	vor.u32 $0x12, v6  }
0x72: {  	v10 =	vor.u32 $0x4, v1;
	v4 =	vld.idx.msk [tilespmem:v4+s3+$0x0], $0xffff  }
0x73: {  	[tilespmem:s13+$0x9400] =	vst v5;
	v5 =	vor.u32 $0x9, v0  }
0x74: {  	v7 =	vld.idx.msk [tilespmem:v7+s3+$0x0], $0xffff  }
0x75: {  	[tilespmem:s16+$0xA280] =	vst v8;
	v8 =	vor.u32 $0xE, v2  }
0x76: {  	[tilespmem:s14+$0x8380] =	vst v9;
	v9 =	vld.idx.msk [tilespmem:v3+s3+$0x0], $0xffff;
	v3 =	vshll.u32 v11, $0x5  }
0x77: {  	v10 =	vld.idx.msk [tilespmem:v10+s3+$0x0], $0xffff;
	[tilespmem:s12+$0x9200] =	vst v4;
	v4 =	vor.u32 $0x13, v6  }
0x78: {  	v11 =	vor.u32 $0x5, v1;
	v5 =	vld.idx.msk [tilespmem:v5+s3+$0x0], $0xffff  }
0x79: {  	[tilespmem:s13+$0x9480] =	vst v7;
	v7 =	vor.u32 $0xA, v0  }
0x7a: {  	v8 =	vld.idx.msk [tilespmem:v8+s3+$0x0], $0xffff  }
0x7b: {  	v12 =	vld.idx.msk [tilespmem:v3+s3+$0x0], $0xffff;
	[tilespmem:s16+$0xA300] =	vst v9;
	v9 =	vor.u32 $0xF, v2  }
0x7c: {  	[tilespmem:s14+$0x8400] =	vst v10;
	v10 =	vor.u32 $0x1, v3;
	v4 =	vld.idx.msk [tilespmem:v4+s3+$0x0], $0xffff  }
0x7d: {  	s24 =	simm.s32 $0x200;
	s19 =	simm.s32 $0x40;
	v11 =	vld.idx.msk [tilespmem:v11+s3+$0x0], $0xffff;
	[tilespmem:s12+$0x9280] =	vst v5;
	v5 =	vor.u32 $0x14, v6  }
0x7e: {  	s21 =	sand.u32 $0xC00, s24;
	s25 =	sand.u32 $0x70, s19;
	v13 =	vor.u32 $0x6, v1;
	v7 =	vld.idx.msk [tilespmem:v7+s3+$0x0], $0xffff  }
0x7f: {  	s15 =	sor.u32 s25, s21;
	[tilespmem:s13+$0x9500] =	vst v8;
	v8 =	vor.u32 $0xB, v0  }
0x80: {  	[tilespmem:s15+$0x8200] =	vst v12;
	v9 =	vld.idx.msk [tilespmem:v9+s3+$0x0], $0xffff  }
0x81: {  	v10 =	vld.idx.msk [tilespmem:v10+s3+$0x0], $0xffff;
	[tilespmem:s16+$0xA380] =	vst v4;
	v4 =	vor.u32 $0x10, v2  }
0x82: {  	[tilespmem:s14+$0x8480] =	vst v11;
	v11 =	vor.u32 $0x2, v3;
	v5 =	vld.idx.msk [tilespmem:v5+s3+$0x0], $0xffff  }
0x83: {  	v12 =	vld.idx.msk [tilespmem:v13+s3+$0x0], $0xffff;
	[tilespmem:s12+$0x9300] =	vst v7;
	v7 =	vor.u32 $0x15, v6  }
0x84: {  	v13 =	vor.u32 $0x7, v1;
	v8 =	vld.idx.msk [tilespmem:v8+s3+$0x0], $0xffff  }
0x85: {  	[tilespmem:s13+$0x9580] =	vst v9;
	v9 =	vor.u32 $0xC, v0  }
0x86: {  	[tilespmem:s15+$0x8280] =	vst v10;
	v4 =	vld.idx.msk [tilespmem:v4+s3+$0x0], $0xffff  }
0x87: {  	v10 =	vld.idx.msk [tilespmem:v11+s3+$0x0], $0xffff;
	[tilespmem:s16+$0xA400] =	vst v5;
	v5 =	vor.u32 $0x11, v2  }
0x88: {  	[tilespmem:s14+$0x8500] =	vst v12;
	v11 =	vor.u32 $0x3, v3;
	v7 =	vld.idx.msk [tilespmem:v7+s3+$0x0], $0xffff  }
0x89: {  	v12 =	vld.idx.msk [tilespmem:v13+s3+$0x0], $0xffff;
	[tilespmem:s12+$0x9380] =	vst v8;
	v8 =	vor.u32 $0x16, v6  }
0x8a: {  	s26 =	simm.s32 $0x8050;
	v13 =	vor.u32 $0x8, v1;
	v9 =	vld.idx.msk [tilespmem:v9+s3+$0x0], $0xffff  }
0x8b: {  	v14 =	vld [tilespmem:s26+$0x0];
	[tilespmem:s13+$0xA200] =	vst v4;
	v4 =	vor.u32 $0xD, v0  }
0x8c: {  	s17 =	sor.u32 s20, s28;
	[tilespmem:s15+$0x8300] =	vst v10;
	v5 =	vld.idx.msk [tilespmem:v5+s3+$0x0], $0xffff  }
0x8d: {  	s17 =	sor.u32 $0x380, s17;
	v10 =	vld.idx.msk [tilespmem:v11+s3+$0x0], $0xffff;
	[tilespmem:s16+$0xA480] =	vst v7;
	v7 =	vor.u32 $0x12, v2  }
0x8e: {  	[tilespmem:s17+$0x8200] =	vst v12;
	v11 =	vor.u32 $0x4, v3;
	v8 =	vld.idx.msk [tilespmem:v8+s3+$0x0], $0xffff  }
0x8f: {  	v12 =	vld.idx.msk [tilespmem:v13+s3+$0x0], $0xffff;
	[tilespmem:s12+$0x9400] =	vst v9;
	v9 =	vor.u32 $0x17, v6  }
0x90: {  	s28 =	simm.s32 $0x8060;
	v13 =	vor.u32 $0x9, v1;
	v15 =	vld.idx.msk [tilespmem:v4+s3+$0x0], $0xffff  }
0x91: {  	v16 =	vld [tilespmem:s28+$0x0];
	[tilespmem:s13+$0xA280] =	vst v5;
	v5 =	vor.u32 $0xE, v0  }
0x92: {  	v4 =	vshll.u32 v14, $0x5;
	[tilespmem:s15+$0x8380] =	vst v10;
	v7 =	vld.idx.msk [tilespmem:v7+s3+$0x0], $0xffff  }
0x93: {  	v10 =	vld.idx.msk [tilespmem:v11+s3+$0x0], $0xffff;
	[tilespmem:s16+$0xA500] =	vst v8;
	v8 =	vor.u32 $0x13, v2  }
0x94: {  	[tilespmem:s14+$0x9200] =	vst v12;
	v11 =	vor.u32 $0x5, v3;
	v9 =	vld.idx.msk [tilespmem:v9+s3+$0x0], $0xffff  }
0x95: {  	v12 =	vld.idx.msk [tilespmem:v13+s3+$0x0], $0xffff;
	v13 =	vor.u32 $0x18, v6;
	[tilespmem:s12+$0x9480] =	vst v15  }
0x96: {  	v14 =	vor.u32 $0xA, v1;
	v5 =	vld.idx.msk [tilespmem:v5+s3+$0x0], $0xffff  }
0x97: {  	v15 =	vld.idx.msk [tilespmem:v4+s3+$0x0], $0xffff;
	[tilespmem:s13+$0xA300] =	vst v7;
	v7 =	vor.u32 $0xF, v0  }
0x98: {  	[tilespmem:s15+$0x8400] =	vst v10;
	v8 =	vld.idx.msk [tilespmem:v8+s3+$0x0], $0xffff;
	v10 =	vor.u32 $0x1, v4  }
0x99: {  	s22 =	simm.s32 $0x50;
	s23 =	simm.s32 $0x280;
	v11 =	vld.idx.msk [tilespmem:v11+s3+$0x0], $0xffff;
	[tilespmem:s16+$0xA580] =	vst v9;
	v9 =	vor.u32 $0x14, v2  }
0x9a: {  	s29 =	sand.u32 $0x70, s22;
	s30 =	sand.u32 $0xC00, s23;
	[tilespmem:s14+$0x9280] =	vst v12;
	v12 =	vld.idx.msk [tilespmem:v13+s3+$0x0], $0xffff;
	v13 =	vor.u32 $0x6, v3  }
0x9b: {  	s17 =	sor.u32 s29, s30;
	v14 =	vld.idx.msk [tilespmem:v14+s3+$0x0], $0xffff;
	[tilespmem:s12+$0x9500] =	vst v5;
	v5 =	vor.u32 $0x19, v6  }
0x9c: {  	[tilespmem:s17+$0x8200] =	vst v15;
	v15 =	vor.u32 $0xB, v1;
	v7 =	vld.idx.msk [tilespmem:v7+s3+$0x0], $0xffff  }
0x9d: {  	v10 =	vld.idx.msk [tilespmem:v10+s3+$0x0], $0xffff;
	[tilespmem:s13+$0xA380] =	vst v8;
	v8 =	vor.u32 $0x10, v0  }
0x9e: {  	[tilespmem:s15+$0x8480] =	vst v11;
	v9 =	vld.idx.msk [tilespmem:v9+s3+$0x0], $0xffff;
	v11 =	vor.u32 $0x2, v4  }
0x9f: {  	v13 =	vld.idx.msk [tilespmem:v13+s3+$0x0], $0xffff;
	[tilespmem:s16+$0xB200] =	vst v12;
	v12 =	vor.u32 $0x15, v2  }
0xa0: {  	[tilespmem:s14+$0x9300] =	vst v14;
	v14 =	vor.u32 $0x7, v3;
	v5 =	vld.idx.msk [tilespmem:v5+s3+$0x0], $0xffff  }
0xa1: {  	v15 =	vld.idx.msk [tilespmem:v15+s3+$0x0], $0xffff;
	[tilespmem:s12+$0x9580] =	vst v7;
	v7 =	vor.u32 $0x1A, v6  }
0xa2: {  	[tilespmem:s17+$0x8280] =	vst v10;
	v10 =	vor.u32 $0xC, v1;
	v8 =	vld.idx.msk [tilespmem:v8+s3+$0x0], $0xffff  }
0xa3: {  	v11 =	vld.idx.msk [tilespmem:v11+s3+$0x0], $0xffff;
	[tilespmem:s13+$0xA400] =	vst v9;
	v9 =	vor.u32 $0x11, v0  }
0xa4: {  	[tilespmem:s15+$0x8500] =	vst v13;
	v12 =	vld.idx.msk [tilespmem:v12+s3+$0x0], $0xffff;
	v13 =	vor.u32 $0x3, v4  }
0xa5: {  	v14 =	vld.idx.msk [tilespmem:v14+s3+$0x0], $0xffff;
	[tilespmem:s16+$0xB280] =	vst v5;
	v5 =	vor.u32 $0x16, v2  }
0xa6: {  	[tilespmem:s14+$0x9380] =	vst v15;
	v15 =	vor.u32 $0x8, v3;
	v7 =	vld.idx.msk [tilespmem:v7+s3+$0x0], $0xffff  }
0xa7: {  	v10 =	vld.idx.msk [tilespmem:v10+s3+$0x0], $0xffff;
	[tilespmem:s12+$0xA200] =	vst v8  }
0xa8: {  	s18 =	sor.u32 s24, s19;
	v8 =	vor.u32 $0x1B, v6;
	[tilespmem:s17+$0x8300] =	vst v11;
	v9 =	vld.idx.msk [tilespmem:v9+s3+$0x0], $0xffff  }
0xa9: {  	s18 =	sor.u32 $0x380, s18;
	v11 =	vor.u32 $0xD, v1;
	v13 =	vld.idx.msk [tilespmem:v13+s3+$0x0], $0xffff;
	[tilespmem:s13+$0xA480] =	vst v12  }
0xaa: {  	v12 =	vor.u32 $0x12, v0;
	[tilespmem:s18+$0x8200] =	vst v14;
	v14 =	vld.idx.msk [tilespmem:v5+s3+$0x0], $0xffff  }
0xab: {  	s19 =	simm.s32 $0x8070;
	v17 =	vor.u32 $0x4, v4;
	v15 =	vld.idx.msk [tilespmem:v15+s3+$0x0], $0xffff;
	[tilespmem:s16+$0xB300] =	vst v7  }
0xac: {  	v7 =	vld [tilespmem:s19+$0x0];
	[tilespmem:s14+$0x9400] =	vst v10;
	v10 =	vor.u32 $0x17, v2  }
0xad: {  	v18 =	vor.u32 $0x9, v3;
	v8 =	vld.idx.msk [tilespmem:v8+s3+$0x0], $0xffff  }
0xae: {  	v5 =	vshll.u32 v16, $0x5;
	v11 =	vld.idx.msk [tilespmem:v11+s3+$0x0], $0xffff;
	[tilespmem:s12+$0xA280] =	vst v9  }
0xaf: {  	v9 =	vor.u32 $0x1C, v6;
	[tilespmem:s17+$0x8380] =	vst v13;
	v12 =	vld.idx.msk [tilespmem:v12+s3+$0x0], $0xffff  }
0xb0: {  	v13 =	vor.u32 $0xE, v1;
	v16 =	vld.idx.msk [tilespmem:v17+s3+$0x0], $0xffff;
	[tilespmem:s13+$0xA500] =	vst v14  }
0xb1: {  	v14 =	vor.u32 $0x13, v0;
	[tilespmem:s15+$0x9200] =	vst v15;
	v10 =	vld.idx.msk [tilespmem:v10+s3+$0x0], $0xffff  }
0xb2: {  	v15 =	vor.u32 $0x5, v4;
	v17 =	vld.idx.msk [tilespmem:v18+s3+$0x0], $0xffff  }
0xb3: {  	[tilespmem:s16+$0xB380] =	vst v8;
	v8 =	vor.u32 $0x18, v2;
	v18 =	vld.idx.msk [tilespmem:v5+s3+$0x0], $0xffff  }
0xb4: {  	[tilespmem:s14+$0x9480] =	vst v11;
	v9 =	vld.idx.msk [tilespmem:v9+s3+$0x0], $0xffff;
	v11 =	vor.u32 $0xA, v3  }
0xb5: {  	v19 =	vor.u32 $0x1, v5;
	v13 =	vld.idx.msk [tilespmem:v13+s3+$0x0], $0xffff;
	[tilespmem:s12+$0xA300] =	vst v12  }
0xb6: {  	s20 =	simm.s32 $0x60;
	s21 =	simm.s32 $0x300;
	v12 =	vor.u32 $0x1D, v6;
	[tilespmem:s17+$0x8400] =	vst v16;
	v14 =	vld.idx.msk [tilespmem:v14+s3+$0x0], $0xffff  }
0xb7: {  	s31 =	sand.u32 $0x70, s20;
	s24 =	sand.u32 $0xC00, s21;
	v16 =	vor.u32 $0xF, v1;
	v15 =	vld.idx.msk [tilespmem:v15+s3+$0x0], $0xffff;
	[tilespmem:s13+$0xA580] =	vst v10  }
0xb8: {  	s18 =	sor.u32 s31, s24;
	[tilespmem:s15+$0x9280] =	vst v17;
	v10 =	vor.u32 $0x14, v0;
	v8 =	vld.idx.msk [tilespmem:v8+s3+$0x0], $0xffff  }
0xb9: {  	v17 =	vor.u32 $0x6, v4;
	[tilespmem:s18+$0x8200] =	vst v18;
	v11 =	vld.idx.msk [tilespmem:v11+s3+$0x0], $0xffff  }
0xba: {  	[tilespmem:s16+$0xB400] =	vst v9;
	v9 =	vor.u32 $0x19, v2;
	v18 =	vld.idx.msk [tilespmem:v19+s3+$0x0], $0xffff  }
0xbb: {  	[tilespmem:s14+$0x9500] =	vst v13;
	v12 =	vld.idx.msk [tilespmem:v12+s3+$0x0], $0xffff;
	v13 =	vor.u32 $0xB, v3  }
0xbc: {  	v19 =	vor.u32 $0x2, v5;
	v16 =	vld.idx.msk [tilespmem:v16+s3+$0x0], $0xffff;
	[tilespmem:s12+$0xA380] =	vst v14  }
0xbd: {  	v14 =	vor.u32 $0x1E, v6;
	[tilespmem:s17+$0x8480] =	vst v15;
	v10 =	vld.idx.msk [tilespmem:v10+s3+$0x0], $0xffff  }
0xbe: {  	v15 =	vor.u32 $0x10, v1;
	v17 =	vld.idx.msk [tilespmem:v17+s3+$0x0], $0xffff;
	[tilespmem:s13+$0xB200] =	vst v8  }
0xbf: {  	[tilespmem:s15+$0x9300] =	vst v11;
	v8 =	vor.u32 $0x15, v0;
	v9 =	vld.idx.msk [tilespmem:v9+s3+$0x0], $0xffff  }
0xc0: {  	v11 =	vor.u32 $0x7, v4;
	[tilespmem:s18+$0x8280] =	vst v18;
	v13 =	vld.idx.msk [tilespmem:v13+s3+$0x0], $0xffff  }
0xc1: {  	[tilespmem:s16+$0xB480] =	vst v12;
	v12 =	vor.u32 $0x1A, v2;
	v18 =	vld.idx.msk [tilespmem:v19+s3+$0x0], $0xffff  }
0xc2: {  	[tilespmem:s14+$0x9580] =	vst v16;
	v14 =	vld.idx.msk [tilespmem:v14+s3+$0x0], $0xffff;
	v16 =	vor.u32 $0xC, v3  }
0xc3: {  	v19 =	vor.u32 $0x3, v5;
	v15 =	vld.idx.msk [tilespmem:v15+s3+$0x0], $0xffff;
	[tilespmem:s12+$0xA400] =	vst v10  }
0xc4: {  	v6 =	vor.u32 $0x1F, v6;
	[tilespmem:s17+$0x8500] =	vst v17;
	v17 =	vld.idx.msk [tilespmem:v8+s3+$0x0], $0xffff  }
0xc5: {  	v10 =	vor.u32 $0x11, v1;
	v20 =	vld.idx.msk [tilespmem:v11+s3+$0x0], $0xffff;
	[tilespmem:s13+$0xB280] =	vst v9  }
0xc6: {  	[tilespmem:s15+$0x9380] =	vst v13;
	v9 =	vor.u32 $0x16, v0;
	v21 =	vld.idx.msk [tilespmem:v12+s3+$0x0], $0xffff  }
0xc7: {  	v22 =	vor.u32 $0x8, v4;
	[tilespmem:s18+$0x8300] =	vst v18;
	v13 =	vld.idx.msk [tilespmem:v16+s3+$0x0], $0xffff  }
0xc8: {  	v11 =	vor.u32 $0x1B, v2;
	[tilespmem:s16+$0xB500] =	vst v14;
	v16 =	vld.idx.msk [tilespmem:v19+s3+$0x0], $0xffff  }
0xc9: {  	s22 =	sor.u32 s23, s22;
	v14 =	vor.u32 $0xD, v3;
	[tilespmem:s14+$0xA200] =	vst v15;
	v12 =	vld.idx.msk [tilespmem:v6+s3+$0x0], $0xffff  }
0xca: {  	s22 =	sor.u32 $0x380, s22;
	v8 =	vld.idx.msk [tilespmem:v10+s3+$0x0], $0xffff;
	[tilespmem:s12+$0xA480] =	vst v17  }
0xcb: {  	v10 =	vor.u32 $0x12, v1;
	[tilespmem:s22+$0x8200] =	vst v20;
	v9 =	vld.idx.msk [tilespmem:v9+s3+$0x0], $0xffff  }
0xcc: {  	s23 =	simm.s32 $0x300;
	s24 =	simm.s32 $0x80;
	s22 =	simm.s32 $0x70;
	v17 =	vor.u32 $0x4, v5;
	v15 =	vld.idx.msk [tilespmem:v22+s3+$0x0], $0xffff;
	[tilespmem:s13+$0xB300] =	vst v21  }
.LBB2_2:
0xcd: {  	p0 =	sne.s32 s24, $0x1F0;
	[tilespmem:s15+$0x9400] =	vst v13;
	v6 =	vor.u32 $0x17, v0;
	v11 =	vld.idx.msk [tilespmem:v11+s3+$0x0], $0xffff  }
0xce: {  	s19 =	sadd.s32 $0x10, s19;
	v13 =	vor.u32 $0x9, v4;
	v14 =	vld.idx.msk [tilespmem:v14+s3+$0x0], $0xffff;
	[tilespmem:s16+$0xB580] =	vst v12;
	s16 =	smov.u32 s13;
	s13 =	smov.u32 s12  }
0xcf: {  	s12 =	smov.u32 s14;
	v12 =	vld [tilespmem:s19+$0x0];
	[tilespmem:s14+$0xA280] =	vst v8;
	v8 =	vor.u32 $0x1C, v2;
	s14 =	smov.u32 s15;
	s15 =	smov.u32 s17  }
0xd0: {  	s17 =	smov.u32 s18;
	[tilespmem:s18+$0x8380] =	vst v16;
	v16 =	vor.u32 $0xE, v3;
	v10 =	vld.idx.msk [tilespmem:v10+s3+$0x0], $0xffff  }
0xd1: {  	v18 =	vshll.u32 v7, $0x5;
	v17 =	vld.idx.msk [tilespmem:v17+s3+$0x0], $0xffff;
	[tilespmem:s13+$0xA500] =	vst v9  }
0xd2: {  	v9 =	vor.u32 $0x13, v1;
	[tilespmem:s15+$0x9200] =	vst v15;
	v6 =	vld.idx.msk [tilespmem:v6+s3+$0x0], $0xffff  }
0xd3: {  	v15 =	vor.u32 $0x5, v5;
	v13 =	vld.idx.msk [tilespmem:v13+s3+$0x0], $0xffff;
	[tilespmem:s16+$0xB380] =	vst v11  }
0xd4: {  	v11 =	vor.u32 $0x18, v0;
	[tilespmem:s14+$0x9480] =	vst v14;
	v8 =	vld.idx.msk [tilespmem:v8+s3+$0x0], $0xffff;
	v7 =	vmov v12  }
0xd5: {  	v12 =	vor.u32 $0xA, v4;
	v14 =	vld.idx.msk [tilespmem:v16+s3+$0x0], $0xffff  }
0xd6: {  	v16 =	vld.idx.msk [tilespmem:v18+s3+$0x0], $0xffff;
	[tilespmem:s12+$0xA300] =	vst v10;
	v10 =	vor.u32 $0x1D, v2  }
0xd7: {  	[tilespmem:s17+$0x8400] =	vst v17;
	v17 =	vor.u32 $0xF, v3;
	v9 =	vld.idx.msk [tilespmem:v9+s3+$0x0], $0xffff  }
0xd8: {  	v19 =	vor.u32 $0x1, v18;
	v15 =	vld.idx.msk [tilespmem:v15+s3+$0x0], $0xffff;
	[tilespmem:s13+$0xA580] =	vst v6  }
0xd9: {  	s21 =	sadd.s32 $0x80, s21;
	v6 =	vor.u32 $0x14, v1;
	[tilespmem:s15+$0x9280] =	vst v13;
	v11 =	vld.idx.msk [tilespmem:v11+s3+$0x0], $0xffff  }
0xda: {  	s25 =	sand.u32 $0xC00, s21;
	s18 =	sand.u32 $0x70, s22;
	v13 =	vor.u32 $0x6, v5;
	v12 =	vld.idx.msk [tilespmem:v12+s3+$0x0], $0xffff;
	[tilespmem:s16+$0xB400] =	vst v8  }
0xdb: {  	s18 =	sor.u32 s18, s25;
	v8 =	vor.u32 $0x19, v0;
	[tilespmem:s14+$0x9500] =	vst v14;
	v10 =	vld.idx.msk [tilespmem:v10+s3+$0x0], $0xffff  }
0xdc: {  	v14 =	vor.u32 $0xB, v4;
	[tilespmem:s18+$0x8200] =	vst v16;
	v16 =	vld.idx.msk [tilespmem:v17+s3+$0x0], $0xffff  }
0xdd: {  	v17 =	vld.idx.msk [tilespmem:v19+s3+$0x0], $0xffff;
	[tilespmem:s12+$0xA380] =	vst v9;
	v9 =	vor.u32 $0x1E, v2  }
0xde: {  	[tilespmem:s17+$0x8480] =	vst v15;
	v15 =	vor.u32 $0x10, v3;
	v6 =	vld.idx.msk [tilespmem:v6+s3+$0x0], $0xffff  }
0xdf: {  	v19 =	vor.u32 $0x2, v18;
	v13 =	vld.idx.msk [tilespmem:v13+s3+$0x0], $0xffff;
	[tilespmem:s13+$0xB200] =	vst v11  }
0xe0: {  	v11 =	vor.u32 $0x15, v1;
	[tilespmem:s15+$0x9300] =	vst v12;
	v8 =	vld.idx.msk [tilespmem:v8+s3+$0x0], $0xffff  }
0xe1: {  	v12 =	vor.u32 $0x7, v5;
	v14 =	vld.idx.msk [tilespmem:v14+s3+$0x0], $0xffff;
	[tilespmem:s16+$0xB480] =	vst v10  }
0xe2: {  	v10 =	vor.u32 $0x1A, v0;
	[tilespmem:s14+$0x9580] =	vst v16;
	v9 =	vld.idx.msk [tilespmem:v9+s3+$0x0], $0xffff  }
0xe3: {  	v16 =	vor.u32 $0xC, v4;
	[tilespmem:s18+$0x8280] =	vst v17;
	v15 =	vld.idx.msk [tilespmem:v15+s3+$0x0], $0xffff  }
0xe4: {  	v17 =	vld.idx.msk [tilespmem:v19+s3+$0x0], $0xffff;
	[tilespmem:s12+$0xA400] =	vst v6;
	v6 =	vor.u32 $0x1F, v2;
	v2 =	vmovc v0;
	v0 =	vmovc v1;
	v1 =	vmov v3;
	v3 =	vmov v4  }
0xe5: {  	v4 =	vmov v5;
	v5 =	vmov v18;
	[tilespmem:s17+$0x8500] =	vst v13;
	v19 =	vor.u32 $0x11, v1;
	v20 =	vld.idx.msk [tilespmem:v11+s3+$0x0], $0xffff  }
0xe6: {  	v18 =	vor.u32 $0x3, v5;
	v21 =	vld.idx.msk [tilespmem:v12+s3+$0x0], $0xffff;
	[tilespmem:s13+$0xB280] =	vst v8  }
0xe7: {  	v22 =	vor.u32 $0x16, v0;
	[tilespmem:s15+$0x9380] =	vst v14;
	v23 =	vld.idx.msk [tilespmem:v10+s3+$0x0], $0xffff  }
0xe8: {  	v24 =	vor.u32 $0x8, v4;
	v13 =	vld.idx.msk [tilespmem:v16+s3+$0x0], $0xffff;
	[tilespmem:s16+$0xB500] =	vst v9  }
.Ltmp0:
0xe9: {  	v11 =	vor.u32 $0x1B, v2;
	[tilespmem:s14+$0xA200] =	vst v15;
	v12 =	vld.idx.msk [tilespmem:v6+s3+$0x0], $0xffff;
	(pc) =	sbr.rel @p0 .LBB2_2-.Ltmp0, $4  }
0xea: {  	s25 =	sor.u32 s23, s20;
	s23 =	smov.u32 s21;
	s20 =	smov.u32 s22;
	v14 =	vor.u32 $0xD, v3;
	[tilespmem:s18+$0x8300] =	vst v17;
	v8 =	vld.idx.msk [tilespmem:v19+s3+$0x0], $0xffff  }
0xeb: {  	s22 =	smov.u32 s24;
	s25 =	sor.u32 $0x380, s25;
	v16 =	vld.idx.msk [tilespmem:v18+s3+$0x0], $0xffff;
	[tilespmem:s12+$0xA480] =	vst v20  }
0xec: {  	v10 =	vor.u32 $0x12, v1;
	[tilespmem:s25+$0x8200] =	vst v21;
	v9 =	vld.idx.msk [tilespmem:v22+s3+$0x0], $0xffff  }
0xed: {  	s24 =	sadd.s32 $0x10, s24;
	v17 =	vor.u32 $0x4, v5;
	v15 =	vld.idx.msk [tilespmem:v24+s3+$0x0], $0xffff;
	[tilespmem:s13+$0xB300] =	vst v23  }
0xee: {  	v6 =	vshll.u32 v7, $0x5;
	_ =	sdelay $0x4  }
0xef: {  	v7 =	vld.idx.msk [tilespmem:v6+s3+$0x0], $0xffff  }
0xf0: {  	v18 =	vor.u32 $0x1, v6  }
0xf1: {  	s21 =	sadd.s32 $0x80, s21  }
0xf2: {  	s19 =	sand.u32 $0x70, s22;
	s24 =	sand.u32 $0xC00, s21  }
0xf3: {  	s19 =	sor.u32 s19, s24  }
0xf4: {  	[tilespmem:s19+$0x8200] =	vst v7  }
0xf5: {  	v7 =	vld.idx.msk [tilespmem:v18+s3+$0x0], $0xffff  }
0xf6: {  	v55 =	vor.u32 $0x2, v6;
	_ =	sdelay $0x3  }
0xf7: {  	[tilespmem:s19+$0x8280] =	vst v7  }
0xf8: {  	v7 =	vld.idx.msk [tilespmem:v55+s3+$0x0], $0xffff  }
0xf9: {  	v56 =	vor.u32 $0x3, v6;
	_ =	sdelay $0x3  }
0xfa: {  	[tilespmem:s19+$0x8300] =	vst v7  }
0xfb: {  	v7 =	vld.idx.msk [tilespmem:v56+s3+$0x0], $0xffff  }
0xfc: {  	v57 =	vor.u32 $0x4, v6;
	_ =	sdelay $0x2  }
0xfd: {  	[tilespmem:s18+$0x8380] =	vst v16  }
0xfe: {  	v16 =	vld.idx.msk [tilespmem:v17+s3+$0x0], $0xffff;
	[tilespmem:s19+$0x8380] =	vst v7  }
0xff: {  	v58 =	vor.u32 $0x5, v5;
	v59 =	vld.idx.msk [tilespmem:v57+s3+$0x0], $0xffff  }
0x100: {  	v60 =	vor.u32 $0x5, v6;
	_ =	sdelay $0x2  }
0x101: {  	[tilespmem:s18+$0x8400] =	vst v16  }
0x102: {  	v7 =	vld.idx.msk [tilespmem:v58+s3+$0x0], $0xffff;
	[tilespmem:s19+$0x8400] =	vst v59  }
0x103: {  	v61 =	vor.u32 $0x6, v5;
	v17 =	vld.idx.msk [tilespmem:v60+s3+$0x0], $0xffff  }
0x104: {  	v62 =	vor.u32 $0x6, v6;
	_ =	sdelay $0x2  }
0x105: {  	[tilespmem:s18+$0x8480] =	vst v7  }
0x106: {  	v7 =	vld.idx.msk [tilespmem:v61+s3+$0x0], $0xffff;
	[tilespmem:s19+$0x8480] =	vst v17  }
0x107: {  	v63 =	vor.u32 $0x7, v5;
	v17 =	vld.idx.msk [tilespmem:v62+s3+$0x0], $0xffff  }
0x108: {  	v21 =	vor.u32 $0x7, v6;
	_ =	sdelay $0x2  }
0x109: {  	[tilespmem:s18+$0x8500] =	vst v7  }
0x10a: {  	v7 =	vld.idx.msk [tilespmem:v63+s3+$0x0], $0xffff;
	[tilespmem:s19+$0x8500] =	vst v17  }
0x10b: {  	v22 =	vor.u32 $0x8, v5;
	v17 =	vld.idx.msk [tilespmem:v21+s3+$0x0], $0xffff  }
0x10c: {  	v23 =	vor.u32 $0x8, v6  }
0x10d: {  	s20 =	sor.u32 s23, s20  }
0x10e: {  	s20 =	sor.u32 $0x380, s20;
	s21 =	sor.u32 s21, s22  }
0x10f: {  	s31 =	sor.u32 $0x380, s21;
	[tilespmem:s20+$0x8200] =	vst v7  }
0x110: {  	v24 =	vor.u32 $0x9, v4;
	v16 =	vld.idx.msk [tilespmem:v22+s3+$0x0], $0xffff;
	[tilespmem:s31+$0x8200] =	vst v17  }
0x111: {  	v25 =	vor.u32 $0x9, v5;
	v18 =	vld.idx.msk [tilespmem:v23+s3+$0x0], $0xffff  }
0x112: {  	v19 =	vor.u32 $0x9, v6;
	_ =	sdelay $0x1  }
0x113: {  	[tilespmem:s17+$0x9200] =	vst v15  }
0x114: {  	v7 =	vld.idx.msk [tilespmem:v24+s3+$0x0], $0xffff;
	[tilespmem:s18+$0x9200] =	vst v16  }
0x115: {  	v26 =	vor.u32 $0xA, v4;
	v16 =	vld.idx.msk [tilespmem:v25+s3+$0x0], $0xffff;
	[tilespmem:s19+$0x9200] =	vst v18  }
0x116: {  	v27 =	vor.u32 $0xA, v5;
	v18 =	vld.idx.msk [tilespmem:v19+s3+$0x0], $0xffff  }
0x117: {  	v28 =	vor.u32 $0xA, v6;
	_ =	sdelay $0x1  }
0x118: {  	[tilespmem:s17+$0x9280] =	vst v7  }
0x119: {  	v7 =	vld.idx.msk [tilespmem:v26+s3+$0x0], $0xffff;
	[tilespmem:s18+$0x9280] =	vst v16  }
0x11a: {  	v29 =	vor.u32 $0xB, v4;
	v16 =	vld.idx.msk [tilespmem:v27+s3+$0x0], $0xffff;
	[tilespmem:s19+$0x9280] =	vst v18  }
0x11b: {  	v30 =	vor.u32 $0xB, v5;
	v18 =	vld.idx.msk [tilespmem:v28+s3+$0x0], $0xffff  }
0x11c: {  	v31 =	vor.u32 $0xB, v6;
	_ =	sdelay $0x1  }
0x11d: {  	[tilespmem:s17+$0x9300] =	vst v7  }
0x11e: {  	v7 =	vld.idx.msk [tilespmem:v29+s3+$0x0], $0xffff;
	[tilespmem:s18+$0x9300] =	vst v16  }
0x11f: {  	v32 =	vor.u32 $0xC, v4;
	v16 =	vld.idx.msk [tilespmem:v30+s3+$0x0], $0xffff;
	[tilespmem:s19+$0x9300] =	vst v18  }
0x120: {  	v33 =	vor.u32 $0xC, v5;
	v18 =	vld.idx.msk [tilespmem:v31+s3+$0x0], $0xffff  }
0x121: {  	v34 =	vor.u32 $0xC, v6;
	_ =	sdelay $0x1  }
0x122: {  	[tilespmem:s17+$0x9380] =	vst v7  }
0x123: {  	v7 =	vld.idx.msk [tilespmem:v32+s3+$0x0], $0xffff;
	[tilespmem:s18+$0x9380] =	vst v16  }
0x124: {  	v35 =	vor.u32 $0xD, v4;
	v16 =	vld.idx.msk [tilespmem:v33+s3+$0x0], $0xffff;
	[tilespmem:s19+$0x9380] =	vst v18  }
0x125: {  	v36 =	vor.u32 $0xD, v5;
	v18 =	vld.idx.msk [tilespmem:v34+s3+$0x0], $0xffff  }
0x126: {  	v37 =	vor.u32 $0xD, v6  }
0x127: {  	[tilespmem:s15+$0x9400] =	vst v13  }
0x128: {  	v13 =	vld.idx.msk [tilespmem:v14+s3+$0x0], $0xffff;
	[tilespmem:s17+$0x9400] =	vst v7  }
0x129: {  	v38 =	vor.u32 $0xE, v3;
	v39 =	vld.idx.msk [tilespmem:v35+s3+$0x0], $0xffff;
	[tilespmem:s18+$0x9400] =	vst v16  }
0x12a: {  	v40 =	vor.u32 $0xE, v4;
	v16 =	vld.idx.msk [tilespmem:v36+s3+$0x0], $0xffff;
	[tilespmem:s19+$0x9400] =	vst v18  }
0x12b: {  	v41 =	vor.u32 $0xE, v5;
	v18 =	vld.idx.msk [tilespmem:v37+s3+$0x0], $0xffff  }
0x12c: {  	v42 =	vor.u32 $0xE, v6  }
0x12d: {  	[tilespmem:s15+$0x9480] =	vst v13  }
0x12e: {  	v7 =	vld.idx.msk [tilespmem:v38+s3+$0x0], $0xffff;
	[tilespmem:s17+$0x9480] =	vst v39  }
0x12f: {  	v43 =	vor.u32 $0xF, v3;
	v14 =	vld.idx.msk [tilespmem:v40+s3+$0x0], $0xffff;
	[tilespmem:s18+$0x9480] =	vst v16  }
0x130: {  	v44 =	vor.u32 $0xF, v4;
	v16 =	vld.idx.msk [tilespmem:v41+s3+$0x0], $0xffff;
	[tilespmem:s19+$0x9480] =	vst v18  }
0x131: {  	v45 =	vor.u32 $0xF, v5;
	v18 =	vld.idx.msk [tilespmem:v42+s3+$0x0], $0xffff  }
0x132: {  	v46 =	vor.u32 $0xF, v6  }
0x133: {  	[tilespmem:s15+$0x9500] =	vst v7  }
0x134: {  	v7 =	vld.idx.msk [tilespmem:v43+s3+$0x0], $0xffff;
	[tilespmem:s17+$0x9500] =	vst v14  }
0x135: {  	v47 =	vor.u32 $0x10, v3;
	v14 =	vld.idx.msk [tilespmem:v44+s3+$0x0], $0xffff;
	[tilespmem:s18+$0x9500] =	vst v16  }
0x136: {  	v48 =	vor.u32 $0x10, v4;
	v16 =	vld.idx.msk [tilespmem:v45+s3+$0x0], $0xffff;
	[tilespmem:s19+$0x9500] =	vst v18  }
0x137: {  	v49 =	vor.u32 $0x10, v5;
	v18 =	vld.idx.msk [tilespmem:v46+s3+$0x0], $0xffff  }
0x138: {  	v50 =	vor.u32 $0x10, v6  }
0x139: {  	[tilespmem:s15+$0x9580] =	vst v7  }
0x13a: {  	v7 =	vld.idx.msk [tilespmem:v47+s3+$0x0], $0xffff;
	[tilespmem:s17+$0x9580] =	vst v14  }
0x13b: {  	v51 =	vor.u32 $0x11, v3;
	v14 =	vld.idx.msk [tilespmem:v48+s3+$0x0], $0xffff;
	[tilespmem:s18+$0x9580] =	vst v16  }
0x13c: {  	v52 =	vor.u32 $0x11, v4;
	v16 =	vld.idx.msk [tilespmem:v49+s3+$0x0], $0xffff;
	[tilespmem:s19+$0x9580] =	vst v18  }
0x13d: {  	v53 =	vor.u32 $0x11, v5;
	v18 =	vld.idx.msk [tilespmem:v50+s3+$0x0], $0xffff  }
0x13e: {  	[tilespmem:s16+$0xB580] =	vst v12;
	v54 =	vor.u32 $0x11, v6  }
0x13f: {  	[tilespmem:s15+$0xA200] =	vst v7  }
0x140: {  	v7 =	vld.idx.msk [tilespmem:v51+s3+$0x0], $0xffff;
	[tilespmem:s17+$0xA200] =	vst v14  }
0x141: {  	v55 =	vor.u32 $0x12, v3;
	v14 =	vld.idx.msk [tilespmem:v52+s3+$0x0], $0xffff;
	[tilespmem:s18+$0xA200] =	vst v16  }
0x142: {  	v56 =	vor.u32 $0x12, v4;
	v16 =	vld.idx.msk [tilespmem:v53+s3+$0x0], $0xffff;
	[tilespmem:s19+$0xA200] =	vst v18  }
0x143: {  	[tilespmem:s14+$0xA280] =	vst v8;
	v57 =	vor.u32 $0x12, v5;
	v12 =	vld.idx.msk [tilespmem:v54+s3+$0x0], $0xffff  }
0x144: {  	v11 =	vld.idx.msk [tilespmem:v11+s3+$0x0], $0xffff;
	[tilespmem:s12+$0xA500] =	vst v9;
	v58 =	vor.u32 $0x12, v6  }
0x145: {  	v10 =	vld.idx.msk [tilespmem:v10+s3+$0x0], $0xffff;
	v59 =	vor.u32 $0x17, v0;
	[tilespmem:s15+$0xA280] =	vst v7  }
0x146: {  	v60 =	vor.u32 $0x13, v1;
	v13 =	vld.idx.msk [tilespmem:v55+s3+$0x0], $0xffff;
	[tilespmem:s17+$0xA280] =	vst v14  }
0x147: {  	v61 =	vor.u32 $0x13, v3;
	v15 =	vld.idx.msk [tilespmem:v56+s3+$0x0], $0xffff;
	[tilespmem:s18+$0xA280] =	vst v16  }
0x148: {  	v62 =	vor.u32 $0x13, v4;
	v8 =	vld.idx.msk [tilespmem:v57+s3+$0x0], $0xffff;
	[tilespmem:s19+$0xA280] =	vst v12  }
0x149: {  	[tilespmem:s13+$0xB380] =	vst v11;
	v63 =	vor.u32 $0x13, v5;
	v9 =	vld.idx.msk [tilespmem:v58+s3+$0x0], $0xffff  }
0x14a: {  	[tilespmem:s14+$0xA300] =	vst v10;
	v20 =	vld.idx.msk [tilespmem:v59+s3+$0x0], $0xffff;
	v21 =	vor.u32 $0x13, v6  }
0x14b: {  	v22 =	vor.u32 $0x1C, v2;
	v7 =	vld.idx.msk [tilespmem:v60+s3+$0x0], $0xffff;
	[tilespmem:s15+$0xA300] =	vst v13  }
0x14c: {  	v23 =	vor.u32 $0x14, v1;
	v14 =	vld.idx.msk [tilespmem:v61+s3+$0x0], $0xffff;
	[tilespmem:s17+$0xA300] =	vst v15  }
0x14d: {  	v24 =	vor.u32 $0x14, v3;
	v16 =	vld.idx.msk [tilespmem:v62+s3+$0x0], $0xffff;
	[tilespmem:s18+$0xA300] =	vst v8  }
0x14e: {  	v25 =	vor.u32 $0x14, v4;
	v11 =	vld.idx.msk [tilespmem:v63+s3+$0x0], $0xffff;
	[tilespmem:s19+$0xA300] =	vst v9  }
0x14f: {  	[tilespmem:s12+$0xA580] =	vst v20;
	v26 =	vor.u32 $0x14, v5;
	v10 =	vld.idx.msk [tilespmem:v21+s3+$0x0], $0xffff  }
0x150: {  	v27 =	vld.idx.msk [tilespmem:v22+s3+$0x0], $0xffff;
	v28 =	vor.u32 $0x14, v6;
	[tilespmem:s14+$0xA380] =	vst v7  }
0x151: {  	v29 =	vor.u32 $0x18, v0;
	v13 =	vld.idx.msk [tilespmem:v23+s3+$0x0], $0xffff;
	[tilespmem:s15+$0xA380] =	vst v14  }
0x152: {  	v30 =	vor.u32 $0x15, v1;
	v15 =	vld.idx.msk [tilespmem:v24+s3+$0x0], $0xffff;
	[tilespmem:s17+$0xA380] =	vst v16  }
0x153: {  	v31 =	vor.u32 $0x15, v3;
	v8 =	vld.idx.msk [tilespmem:v25+s3+$0x0], $0xffff;
	[tilespmem:s18+$0xA380] =	vst v11  }
0x154: {  	v32 =	vor.u32 $0x15, v4;
	v9 =	vld.idx.msk [tilespmem:v26+s3+$0x0], $0xffff;
	[tilespmem:s19+$0xA380] =	vst v10  }
0x155: {  	[tilespmem:s13+$0xB400] =	vst v27;
	v33 =	vor.u32 $0x15, v5;
	v7 =	vld.idx.msk [tilespmem:v28+s3+$0x0], $0xffff  }
0x156: {  	v35 =	vor.u32 $0x15, v6;
	v34 =	vld.idx.msk [tilespmem:v29+s3+$0x0], $0xffff;
	[tilespmem:s14+$0xA400] =	vst v13  }
0x157: {  	v36 =	vor.u32 $0x1D, v2;
	v14 =	vld.idx.msk [tilespmem:v30+s3+$0x0], $0xffff;
	[tilespmem:s15+$0xA400] =	vst v15  }
0x158: {  	v37 =	vor.u32 $0x16, v1;
	v16 =	vld.idx.msk [tilespmem:v31+s3+$0x0], $0xffff;
	[tilespmem:s17+$0xA400] =	vst v8  }
0x159: {  	v38 =	vor.u32 $0x16, v3;
	v11 =	vld.idx.msk [tilespmem:v32+s3+$0x0], $0xffff;
	[tilespmem:s18+$0xA400] =	vst v9  }
0x15a: {  	v39 =	vor.u32 $0x16, v4;
	v10 =	vld.idx.msk [tilespmem:v33+s3+$0x0], $0xffff;
	[tilespmem:s19+$0xA400] =	vst v7  }
0x15b: {  	v40 =	vor.u32 $0x16, v5;
	[tilespmem:s12+$0xB200] =	vst v34;
	v41 =	vld.idx.msk [tilespmem:v35+s3+$0x0], $0xffff  }
0x15c: {  	v43 =	vor.u32 $0x16, v6;
	v42 =	vld.idx.msk [tilespmem:v36+s3+$0x0], $0xffff;
	[tilespmem:s14+$0xA480] =	vst v14  }
0x15d: {  	v44 =	vor.u32 $0x19, v0;
	v15 =	vld.idx.msk [tilespmem:v37+s3+$0x0], $0xffff;
	[tilespmem:s15+$0xA480] =	vst v16  }
0x15e: {  	v45 =	vor.u32 $0x17, v1;
	v8 =	vld.idx.msk [tilespmem:v38+s3+$0x0], $0xffff;
	[tilespmem:s17+$0xA480] =	vst v11  }
0x15f: {  	v46 =	vor.u32 $0x17, v3;
	v9 =	vld.idx.msk [tilespmem:v39+s3+$0x0], $0xffff;
	[tilespmem:s18+$0xA480] =	vst v10  }
0x160: {  	v47 =	vor.u32 $0x17, v4;
	v7 =	vld.idx.msk [tilespmem:v40+s3+$0x0], $0xffff;
	[tilespmem:s19+$0xA480] =	vst v41  }
0x161: {  	v48 =	vor.u32 $0x17, v5;
	[tilespmem:s13+$0xB480] =	vst v42;
	v49 =	vld.idx.msk [tilespmem:v43+s3+$0x0], $0xffff  }
0x162: {  	v51 =	vor.u32 $0x17, v6;
	v50 =	vld.idx.msk [tilespmem:v44+s3+$0x0], $0xffff;
	[tilespmem:s14+$0xA500] =	vst v15  }
0x163: {  	v60 =	vor.u32 $0x1A, v0;
	v16 =	vld.idx.msk [tilespmem:v45+s3+$0x0], $0xffff;
	[tilespmem:s15+$0xA500] =	vst v8  }
0x164: {  	v53 =	vor.u32 $0x18, v1;
	v11 =	vld.idx.msk [tilespmem:v46+s3+$0x0], $0xffff;
	[tilespmem:s17+$0xA500] =	vst v9  }
0x165: {  	v54 =	vor.u32 $0x18, v3;
	v10 =	vld.idx.msk [tilespmem:v47+s3+$0x0], $0xffff;
	[tilespmem:s18+$0xA500] =	vst v7  }
0x166: {  	v55 =	vor.u32 $0x18, v4;
	v12 =	vld.idx.msk [tilespmem:v48+s3+$0x0], $0xffff;
	[tilespmem:s19+$0xA500] =	vst v49  }
0x167: {  	v56 =	vor.u32 $0x18, v5;
	[tilespmem:s12+$0xB280] =	vst v50;
	v57 =	vld.idx.msk [tilespmem:v51+s3+$0x0], $0xffff  }
0x168: {  	v59 =	vor.u32 $0x18, v6;
	v22 =	vld.idx.msk [tilespmem:v60+s3+$0x0], $0xffff;
	[tilespmem:s14+$0xA580] =	vst v16  }
0x169: {  	v52 =	vor.u32 $0x1E, v2;
	v8 =	vld.idx.msk [tilespmem:v53+s3+$0x0], $0xffff;
	[tilespmem:s15+$0xA580] =	vst v11  }
0x16a: {  	v61 =	vor.u32 $0x19, v1;
	v9 =	vld.idx.msk [tilespmem:v54+s3+$0x0], $0xffff;
	[tilespmem:s17+$0xA580] =	vst v10  }
0x16b: {  	v62 =	vor.u32 $0x19, v3;
	v7 =	vld.idx.msk [tilespmem:v55+s3+$0x0], $0xffff;
	[tilespmem:s18+$0xA580] =	vst v12  }
0x16c: {  	v63 =	vor.u32 $0x19, v4;
	v13 =	vld.idx.msk [tilespmem:v56+s3+$0x0], $0xffff;
	[tilespmem:s19+$0xA580] =	vst v57  }
0x16d: {  	v20 =	vor.u32 $0x19, v5;
	[tilespmem:s12+$0xB300] =	vst v22;
	v21 =	vld.idx.msk [tilespmem:v59+s3+$0x0], $0xffff  }
0x16e: {  	v23 =	vor.u32 $0x19, v6;
	v58 =	vld.idx.msk [tilespmem:v52+s3+$0x0], $0xffff;
	[tilespmem:s14+$0xB200] =	vst v8  }
0x16f: {  	v24 =	vor.u32 $0x1F, v2;
	v11 =	vld.idx.msk [tilespmem:v61+s3+$0x0], $0xffff;
	[tilespmem:s15+$0xB200] =	vst v9  }
0x170: {  	v25 =	vor.u32 $0x1A, v1;
	v10 =	vld.idx.msk [tilespmem:v62+s3+$0x0], $0xffff;
	[tilespmem:s17+$0xB200] =	vst v7  }
0x171: {  	v26 =	vor.u32 $0x1A, v3;
	v12 =	vld.idx.msk [tilespmem:v63+s3+$0x0], $0xffff;
	[tilespmem:s18+$0xB200] =	vst v13  }
0x172: {  	v27 =	vor.u32 $0x1A, v4;
	v14 =	vld.idx.msk [tilespmem:v20+s3+$0x0], $0xffff;
	[tilespmem:s19+$0xB200] =	vst v21  }
0x173: {  	[tilespmem:s13+$0xB500] =	vst v58;
	v28 =	vor.u32 $0x1A, v5;
	v8 =	vld.idx.msk [tilespmem:v23+s3+$0x0], $0xffff  }
0x174: {  	v29 =	vor.u32 $0x1A, v6;
	v2 =	vld.idx.msk [tilespmem:v24+s3+$0x0], $0xffff;
	[tilespmem:s14+$0xB280] =	vst v11  }
0x175: {  	v30 =	vor.u32 $0x1B, v0;
	v9 =	vld.idx.msk [tilespmem:v25+s3+$0x0], $0xffff;
	[tilespmem:s15+$0xB280] =	vst v10  }
0x176: {  	v31 =	vor.u32 $0x1B, v1;
	v7 =	vld.idx.msk [tilespmem:v26+s3+$0x0], $0xffff;
	[tilespmem:s17+$0xB280] =	vst v12  }
0x177: {  	v32 =	vor.u32 $0x1B, v3;
	v13 =	vld.idx.msk [tilespmem:v27+s3+$0x0], $0xffff;
	[tilespmem:s18+$0xB280] =	vst v14  }
0x178: {  	v33 =	vor.u32 $0x1B, v4;
	v15 =	vld.idx.msk [tilespmem:v28+s3+$0x0], $0xffff;
	[tilespmem:s19+$0xB280] =	vst v8  }
0x179: {  	v34 =	vor.u32 $0x1B, v5;
	[tilespmem:s13+$0xB580] =	vst v2;
	v8 =	vld.idx.msk [tilespmem:v29+s3+$0x0], $0xffff  }
0x17a: {  	v36 =	vor.u32 $0x1B, v6;
	v35 =	vld.idx.msk [tilespmem:v30+s3+$0x0], $0xffff;
	[tilespmem:s14+$0xB300] =	vst v9  }
0x17b: {  	v37 =	vor.u32 $0x1C, v0;
	v10 =	vld.idx.msk [tilespmem:v31+s3+$0x0], $0xffff;
	[tilespmem:s15+$0xB300] =	vst v7  }
0x17c: {  	v38 =	vor.u32 $0x1C, v1;
	v12 =	vld.idx.msk [tilespmem:v32+s3+$0x0], $0xffff;
	[tilespmem:s17+$0xB300] =	vst v13  }
0x17d: {  	v39 =	vor.u32 $0x1C, v3;
	v14 =	vld.idx.msk [tilespmem:v33+s3+$0x0], $0xffff;
	[tilespmem:s18+$0xB300] =	vst v15  }
0x17e: {  	v40 =	vor.u32 $0x1C, v4;
	v2 =	vld.idx.msk [tilespmem:v34+s3+$0x0], $0xffff;
	[tilespmem:s19+$0xB300] =	vst v8  }
0x17f: {  	[tilespmem:s12+$0xB380] =	vst v35;
	v41 =	vor.u32 $0x1C, v5;
	v9 =	vld.idx.msk [tilespmem:v36+s3+$0x0], $0xffff  }
0x180: {  	v42 =	vor.u32 $0x1C, v6;
	v11 =	vld.idx.msk [tilespmem:v37+s3+$0x0], $0xffff;
	[tilespmem:s14+$0xB380] =	vst v10  }
0x181: {  	v43 =	vor.u32 $0x1D, v0;
	v7 =	vld.idx.msk [tilespmem:v38+s3+$0x0], $0xffff;
	[tilespmem:s15+$0xB380] =	vst v12  }
0x182: {  	v44 =	vor.u32 $0x1D, v1;
	v13 =	vld.idx.msk [tilespmem:v39+s3+$0x0], $0xffff;
	[tilespmem:s17+$0xB380] =	vst v14  }
0x183: {  	v45 =	vor.u32 $0x1D, v3;
	v15 =	vld.idx.msk [tilespmem:v40+s3+$0x0], $0xffff;
	[tilespmem:s18+$0xB380] =	vst v2  }
0x184: {  	v46 =	vor.u32 $0x1D, v4;
	v8 =	vld.idx.msk [tilespmem:v41+s3+$0x0], $0xffff;
	[tilespmem:s19+$0xB380] =	vst v9  }
0x185: {  	v47 =	vor.u32 $0x1D, v5;
	[tilespmem:s12+$0xB400] =	vst v11;
	v10 =	vld.idx.msk [tilespmem:v42+s3+$0x0], $0xffff  }
0x186: {  	v48 =	vor.u32 $0x1D, v6;
	v11 =	vld.idx.msk [tilespmem:v43+s3+$0x0], $0xffff;
	[tilespmem:s14+$0xB400] =	vst v7  }
0x187: {  	v49 =	vor.u32 $0x1E, v0;
	v12 =	vld.idx.msk [tilespmem:v44+s3+$0x0], $0xffff;
	[tilespmem:s15+$0xB400] =	vst v13  }
0x188: {  	v50 =	vor.u32 $0x1E, v1;
	v14 =	vld.idx.msk [tilespmem:v45+s3+$0x0], $0xffff;
	[tilespmem:s17+$0xB400] =	vst v15  }
0x189: {  	v51 =	vor.u32 $0x1E, v3;
	v2 =	vld.idx.msk [tilespmem:v46+s3+$0x0], $0xffff;
	[tilespmem:s18+$0xB400] =	vst v8  }
0x18a: {  	v52 =	vor.u32 $0x1E, v4;
	v9 =	vld.idx.msk [tilespmem:v47+s3+$0x0], $0xffff;
	[tilespmem:s19+$0xB400] =	vst v10  }
0x18b: {  	v53 =	vor.u32 $0x1E, v5;
	[tilespmem:s12+$0xB480] =	vst v11;
	v7 =	vld.idx.msk [tilespmem:v48+s3+$0x0], $0xffff  }
0x18c: {  	v54 =	vor.u32 $0x1E, v6;
	v11 =	vld.idx.msk [tilespmem:v49+s3+$0x0], $0xffff;
	[tilespmem:s14+$0xB480] =	vst v12  }
0x18d: {  	v55 =	vor.u32 $0x1F, v0;
	v13 =	vld.idx.msk [tilespmem:v50+s3+$0x0], $0xffff;
	[tilespmem:s15+$0xB480] =	vst v14  }
0x18e: {  	v56 =	vor.u32 $0x1F, v1;
	v14 =	vld.idx.msk [tilespmem:v51+s3+$0x0], $0xffff;
	[tilespmem:s17+$0xB480] =	vst v2  }
0x18f: {  	v57 =	vor.u32 $0x1F, v3;
	v58 =	vld.idx.msk [tilespmem:v52+s3+$0x0], $0xffff;
	[tilespmem:s18+$0xB480] =	vst v9  }
0x190: {  	v59 =	vor.u32 $0x1F, v4;
	v60 =	vld.idx.msk [tilespmem:v53+s3+$0x0], $0xffff;
	[tilespmem:s19+$0xB480] =	vst v7  }
0x191: {  	v61 =	vor.u32 $0x1F, v5;
	[tilespmem:s12+$0xB500] =	vst v11;
	v7 =	vld.idx.msk [tilespmem:v54+s3+$0x0], $0xffff  }
0x192: {  	v6 =	vor.u32 $0x1F, v6;
	v0 =	vld.idx.msk [tilespmem:v55+s3+$0x0], $0xffff;
	[tilespmem:s14+$0xB500] =	vst v13  }
0x193: {  	v1 =	vld.idx.msk [tilespmem:v56+s3+$0x0], $0xffff;
	[tilespmem:s15+$0xB500] =	vst v14  }
0x194: {  	v2 =	vld.idx.msk [tilespmem:v57+s3+$0x0], $0xffff;
	[tilespmem:s17+$0xB500] =	vst v58  }
0x195: {  	v3 =	vld.idx.msk [tilespmem:v59+s3+$0x0], $0xffff;
	[tilespmem:s18+$0xB500] =	vst v60  }
0x196: {  	v62 =	vld.idx.msk [tilespmem:v61+s3+$0x0], $0xffff;
	[tilespmem:s19+$0xB500] =	vst v7  }
0x197: {  	[tilespmem:s12+$0xB580] =	vst v0;
	v63 =	vld.idx.msk [tilespmem:v6+s3+$0x0], $0xffff  }
0x198: {  	[tilespmem:s14+$0xB580] =	vst v1  }
0x199: {  	[tilespmem:s15+$0xB580] =	vst v2  }
0x19a: {  	s11 =	sadd.s32 $0x1, s11;
	[tilespmem:s17+$0xB580] =	vst v3  }
0x19b: {  	p0 =	sne.s32 s11, s6;
	[tilespmem:s18+$0xB580] =	vst v62  }
.Ltmp1:
0x19c: {  	[tilespmem:s19+$0xB580] =	vst v63;
	(pc) =	sbr.rel @p0 .LBB2_1-.Ltmp1, $4  }
0x19d: {  	[hbm4b:s5+s8] =	stream.strided.scatter [tilespmem:s10], [sflag:$0x1], $0x4000, s9, s8, $0x38;
	[tilespmem:$0xC200] =	vst v63  }
0x19e: {  	_ =	swait.ge [sflag:s7], $0x4000  }
0x19f: {  	[sflag:s7] =	ssyncset.done $0x0  }
0x1a0: {  	[sflag:s7] =	ssyncadd.s32 $0xFFFFC000  }
0x1a1: {  	_ =	sfence.sel $0x180000  }
0x1a2: {  	[bflag:$0x0] =	sbarrier.arrive $0xFFFF  }
0x1a3: {  	p0 =	sne.s32 s2, $0x0;
	_ =	strace $0x9000004A  }
0x1a4: {  	s0 =	sadd.s32 @!p0 $0x100000, s0;
	[bflag:$0x2] =	sbarrier.arrive $0xFFFF  }
0x1a5: {  	[sflag:s0] =	ssyncadd.tile.s32 @!p0 $0x1;
	_ =	shalt  }
.Lfunc_end2:
_tile_overlayer_lowered:
.L_overlay_start_2:
0x1a6: {  	(tag) =	ssettag $0x2  }
0x1a7: {  	s0 =	rddreg [dreg:$0x0];
	s2 =	stileid.u32  }
0x1a8: {  	s1 =	rddreg [dreg:$0x1];
	p0 =	sne.s32 s2, $0x0  }
0x1a9: {  	s3 =	rddreg [dreg:$0x2];
	[bflag:$0x3] =	sbarrier.arrive $0xFFFF;
	s2 =	simm.s32 @!p0 $0x1C01  }
0x1aa: {  	[timem:s3], [sflag:s2] =	dma.local @!p0 [hbm:s0], s1  }
0x1ab: {  	s0 =	simm.s32 @!p0 $0x1  }
0x1ac: {  	_ =	swait.ge @!p0 [sflag:s0], s1  }
0x1ad: {  	s1 =	ssub.s32 @!p0 $0x0, s1;
	[sflag:s0] =	ssyncset.done @!p0 $0x0  }
0x1ae: {  	[sflag:s0] =	ssyncadd.s32 @!p0 s1  }
0x1af: {  	[bflag:$0x3] =	sbarrier.arrive $0xFFFF  }
0x1b0: {  	_ =	shalt  }

// kernel: kernel.20.cloned.1.call-start
scs
__scs_entry_jumppad:
0x0: {  	(pc) =	sbr.rel $0x88, $3  }
0x1: {  	(tag) =	ssettag $0x0;
	lr =	simm.s32 $0x1  }
0x2: {  	[smem:$0x3F9F] =	sst lr;
	_ =	strace $0xD0000000  }
0x3: {  	_ = 	snop  }
0x4: {  	_ = 	snop  }
0x5: {  	_ = 	snop  }
0x6: {  	_ = 	snop  }
0x7: {  	_ = 	snop  }
__scs_overlays_trampoline_lowered:
0x8: {  	[smem:$0x3FAE] =	sst s0  }
0x9: {  	[smem:$0x3FAF] =	sst s1  }
0xa: {  	[smem:$0x3FB0] =	sst s2  }
0xb: {  	[smem:$0x3FB1] =	sst s3  }
0xc: {  	[smem:$0x3FB2] =	sst s4  }
0xd: {  	[smem:$0x3FB3] =	sst s5  }
0xe: {  	[smem:$0x3FB4] =	sst s6  }
0xf: {  	[smem:$0x3FB5] =	sst s7  }
0x10: {  	[smem:$0x3FB6] =	sst s8  }
0x11: {  	[smem:$0x3FB7] =	sst s9;
	s0 =	simm.s32 @!p0 $0x0  }
0x12: {  	s1 =	sld [smem:$0x3F9D];
	s0 =	simm.s32 @p0 $0x1  }
0x13: {  	[smem:$0x3FB8] =	sst s0;
	s0 =	simm.s32 @!p1 $0x0  }
0x14: {  	s2 =	sld [smem:$0x3F9C];
	s0 =	simm.s32 @p1 $0x1  }
0x15: {  	[smem:$0x3FB9] =	sst s0;
	s0 =	simm.s32 @!p2 $0x0  }
0x16: {  	s3 =	sld [smem:$0x3FDB];
	s0 =	simm.s32 @p2 $0x1  }
0x17: {  	s4 =	simm.s32 $0x1BF5;
	[smem:$0x3FBB] =	sst s0  }
0x18: {  	s0 =	sld [smem:$0x3F9E];
	_ =	swait.ge [sflag:s4], $0x0  }
0x19: {  	s7 =	sld [smem:$0x3F9F]  }
0x1a: {  	s8 =	sadd.s32 $0xFFFFE003, lr  }
0x1b: {  	s9 =	sadd.s32 $0xFFFFFEF7, lr;
	s5 =	simm.s32 $0xFFFFFFFF;
	p2 =	slt.u32 s8, $0xFFFFF086  }
0x1c: {  	p1 =	slt.u32 s9, $0xF7A;
	s5 =	simm.s32 @!p2 $0x0  }
0x1d: {  	s5 =	simm.s32 @p1 $0x1;
	p0 =	seq.s32 s7, s2  }
0x1e: {  	s7 =	smul.u32 @!p0 $0xF7A, s2;
	p2 =	seq.s32 @!p0 s5, $0x0  }
0x1f: {  	s9 =	smul.u32 $0xF7A, s1;
	s8 =	simm.s32 @!p0 $0x1BF5;
	p2 =	por !p2, p0  }
0x20: {  	[sflag:s8] =	ssyncset.s32 @!p0 $0xFFFFF086;
	s6 =	sadd.s32 @!p0 s3, s7;
	s7 =	simm.s32 @!p0 $0x108  }
0x21: {  	s3 =	sadd.s32 s3, s9;
	s6 =	sadd.s32 @!p0 $0x88, s6;
	s7 =	simm.s32 @p2 $0x1082  }
0x22: {  	[simem:s7], [sflag:s8] =	dma.local @!p0 [hbm:s6], $0xF7A  }
0x23: {  	s9 =	sor.u32 $0xD0000000, s2;
	s6 =	simm.s32 $0x108;
	_ =	swait.ge @!p0 [sflag:s8], $0x0  }
0x24: {  	s3 =	sadd.s32 $0x88, s3;
	s6 =	simm.s32 @!p1 $0x1082;
	[sflag:s4] =	ssyncset.s32 $0xFFFFF086  }
0x25: {  	[simem:s6], [sflag:s4] =	dma.local [hbm:s3], $0xF7A  }
0x26: {  	[smem:$0x3F9F] =	sst s1;
	(tag) =	ssettag s2;
	_ =	strace s9  }
0x27: {  	s1 =	sld [smem:$0x3FAF]  }
0x28: {  	s2 =	sld [smem:$0x3FB0]  }
0x29: {  	s4 =	sld [smem:$0x3FB2]  }
0x2a: {  	p0 =	seq.s32 s5, $0x0;
	s5 =	sld [smem:$0x3FB3]  }
0x2b: {  	s6 =	sld [smem:$0x3FB4]  }
0x2c: {  	s7 =	sld [smem:$0x3FB5]  }
0x2d: {  	s3 =	simm.s32 $0x108;
	s8 =	sld [smem:$0x3FB6]  }
0x2e: {  	s3 =	simm.s32 @!p0 $0x1082;
	s9 =	sld [smem:$0x3FB7]  }
0x2f: {  	lr =	sadd.s32 s0, s3;
	s0 =	sld [smem:$0x3FAE]  }
0x30: {  	s3 =	sld [smem:$0x3FB1]  }
0x31: {  	[smem:$0x3FBA] =	sst s10  }
0x32: {  	s10 =	sld [smem:$0x3FB8];
	_ =	sdelay $0x3  }
0x33: {  	p0 =	seq.s32 s10, $0x1;
	s10 =	sld [smem:$0x3FBA];
	_ =	sdelay $0x3  }
0x34: {  	[smem:$0x3FBA] =	sst s10  }
0x35: {  	s10 =	sld [smem:$0x3FB9];
	_ =	sdelay $0x3  }
0x36: {  	p1 =	seq.s32 s10, $0x1;
	s10 =	sld [smem:$0x3FBA];
	_ =	sdelay $0x3  }
0x37: {  	[smem:$0x3FBA] =	sst s10  }
0x38: {  	s10 =	sld [smem:$0x3FBB]  }
0x39: {  	_ = 	snop;
	(pc) =	sbr.ind lr, $3  }
0x3a: {  	_ = 	snop  }
0x3b: {  	_ = 	snop  }
0x3c: {  	p2 =	seq.s32 s10, $0x1;
	s10 =	sld [smem:$0x3FBA]  }
0x3d: {  	_ =	shalt  }
0x3e: {  	_ =	shalt  }
0x3f: {  	_ =	shalt  }
0x40: {  	_ =	shalt  }
0x41: {  	_ =	shalt  }
0x42: {  	_ =	shalt  }
0x43: {  	_ =	shalt  }
0x44: {  	_ =	shalt  }
0x45: {  	_ =	shalt  }
0x46: {  	_ =	shalt  }
0x47: {  	_ =	shalt  }
0x48: {  	_ =	shalt  }
0x49: {  	_ =	shalt  }
0x4a: {  	_ =	shalt  }
0x4b: {  	_ =	shalt  }
0x4c: {  	_ =	shalt  }
0x4d: {  	_ =	shalt  }
0x4e: {  	_ =	shalt  }
0x4f: {  	_ =	shalt  }
0x50: {  	_ =	shalt  }
0x51: {  	_ =	shalt  }
0x52: {  	_ =	shalt  }
0x53: {  	_ =	shalt  }
0x54: {  	_ =	shalt  }
0x55: {  	_ =	shalt  }
0x56: {  	_ =	shalt  }
0x57: {  	_ =	shalt  }
0x58: {  	_ =	shalt  }
0x59: {  	_ =	shalt  }
0x5a: {  	_ =	shalt  }
0x5b: {  	_ =	shalt  }
0x5c: {  	_ =	shalt  }
0x5d: {  	_ =	shalt  }
0x5e: {  	_ =	shalt  }
0x5f: {  	_ =	shalt  }
0x60: {  	_ =	shalt  }
0x61: {  	_ =	shalt  }
0x62: {  	_ =	shalt  }
0x63: {  	_ =	shalt  }
0x64: {  	_ =	shalt  }
0x65: {  	_ =	shalt  }
0x66: {  	_ =	shalt  }
0x67: {  	_ =	shalt  }
0x68: {  	_ =	shalt  }
0x69: {  	_ =	shalt  }
0x6a: {  	_ =	shalt  }
0x6b: {  	_ =	shalt  }
0x6c: {  	_ =	shalt  }
0x6d: {  	_ =	shalt  }
0x6e: {  	_ =	shalt  }
0x6f: {  	_ =	shalt  }
0x70: {  	_ =	shalt  }
0x71: {  	_ =	shalt  }
0x72: {  	_ =	shalt  }
0x73: {  	_ =	shalt  }
0x74: {  	_ =	shalt  }
0x75: {  	_ =	shalt  }
0x76: {  	_ =	shalt  }
0x77: {  	_ =	shalt  }
0x78: {  	_ =	shalt  }
0x79: {  	_ =	shalt  }
0x7a: {  	_ =	shalt  }
0x7b: {  	_ =	shalt  }
0x7c: {  	_ =	shalt  }
0x7d: {  	_ =	shalt  }
0x7e: {  	_ =	shalt  }
0x7f: {  	_ =	shalt  }
0x80: {  	_ =	shalt  }
0x81: {  	_ =	shalt  }
0x82: {  	_ =	shalt  }
0x83: {  	_ =	shalt  }
0x84: {  	_ =	shalt  }
0x85: {  	_ =	shalt  }
0x86: {  	_ =	shalt  }
0x87: {  	_ =	shalt  }
.Lfunc_end0:
.L_simem_size_0:
called_computation.3_lowered:
.L_overlay_start_0:
0x88: {  	s2 =	sld [smem:$0x3FD9]  }
0x89: {  	s3 =	sld [smem:$0x3FFE];
	_ =	sdelay $0x1  }
0x8a: {  	s1 =	srdreg.scid  }
0x8b: {  	s0 =	sand.u32 $0x1, s1  }
0x8c: {  	s15 =	sshll.u32 s0, $0xA;
	s2 =	sadd.s32 s3, s2  }
0x8d: {  	s2 =	sadd.s32 s2, s15  }
0x8e: {  	[smem:$0x3FC6] =	sst s2  }
0x8f: {  	_ = 	snop  }
0x90: {  	s2 =	sld [smem:$0x3FD0];
	_ =	sdelay $0x2  }
0x91: {  	s16 =	simm.s32 $0xD;
	s4 =	simm.s32 $0x10  }
0x92: {  	[smem:s4], [sflag:s16] =	dma.local [hbm:s2], $0x1  }
0x93: {  	_ =	swait.eq [sflag:s16], $0x1  }
0x94: {  	[sflag:s16] =	ssyncset.done $0x0  }
0x95: {  	[sflag:s16] =	ssyncadd.s32 $0xFFFFFFFF  }
0x96: {  	s17 =	sld [smem:$0x10];
	(tm) =	ssettm $0x1  }
0x97: {  	s18 =	sld [smem:$0x3FFB];
	_ =	sdelay $0x3  }
0x98: {  	_ =	strace s18  }
0x99: {  	s2 =	sld [smem:$0x3FFC];
	_ =	sdelay $0x3  }
0x9a: {  	_ =	strace s2  }
0x9b: {  	s2 =	sld [smem:$0x3FFD];
	_ =	sdelay $0x3  }
0x9c: {  	_ =	strace s2  }
0x9d: {  	_ =	strace $0x8FFFFFFF  }
0x9e: {  	s19 =	sld [smem:$0x3FDB];
	_ =	sdelay $0x1  }
0x9f: {  	s20 =	simm.s32 $_scs_section_size  }
0xa0: {  	s5 =	simm.s32 $_size__tile_overlayer_lowered;
	s6 =	simm.s32 $_tile_overlayer_lowered  }
0xa1: {  	s7 =	simm.s32 $0x1BFF;
	s21 =	sshll.u32 s6, $0x1;
	s4 =	sadd.s32 s20, s19  }
0xa2: {  	s22 =	simm.s32 $0x0;
	s5 =	sshll.u32 s5, $0x1;
	s6 =	sadd.s32 s21, s4  }
0xa3: {  	[timem:s22], [sflag:s7] =	dma.local [hbm:s6], s5  }
0xa4: {  	_ =	swait.ge [sflag:s7], s5  }
0xa5: {  	s5 =	ssub.s32 $0x0, s5;
	[sflag:s7] =	ssyncset.done $0x0  }
0xa6: {  	[sflag:s7] =	ssyncadd.s32 s5;
	_ =	sdelay $0x1  }
0xa7: {  	s23 =	simm.s32 $0x1B8B  }
0xa8: {  	_ =	swait.ge [sflag:s23], $0x1  }
0xa9: {  	[sflag:s23] =	ssyncset.done $0x0  }
0xaa: {  	[sflag:s23] =	ssyncadd.s32 $0xFFFFFFFF  }
0xab: {  	s5 =	sld [smem:$0x0]  }
0xac: {  	s6 =	sand.u32 $0xFFFFFFFE, s1  }
0xad: {  	p0 =	sne.s32 s1, s6  }
0xae: {  	s6 =	sshll.u32 @p0 s6, $0xE  }
0xaf: {  	s6 =	sadd.s32 @p0 $0x11B8D, s6;
	s7 =	sshll.u32 @p0 s5, $0x11  }
0xb0: {  	s6 =	sor.u32 @p0 s7, s6  }
0xb1: {  	[sflag:s6] =	ssyncadd.remote.s32 @p0 $0x1;
	_ =	sdelay $0x1  }
0xb2: {  	s6 =	simm.s32 @p0 $0x1B8D  }
0xb3: {  	_ =	swait.eq @p0 [sflag:s6], $0x1  }
0xb4: {  	[sflag:s6] =	ssyncadd.s32 @p0 $0xFFFFFFFF  }
0xb5: {  	s7 =	sshll.u32 @!p0 s1, $0xE  }
0xb6: {  	s7 =	sor.u32 @!p0 $0x4000, s7;
	s6 =	simm.s32 @!p0 $0x1B8D  }
0xb7: {  	s5 =	sshll.u32 @!p0 s5, $0x11;
	s7 =	sadd.s32 @!p0 $0x11B8D, s7;
	_ =	swait.eq @!p0 [sflag:s6], $0x1  }
0xb8: {  	s5 =	sor.u32 @!p0 s5, s7;
	[sflag:s6] =	ssyncadd.s32 @!p0 $0xFFFFFFFF  }
0xb9: {  	s25 =	simm.s32 $0x1B8E;
	s24 =	sld [smem:$0x3FFE];
	[sflag:s5] =	ssyncadd.remote.s32 @!p0 $0x1  }
0xba: {  	s26 =	simm.s32 $execute0_lowered;
	[smem:$0x3FD2] =	sst s25  }
0xbb: {  	s6 =	sshll.u32 s26, $0x1;
	_ =	strace $0x8000004C;
	[dreg:$0x1] =	wrdreg $0xFFFFFFFF  }
0xbc: {  	s28 =	simm.s32 $_size_execute0_lowered;
	s4 =	sadd.s32 s4, s6;
	[dreg:$0x0] =	wrdreg $0x0  }
0xbd: {  	s6 =	sshll.u32 s28, $0x1;
	[dreg:$0x2] =	wrdreg s4  }
0xbe: {  	[dreg:$0x3] =	wrdreg s6  }
0xbf: {  	[dreg:$0x4] =	wrdreg $0xC0  }
0xc0: {  	_ =	task [dreg:s22], $0x5FFFF  }
0xc1: {  	[dreg:$0x1] =	wrdreg $0xFFFFFFFF  }
0xc2: {  	[dreg:$0x0] =	wrdreg $0x60  }
0xc3: {  	[dreg:$0x2] =	wrdreg s17  }
0xc4: {  	[dreg:$0x3] =	wrdreg s24  }
0xc5: {  	[dreg:$0x4] =	wrdreg $0xC  }
0xc6: {  	_ =	task.clear_ibuf [dreg:s22], $0x5FFFF;
	_ =	strace $0x9000004C  }
0xc7: {  	s29 =	simm.s32 $0xC;
	_ =	strace $0x8000004E  }
0xc8: {  	_ =	swait.ge [sflag:s29], $0x1  }
0xc9: {  	[sflag:s29] =	ssyncadd.s32 $0xFFFFFFFF  }
0xca: {  	_ =	strace $0x9000004E  }
0xcb: {  	_ =	sfence  }
0xcc: {  	s30 =	sld [smem:$0x0];
	_ =	sdelay $0x2  }
0xcd: {  	s31 =	sshll.u32 s1, $0xD;
	s1 =	sshrl.u32 s1, $0x2  }
0xce: {  	s4 =	sand.u32 $0x4000, s31;
	s1 =	sadd.s32 s1, s30  }
0xcf: {  	s0 =	sor.u32 s4, s0;
	s1 =	sshll.u32 s1, $0x11  }
0xd0: {  	s0 =	sor.u32 s1, s0  }
0xd1: {  	s0 =	sadd.s32 $0x8F2B, s0  }
0xd2: {  	[sflag:s0] =	ssyncadd.remote.s32 $0x1  }
0xd3: {  	_ =	sfence.sel $0xFFFF  }
0xd4: {  	[dreg:$0x0] =	wrdreg $0xFFFFFFFF;
	(pc) =	sbr.abs _section_cstart, $3  }
0xd5: {  	[dreg:$0x1] =	wrdreg $0xFFFFFFFF  }
0xd6: {  	_ =	task.clear_ibuf [dreg:s22], $0x2FFFF;
	_ =	strace $0x9FFFFFFF  }
0xd7: {  	(tm) =	ssettm $0x7FFFFFFF  }
tec
execute0_lowered:
.L_overlay_start_1:
0x0: {  	(tag) =	ssettag $0x1  }
0x1: {  	s1 =	rddreg [dreg:$0x0]  }
0x2: {  	s4 =	rddreg [dreg:$0x1]  }
0x3: {  	s0 =	rddreg [dreg:$0x2]  }
0x4: {  	s3 =	simm.s32 $0x0;
	s5 =	srdreg.scid;
	s2 =	stileid.u32  }
0x5: {  	s9 =	simm.s32 $0x8000;
	s10 =	simm.s32 $0x8200;
	s11 =	simm.s32 $0x0  }
0x6: {  	[smem:$0x7FF] =	sst s3;
	s5 =	sand.u32 $0x1, s5;
	s6 =	sshll.u32 s2, $0x1  }
0x7: {  	s7 =	sshll.u32 s2, $0xC;
	_ =	strace $0x8000004D;
	s6 =	sor.u32 s5, s6  }
0x8: {  	s7 =	sand.u32 $0xC000, s7;
	s5 =	ssub.s32 $0x2, s5;
	s8 =	sshll.u32 s6, $0x6  }
0x9: {  	s6 =	sshll.u32 s6, $0x9;
	s7 =	sadd.s32 s7, s4;
	s30 =	sshrl.u32 s5, $0x1  }
0xa: {  	s6 =	sand.u32 $0xE00, s6;
	s4 =	sadd.s32 s8, s4;
	s31 =	ssub.s32 s5, s30  }
0xb: {  	s8 =	simm.s32 $0x1000;
	s6 =	sadd.s32 s6, s7;
	s4 =	sadd.s32 $0x23C00, s4  }
0xc: {  	s7 =	simm.s32 $0x1;
	s5 =	sadd.s32 $0x24400, s6;
	s6 =	smax.u32 s31, $0x1  }
.LBB2_1:
0xd: {  	[tilespmem:s3], [sflag:$0x1] =	stream.linear.gather [hbm4b:s1+s3], $0x8000, $0x38;
	[tilespmem:$0xC200] =	vst v63  }
0xe: {  	_ =	swait.ge [sflag:s7], $0x8000  }
0xf: {  	[sflag:s7] =	ssyncset.done $0x0  }
0x10: {  	[sflag:s7] =	ssyncadd.s32 $0xFFFF8000  }
0x11: {  	[tilespmem:s9], [sflag:$0x1] =	stream.linear.gather [hbm4b:s4+s3], $0x200, $0x38;
	[tilespmem:$0xC200] =	vst v63  }
0x12: {  	_ =	swait.ge [sflag:s7], $0x200  }
0x13: {  	[sflag:s7] =	ssyncset.done $0x0  }
0x14: {  	[sflag:s7] =	ssyncadd.s32 $0xFFFFFE00  }
0x15: {  	v0 =	vld [tilespmem:s9+$0x0];
	_ =	sdelay $0x4  }
0x16: {  	v6 =	vshll.u32 v0, $0x5;
	_ =	sdelay $0x4  }
0x17: {  	v0 =	vld.idx.msk [tilespmem:v6+s3+$0x0], $0xffff  }
0x18: {  	v1 =	vor.u32 $0x1, v6;
	_ =	sdelay $0x1  }
0x19: {  	s12 =	sand.u32 $0x70, s3;
	s13 =	sand.u32 $0xC00, s3  }
0x1a: {  	s16 =	sor.u32 s12, s13  }
0x1b: {  	[tilespmem:s16+$0x8200] =	vst v0  }
0x1c: {  	v0 =	vld.idx.msk [tilespmem:v1+s3+$0x0], $0xffff  }
0x1d: {  	v1 =	vor.u32 $0x2, v6;
	_ =	sdelay $0x3  }
0x1e: {  	[tilespmem:s16+$0x8280] =	vst v0  }
0x1f: {  	v0 =	vld.idx.msk [tilespmem:v1+s3+$0x0], $0xffff  }
0x20: {  	v1 =	vor.u32 $0x3, v6;
	_ =	sdelay $0x2  }
0x21: {  	s20 =	simm.s32 $0x8010  }
0x22: {  	v2 =	vld [tilespmem:s20+$0x0];
	[tilespmem:s16+$0x8300] =	vst v0  }
0x23: {  	v0 =	vld.idx.msk [tilespmem:v1+s3+$0x0], $0xffff  }
0x24: {  	v1 =	vor.u32 $0x4, v6;
	_ =	sdelay $0x3  }
0x25: {  	v2 =	vshll.u32 v2, $0x5;
	[tilespmem:s16+$0x8380] =	vst v0  }
0x26: {  	v0 =	vld.idx.msk [tilespmem:v1+s3+$0x0], $0xffff  }
0x27: {  	v1 =	vor.u32 $0x5, v6;
	_ =	sdelay $0x2  }
0x28: {  	v3 =	vld.idx.msk [tilespmem:v2+s3+$0x0], $0xffff  }
0x29: {  	[tilespmem:s16+$0x8400] =	vst v0;
	v0 =	vor.u32 $0x1, v2  }
0x2a: {  	s14 =	simm.s32 $0x10;
	s17 =	simm.s32 $0x80;
	v1 =	vld.idx.msk [tilespmem:v1+s3+$0x0], $0xffff  }
0x2b: {  	s21 =	sand.u32 $0x70, s14;
	s22 =	sand.u32 $0xC00, s17;
	v4 =	vor.u32 $0x6, v6  }
0x2c: {  	s13 =	sor.u32 s21, s22  }
0x2d: {  	[tilespmem:s13+$0x8200] =	vst v3  }
0x2e: {  	v0 =	vld.idx.msk [tilespmem:v0+s3+$0x0], $0xffff  }
0x2f: {  	[tilespmem:s16+$0x8480] =	vst v1;
	v1 =	vor.u32 $0x2, v2  }
0x30: {  	v3 =	vld.idx.msk [tilespmem:v4+s3+$0x0], $0xffff  }
0x31: {  	v4 =	vor.u32 $0x7, v6;
	_ =	sdelay $0x1  }
0x32: {  	[tilespmem:s13+$0x8280] =	vst v0  }
0x33: {  	v0 =	vld.idx.msk [tilespmem:v1+s3+$0x0], $0xffff  }
0x34: {  	v1 =	vor.u32 $0x3, v2;
	[tilespmem:s16+$0x8500] =	vst v3  }
0x35: {  	v3 =	vld.idx.msk [tilespmem:v4+s3+$0x0], $0xffff  }
0x36: {  	v4 =	vor.u32 $0x8, v6  }
0x37: {  	s23 =	simm.s32 $0x8020  }
0x38: {  	s24 =	sor.u32 s3, s3;
	v5 =	vld [tilespmem:s23+$0x0];
	[tilespmem:s13+$0x8300] =	vst v0  }
0x39: {  	s12 =	sor.u32 $0x380, s24;
	v0 =	vld.idx.msk [tilespmem:v1+s3+$0x0], $0xffff  }
0x3a: {  	v1 =	vor.u32 $0x4, v2;
	[tilespmem:s12+$0x8200] =	vst v3  }
0x3b: {  	v3 =	vld.idx.msk [tilespmem:v4+s3+$0x0], $0xffff  }
0x3c: {  	v4 =	vor.u32 $0x9, v6;
	_ =	sdelay $0x1  }
0x3d: {  	[tilespmem:s13+$0x8380] =	vst v0;
	v0 =	vshll.u32 v5, $0x5  }
0x3e: {  	v1 =	vld.idx.msk [tilespmem:v1+s3+$0x0], $0xffff  }
0x3f: {  	[tilespmem:s16+$0x9200] =	vst v3;
	v3 =	vor.u32 $0x5, v2  }
0x40: {  	v4 =	vld.idx.msk [tilespmem:v4+s3+$0x0], $0xffff  }
0x41: {  	v5 =	vor.u32 $0xA, v6  }
0x42: {  	v7 =	vld.idx.msk [tilespmem:v0+s3+$0x0], $0xffff  }
0x43: {  	[tilespmem:s13+$0x8400] =	vst v1;
	v1 =	vor.u32 $0x1, v0  }
0x44: {  	s15 =	simm.s32 $0x20;
	s18 =	simm.s32 $0x100;
	v3 =	vld.idx.msk [tilespmem:v3+s3+$0x0], $0xffff  }
0x45: {  	s25 =	sand.u32 $0x70, s15;
	s19 =	sand.u32 $0xC00, s18;
	[tilespmem:s16+$0x9280] =	vst v4;
	v4 =	vor.u32 $0x6, v2  }
0x46: {  	s12 =	sor.u32 s25, s19;
	v5 =	vld.idx.msk [tilespmem:v5+s3+$0x0], $0xffff  }
0x47: {  	[tilespmem:s12+$0x8200] =	vst v7;
	v7 =	vor.u32 $0xB, v6  }
0x48: {  	v1 =	vld.idx.msk [tilespmem:v1+s3+$0x0], $0xffff  }
0x49: {  	[tilespmem:s13+$0x8480] =	vst v3;
	v3 =	vor.u32 $0x2, v0  }
0x4a: {  	v4 =	vld.idx.msk [tilespmem:v4+s3+$0x0], $0xffff  }
0x4b: {  	[tilespmem:s16+$0x9300] =	vst v5;
	v5 =	vor.u32 $0x7, v2  }
0x4c: {  	v7 =	vld.idx.msk [tilespmem:v7+s3+$0x0], $0xffff  }
0x4d: {  	[tilespmem:s12+$0x8280] =	vst v1;
	v1 =	vor.u32 $0xC, v6  }
0x4e: {  	v3 =	vld.idx.msk [tilespmem:v3+s3+$0x0], $0xffff  }
0x4f: {  	[tilespmem:s13+$0x8500] =	vst v4;
	v4 =	vor.u32 $0x3, v0  }
0x50: {  	v5 =	vld.idx.msk [tilespmem:v5+s3+$0x0], $0xffff  }
0x51: {  	[tilespmem:s16+$0x9380] =	vst v7;
	v7 =	vor.u32 $0x8, v2  }
0x52: {  	v1 =	vld.idx.msk [tilespmem:v1+s3+$0x0], $0xffff  }
0x53: {  	s14 =	sor.u32 s17, s14;
	[tilespmem:s12+$0x8300] =	vst v3;
	v3 =	vor.u32 $0xD, v6  }
0x54: {  	s26 =	simm.s32 $0x8030;
	s14 =	sor.u32 $0x380, s14;
	v4 =	vld.idx.msk [tilespmem:v4+s3+$0x0], $0xffff  }
0x55: {  	v8 =	vld [tilespmem:s26+$0x0];
	[tilespmem:s14+$0x8200] =	vst v5;
	v5 =	vor.u32 $0x4, v0  }
0x56: {  	v7 =	vld.idx.msk [tilespmem:v7+s3+$0x0], $0xffff  }
0x57: {  	v9 =	vor.u32 $0x9, v2;
	[tilespmem:s16+$0x9400] =	vst v1  }
0x58: {  	v3 =	vld.idx.msk [tilespmem:v3+s3+$0x0], $0xffff  }
0x59: {  	[tilespmem:s12+$0x8380] =	vst v4;
	v4 =	vor.u32 $0xE, v6  }
0x5a: {  	v1 =	vshll.u32 v8, $0x5;
	v5 =	vld.idx.msk [tilespmem:v5+s3+$0x0], $0xffff  }
0x5b: {  	[tilespmem:s13+$0x9200] =	vst v7;
	v7 =	vor.u32 $0x5, v0  }
0x5c: {  	v8 =	vld.idx.msk [tilespmem:v9+s3+$0x0], $0xffff  }
0x5d: {  	[tilespmem:s16+$0x9480] =	vst v3;
	v3 =	vor.u32 $0xA, v2  }
0x5e: {  	v4 =	vld.idx.msk [tilespmem:v4+s3+$0x0], $0xffff  }
0x5f: {  	v9 =	vld.idx.msk [tilespmem:v1+s3+$0x0], $0xffff;
	[tilespmem:s12+$0x8400] =	vst v5;
	v5 =	vor.u32 $0xF, v6  }
0x60: {  	v10 =	vor.u32 $0x1, v1;
	v7 =	vld.idx.msk [tilespmem:v7+s3+$0x0], $0xffff  }
0x61: {  	s28 =	simm.s32 $0x30;
	s20 =	simm.s32 $0x180;
	[tilespmem:s13+$0x9280] =	vst v8;
	v8 =	vor.u32 $0x6, v0  }
0x62: {  	s29 =	sand.u32 $0x70, s28;
	s30 =	sand.u32 $0xC00, s20;
	v3 =	vld.idx.msk [tilespmem:v3+s3+$0x0], $0xffff  }
0x63: {  	s14 =	sor.u32 s29, s30;
	[tilespmem:s16+$0x9500] =	vst v4;
	v4 =	vor.u32 $0xB, v2  }
0x64: {  	[tilespmem:s14+$0x8200] =	vst v9;
	v5 =	vld.idx.msk [tilespmem:v5+s3+$0x0], $0xffff  }
0x65: {  	v9 =	vld.idx.msk [tilespmem:v10+s3+$0x0], $0xffff;
	[tilespmem:s12+$0x8480] =	vst v7;
	v7 =	vor.u32 $0x10, v6  }
0x66: {  	v10 =	vor.u32 $0x2, v1;
	v8 =	vld.idx.msk [tilespmem:v8+s3+$0x0], $0xffff  }
0x67: {  	[tilespmem:s13+$0x9300] =	vst v3;
	v3 =	vor.u32 $0x7, v0  }
0x68: {  	v4 =	vld.idx.msk [tilespmem:v4+s3+$0x0], $0xffff  }
0x69: {  	[tilespmem:s16+$0x9580] =	vst v5;
	v5 =	vor.u32 $0xC, v2  }
0x6a: {  	[tilespmem:s14+$0x8280] =	vst v9;
	v7 =	vld.idx.msk [tilespmem:v7+s3+$0x0], $0xffff  }
0x6b: {  	v9 =	vld.idx.msk [tilespmem:v10+s3+$0x0], $0xffff;
	[tilespmem:s12+$0x8500] =	vst v8;
	v8 =	vor.u32 $0x11, v6  }
0x6c: {  	v10 =	vor.u32 $0x3, v1;
	v3 =	vld.idx.msk [tilespmem:v3+s3+$0x0], $0xffff  }
0x6d: {  	[tilespmem:s13+$0x9380] =	vst v4;
	v4 =	vor.u32 $0x8, v0  }
0x6e: {  	s31 =	simm.s32 $0x8040;
	v5 =	vld.idx.msk [tilespmem:v5+s3+$0x0], $0xffff  }
0x6f: {  	s15 =	sor.u32 s18, s15;
	v11 =	vld [tilespmem:s31+$0x0];
	[tilespmem:s16+$0xA200] =	vst v7;
	v7 =	vor.u32 $0xD, v2  }
0x70: {  	s15 =	sor.u32 $0x380, s15;
	[tilespmem:s14+$0x8300] =	vst v9;
	v8 =	vld.idx.msk [tilespmem:v8+s3+$0x0], $0xffff  }
0x71: {  	v9 =	vld.idx.msk [tilespmem:v10+s3+$0x0], $0xffff;
	[tilespmem:s15+$0x8200] =	vst v3;
	v3 =	vor.u32 $0x12, v6  }
0x72: {  	v10 =	vor.u32 $0x4, v1;
	v4 =	vld.idx.msk [tilespmem:v4+s3+$0x0], $0xffff  }
0x73: {  	[tilespmem:s13+$0x9400] =	vst v5;
	v5 =	vor.u32 $0x9, v0  }
0x74: {  	v7 =	vld.idx.msk [tilespmem:v7+s3+$0x0], $0xffff  }
0x75: {  	[tilespmem:s16+$0xA280] =	vst v8;
	v8 =	vor.u32 $0xE, v2  }
0x76: {  	[tilespmem:s14+$0x8380] =	vst v9;
	v9 =	vld.idx.msk [tilespmem:v3+s3+$0x0], $0xffff;
	v3 =	vshll.u32 v11, $0x5  }
0x77: {  	v10 =	vld.idx.msk [tilespmem:v10+s3+$0x0], $0xffff;
	[tilespmem:s12+$0x9200] =	vst v4;
	v4 =	vor.u32 $0x13, v6  }
0x78: {  	v11 =	vor.u32 $0x5, v1;
	v5 =	vld.idx.msk [tilespmem:v5+s3+$0x0], $0xffff  }
0x79: {  	[tilespmem:s13+$0x9480] =	vst v7;
	v7 =	vor.u32 $0xA, v0  }
0x7a: {  	v8 =	vld.idx.msk [tilespmem:v8+s3+$0x0], $0xffff  }
0x7b: {  	v12 =	vld.idx.msk [tilespmem:v3+s3+$0x0], $0xffff;
	[tilespmem:s16+$0xA300] =	vst v9;
	v9 =	vor.u32 $0xF, v2  }
0x7c: {  	[tilespmem:s14+$0x8400] =	vst v10;
	v10 =	vor.u32 $0x1, v3;
	v4 =	vld.idx.msk [tilespmem:v4+s3+$0x0], $0xffff  }
0x7d: {  	s24 =	simm.s32 $0x200;
	s19 =	simm.s32 $0x40;
	v11 =	vld.idx.msk [tilespmem:v11+s3+$0x0], $0xffff;
	[tilespmem:s12+$0x9280] =	vst v5;
	v5 =	vor.u32 $0x14, v6  }
0x7e: {  	s21 =	sand.u32 $0xC00, s24;
	s25 =	sand.u32 $0x70, s19;
	v13 =	vor.u32 $0x6, v1;
	v7 =	vld.idx.msk [tilespmem:v7+s3+$0x0], $0xffff  }
0x7f: {  	s15 =	sor.u32 s25, s21;
	[tilespmem:s13+$0x9500] =	vst v8;
	v8 =	vor.u32 $0xB, v0  }
0x80: {  	[tilespmem:s15+$0x8200] =	vst v12;
	v9 =	vld.idx.msk [tilespmem:v9+s3+$0x0], $0xffff  }
0x81: {  	v10 =	vld.idx.msk [tilespmem:v10+s3+$0x0], $0xffff;
	[tilespmem:s16+$0xA380] =	vst v4;
	v4 =	vor.u32 $0x10, v2  }
0x82: {  	[tilespmem:s14+$0x8480] =	vst v11;
	v11 =	vor.u32 $0x2, v3;
	v5 =	vld.idx.msk [tilespmem:v5+s3+$0x0], $0xffff  }
0x83: {  	v12 =	vld.idx.msk [tilespmem:v13+s3+$0x0], $0xffff;
	[tilespmem:s12+$0x9300] =	vst v7;
	v7 =	vor.u32 $0x15, v6  }
0x84: {  	v13 =	vor.u32 $0x7, v1;
	v8 =	vld.idx.msk [tilespmem:v8+s3+$0x0], $0xffff  }
0x85: {  	[tilespmem:s13+$0x9580] =	vst v9;
	v9 =	vor.u32 $0xC, v0  }
0x86: {  	[tilespmem:s15+$0x8280] =	vst v10;
	v4 =	vld.idx.msk [tilespmem:v4+s3+$0x0], $0xffff  }
0x87: {  	v10 =	vld.idx.msk [tilespmem:v11+s3+$0x0], $0xffff;
	[tilespmem:s16+$0xA400] =	vst v5;
	v5 =	vor.u32 $0x11, v2  }
0x88: {  	[tilespmem:s14+$0x8500] =	vst v12;
	v11 =	vor.u32 $0x3, v3;
	v7 =	vld.idx.msk [tilespmem:v7+s3+$0x0], $0xffff  }
0x89: {  	v12 =	vld.idx.msk [tilespmem:v13+s3+$0x0], $0xffff;
	[tilespmem:s12+$0x9380] =	vst v8;
	v8 =	vor.u32 $0x16, v6  }
0x8a: {  	s26 =	simm.s32 $0x8050;
	v13 =	vor.u32 $0x8, v1;
	v9 =	vld.idx.msk [tilespmem:v9+s3+$0x0], $0xffff  }
0x8b: {  	v14 =	vld [tilespmem:s26+$0x0];
	[tilespmem:s13+$0xA200] =	vst v4;
	v4 =	vor.u32 $0xD, v0  }
0x8c: {  	s17 =	sor.u32 s20, s28;
	[tilespmem:s15+$0x8300] =	vst v10;
	v5 =	vld.idx.msk [tilespmem:v5+s3+$0x0], $0xffff  }
0x8d: {  	s17 =	sor.u32 $0x380, s17;
	v10 =	vld.idx.msk [tilespmem:v11+s3+$0x0], $0xffff;
	[tilespmem:s16+$0xA480] =	vst v7;
	v7 =	vor.u32 $0x12, v2  }
0x8e: {  	[tilespmem:s17+$0x8200] =	vst v12;
	v11 =	vor.u32 $0x4, v3;
	v8 =	vld.idx.msk [tilespmem:v8+s3+$0x0], $0xffff  }
0x8f: {  	v12 =	vld.idx.msk [tilespmem:v13+s3+$0x0], $0xffff;
	[tilespmem:s12+$0x9400] =	vst v9;
	v9 =	vor.u32 $0x17, v6  }
0x90: {  	s28 =	simm.s32 $0x8060;
	v13 =	vor.u32 $0x9, v1;
	v15 =	vld.idx.msk [tilespmem:v4+s3+$0x0], $0xffff  }
0x91: {  	v16 =	vld [tilespmem:s28+$0x0];
	[tilespmem:s13+$0xA280] =	vst v5;
	v5 =	vor.u32 $0xE, v0  }
0x92: {  	v4 =	vshll.u32 v14, $0x5;
	[tilespmem:s15+$0x8380] =	vst v10;
	v7 =	vld.idx.msk [tilespmem:v7+s3+$0x0], $0xffff  }
0x93: {  	v10 =	vld.idx.msk [tilespmem:v11+s3+$0x0], $0xffff;
	[tilespmem:s16+$0xA500] =	vst v8;
	v8 =	vor.u32 $0x13, v2  }
0x94: {  	[tilespmem:s14+$0x9200] =	vst v12;
	v11 =	vor.u32 $0x5, v3;
	v9 =	vld.idx.msk [tilespmem:v9+s3+$0x0], $0xffff  }
0x95: {  	v12 =	vld.idx.msk [tilespmem:v13+s3+$0x0], $0xffff;
	v13 =	vor.u32 $0x18, v6;
	[tilespmem:s12+$0x9480] =	vst v15  }
0x96: {  	v14 =	vor.u32 $0xA, v1;
	v5 =	vld.idx.msk [tilespmem:v5+s3+$0x0], $0xffff  }
0x97: {  	v15 =	vld.idx.msk [tilespmem:v4+s3+$0x0], $0xffff;
	[tilespmem:s13+$0xA300] =	vst v7;
	v7 =	vor.u32 $0xF, v0  }
0x98: {  	[tilespmem:s15+$0x8400] =	vst v10;
	v8 =	vld.idx.msk [tilespmem:v8+s3+$0x0], $0xffff;
	v10 =	vor.u32 $0x1, v4  }
0x99: {  	s22 =	simm.s32 $0x50;
	s23 =	simm.s32 $0x280;
	v11 =	vld.idx.msk [tilespmem:v11+s3+$0x0], $0xffff;
	[tilespmem:s16+$0xA580] =	vst v9;
	v9 =	vor.u32 $0x14, v2  }
0x9a: {  	s29 =	sand.u32 $0x70, s22;
	s30 =	sand.u32 $0xC00, s23;
	[tilespmem:s14+$0x9280] =	vst v12;
	v12 =	vld.idx.msk [tilespmem:v13+s3+$0x0], $0xffff;
	v13 =	vor.u32 $0x6, v3  }
0x9b: {  	s17 =	sor.u32 s29, s30;
	v14 =	vld.idx.msk [tilespmem:v14+s3+$0x0], $0xffff;
	[tilespmem:s12+$0x9500] =	vst v5;
	v5 =	vor.u32 $0x19, v6  }
0x9c: {  	[tilespmem:s17+$0x8200] =	vst v15;
	v15 =	vor.u32 $0xB, v1;
	v7 =	vld.idx.msk [tilespmem:v7+s3+$0x0], $0xffff  }
0x9d: {  	v10 =	vld.idx.msk [tilespmem:v10+s3+$0x0], $0xffff;
	[tilespmem:s13+$0xA380] =	vst v8;
	v8 =	vor.u32 $0x10, v0  }
0x9e: {  	[tilespmem:s15+$0x8480] =	vst v11;
	v9 =	vld.idx.msk [tilespmem:v9+s3+$0x0], $0xffff;
	v11 =	vor.u32 $0x2, v4  }
0x9f: {  	v13 =	vld.idx.msk [tilespmem:v13+s3+$0x0], $0xffff;
	[tilespmem:s16+$0xB200] =	vst v12;
	v12 =	vor.u32 $0x15, v2  }
0xa0: {  	[tilespmem:s14+$0x9300] =	vst v14;
	v14 =	vor.u32 $0x7, v3;
	v5 =	vld.idx.msk [tilespmem:v5+s3+$0x0], $0xffff  }
0xa1: {  	v15 =	vld.idx.msk [tilespmem:v15+s3+$0x0], $0xffff;
	[tilespmem:s12+$0x9580] =	vst v7;
	v7 =	vor.u32 $0x1A, v6  }
0xa2: {  	[tilespmem:s17+$0x8280] =	vst v10;
	v10 =	vor.u32 $0xC, v1;
	v8 =	vld.idx.msk [tilespmem:v8+s3+$0x0], $0xffff  }
0xa3: {  	v11 =	vld.idx.msk [tilespmem:v11+s3+$0x0], $0xffff;
	[tilespmem:s13+$0xA400] =	vst v9;
	v9 =	vor.u32 $0x11, v0  }
0xa4: {  	[tilespmem:s15+$0x8500] =	vst v13;
	v12 =	vld.idx.msk [tilespmem:v12+s3+$0x0], $0xffff;
	v13 =	vor.u32 $0x3, v4  }
0xa5: {  	v14 =	vld.idx.msk [tilespmem:v14+s3+$0x0], $0xffff;
	[tilespmem:s16+$0xB280] =	vst v5;
	v5 =	vor.u32 $0x16, v2  }
0xa6: {  	[tilespmem:s14+$0x9380] =	vst v15;
	v15 =	vor.u32 $0x8, v3;
	v7 =	vld.idx.msk [tilespmem:v7+s3+$0x0], $0xffff  }
0xa7: {  	v10 =	vld.idx.msk [tilespmem:v10+s3+$0x0], $0xffff;
	[tilespmem:s12+$0xA200] =	vst v8  }
0xa8: {  	s18 =	sor.u32 s24, s19;
	v8 =	vor.u32 $0x1B, v6;
	[tilespmem:s17+$0x8300] =	vst v11;
	v9 =	vld.idx.msk [tilespmem:v9+s3+$0x0], $0xffff  }
0xa9: {  	s18 =	sor.u32 $0x380, s18;
	v11 =	vor.u32 $0xD, v1;
	v13 =	vld.idx.msk [tilespmem:v13+s3+$0x0], $0xffff;
	[tilespmem:s13+$0xA480] =	vst v12  }
0xaa: {  	v12 =	vor.u32 $0x12, v0;
	[tilespmem:s18+$0x8200] =	vst v14;
	v14 =	vld.idx.msk [tilespmem:v5+s3+$0x0], $0xffff  }
0xab: {  	s19 =	simm.s32 $0x8070;
	v17 =	vor.u32 $0x4, v4;
	v15 =	vld.idx.msk [tilespmem:v15+s3+$0x0], $0xffff;
	[tilespmem:s16+$0xB300] =	vst v7  }
0xac: {  	v7 =	vld [tilespmem:s19+$0x0];
	[tilespmem:s14+$0x9400] =	vst v10;
	v10 =	vor.u32 $0x17, v2  }
0xad: {  	v18 =	vor.u32 $0x9, v3;
	v8 =	vld.idx.msk [tilespmem:v8+s3+$0x0], $0xffff  }
0xae: {  	v5 =	vshll.u32 v16, $0x5;
	v11 =	vld.idx.msk [tilespmem:v11+s3+$0x0], $0xffff;
	[tilespmem:s12+$0xA280] =	vst v9  }
0xaf: {  	v9 =	vor.u32 $0x1C, v6;
	[tilespmem:s17+$0x8380] =	vst v13;
	v12 =	vld.idx.msk [tilespmem:v12+s3+$0x0], $0xffff  }
0xb0: {  	v13 =	vor.u32 $0xE, v1;
	v16 =	vld.idx.msk [tilespmem:v17+s3+$0x0], $0xffff;
	[tilespmem:s13+$0xA500] =	vst v14  }
0xb1: {  	v14 =	vor.u32 $0x13, v0;
	[tilespmem:s15+$0x9200] =	vst v15;
	v10 =	vld.idx.msk [tilespmem:v10+s3+$0x0], $0xffff  }
0xb2: {  	v15 =	vor.u32 $0x5, v4;
	v17 =	vld.idx.msk [tilespmem:v18+s3+$0x0], $0xffff  }
0xb3: {  	[tilespmem:s16+$0xB380] =	vst v8;
	v8 =	vor.u32 $0x18, v2;
	v18 =	vld.idx.msk [tilespmem:v5+s3+$0x0], $0xffff  }
0xb4: {  	[tilespmem:s14+$0x9480] =	vst v11;
	v9 =	vld.idx.msk [tilespmem:v9+s3+$0x0], $0xffff;
	v11 =	vor.u32 $0xA, v3  }
0xb5: {  	v19 =	vor.u32 $0x1, v5;
	v13 =	vld.idx.msk [tilespmem:v13+s3+$0x0], $0xffff;
	[tilespmem:s12+$0xA300] =	vst v12  }
0xb6: {  	s20 =	simm.s32 $0x60;
	s21 =	simm.s32 $0x300;
	v12 =	vor.u32 $0x1D, v6;
	[tilespmem:s17+$0x8400] =	vst v16;
	v14 =	vld.idx.msk [tilespmem:v14+s3+$0x0], $0xffff  }
0xb7: {  	s31 =	sand.u32 $0x70, s20;
	s24 =	sand.u32 $0xC00, s21;
	v16 =	vor.u32 $0xF, v1;
	v15 =	vld.idx.msk [tilespmem:v15+s3+$0x0], $0xffff;
	[tilespmem:s13+$0xA580] =	vst v10  }
0xb8: {  	s18 =	sor.u32 s31, s24;
	[tilespmem:s15+$0x9280] =	vst v17;
	v10 =	vor.u32 $0x14, v0;
	v8 =	vld.idx.msk [tilespmem:v8+s3+$0x0], $0xffff  }
0xb9: {  	v17 =	vor.u32 $0x6, v4;
	[tilespmem:s18+$0x8200] =	vst v18;
	v11 =	vld.idx.msk [tilespmem:v11+s3+$0x0], $0xffff  }
0xba: {  	[tilespmem:s16+$0xB400] =	vst v9;
	v9 =	vor.u32 $0x19, v2;
	v18 =	vld.idx.msk [tilespmem:v19+s3+$0x0], $0xffff  }
0xbb: {  	[tilespmem:s14+$0x9500] =	vst v13;
	v12 =	vld.idx.msk [tilespmem:v12+s3+$0x0], $0xffff;
	v13 =	vor.u32 $0xB, v3  }
0xbc: {  	v19 =	vor.u32 $0x2, v5;
	v16 =	vld.idx.msk [tilespmem:v16+s3+$0x0], $0xffff;
	[tilespmem:s12+$0xA380] =	vst v14  }
0xbd: {  	v14 =	vor.u32 $0x1E, v6;
	[tilespmem:s17+$0x8480] =	vst v15;
	v10 =	vld.idx.msk [tilespmem:v10+s3+$0x0], $0xffff  }
0xbe: {  	v15 =	vor.u32 $0x10, v1;
	v17 =	vld.idx.msk [tilespmem:v17+s3+$0x0], $0xffff;
	[tilespmem:s13+$0xB200] =	vst v8  }
0xbf: {  	[tilespmem:s15+$0x9300] =	vst v11;
	v8 =	vor.u32 $0x15, v0;
	v9 =	vld.idx.msk [tilespmem:v9+s3+$0x0], $0xffff  }
0xc0: {  	v11 =	vor.u32 $0x7, v4;
	[tilespmem:s18+$0x8280] =	vst v18;
	v13 =	vld.idx.msk [tilespmem:v13+s3+$0x0], $0xffff  }
0xc1: {  	[tilespmem:s16+$0xB480] =	vst v12;
	v12 =	vor.u32 $0x1A, v2;
	v18 =	vld.idx.msk [tilespmem:v19+s3+$0x0], $0xffff  }
0xc2: {  	[tilespmem:s14+$0x9580] =	vst v16;
	v14 =	vld.idx.msk [tilespmem:v14+s3+$0x0], $0xffff;
	v16 =	vor.u32 $0xC, v3  }
0xc3: {  	v19 =	vor.u32 $0x3, v5;
	v15 =	vld.idx.msk [tilespmem:v15+s3+$0x0], $0xffff;
	[tilespmem:s12+$0xA400] =	vst v10  }
0xc4: {  	v6 =	vor.u32 $0x1F, v6;
	[tilespmem:s17+$0x8500] =	vst v17;
	v17 =	vld.idx.msk [tilespmem:v8+s3+$0x0], $0xffff  }
0xc5: {  	v10 =	vor.u32 $0x11, v1;
	v20 =	vld.idx.msk [tilespmem:v11+s3+$0x0], $0xffff;
	[tilespmem:s13+$0xB280] =	vst v9  }
0xc6: {  	[tilespmem:s15+$0x9380] =	vst v13;
	v9 =	vor.u32 $0x16, v0;
	v21 =	vld.idx.msk [tilespmem:v12+s3+$0x0], $0xffff  }
0xc7: {  	v22 =	vor.u32 $0x8, v4;
	[tilespmem:s18+$0x8300] =	vst v18;
	v13 =	vld.idx.msk [tilespmem:v16+s3+$0x0], $0xffff  }
0xc8: {  	v11 =	vor.u32 $0x1B, v2;
	[tilespmem:s16+$0xB500] =	vst v14;
	v16 =	vld.idx.msk [tilespmem:v19+s3+$0x0], $0xffff  }
0xc9: {  	s22 =	sor.u32 s23, s22;
	v14 =	vor.u32 $0xD, v3;
	[tilespmem:s14+$0xA200] =	vst v15;
	v12 =	vld.idx.msk [tilespmem:v6+s3+$0x0], $0xffff  }
0xca: {  	s22 =	sor.u32 $0x380, s22;
	v8 =	vld.idx.msk [tilespmem:v10+s3+$0x0], $0xffff;
	[tilespmem:s12+$0xA480] =	vst v17  }
0xcb: {  	v10 =	vor.u32 $0x12, v1;
	[tilespmem:s22+$0x8200] =	vst v20;
	v9 =	vld.idx.msk [tilespmem:v9+s3+$0x0], $0xffff  }
0xcc: {  	s23 =	simm.s32 $0x300;
	s24 =	simm.s32 $0x80;
	s22 =	simm.s32 $0x70;
	v17 =	vor.u32 $0x4, v5;
	v15 =	vld.idx.msk [tilespmem:v22+s3+$0x0], $0xffff;
	[tilespmem:s13+$0xB300] =	vst v21  }
.LBB2_2:
0xcd: {  	p0 =	sne.s32 s24, $0x1F0;
	[tilespmem:s15+$0x9400] =	vst v13;
	v6 =	vor.u32 $0x17, v0;
	v11 =	vld.idx.msk [tilespmem:v11+s3+$0x0], $0xffff  }
0xce: {  	s19 =	sadd.s32 $0x10, s19;
	v13 =	vor.u32 $0x9, v4;
	v14 =	vld.idx.msk [tilespmem:v14+s3+$0x0], $0xffff;
	[tilespmem:s16+$0xB580] =	vst v12;
	s16 =	smov.u32 s13;
	s13 =	smov.u32 s12  }
0xcf: {  	s12 =	smov.u32 s14;
	v12 =	vld [tilespmem:s19+$0x0];
	[tilespmem:s14+$0xA280] =	vst v8;
	v8 =	vor.u32 $0x1C, v2;
	s14 =	smov.u32 s15;
	s15 =	smov.u32 s17  }
0xd0: {  	s17 =	smov.u32 s18;
	[tilespmem:s18+$0x8380] =	vst v16;
	v16 =	vor.u32 $0xE, v3;
	v10 =	vld.idx.msk [tilespmem:v10+s3+$0x0], $0xffff  }
0xd1: {  	v18 =	vshll.u32 v7, $0x5;
	v17 =	vld.idx.msk [tilespmem:v17+s3+$0x0], $0xffff;
	[tilespmem:s13+$0xA500] =	vst v9  }
0xd2: {  	v9 =	vor.u32 $0x13, v1;
	[tilespmem:s15+$0x9200] =	vst v15;
	v6 =	vld.idx.msk [tilespmem:v6+s3+$0x0], $0xffff  }
0xd3: {  	v15 =	vor.u32 $0x5, v5;
	v13 =	vld.idx.msk [tilespmem:v13+s3+$0x0], $0xffff;
	[tilespmem:s16+$0xB380] =	vst v11  }
0xd4: {  	v11 =	vor.u32 $0x18, v0;
	[tilespmem:s14+$0x9480] =	vst v14;
	v8 =	vld.idx.msk [tilespmem:v8+s3+$0x0], $0xffff;
	v7 =	vmov v12  }
0xd5: {  	v12 =	vor.u32 $0xA, v4;
	v14 =	vld.idx.msk [tilespmem:v16+s3+$0x0], $0xffff  }
0xd6: {  	v16 =	vld.idx.msk [tilespmem:v18+s3+$0x0], $0xffff;
	[tilespmem:s12+$0xA300] =	vst v10;
	v10 =	vor.u32 $0x1D, v2  }
0xd7: {  	[tilespmem:s17+$0x8400] =	vst v17;
	v17 =	vor.u32 $0xF, v3;
	v9 =	vld.idx.msk [tilespmem:v9+s3+$0x0], $0xffff  }
0xd8: {  	v19 =	vor.u32 $0x1, v18;
	v15 =	vld.idx.msk [tilespmem:v15+s3+$0x0], $0xffff;
	[tilespmem:s13+$0xA580] =	vst v6  }
0xd9: {  	s21 =	sadd.s32 $0x80, s21;
	v6 =	vor.u32 $0x14, v1;
	[tilespmem:s15+$0x9280] =	vst v13;
	v11 =	vld.idx.msk [tilespmem:v11+s3+$0x0], $0xffff  }
0xda: {  	s25 =	sand.u32 $0xC00, s21;
	s18 =	sand.u32 $0x70, s22;
	v13 =	vor.u32 $0x6, v5;
	v12 =	vld.idx.msk [tilespmem:v12+s3+$0x0], $0xffff;
	[tilespmem:s16+$0xB400] =	vst v8  }
0xdb: {  	s18 =	sor.u32 s18, s25;
	v8 =	vor.u32 $0x19, v0;
	[tilespmem:s14+$0x9500] =	vst v14;
	v10 =	vld.idx.msk [tilespmem:v10+s3+$0x0], $0xffff  }
0xdc: {  	v14 =	vor.u32 $0xB, v4;
	[tilespmem:s18+$0x8200] =	vst v16;
	v16 =	vld.idx.msk [tilespmem:v17+s3+$0x0], $0xffff  }
0xdd: {  	v17 =	vld.idx.msk [tilespmem:v19+s3+$0x0], $0xffff;
	[tilespmem:s12+$0xA380] =	vst v9;
	v9 =	vor.u32 $0x1E, v2  }
0xde: {  	[tilespmem:s17+$0x8480] =	vst v15;
	v15 =	vor.u32 $0x10, v3;
	v6 =	vld.idx.msk [tilespmem:v6+s3+$0x0], $0xffff  }
0xdf: {  	v19 =	vor.u32 $0x2, v18;
	v13 =	vld.idx.msk [tilespmem:v13+s3+$0x0], $0xffff;
	[tilespmem:s13+$0xB200] =	vst v11  }
0xe0: {  	v11 =	vor.u32 $0x15, v1;
	[tilespmem:s15+$0x9300] =	vst v12;
	v8 =	vld.idx.msk [tilespmem:v8+s3+$0x0], $0xffff  }
0xe1: {  	v12 =	vor.u32 $0x7, v5;
	v14 =	vld.idx.msk [tilespmem:v14+s3+$0x0], $0xffff;
	[tilespmem:s16+$0xB480] =	vst v10  }
0xe2: {  	v10 =	vor.u32 $0x1A, v0;
	[tilespmem:s14+$0x9580] =	vst v16;
	v9 =	vld.idx.msk [tilespmem:v9+s3+$0x0], $0xffff  }
0xe3: {  	v16 =	vor.u32 $0xC, v4;
	[tilespmem:s18+$0x8280] =	vst v17;
	v15 =	vld.idx.msk [tilespmem:v15+s3+$0x0], $0xffff  }
0xe4: {  	v17 =	vld.idx.msk [tilespmem:v19+s3+$0x0], $0xffff;
	[tilespmem:s12+$0xA400] =	vst v6;
	v6 =	vor.u32 $0x1F, v2;
	v2 =	vmovc v0;
	v0 =	vmovc v1;
	v1 =	vmov v3;
	v3 =	vmov v4  }
0xe5: {  	v4 =	vmov v5;
	v5 =	vmov v18;
	[tilespmem:s17+$0x8500] =	vst v13;
	v19 =	vor.u32 $0x11, v1;
	v20 =	vld.idx.msk [tilespmem:v11+s3+$0x0], $0xffff  }
0xe6: {  	v18 =	vor.u32 $0x3, v5;
	v21 =	vld.idx.msk [tilespmem:v12+s3+$0x0], $0xffff;
	[tilespmem:s13+$0xB280] =	vst v8  }
0xe7: {  	v22 =	vor.u32 $0x16, v0;
	[tilespmem:s15+$0x9380] =	vst v14;
	v23 =	vld.idx.msk [tilespmem:v10+s3+$0x0], $0xffff  }
0xe8: {  	v24 =	vor.u32 $0x8, v4;
	v13 =	vld.idx.msk [tilespmem:v16+s3+$0x0], $0xffff;
	[tilespmem:s16+$0xB500] =	vst v9  }
.Ltmp0:
0xe9: {  	v11 =	vor.u32 $0x1B, v2;
	[tilespmem:s14+$0xA200] =	vst v15;
	v12 =	vld.idx.msk [tilespmem:v6+s3+$0x0], $0xffff;
	(pc) =	sbr.rel @p0 .LBB2_2-.Ltmp0, $4  }
0xea: {  	s25 =	sor.u32 s23, s20;
	s23 =	smov.u32 s21;
	s20 =	smov.u32 s22;
	v14 =	vor.u32 $0xD, v3;
	[tilespmem:s18+$0x8300] =	vst v17;
	v8 =	vld.idx.msk [tilespmem:v19+s3+$0x0], $0xffff  }
0xeb: {  	s22 =	smov.u32 s24;
	s25 =	sor.u32 $0x380, s25;
	v16 =	vld.idx.msk [tilespmem:v18+s3+$0x0], $0xffff;
	[tilespmem:s12+$0xA480] =	vst v20  }
0xec: {  	v10 =	vor.u32 $0x12, v1;
	[tilespmem:s25+$0x8200] =	vst v21;
	v9 =	vld.idx.msk [tilespmem:v22+s3+$0x0], $0xffff  }
0xed: {  	s24 =	sadd.s32 $0x10, s24;
	v17 =	vor.u32 $0x4, v5;
	v15 =	vld.idx.msk [tilespmem:v24+s3+$0x0], $0xffff;
	[tilespmem:s13+$0xB300] =	vst v23  }
0xee: {  	v6 =	vshll.u32 v7, $0x5;
	_ =	sdelay $0x4  }
0xef: {  	v7 =	vld.idx.msk [tilespmem:v6+s3+$0x0], $0xffff  }
0xf0: {  	v18 =	vor.u32 $0x1, v6  }
0xf1: {  	s21 =	sadd.s32 $0x80, s21  }
0xf2: {  	s19 =	sand.u32 $0x70, s22;
	s24 =	sand.u32 $0xC00, s21  }
0xf3: {  	s19 =	sor.u32 s19, s24  }
0xf4: {  	[tilespmem:s19+$0x8200] =	vst v7  }
0xf5: {  	v7 =	vld.idx.msk [tilespmem:v18+s3+$0x0], $0xffff  }
0xf6: {  	v55 =	vor.u32 $0x2, v6;
	_ =	sdelay $0x3  }
0xf7: {  	[tilespmem:s19+$0x8280] =	vst v7  }
0xf8: {  	v7 =	vld.idx.msk [tilespmem:v55+s3+$0x0], $0xffff  }
0xf9: {  	v56 =	vor.u32 $0x3, v6;
	_ =	sdelay $0x3  }
0xfa: {  	[tilespmem:s19+$0x8300] =	vst v7  }
0xfb: {  	v7 =	vld.idx.msk [tilespmem:v56+s3+$0x0], $0xffff  }
0xfc: {  	v57 =	vor.u32 $0x4, v6;
	_ =	sdelay $0x2  }
0xfd: {  	[tilespmem:s18+$0x8380] =	vst v16  }
0xfe: {  	v16 =	vld.idx.msk [tilespmem:v17+s3+$0x0], $0xffff;
	[tilespmem:s19+$0x8380] =	vst v7  }
0xff: {  	v58 =	vor.u32 $0x5, v5;
	v59 =	vld.idx.msk [tilespmem:v57+s3+$0x0], $0xffff  }
0x100: {  	v60 =	vor.u32 $0x5, v6;
	_ =	sdelay $0x2  }
0x101: {  	[tilespmem:s18+$0x8400] =	vst v16  }
0x102: {  	v7 =	vld.idx.msk [tilespmem:v58+s3+$0x0], $0xffff;
	[tilespmem:s19+$0x8400] =	vst v59  }
0x103: {  	v61 =	vor.u32 $0x6, v5;
	v17 =	vld.idx.msk [tilespmem:v60+s3+$0x0], $0xffff  }
0x104: {  	v62 =	vor.u32 $0x6, v6;
	_ =	sdelay $0x2  }
0x105: {  	[tilespmem:s18+$0x8480] =	vst v7  }
0x106: {  	v7 =	vld.idx.msk [tilespmem:v61+s3+$0x0], $0xffff;
	[tilespmem:s19+$0x8480] =	vst v17  }
0x107: {  	v63 =	vor.u32 $0x7, v5;
	v17 =	vld.idx.msk [tilespmem:v62+s3+$0x0], $0xffff  }
0x108: {  	v21 =	vor.u32 $0x7, v6;
	_ =	sdelay $0x2  }
0x109: {  	[tilespmem:s18+$0x8500] =	vst v7  }
0x10a: {  	v7 =	vld.idx.msk [tilespmem:v63+s3+$0x0], $0xffff;
	[tilespmem:s19+$0x8500] =	vst v17  }
0x10b: {  	v22 =	vor.u32 $0x8, v5;
	v17 =	vld.idx.msk [tilespmem:v21+s3+$0x0], $0xffff  }
0x10c: {  	v23 =	vor.u32 $0x8, v6  }
0x10d: {  	s20 =	sor.u32 s23, s20  }
0x10e: {  	s20 =	sor.u32 $0x380, s20;
	s21 =	sor.u32 s21, s22  }
0x10f: {  	s31 =	sor.u32 $0x380, s21;
	[tilespmem:s20+$0x8200] =	vst v7  }
0x110: {  	v24 =	vor.u32 $0x9, v4;
	v16 =	vld.idx.msk [tilespmem:v22+s3+$0x0], $0xffff;
	[tilespmem:s31+$0x8200] =	vst v17  }
0x111: {  	v25 =	vor.u32 $0x9, v5;
	v18 =	vld.idx.msk [tilespmem:v23+s3+$0x0], $0xffff  }
0x112: {  	v19 =	vor.u32 $0x9, v6;
	_ =	sdelay $0x1  }
0x113: {  	[tilespmem:s17+$0x9200] =	vst v15  }
0x114: {  	v7 =	vld.idx.msk [tilespmem:v24+s3+$0x0], $0xffff;
	[tilespmem:s18+$0x9200] =	vst v16  }
0x115: {  	v26 =	vor.u32 $0xA, v4;
	v16 =	vld.idx.msk [tilespmem:v25+s3+$0x0], $0xffff;
	[tilespmem:s19+$0x9200] =	vst v18  }
0x116: {  	v27 =	vor.u32 $0xA, v5;
	v18 =	vld.idx.msk [tilespmem:v19+s3+$0x0], $0xffff  }
0x117: {  	v28 =	vor.u32 $0xA, v6;
	_ =	sdelay $0x1  }
0x118: {  	[tilespmem:s17+$0x9280] =	vst v7  }
0x119: {  	v7 =	vld.idx.msk [tilespmem:v26+s3+$0x0], $0xffff;
	[tilespmem:s18+$0x9280] =	vst v16  }
0x11a: {  	v29 =	vor.u32 $0xB, v4;
	v16 =	vld.idx.msk [tilespmem:v27+s3+$0x0], $0xffff;
	[tilespmem:s19+$0x9280] =	vst v18  }
0x11b: {  	v30 =	vor.u32 $0xB, v5;
	v18 =	vld.idx.msk [tilespmem:v28+s3+$0x0], $0xffff  }
0x11c: {  	v31 =	vor.u32 $0xB, v6;
	_ =	sdelay $0x1  }
0x11d: {  	[tilespmem:s17+$0x9300] =	vst v7  }
0x11e: {  	v7 =	vld.idx.msk [tilespmem:v29+s3+$0x0], $0xffff;
	[tilespmem:s18+$0x9300] =	vst v16  }
0x11f: {  	v32 =	vor.u32 $0xC, v4;
	v16 =	vld.idx.msk [tilespmem:v30+s3+$0x0], $0xffff;
	[tilespmem:s19+$0x9300] =	vst v18  }
0x120: {  	v33 =	vor.u32 $0xC, v5;
	v18 =	vld.idx.msk [tilespmem:v31+s3+$0x0], $0xffff  }
0x121: {  	v34 =	vor.u32 $0xC, v6;
	_ =	sdelay $0x1  }
0x122: {  	[tilespmem:s17+$0x9380] =	vst v7  }
0x123: {  	v7 =	vld.idx.msk [tilespmem:v32+s3+$0x0], $0xffff;
	[tilespmem:s18+$0x9380] =	vst v16  }
0x124: {  	v35 =	vor.u32 $0xD, v4;
	v16 =	vld.idx.msk [tilespmem:v33+s3+$0x0], $0xffff;
	[tilespmem:s19+$0x9380] =	vst v18  }
0x125: {  	v36 =	vor.u32 $0xD, v5;
	v18 =	vld.idx.msk [tilespmem:v34+s3+$0x0], $0xffff  }
0x126: {  	v37 =	vor.u32 $0xD, v6  }
0x127: {  	[tilespmem:s15+$0x9400] =	vst v13  }
0x128: {  	v13 =	vld.idx.msk [tilespmem:v14+s3+$0x0], $0xffff;
	[tilespmem:s17+$0x9400] =	vst v7  }
0x129: {  	v38 =	vor.u32 $0xE, v3;
	v39 =	vld.idx.msk [tilespmem:v35+s3+$0x0], $0xffff;
	[tilespmem:s18+$0x9400] =	vst v16  }
0x12a: {  	v40 =	vor.u32 $0xE, v4;
	v16 =	vld.idx.msk [tilespmem:v36+s3+$0x0], $0xffff;
	[tilespmem:s19+$0x9400] =	vst v18  }
0x12b: {  	v41 =	vor.u32 $0xE, v5;
	v18 =	vld.idx.msk [tilespmem:v37+s3+$0x0], $0xffff  }
0x12c: {  	v42 =	vor.u32 $0xE, v6  }
0x12d: {  	[tilespmem:s15+$0x9480] =	vst v13  }
0x12e: {  	v7 =	vld.idx.msk [tilespmem:v38+s3+$0x0], $0xffff;
	[tilespmem:s17+$0x9480] =	vst v39  }
0x12f: {  	v43 =	vor.u32 $0xF, v3;
	v14 =	vld.idx.msk [tilespmem:v40+s3+$0x0], $0xffff;
	[tilespmem:s18+$0x9480] =	vst v16  }
0x130: {  	v44 =	vor.u32 $0xF, v4;
	v16 =	vld.idx.msk [tilespmem:v41+s3+$0x0], $0xffff;
	[tilespmem:s19+$0x9480] =	vst v18  }
0x131: {  	v45 =	vor.u32 $0xF, v5;
	v18 =	vld.idx.msk [tilespmem:v42+s3+$0x0], $0xffff  }
0x132: {  	v46 =	vor.u32 $0xF, v6  }
0x133: {  	[tilespmem:s15+$0x9500] =	vst v7  }
0x134: {  	v7 =	vld.idx.msk [tilespmem:v43+s3+$0x0], $0xffff;
	[tilespmem:s17+$0x9500] =	vst v14  }
0x135: {  	v47 =	vor.u32 $0x10, v3;
	v14 =	vld.idx.msk [tilespmem:v44+s3+$0x0], $0xffff;
	[tilespmem:s18+$0x9500] =	vst v16  }
0x136: {  	v48 =	vor.u32 $0x10, v4;
	v16 =	vld.idx.msk [tilespmem:v45+s3+$0x0], $0xffff;
	[tilespmem:s19+$0x9500] =	vst v18  }
0x137: {  	v49 =	vor.u32 $0x10, v5;
	v18 =	vld.idx.msk [tilespmem:v46+s3+$0x0], $0xffff  }
0x138: {  	v50 =	vor.u32 $0x10, v6  }
0x139: {  	[tilespmem:s15+$0x9580] =	vst v7  }
0x13a: {  	v7 =	vld.idx.msk [tilespmem:v47+s3+$0x0], $0xffff;
	[tilespmem:s17+$0x9580] =	vst v14  }
0x13b: {  	v51 =	vor.u32 $0x11, v3;
	v14 =	vld.idx.msk [tilespmem:v48+s3+$0x0], $0xffff;
	[tilespmem:s18+$0x9580] =	vst v16  }
0x13c: {  	v52 =	vor.u32 $0x11, v4;
	v16 =	vld.idx.msk [tilespmem:v49+s3+$0x0], $0xffff;
	[tilespmem:s19+$0x9580] =	vst v18  }
0x13d: {  	v53 =	vor.u32 $0x11, v5;
	v18 =	vld.idx.msk [tilespmem:v50+s3+$0x0], $0xffff  }
0x13e: {  	[tilespmem:s16+$0xB580] =	vst v12;
	v54 =	vor.u32 $0x11, v6  }
0x13f: {  	[tilespmem:s15+$0xA200] =	vst v7  }
0x140: {  	v7 =	vld.idx.msk [tilespmem:v51+s3+$0x0], $0xffff;
	[tilespmem:s17+$0xA200] =	vst v14  }
0x141: {  	v55 =	vor.u32 $0x12, v3;
	v14 =	vld.idx.msk [tilespmem:v52+s3+$0x0], $0xffff;
	[tilespmem:s18+$0xA200] =	vst v16  }
0x142: {  	v56 =	vor.u32 $0x12, v4;
	v16 =	vld.idx.msk [tilespmem:v53+s3+$0x0], $0xffff;
	[tilespmem:s19+$0xA200] =	vst v18  }
0x143: {  	[tilespmem:s14+$0xA280] =	vst v8;
	v57 =	vor.u32 $0x12, v5;
	v12 =	vld.idx.msk [tilespmem:v54+s3+$0x0], $0xffff  }
0x144: {  	v11 =	vld.idx.msk [tilespmem:v11+s3+$0x0], $0xffff;
	[tilespmem:s12+$0xA500] =	vst v9;
	v58 =	vor.u32 $0x12, v6  }
0x145: {  	v10 =	vld.idx.msk [tilespmem:v10+s3+$0x0], $0xffff;
	v59 =	vor.u32 $0x17, v0;
	[tilespmem:s15+$0xA280] =	vst v7  }
0x146: {  	v60 =	vor.u32 $0x13, v1;
	v13 =	vld.idx.msk [tilespmem:v55+s3+$0x0], $0xffff;
	[tilespmem:s17+$0xA280] =	vst v14  }
0x147: {  	v61 =	vor.u32 $0x13, v3;
	v15 =	vld.idx.msk [tilespmem:v56+s3+$0x0], $0xffff;
	[tilespmem:s18+$0xA280] =	vst v16  }
0x148: {  	v62 =	vor.u32 $0x13, v4;
	v8 =	vld.idx.msk [tilespmem:v57+s3+$0x0], $0xffff;
	[tilespmem:s19+$0xA280] =	vst v12  }
0x149: {  	[tilespmem:s13+$0xB380] =	vst v11;
	v63 =	vor.u32 $0x13, v5;
	v9 =	vld.idx.msk [tilespmem:v58+s3+$0x0], $0xffff  }
0x14a: {  	[tilespmem:s14+$0xA300] =	vst v10;
	v20 =	vld.idx.msk [tilespmem:v59+s3+$0x0], $0xffff;
	v21 =	vor.u32 $0x13, v6  }
0x14b: {  	v22 =	vor.u32 $0x1C, v2;
	v7 =	vld.idx.msk [tilespmem:v60+s3+$0x0], $0xffff;
	[tilespmem:s15+$0xA300] =	vst v13  }
0x14c: {  	v23 =	vor.u32 $0x14, v1;
	v14 =	vld.idx.msk [tilespmem:v61+s3+$0x0], $0xffff;
	[tilespmem:s17+$0xA300] =	vst v15  }
0x14d: {  	v24 =	vor.u32 $0x14, v3;
	v16 =	vld.idx.msk [tilespmem:v62+s3+$0x0], $0xffff;
	[tilespmem:s18+$0xA300] =	vst v8  }
0x14e: {  	v25 =	vor.u32 $0x14, v4;
	v11 =	vld.idx.msk [tilespmem:v63+s3+$0x0], $0xffff;
	[tilespmem:s19+$0xA300] =	vst v9  }
0x14f: {  	[tilespmem:s12+$0xA580] =	vst v20;
	v26 =	vor.u32 $0x14, v5;
	v10 =	vld.idx.msk [tilespmem:v21+s3+$0x0], $0xffff  }
0x150: {  	v27 =	vld.idx.msk [tilespmem:v22+s3+$0x0], $0xffff;
	v28 =	vor.u32 $0x14, v6;
	[tilespmem:s14+$0xA380] =	vst v7  }
0x151: {  	v29 =	vor.u32 $0x18, v0;
	v13 =	vld.idx.msk [tilespmem:v23+s3+$0x0], $0xffff;
	[tilespmem:s15+$0xA380] =	vst v14  }
0x152: {  	v30 =	vor.u32 $0x15, v1;
	v15 =	vld.idx.msk [tilespmem:v24+s3+$0x0], $0xffff;
	[tilespmem:s17+$0xA380] =	vst v16  }
0x153: {  	v31 =	vor.u32 $0x15, v3;
	v8 =	vld.idx.msk [tilespmem:v25+s3+$0x0], $0xffff;
	[tilespmem:s18+$0xA380] =	vst v11  }
0x154: {  	v32 =	vor.u32 $0x15, v4;
	v9 =	vld.idx.msk [tilespmem:v26+s3+$0x0], $0xffff;
	[tilespmem:s19+$0xA380] =	vst v10  }
0x155: {  	[tilespmem:s13+$0xB400] =	vst v27;
	v33 =	vor.u32 $0x15, v5;
	v7 =	vld.idx.msk [tilespmem:v28+s3+$0x0], $0xffff  }
0x156: {  	v35 =	vor.u32 $0x15, v6;
	v34 =	vld.idx.msk [tilespmem:v29+s3+$0x0], $0xffff;
	[tilespmem:s14+$0xA400] =	vst v13  }
0x157: {  	v36 =	vor.u32 $0x1D, v2;
	v14 =	vld.idx.msk [tilespmem:v30+s3+$0x0], $0xffff;
	[tilespmem:s15+$0xA400] =	vst v15  }
0x158: {  	v37 =	vor.u32 $0x16, v1;
	v16 =	vld.idx.msk [tilespmem:v31+s3+$0x0], $0xffff;
	[tilespmem:s17+$0xA400] =	vst v8  }
0x159: {  	v38 =	vor.u32 $0x16, v3;
	v11 =	vld.idx.msk [tilespmem:v32+s3+$0x0], $0xffff;
	[tilespmem:s18+$0xA400] =	vst v9  }
0x15a: {  	v39 =	vor.u32 $0x16, v4;
	v10 =	vld.idx.msk [tilespmem:v33+s3+$0x0], $0xffff;
	[tilespmem:s19+$0xA400] =	vst v7  }
0x15b: {  	v40 =	vor.u32 $0x16, v5;
	[tilespmem:s12+$0xB200] =	vst v34;
	v41 =	vld.idx.msk [tilespmem:v35+s3+$0x0], $0xffff  }
0x15c: {  	v43 =	vor.u32 $0x16, v6;
	v42 =	vld.idx.msk [tilespmem:v36+s3+$0x0], $0xffff;
	[tilespmem:s14+$0xA480] =	vst v14  }
0x15d: {  	v44 =	vor.u32 $0x19, v0;
	v15 =	vld.idx.msk [tilespmem:v37+s3+$0x0], $0xffff;
	[tilespmem:s15+$0xA480] =	vst v16  }
0x15e: {  	v45 =	vor.u32 $0x17, v1;
	v8 =	vld.idx.msk [tilespmem:v38+s3+$0x0], $0xffff;
	[tilespmem:s17+$0xA480] =	vst v11  }
0x15f: {  	v46 =	vor.u32 $0x17, v3;
	v9 =	vld.idx.msk [tilespmem:v39+s3+$0x0], $0xffff;
	[tilespmem:s18+$0xA480] =	vst v10  }
0x160: {  	v47 =	vor.u32 $0x17, v4;
	v7 =	vld.idx.msk [tilespmem:v40+s3+$0x0], $0xffff;
	[tilespmem:s19+$0xA480] =	vst v41  }
0x161: {  	v48 =	vor.u32 $0x17, v5;
	[tilespmem:s13+$0xB480] =	vst v42;
	v49 =	vld.idx.msk [tilespmem:v43+s3+$0x0], $0xffff  }
0x162: {  	v51 =	vor.u32 $0x17, v6;
	v50 =	vld.idx.msk [tilespmem:v44+s3+$0x0], $0xffff;
	[tilespmem:s14+$0xA500] =	vst v15  }
0x163: {  	v60 =	vor.u32 $0x1A, v0;
	v16 =	vld.idx.msk [tilespmem:v45+s3+$0x0], $0xffff;
	[tilespmem:s15+$0xA500] =	vst v8  }
0x164: {  	v53 =	vor.u32 $0x18, v1;
	v11 =	vld.idx.msk [tilespmem:v46+s3+$0x0], $0xffff;
	[tilespmem:s17+$0xA500] =	vst v9  }
0x165: {  	v54 =	vor.u32 $0x18, v3;
	v10 =	vld.idx.msk [tilespmem:v47+s3+$0x0], $0xffff;
	[tilespmem:s18+$0xA500] =	vst v7  }
0x166: {  	v55 =	vor.u32 $0x18, v4;
	v12 =	vld.idx.msk [tilespmem:v48+s3+$0x0], $0xffff;
	[tilespmem:s19+$0xA500] =	vst v49  }
0x167: {  	v56 =	vor.u32 $0x18, v5;
	[tilespmem:s12+$0xB280] =	vst v50;
	v57 =	vld.idx.msk [tilespmem:v51+s3+$0x0], $0xffff  }
0x168: {  	v59 =	vor.u32 $0x18, v6;
	v22 =	vld.idx.msk [tilespmem:v60+s3+$0x0], $0xffff;
	[tilespmem:s14+$0xA580] =	vst v16  }
0x169: {  	v52 =	vor.u32 $0x1E, v2;
	v8 =	vld.idx.msk [tilespmem:v53+s3+$0x0], $0xffff;
	[tilespmem:s15+$0xA580] =	vst v11  }
0x16a: {  	v61 =	vor.u32 $0x19, v1;
	v9 =	vld.idx.msk [tilespmem:v54+s3+$0x0], $0xffff;
	[tilespmem:s17+$0xA580] =	vst v10  }
0x16b: {  	v62 =	vor.u32 $0x19, v3;
	v7 =	vld.idx.msk [tilespmem:v55+s3+$0x0], $0xffff;
	[tilespmem:s18+$0xA580] =	vst v12  }
0x16c: {  	v63 =	vor.u32 $0x19, v4;
	v13 =	vld.idx.msk [tilespmem:v56+s3+$0x0], $0xffff;
	[tilespmem:s19+$0xA580] =	vst v57  }
0x16d: {  	v20 =	vor.u32 $0x19, v5;
	[tilespmem:s12+$0xB300] =	vst v22;
	v21 =	vld.idx.msk [tilespmem:v59+s3+$0x0], $0xffff  }
0x16e: {  	v23 =	vor.u32 $0x19, v6;
	v58 =	vld.idx.msk [tilespmem:v52+s3+$0x0], $0xffff;
	[tilespmem:s14+$0xB200] =	vst v8  }
0x16f: {  	v24 =	vor.u32 $0x1F, v2;
	v11 =	vld.idx.msk [tilespmem:v61+s3+$0x0], $0xffff;
	[tilespmem:s15+$0xB200] =	vst v9  }
0x170: {  	v25 =	vor.u32 $0x1A, v1;
	v10 =	vld.idx.msk [tilespmem:v62+s3+$0x0], $0xffff;
	[tilespmem:s17+$0xB200] =	vst v7  }
0x171: {  	v26 =	vor.u32 $0x1A, v3;
	v12 =	vld.idx.msk [tilespmem:v63+s3+$0x0], $0xffff;
	[tilespmem:s18+$0xB200] =	vst v13  }
0x172: {  	v27 =	vor.u32 $0x1A, v4;
	v14 =	vld.idx.msk [tilespmem:v20+s3+$0x0], $0xffff;
	[tilespmem:s19+$0xB200] =	vst v21  }
0x173: {  	[tilespmem:s13+$0xB500] =	vst v58;
	v28 =	vor.u32 $0x1A, v5;
	v8 =	vld.idx.msk [tilespmem:v23+s3+$0x0], $0xffff  }
0x174: {  	v29 =	vor.u32 $0x1A, v6;
	v2 =	vld.idx.msk [tilespmem:v24+s3+$0x0], $0xffff;
	[tilespmem:s14+$0xB280] =	vst v11  }
0x175: {  	v30 =	vor.u32 $0x1B, v0;
	v9 =	vld.idx.msk [tilespmem:v25+s3+$0x0], $0xffff;
	[tilespmem:s15+$0xB280] =	vst v10  }
0x176: {  	v31 =	vor.u32 $0x1B, v1;
	v7 =	vld.idx.msk [tilespmem:v26+s3+$0x0], $0xffff;
	[tilespmem:s17+$0xB280] =	vst v12  }
0x177: {  	v32 =	vor.u32 $0x1B, v3;
	v13 =	vld.idx.msk [tilespmem:v27+s3+$0x0], $0xffff;
	[tilespmem:s18+$0xB280] =	vst v14  }
0x178: {  	v33 =	vor.u32 $0x1B, v4;
	v15 =	vld.idx.msk [tilespmem:v28+s3+$0x0], $0xffff;
	[tilespmem:s19+$0xB280] =	vst v8  }
0x179: {  	v34 =	vor.u32 $0x1B, v5;
	[tilespmem:s13+$0xB580] =	vst v2;
	v8 =	vld.idx.msk [tilespmem:v29+s3+$0x0], $0xffff  }
0x17a: {  	v36 =	vor.u32 $0x1B, v6;
	v35 =	vld.idx.msk [tilespmem:v30+s3+$0x0], $0xffff;
	[tilespmem:s14+$0xB300] =	vst v9  }
0x17b: {  	v37 =	vor.u32 $0x1C, v0;
	v10 =	vld.idx.msk [tilespmem:v31+s3+$0x0], $0xffff;
	[tilespmem:s15+$0xB300] =	vst v7  }
0x17c: {  	v38 =	vor.u32 $0x1C, v1;
	v12 =	vld.idx.msk [tilespmem:v32+s3+$0x0], $0xffff;
	[tilespmem:s17+$0xB300] =	vst v13  }
0x17d: {  	v39 =	vor.u32 $0x1C, v3;
	v14 =	vld.idx.msk [tilespmem:v33+s3+$0x0], $0xffff;
	[tilespmem:s18+$0xB300] =	vst v15  }
0x17e: {  	v40 =	vor.u32 $0x1C, v4;
	v2 =	vld.idx.msk [tilespmem:v34+s3+$0x0], $0xffff;
	[tilespmem:s19+$0xB300] =	vst v8  }
0x17f: {  	[tilespmem:s12+$0xB380] =	vst v35;
	v41 =	vor.u32 $0x1C, v5;
	v9 =	vld.idx.msk [tilespmem:v36+s3+$0x0], $0xffff  }
0x180: {  	v42 =	vor.u32 $0x1C, v6;
	v11 =	vld.idx.msk [tilespmem:v37+s3+$0x0], $0xffff;
	[tilespmem:s14+$0xB380] =	vst v10  }
0x181: {  	v43 =	vor.u32 $0x1D, v0;
	v7 =	vld.idx.msk [tilespmem:v38+s3+$0x0], $0xffff;
	[tilespmem:s15+$0xB380] =	vst v12  }
0x182: {  	v44 =	vor.u32 $0x1D, v1;
	v13 =	vld.idx.msk [tilespmem:v39+s3+$0x0], $0xffff;
	[tilespmem:s17+$0xB380] =	vst v14  }
0x183: {  	v45 =	vor.u32 $0x1D, v3;
	v15 =	vld.idx.msk [tilespmem:v40+s3+$0x0], $0xffff;
	[tilespmem:s18+$0xB380] =	vst v2  }
0x184: {  	v46 =	vor.u32 $0x1D, v4;
	v8 =	vld.idx.msk [tilespmem:v41+s3+$0x0], $0xffff;
	[tilespmem:s19+$0xB380] =	vst v9  }
0x185: {  	v47 =	vor.u32 $0x1D, v5;
	[tilespmem:s12+$0xB400] =	vst v11;
	v10 =	vld.idx.msk [tilespmem:v42+s3+$0x0], $0xffff  }
0x186: {  	v48 =	vor.u32 $0x1D, v6;
	v11 =	vld.idx.msk [tilespmem:v43+s3+$0x0], $0xffff;
	[tilespmem:s14+$0xB400] =	vst v7  }
0x187: {  	v49 =	vor.u32 $0x1E, v0;
	v12 =	vld.idx.msk [tilespmem:v44+s3+$0x0], $0xffff;
	[tilespmem:s15+$0xB400] =	vst v13  }
0x188: {  	v50 =	vor.u32 $0x1E, v1;
	v14 =	vld.idx.msk [tilespmem:v45+s3+$0x0], $0xffff;
	[tilespmem:s17+$0xB400] =	vst v15  }
0x189: {  	v51 =	vor.u32 $0x1E, v3;
	v2 =	vld.idx.msk [tilespmem:v46+s3+$0x0], $0xffff;
	[tilespmem:s18+$0xB400] =	vst v8  }
0x18a: {  	v52 =	vor.u32 $0x1E, v4;
	v9 =	vld.idx.msk [tilespmem:v47+s3+$0x0], $0xffff;
	[tilespmem:s19+$0xB400] =	vst v10  }
0x18b: {  	v53 =	vor.u32 $0x1E, v5;
	[tilespmem:s12+$0xB480] =	vst v11;
	v7 =	vld.idx.msk [tilespmem:v48+s3+$0x0], $0xffff  }
0x18c: {  	v54 =	vor.u32 $0x1E, v6;
	v11 =	vld.idx.msk [tilespmem:v49+s3+$0x0], $0xffff;
	[tilespmem:s14+$0xB480] =	vst v12  }
0x18d: {  	v55 =	vor.u32 $0x1F, v0;
	v13 =	vld.idx.msk [tilespmem:v50+s3+$0x0], $0xffff;
	[tilespmem:s15+$0xB480] =	vst v14  }
0x18e: {  	v56 =	vor.u32 $0x1F, v1;
	v14 =	vld.idx.msk [tilespmem:v51+s3+$0x0], $0xffff;
	[tilespmem:s17+$0xB480] =	vst v2  }
0x18f: {  	v57 =	vor.u32 $0x1F, v3;
	v58 =	vld.idx.msk [tilespmem:v52+s3+$0x0], $0xffff;
	[tilespmem:s18+$0xB480] =	vst v9  }
0x190: {  	v59 =	vor.u32 $0x1F, v4;
	v60 =	vld.idx.msk [tilespmem:v53+s3+$0x0], $0xffff;
	[tilespmem:s19+$0xB480] =	vst v7  }
0x191: {  	v61 =	vor.u32 $0x1F, v5;
	[tilespmem:s12+$0xB500] =	vst v11;
	v7 =	vld.idx.msk [tilespmem:v54+s3+$0x0], $0xffff  }
0x192: {  	v6 =	vor.u32 $0x1F, v6;
	v0 =	vld.idx.msk [tilespmem:v55+s3+$0x0], $0xffff;
	[tilespmem:s14+$0xB500] =	vst v13  }
0x193: {  	v1 =	vld.idx.msk [tilespmem:v56+s3+$0x0], $0xffff;
	[tilespmem:s15+$0xB500] =	vst v14  }
0x194: {  	v2 =	vld.idx.msk [tilespmem:v57+s3+$0x0], $0xffff;
	[tilespmem:s17+$0xB500] =	vst v58  }
0x195: {  	v3 =	vld.idx.msk [tilespmem:v59+s3+$0x0], $0xffff;
	[tilespmem:s18+$0xB500] =	vst v60  }
0x196: {  	v62 =	vld.idx.msk [tilespmem:v61+s3+$0x0], $0xffff;
	[tilespmem:s19+$0xB500] =	vst v7  }
0x197: {  	[tilespmem:s12+$0xB580] =	vst v0;
	v63 =	vld.idx.msk [tilespmem:v6+s3+$0x0], $0xffff  }
0x198: {  	[tilespmem:s14+$0xB580] =	vst v1  }
0x199: {  	[tilespmem:s15+$0xB580] =	vst v2  }
0x19a: {  	s11 =	sadd.s32 $0x1, s11;
	[tilespmem:s17+$0xB580] =	vst v3  }
0x19b: {  	p0 =	sne.s32 s11, s6;
	[tilespmem:s18+$0xB580] =	vst v62  }
.Ltmp1:
0x19c: {  	[tilespmem:s19+$0xB580] =	vst v63;
	(pc) =	sbr.rel @p0 .LBB2_1-.Ltmp1, $4  }
0x19d: {  	[hbm4b:s5+s8] =	stream.strided.scatter [tilespmem:s10], [sflag:$0x1], $0x4000, s9, s8, $0x38;
	[tilespmem:$0xC200] =	vst v63  }
0x19e: {  	_ =	swait.ge [sflag:s7], $0x4000  }
0x19f: {  	[sflag:s7] =	ssyncset.done $0x0  }
0x1a0: {  	[sflag:s7] =	ssyncadd.s32 $0xFFFFC000  }
0x1a1: {  	_ =	sfence.sel $0x180000  }
0x1a2: {  	[bflag:$0x0] =	sbarrier.arrive $0xFFFF  }
0x1a3: {  	p0 =	sne.s32 s2, $0x0;
	_ =	strace $0x9000004D  }
0x1a4: {  	s0 =	sadd.s32 @!p0 $0x100000, s0;
	[bflag:$0x2] =	sbarrier.arrive $0xFFFF  }
0x1a5: {  	[sflag:s0] =	ssyncadd.tile.s32 @!p0 $0x1;
	_ =	shalt  }
.Lfunc_end2:
_tile_overlayer_lowered:
.L_overlay_start_2:
0x1a6: {  	(tag) =	ssettag $0x2  }
0x1a7: {  	s0 =	rddreg [dreg:$0x0];
	s2 =	stileid.u32  }
0x1a8: {  	s1 =	rddreg [dreg:$0x1];
	p0 =	sne.s32 s2, $0x0  }
0x1a9: {  	s3 =	rddreg [dreg:$0x2];
	[bflag:$0x3] =	sbarrier.arrive $0xFFFF;
	s2 =	simm.s32 @!p0 $0x1C01  }
0x1aa: {  	[timem:s3], [sflag:s2] =	dma.local @!p0 [hbm:s0], s1  }
0x1ab: {  	s0 =	simm.s32 @!p0 $0x1  }
0x1ac: {  	_ =	swait.ge @!p0 [sflag:s0], s1  }
0x1ad: {  	s1 =	ssub.s32 @!p0 $0x0, s1;
	[sflag:s0] =	ssyncset.done @!p0 $0x0  }
0x1ae: {  	[sflag:s0] =	ssyncadd.s32 @!p0 s1  }
0x1af: {  	[bflag:$0x3] =	sbarrier.arrive $0xFFFF  }
0x1b0: {  	_ =	shalt  }

</sc_bundles>
